<compile_context>
chip_gen: v7x
topology: tpu7x:2x2x1
jax: 0.10.2.dev20260603
libtpu: 0.0.44.dev20260713+nightly
codegen_flags: <defaults>
</compile_context>

<pallas_src>
import functools

import jax
import jax.numpy as jnp
from jax import lax
from jax.experimental import pallas as pl
from jax.experimental.pallas import tpu as pltpu
from jax.experimental.pallas import tpu_sc as plsc

_B = 4096
_V = 100000
_D = 16
_NC = 2
_NS = 16
_NW = _NC * _NS
_CHUNK = _B // _NW



def _emb_gather(tbl, idx_buf, rows_flat, sem):
    copies = [
        pltpu.async_copy(
            tbl.at[idx_buf.at[pl.ds(128 * k, 128)]],
            rows_flat.at[pl.ds(128 * k, 128)], sem)
        for k in range(_CHUNK // 8)
    ]
    for c in copies:
        c.wait()


def _sc_gather(ut, it, swt, uwidx, iwidx, swi,
               u_out, i_out, sw_out,
               idx_raw, idx_buf, rows_flat, sw_rows, sem):
    wid = lax.axis_index("s") * _NC + lax.axis_index("c")
    base = wid * _CHUNK

    for t in range(4):
        pltpu.sync_copy(
            uwidx.at[t, pl.ds(base * _D, _CHUNK * _D)], idx_buf)
        _emb_gather(ut, idx_buf, rows_flat, sem)
        pltpu.sync_copy(rows_flat,
                        u_out.at[t, pl.ds(base * _D, _CHUNK * _D)])

    for t in range(2):
        pltpu.sync_copy(
            iwidx.at[t, pl.ds(base * _D, _CHUNK * _D)], idx_buf)
        _emb_gather(it, idx_buf, rows_flat, sem)
        pltpu.sync_copy(rows_flat,
                        i_out.at[t, pl.ds(base * _D, _CHUNK * _D)])

    pltpu.sync_copy(swi.at[pl.ds(base, _CHUNK)], idx_raw)
    pltpu.async_copy(swt.at[idx_raw], sw_rows, sem).wait()
    pltpu.sync_copy(sw_rows, sw_out.at[pl.ds(base, _CHUNK)])


@functools.cache
def _gather_call():
    return pl.kernel(
        _sc_gather,
        mesh=plsc.VectorSubcoreMesh(core_axis_name="c", subcore_axis_name="s"),
        compiler_params=pltpu.CompilerParams(use_tc_tiling_on_sc=False),
        out_type=[
            jax.ShapeDtypeStruct((4, _B * _D), jnp.float32),
            jax.ShapeDtypeStruct((2, _B * _D), jnp.float32),
            jax.ShapeDtypeStruct((_B,), jnp.float32),
        ],
        scratch_types=[
            pltpu.VMEM((_CHUNK,), jnp.int32),
            pltpu.VMEM((_CHUNK * _D,), jnp.int32),
            pltpu.VMEM((_CHUNK * _D,), jnp.float32),
            pltpu.VMEM((_CHUNK,), jnp.float32),
            pltpu.SemaphoreType.DMA,
        ],
    )



def _bn_relu(h, g, be):
    mu = jnp.mean(h, axis=0, keepdims=True)
    var = jnp.mean((h - mu) ** 2, axis=0, keepdims=True)
    return jnp.maximum((h - mu) * lax.rsqrt(var + 1e-5) * g + be, 0.0)


def _tc_dense(u4, i2, sw,
              uW1, ub1, ug1, ube1, uW2, ub2, ug2, ube2,
              iW1, ib1, ig1, ibe1, iW2, ib2, ig2, ibe2,
              out):
    ue = jnp.concatenate([u4[t] for t in range(4)], axis=1)
    ie = jnp.concatenate([i2[t] for t in range(2)], axis=1)

    hu = jnp.dot(ue, uW1[...], preferred_element_type=jnp.float32) + ub1[...]
    hu = _bn_relu(hu, ug1[...], ube1[...])
    hu = jnp.dot(hu, uW2[...], preferred_element_type=jnp.float32) + ub2[...]
    hu = _bn_relu(hu, ug2[...], ube2[...])

    hi = jnp.dot(ie, iW1[...], preferred_element_type=jnp.float32) + ib1[...]
    hi = _bn_relu(hi, ig1[...], ibe1[...])
    hi = jnp.dot(hi, iW2[...], preferred_element_type=jnp.float32) + ib2[...]
    hi = _bn_relu(hi, ig2[...], ibe2[...])

    un = hu / jnp.maximum(
        jnp.sqrt(jnp.sum(hu * hu, axis=1, keepdims=True)), 1e-8)
    im = hi / jnp.maximum(
        jnp.sqrt(jnp.sum(hi * hi, axis=1, keepdims=True)), 1e-8)

    lsw = jnp.log(sw[...])

    cols = []
    for k in range(4):
        if k:
            imr = jnp.concatenate([im[k:], im[:k]], axis=0)
            swr = jnp.concatenate([lsw[k:], lsw[:k]], axis=0)
        else:
            imr, swr = im, lsw
        cols.append(jnp.sum(un * imr, axis=1, keepdims=True) - swr)
    out[...] = jnp.concatenate(cols, axis=1)


_dense_call = pl.pallas_call(
    _tc_dense,
    out_shape=jax.ShapeDtypeStruct((_B, 4), jnp.float32),
)



def kernel(user_id, user_cat1, user_cat2, user_cat3, item_id, item_cat1,
           sw_idx, user_tables, item_tables, sw_table,
           u_W1, u_b1, u_g1, u_be1, u_W2, u_b2, u_g2, u_be2,
           i_W1, i_b1, i_g1, i_be1, i_W2, i_b2, i_g2, i_be2):
    utf = jnp.transpose(user_tables, (0, 2, 1)).reshape(-1)
    itf = jnp.transpose(item_tables, (0, 2, 1)).reshape(-1)
    swf = sw_table.reshape(-1)
    d_off = jnp.arange(_D, dtype=jnp.int32) * _V
    u_idx = jnp.stack([user_id, user_cat1, user_cat2, user_cat3])
    uwidx = (u_idx[:, :, None] + d_off
             + (jnp.arange(4, dtype=jnp.int32) * 16 * _V)[:, None, None]
             ).reshape(4, _B * _D)
    i_idx = jnp.stack([item_id, item_cat1])
    iwidx = (i_idx[:, :, None] + d_off
             + (jnp.arange(2, dtype=jnp.int32) * 16 * _V)[:, None, None]
             ).reshape(2, _B * _D)
    u4f, i2f, sw = _gather_call()(utf, itf, swf, uwidx, iwidx, sw_idx)
    out = _dense_call(
        u4f.reshape(4, _B, _D), i2f.reshape(2, _B, _D), sw.reshape(_B, 1),
        u_W1, u_b1.reshape(1, -1), u_g1.reshape(1, -1), u_be1.reshape(1, -1),
        u_W2, u_b2.reshape(1, -1), u_g2.reshape(1, -1), u_be2.reshape(1, -1),
        i_W1, i_b1.reshape(1, -1), i_g1.reshape(1, -1), i_be1.reshape(1, -1),
        i_W2, i_b2.reshape(1, -1), i_g2.reshape(1, -1), i_be2.reshape(1, -1))
    return out

# --- scband reference (transcript-rebuilt; emitter-appended) ---
"""Pipeline reference for scband-youtube-sbc-36069135352387 (READ-ONLY COPY).

The authoritative reference and input builder live on the scoring server;
editing this copy changes nothing except your own understanding.
"""

import jax, jax.numpy as jnp
import numpy as np

B = 4096
V = 100000
D = 16
N_NEG = 3
TEMP = 1.0


def _mlp(h, params):
    # torch-rechub MLP block: Linear -> BatchNorm1d (train-mode batch stats) -> ReLU -> Dropout(eval: identity)
    eps = 1e-5
    for (W, b, g, be) in params:
        h = h @ W + b
        mu = jnp.mean(h, axis=0, keepdims=True)
        var = jnp.var(h, axis=0, keepdims=True)
        h = (h - mu) / jnp.sqrt(var + eps) * g + be
        h = jax.nn.relu(h)
    return h


def setup_inputs(seed: int = 0) -> dict:
    key = jax.random.key(seed)
    ks = jax.random.split(key, 16)
    inp = {}
    names = ["user_id", "user_cat1", "user_cat2", "user_cat3", "item_id", "item_cat1", "sw_idx"]
    for i, n in enumerate(names):
        inp[n] = jax.random.randint(ks[i], (B,), 0, V, dtype=jnp.int32)
    # embedding tables (learned params)
    inp["user_tables"] = jax.random.normal(ks[7], (4, V, D), dtype=jnp.float32) * 0.01
    inp["item_tables"] = jax.random.normal(ks[8], (2, V, D), dtype=jnp.float32) * 0.01
    # sample-weight table must be positive (log is taken)
    inp["sw_table"] = jax.random.uniform(ks[9], (V, 1), dtype=jnp.float32, minval=0.1, maxval=1.0)

    def lin(k, fi, fo):
        lim = 1.0 / np.sqrt(fi)
        return jax.random.uniform(k, (fi, fo), dtype=jnp.float32, minval=-lim, maxval=lim)

    inp["u_W1"] = lin(ks[10], 64, 128); inp["u_b1"] = jnp.zeros(128); inp["u_g1"] = jnp.ones(128); inp["u_be1"] = jnp.zeros(128)
    inp["u_W2"] = lin(ks[11], 128, 64); inp["u_b2"] = jnp.zeros(64); inp["u_g2"] = jnp.ones(64); inp["u_be2"] = jnp.zeros(64)
    inp["i_W1"] = lin(ks[12], 32, 128); inp["i_b1"] = jnp.zeros(128); inp["i_g1"] = jnp.ones(128); inp["i_be1"] = jnp.zeros(128)
    inp["i_W2"] = lin(ks[13], 128, 64); inp["i_b2"] = jnp.zeros(64); inp["i_g2"] = jnp.ones(64); inp["i_be2"] = jnp.zeros(64)
    return inp


def reference(user_id, user_cat1, user_cat2, user_cat3, item_id, item_cat1, sw_idx,
              user_tables, item_tables, sw_table,
              u_W1, u_b1, u_g1, u_be1, u_W2, u_b2, u_g2, u_be2,
              i_W1, i_b1, i_g1, i_be1, i_W2, i_b2, i_g2, i_be2):
    # ---- embedding lookups (SparseCore gathers) ----
    u_idx = jnp.stack([user_id, user_cat1, user_cat2, user_cat3], axis=0)  # [4, B]
    u_emb = user_tables[jnp.arange(4)[:, None], u_idx]                      # [4, B, D]
    input_user = jnp.transpose(u_emb, (1, 0, 2)).reshape(B, 4 * D)          # concat in feature order
    i_idx = jnp.stack([item_id, item_cat1], axis=0)                         # [2, B]
    i_emb = item_tables[jnp.arange(2)[:, None], i_idx]                      # [2, B, D]
    input_item = jnp.transpose(i_emb, (1, 0, 2)).reshape(B, 2 * D)
    sample_weight = jnp.take(sw_table, sw_idx, axis=0)[:, 0]                # [B]
    # ---- towers ----
    user_embedding = _mlp(input_user, [(u_W1, u_b1, u_g1, u_be1), (u_W2, u_b2, u_g2, u_be2)])
    item_embedding = _mlp(input_item, [(i_W1, i_b1, i_g1, i_be1), (i_W2, i_b2, i_g2, i_be2)])
    # ---- in-batch cosine similarity: pred[i, j] = cos(user_i, item_j) ----
    un = user_embedding / jnp.maximum(jnp.linalg.norm(user_embedding, axis=1, keepdims=True), 1e-8)
    im = item_embedding / jnp.maximum(jnp.linalg.norm(item_embedding, axis=1, keepdims=True), 1e-8)
    pred = un @ im.T                                                        # [B, B]
    # ---- sampling-bias correction ----
    scores = pred - jnp.log(sample_weight)[None, :]                         # [B, B]
    # ---- in-batch negative sampling gather ----
    index0 = np.repeat(np.arange(B), N_NEG + 1)
    index1 = np.concatenate([np.arange(i, i + N_NEG + 1) for i in range(B)])
    index1 = index1 % B
    sel = scores[jnp.asarray(index0), jnp.asarray(index1)]
    sel = sel / TEMP
    return sel.reshape(-1, N_NEG + 1)

if __name__ == "__main__":
    import jax
    _d = setup_inputs()
    print(jax.jit(kernel)(*tuple(_d.values())))

</pallas_src>

<mosaic_0001>
#map = affine_map<(d0, d1) -> (0)>
#map1 = affine_map<(d0, d1) -> (0, 0)>
module attributes {stable_mosaic.version = 14 : i64} {
  func.func @_sc_gather(%arg0: i32, %arg1: i32, %arg2: memref<6400000xf32, #tpu.memory_space<hbm>>, %arg3: memref<3200000xf32, #tpu.memory_space<hbm>>, %arg4: memref<100000xf32, #tpu.memory_space<hbm>>, %arg5: memref<4x65536xi32, #tpu.memory_space<hbm>>, %arg6: memref<2x65536xi32, #tpu.memory_space<hbm>>, %arg7: memref<4096xi32, #tpu.memory_space<hbm>>, %arg8: memref<4x65536xf32, #tpu.memory_space<hbm>>, %arg9: memref<2x65536xf32, #tpu.memory_space<hbm>>, %arg10: memref<4096xf32, #tpu.memory_space<hbm>>, %arg11: memref<128xi32, #tpu.memory_space<vmem>>, %arg12: memref<2048xi32, #tpu.memory_space<vmem>>, %arg13: memref<2048xf32, #tpu.memory_space<vmem>>, %arg14: memref<128xf32, #tpu.memory_space<vmem>>, %arg15: memref<!tpu.dma_semaphore, #tpu.memory_space<semaphore_mem>>) attributes {dimension_semantics = [#tpu.dimension_semantics<core_parallel>, #tpu.dimension_semantics<subcore_parallel>], iteration_bounds = array<i64: 2, 16>, scalar_prefetch = 0 : i64, scratch_operands = 5 : i64, tpu.core_type = #tpu.core_type<sc_vector_subcore>, window_params = [{transform_indices = #map}, {transform_indices = #map}, {transform_indices = #map}, {transform_indices = #map1}, {transform_indices = #map1}, {transform_indices = #map}, {transform_indices = #map1}, {transform_indices = #map1}, {transform_indices = #map}]} {
    %mul3A = arith.constant 2 : i32
    %mul3A_0 = arith.muli %arg1, %mul3A : i32
    %add3A = arith.addi %mul3A_0, %arg0 : i32
    %mul3A_1 = arith.constant 128 : i32
    %mul3A_2 = arith.muli %add3A, %mul3A_1 : i32
    %mul3A_3 = arith.constant 16 : i32
    %mul3A_4 = arith.muli %mul3A_2, %mul3A_3 : i32
    %run_scoped3A = arith.constant 0 : i32
    "tpu.region"() ({
      %run_scoped3A_1192 = tpu.sem_alloc : memref<!tpu.dma_semaphore, #tpu.memory_space<semaphore_mem>>
      %dma_start3A_1193 = tpu.memref_slice %arg5[%run_scoped3A, %mul3A_4] : memref<4x65536xi32, #tpu.memory_space<hbm>> -> memref<1x2048xi32, #tpu.memory_space<hbm>>
      %dma_start3A_1194 = tpu.memref_squeeze %dma_start3A_1193 : memref<1x2048xi32, #tpu.memory_space<hbm>> -> memref<2048xi32, #tpu.memory_space<hbm>>
      %dma_start3A_1195 = tpu.memref_slice %arg5[%run_scoped3A, %mul3A_4] : memref<4x65536xi32, #tpu.memory_space<hbm>> -> memref<1x2048xi32, #tpu.memory_space<hbm>>
      %dma_start3A_1196 = tpu.memref_squeeze %dma_start3A_1195 : memref<1x2048xi32, #tpu.memory_space<hbm>> -> memref<2048xi32, #tpu.memory_space<hbm>>
      tpu.enqueue_dma source(%dma_start3A_1196 : memref<2048xi32, #tpu.memory_space<hbm>>) target(%arg12 : memref<2048xi32, #tpu.memory_space<vmem>>) target_semaphore(%run_scoped3A_1192 : memref<!tpu.dma_semaphore, #tpu.memory_space<semaphore_mem>>)
      %dma_wait3A_1197 = tpu.memref_slice %arg5[%run_scoped3A, %mul3A_4] : memref<4x65536xi32, #tpu.memory_space<hbm>> -> memref<1x2048xi32, #tpu.memory_space<hbm>>
      %dma_wait3A_1198 = tpu.memref_squeeze %dma_wait3A_1197 : memref<1x2048xi32, #tpu.memory_space<hbm>> -> memref<2048xi32, #tpu.memory_space<hbm>>
      %dma_wait3A_1199 = tpu.memref_slice %arg5[%run_scoped3A, %mul3A_4] : memref<4x65536xi32, #tpu.memory_space<hbm>> -> memref<1x2048xi32, #tpu.memory_space<hbm>>
      %dma_wait3A_1200 = tpu.memref_squeeze %dma_wait3A_1199 : memref<1x2048xi32, #tpu.memory_space<hbm>> -> memref<2048xi32, #tpu.memory_space<hbm>>
      tpu.wait_dma2 semaphore(%run_scoped3A_1192 : memref<!tpu.dma_semaphore, #tpu.memory_space<semaphore_mem>>) src(%dma_wait3A_1200 : memref<2048xi32, #tpu.memory_space<hbm>>) dst(%arg12 : memref<2048xi32, #tpu.memory_space<vmem>>)
      tpu.yield
    }) : () -> ()
    %dma_start3A = arith.constant 0 : i32
    %dma_start3A_5 = tpu.memref_slice %arg13[%dma_start3A] : memref<2048xf32, #tpu.memory_space<vmem>> -> memref<128xf32, #tpu.memory_space<vmem>>
    %dma_start3A_6 = arith.constant 0 : i32
    %dma_start3A_7 = tpu.memref_slice %arg12[%dma_start3A_6] : memref<2048xi32, #tpu.memory_space<vmem>> -> memref<128xi32, #tpu.memory_space<vmem>>
    %dma_start3A_8 = arith.constant 0 : i32
    %dma_start3A_9 = tpu.memref_slice %arg2[%dma_start3A_8] : memref<6400000xf32, #tpu.memory_space<hbm>> -> memref<6400000xf32, #tpu.memory_space<hbm>>
    tpu.enqueue_indirect_dma source(%dma_start3A_9 : memref<6400000xf32, #tpu.memory_space<hbm>>) target(%dma_start3A_5 : memref<128xf32, #tpu.memory_space<vmem>>) offsets(%dma_start3A_7 : memref<128xi32, #tpu.memory_space<vmem>>) semaphore(%arg15 : memref<!tpu.dma_semaphore, #tpu.memory_space<semaphore_mem>>)
    %dma_start3A_10 = arith.constant 128 : i32
    %dma_start3A_11 = tpu.memref_slice %arg13[%dma_start3A_10] : memref<2048xf32, #tpu.memory_space<vmem>> -> memref<128xf32, #tpu.memory_space<vmem>>
    %dma_start3A_12 = arith.constant 128 : i32
    %dma_start3A_13 = tpu.memref_slice %arg12[%dma_start3A_12] : memref<2048xi32, #tpu.memory_space<vmem>> -> memref<128xi32, #tpu.memory_space<vmem>>
    %dma_start3A_14 = arith.constant 0 : i32
    %dma_start3A_15 = tpu.memref_slice %arg2[%dma_start3A_14] : memref<6400000xf32, #tpu.memory_space<hbm>> -> memref<6400000xf32, #tpu.memory_space<hbm>>
    tpu.enqueue_indirect_dma source(%dma_start3A_15 : memref<6400000xf32, #tpu.memory_space<hbm>>) target(%dma_start3A_11 : memref<128xf32, #tpu.memory_space<vmem>>) offsets(%dma_start3A_13 : memref<128xi32, #tpu.memory_space<vmem>>) semaphore(%arg15 : memref<!tpu.dma_semaphore, #tpu.memory_space<semaphore_mem>>)
    %dma_start3A_16 = arith.constant 256 : i32
    %dma_start3A_17 = tpu.memref_slice %arg13[%dma_start3A_16] : memref<2048xf32, #tpu.memory_space<vmem>> -> memref<128xf32, #tpu.memory_space<vmem>>
    %dma_start3A_18 = arith.constant 256 : i32
    %dma_start3A_19 = tpu.memref_slice %arg12[%dma_start3A_18] : memref<2048xi32, #tpu.memory_space<vmem>> -> memref<128xi32, #tpu.memory_space<vmem>>
    %dma_start3A_20 = arith.constant 0 : i32
    %dma_start3A_21 = tpu.memref_slice %arg2[%dma_start3A_20] : memref<6400000xf32, #tpu.memory_space<hbm>> -> memref<6400000xf32, #tpu.memory_space<hbm>>
    tpu.enqueue_indirect_dma source(%dma_start3A_21 : memref<6400000xf32, #tpu.memory_space<hbm>>) target(%dma_start3A_17 : memref<128xf32, #tpu.memory_space<vmem>>) offsets(%dma_start3A_19 : memref<128xi32, #tpu.memory_space<vmem>>) semaphore(%arg15 : memref<!tpu.dma_semaphore, #tpu.memory_space<semaphore_mem>>)
    %dma_start3A_22 = arith.constant 384 : i32
    %dma_start3A_23 = tpu.memref_slice %arg13[%dma_start3A_22] : memref<2048xf32, #tpu.memory_space<vmem>> -> memref<128xf32, #tpu.memory_space<vmem>>
    %dma_start3A_24 = arith.constant 384 : i32
    %dma_start3A_25 = tpu.memref_slice %arg12[%dma_start3A_24] : memref<2048xi32, #tpu.memory_space<vmem>> -> memref<128xi32, #tpu.memory_space<vmem>>
    %dma_start3A_26 = arith.constant 0 : i32
    %dma_start3A_27 = tpu.memref_slice %arg2[%dma_start3A_26] : memref<6400000xf32, #tpu.memory_space<hbm>> -> memref<6400000xf32, #tpu.memory_space<hbm>>
    tpu.enqueue_indirect_dma source(%dma_start3A_27 : memref<6400000xf32, #tpu.memory_space<hbm>>) target(%dma_start3A_23 : memref<128xf32, #tpu.memory_space<vmem>>) offsets(%dma_start3A_25 : memref<128xi32, #tpu.memory_space<vmem>>) semaphore(%arg15 : memref<!tpu.dma_semaphore, #tpu.memory_space<semaphore_mem>>)
    %dma_start3A_28 = arith.constant 512 : i32
    %dma_start3A_29 = tpu.memref_slice %arg13[%dma_start3A_28] : memref<2048xf32, #tpu.memory_space<vmem>> -> memref<128xf32, #tpu.memory_space<vmem>>
    %dma_start3A_30 = arith.constant 512 : i32
    %dma_start3A_31 = tpu.memref_slice %arg12[%dma_start3A_30] : memref<2048xi32, #tpu.memory_space<vmem>> -> memref<128xi32, #tpu.memory_space<vmem>>
    %dma_start3A_32 = arith.constant 0 : i32
    %dma_start3A_33 = tpu.memref_slice %arg2[%dma_start3A_32] : memref<6400000xf32, #tpu.memory_space<hbm>> -> memref<6400000xf32, #tpu.memory_space<hbm>>
    tpu.enqueue_indirect_dma source(%dma_start3A_33 : memref<6400000xf32, #tpu.memory_space<hbm>>) target(%dma_start3A_29 : memref<128xf32, #tpu.memory_space<vmem>>) offsets(%dma_start3A_31 : memref<128xi32, #tpu.memory_space<vmem>>) semaphore(%arg15 : memref<!tpu.dma_semaphore, #tpu.memory_space<semaphore_mem>>)
    %dma_start3A_34 = arith.constant 640 : i32
    %dma_start3A_35 = tpu.memref_slice %arg13[%dma_start3A_34] : memref<2048xf32, #tpu.memory_space<vmem>> -> memref<128xf32, #tpu.memory_space<vmem>>
    %dma_start3A_36 = arith.constant 640 : i32
    %dma_start3A_37 = tpu.memref_slice %arg12[%dma_start3A_36] : memref<2048xi32, #tpu.memory_space<vmem>> -> memref<128xi32, #tpu.memory_space<vmem>>
    %dma_start3A_38 = arith.constant 0 : i32
    %dma_start3A_39 = tpu.memref_slice %arg2[%dma_start3A_38] : memref<6400000xf32, #tpu.memory_space<hbm>> -> memref<6400000xf32, #tpu.memory_space<hbm>>
    tpu.enqueue_indirect_dma source(%dma_start3A_39 : memref<6400000xf32, #tpu.memory_space<hbm>>) target(%dma_start3A_35 : memref<128xf32, #tpu.memory_space<vmem>>) offsets(%dma_start3A_37 : memref<128xi32, #tpu.memory_space<vmem>>) semaphore(%arg15 : memref<!tpu.dma_semaphore, #tpu.memory_space<semaphore_mem>>)
    %dma_start3A_40 = arith.constant 768 : i32
    %dma_start3A_41 = tpu.memref_slice %arg13[%dma_start3A_40] : memref<2048xf32, #tpu.memory_space<vmem>> -> memref<128xf32, #tpu.memory_space<vmem>>
    %dma_start3A_42 = arith.constant 768 : i32
    %dma_start3A_43 = tpu.memref_slice %arg12[%dma_start3A_42] : memref<2048xi32, #tpu.memory_space<vmem>> -> memref<128xi32, #tpu.memory_space<vmem>>
    %dma_start3A_44 = arith.constant 0 : i32
    %dma_start3A_45 = tpu.memref_slice %arg2[%dma_start3A_44] : memref<6400000xf32, #tpu.memory_space<hbm>> -> memref<6400000xf32, #tpu.memory_space<hbm>>
    tpu.enqueue_indirect_dma source(%dma_start3A_45 : memref<6400000xf32, #tpu.memory_space<hbm>>) target(%dma_start3A_41 : memref<128xf32, #tpu.memory_space<vmem>>) offsets(%dma_start3A_43 : memref<128xi32, #tpu.memory_space<vmem>>) semaphore(%arg15 : memref<!tpu.dma_semaphore, #tpu.memory_space<semaphore_mem>>)
    %dma_start3A_46 = arith.constant 896 : i32
    %dma_start3A_47 = tpu.memref_slice %arg13[%dma_start3A_46] : memref<2048xf32, #tpu.memory_space<vmem>> -> memref<128xf32, #tpu.memory_space<vmem>>
    %dma_start3A_48 = arith.constant 896 : i32
    %dma_start3A_49 = tpu.memref_slice %arg12[%dma_start3A_48] : memref<2048xi32, #tpu.memory_space<vmem>> -> memref<128xi32, #tpu.memory_space<vmem>>
    %dma_start3A_50 = arith.constant 0 : i32
    %dma_start3A_51 = tpu.memref_slice %arg2[%dma_start3A_50] : memref<6400000xf32, #tpu.memory_space<hbm>> -> memref<6400000xf32, #tpu.memory_space<hbm>>
    tpu.enqueue_indirect_dma source(%dma_start3A_51 : memref<6400000xf32, #tpu.memory_space<hbm>>) target(%dma_start3A_47 : memref<128xf32, #tpu.memory_space<vmem>>) offsets(%dma_start3A_49 : memref<128xi32, #tpu.memory_space<vmem>>) semaphore(%arg15 : memref<!tpu.dma_semaphore, #tpu.memory_space<semaphore_mem>>)
    %dma_start3A_52 = arith.constant 1024 : i32
    %dma_start3A_53 = tpu.memref_slice %arg13[%dma_start3A_52] : memref<2048xf32, #tpu.memory_space<vmem>> -> memref<128xf32, #tpu.memory_space<vmem>>
    %dma_start3A_54 = arith.constant 1024 : i32
    %dma_start3A_55 = tpu.memref_slice %arg12[%dma_start3A_54] : memref<2048xi32, #tpu.memory_space<vmem>> -> memref<128xi32, #tpu.memory_space<vmem>>
    %dma_start3A_56 = arith.constant 0 : i32
    %dma_start3A_57 = tpu.memref_slice %arg2[%dma_start3A_56] : memref<6400000xf32, #tpu.memory_space<hbm>> -> memref<6400000xf32, #tpu.memory_space<hbm>>
    tpu.enqueue_indirect_dma source(%dma_start3A_57 : memref<6400000xf32, #tpu.memory_space<hbm>>) target(%dma_start3A_53 : memref<128xf32, #tpu.memory_space<vmem>>) offsets(%dma_start3A_55 : memref<128xi32, #tpu.memory_space<vmem>>) semaphore(%arg15 : memref<!tpu.dma_semaphore, #tpu.memory_space<semaphore_mem>>)
    %dma_start3A_58 = arith.constant 1152 : i32
    %dma_start3A_59 = tpu.memref_slice %arg13[%dma_start3A_58] : memref<2048xf32, #tpu.memory_space<vmem>> -> memref<128xf32, #tpu.memory_space<vmem>>
    %dma_start3A_60 = arith.constant 1152 : i32
    %dma_start3A_61 = tpu.memref_slice %arg12[%dma_start3A_60] : memref<2048xi32, #tpu.memory_space<vmem>> -> memref<128xi32, #tpu.memory_space<vmem>>
    %dma_start3A_62 = arith.constant 0 : i32
    %dma_start3A_63 = tpu.memref_slice %arg2[%dma_start3A_62] : memref<6400000xf32, #tpu.memory_space<hbm>> -> memref<6400000xf32, #tpu.memory_space<hbm>>
    tpu.enqueue_indirect_dma source(%dma_start3A_63 : memref<6400000xf32, #tpu.memory_space<hbm>>) target(%dma_start3A_59 : memref<128xf32, #tpu.memory_space<vmem>>) offsets(%dma_start3A_61 : memref<128xi32, #tpu.memory_space<vmem>>) semaphore(%arg15 : memref<!tpu.dma_semaphore, #tpu.memory_space<semaphore_mem>>)
    %dma_start3A_64 = arith.constant 1280 : i32
    %dma_start3A_65 = tpu.memref_slice %arg13[%dma_start3A_64] : memref<2048xf32, #tpu.memory_space<vmem>> -> memref<128xf32, #tpu.memory_space<vmem>>
    %dma_start3A_66 = arith.constant 1280 : i32
    %dma_start3A_67 = tpu.memref_slice %arg12[%dma_start3A_66] : memref<2048xi32, #tpu.memory_space<vmem>> -> memref<128xi32, #tpu.memory_space<vmem>>
    %dma_start3A_68 = arith.constant 0 : i32
    %dma_start3A_69 = tpu.memref_slice %arg2[%dma_start3A_68] : memref<6400000xf32, #tpu.memory_space<hbm>> -> memref<6400000xf32, #tpu.memory_space<hbm>>
    tpu.enqueue_indirect_dma source(%dma_start3A_69 : memref<6400000xf32, #tpu.memory_space<hbm>>) target(%dma_start3A_65 : memref<128xf32, #tpu.memory_space<vmem>>) offsets(%dma_start3A_67 : memref<128xi32, #tpu.memory_space<vmem>>) semaphore(%arg15 : memref<!tpu.dma_semaphore, #tpu.memory_space<semaphore_mem>>)
    %dma_start3A_70 = arith.constant 1408 : i32
    %dma_start3A_71 = tpu.memref_slice %arg13[%dma_start3A_70] : memref<2048xf32, #tpu.memory_space<vmem>> -> memref<128xf32, #tpu.memory_space<vmem>>
    %dma_start3A_72 = arith.constant 1408 : i32
    %dma_start3A_73 = tpu.memref_slice %arg12[%dma_start3A_72] : memref<2048xi32, #tpu.memory_space<vmem>> -> memref<128xi32, #tpu.memory_space<vmem>>
    %dma_start3A_74 = arith.constant 0 : i32
    %dma_start3A_75 = tpu.memref_slice %arg2[%dma_start3A_74] : memref<6400000xf32, #tpu.memory_space<hbm>> -> memref<6400000xf32, #tpu.memory_space<hbm>>
    tpu.enqueue_indirect_dma source(%dma_start3A_75 : memref<6400000xf32, #tpu.memory_space<hbm>>) target(%dma_start3A_71 : memref<128xf32, #tpu.memory_space<vmem>>) offsets(%dma_start3A_73 : memref<128xi32, #tpu.memory_space<vmem>>) semaphore(%arg15 : memref<!tpu.dma_semaphore, #tpu.memory_space<semaphore_mem>>)
    %dma_start3A_76 = arith.constant 1536 : i32
    %dma_start3A_77 = tpu.memref_slice %arg13[%dma_start3A_76] : memref<2048xf32, #tpu.memory_space<vmem>> -> memref<128xf32, #tpu.memory_space<vmem>>
    %dma_start3A_78 = arith.constant 1536 : i32
    %dma_start3A_79 = tpu.memref_slice %arg12[%dma_start3A_78] : memref<2048xi32, #tpu.memory_space<vmem>> -> memref<128xi32, #tpu.memory_space<vmem>>
    %dma_start3A_80 = arith.constant 0 : i32
    %dma_start3A_81 = tpu.memref_slice %arg2[%dma_start3A_80] : memref<6400000xf32, #tpu.memory_space<hbm>> -> memref<6400000xf32, #tpu.memory_space<hbm>>
    tpu.enqueue_indirect_dma source(%dma_start3A_81 : memref<6400000xf32, #tpu.memory_space<hbm>>) target(%dma_start3A_77 : memref<128xf32, #tpu.memory_space<vmem>>) offsets(%dma_start3A_79 : memref<128xi32, #tpu.memory_space<vmem>>) semaphore(%arg15 : memref<!tpu.dma_semaphore, #tpu.memory_space<semaphore_mem>>)
    %dma_start3A_82 = arith.constant 1664 : i32
    %dma_start3A_83 = tpu.memref_slice %arg13[%dma_start3A_82] : memref<2048xf32, #tpu.memory_space<vmem>> -> memref<128xf32, #tpu.memory_space<vmem>>
    %dma_start3A_84 = arith.constant 1664 : i32
    %dma_start3A_85 = tpu.memref_slice %arg12[%dma_start3A_84] : memref<2048xi32, #tpu.memory_space<vmem>> -> memref<128xi32, #tpu.memory_space<vmem>>
    %dma_start3A_86 = arith.constant 0 : i32
    %dma_start3A_87 = tpu.memref_slice %arg2[%dma_start3A_86] : memref<6400000xf32, #tpu.memory_space<hbm>> -> memref<6400000xf32, #tpu.memory_space<hbm>>
    tpu.enqueue_indirect_dma source(%dma_start3A_87 : memref<6400000xf32, #tpu.memory_space<hbm>>) target(%dma_start3A_83 : memref<128xf32, #tpu.memory_space<vmem>>) offsets(%dma_start3A_85 : memref<128xi32, #tpu.memory_space<vmem>>) semaphore(%arg15 : memref<!tpu.dma_semaphore, #tpu.memory_space<semaphore_mem>>)
    %dma_start3A_88 = arith.constant 1792 : i32
    %dma_start3A_89 = tpu.memref_slice %arg13[%dma_start3A_88] : memref<2048xf32, #tpu.memory_space<vmem>> -> memref<128xf32, #tpu.memory_space<vmem>>
    %dma_start3A_90 = arith.constant 1792 : i32
    %dma_start3A_91 = tpu.memref_slice %arg12[%dma_start3A_90] : memref<2048xi32, #tpu.memory_space<vmem>> -> memref<128xi32, #tpu.memory_space<vmem>>
    %dma_start3A_92 = arith.constant 0 : i32
    %dma_start3A_93 = tpu.memref_slice %arg2[%dma_start3A_92] : memref<6400000xf32, #tpu.memory_space<hbm>> -> memref<6400000xf32, #tpu.memory_space<hbm>>
    tpu.enqueue_indirect_dma source(%dma_start3A_93 : memref<6400000xf32, #tpu.memory_space<hbm>>) target(%dma_start3A_89 : memref<128xf32, #tpu.memory_space<vmem>>) offsets(%dma_start3A_91 : memref<128xi32, #tpu.memory_space<vmem>>) semaphore(%arg15 : memref<!tpu.dma_semaphore, #tpu.memory_space<semaphore_mem>>)
    %dma_start3A_94 = arith.constant 1920 : i32
    %dma_start3A_95 = tpu.memref_slice %arg13[%dma_start3A_94] : memref<2048xf32, #tpu.memory_space<vmem>> -> memref<128xf32, #tpu.memory_space<vmem>>
    %dma_start3A_96 = arith.constant 1920 : i32
    %dma_start3A_97 = tpu.memref_slice %arg12[%dma_start3A_96] : memref<2048xi32, #tpu.memory_space<vmem>> -> memref<128xi32, #tpu.memory_space<vmem>>
    %dma_start3A_98 = arith.constant 0 : i32
    %dma_start3A_99 = tpu.memref_slice %arg2[%dma_start3A_98] : memref<6400000xf32, #tpu.memory_space<hbm>> -> memref<6400000xf32, #tpu.memory_space<hbm>>
    tpu.enqueue_indirect_dma source(%dma_start3A_99 : memref<6400000xf32, #tpu.memory_space<hbm>>) target(%dma_start3A_95 : memref<128xf32, #tpu.memory_space<vmem>>) offsets(%dma_start3A_97 : memref<128xi32, #tpu.memory_space<vmem>>) semaphore(%arg15 : memref<!tpu.dma_semaphore, #tpu.memory_space<semaphore_mem>>)
    %dma_wait3A = arith.constant 0 : i32
    %dma_wait3A_100 = tpu.memref_slice %arg13[%dma_wait3A] : memref<2048xf32, #tpu.memory_space<vmem>> -> memref<128xf32, #tpu.memory_space<vmem>>
    %dma_wait3A_101 = arith.constant 0 : i32
    %dma_wait3A_102 = tpu.memref_slice %arg12[%dma_wait3A_101] : memref<2048xi32, #tpu.memory_space<vmem>> -> memref<128xi32, #tpu.memory_space<vmem>>
    %dma_wait3A_103 = arith.constant 0 : i32
    %dma_wait3A_104 = tpu.memref_slice %arg2[%dma_wait3A_103] : memref<6400000xf32, #tpu.memory_space<hbm>> -> memref<6400000xf32, #tpu.memory_space<hbm>>
    tpu.wait_indirect_dma semaphore(%arg15 : memref<!tpu.dma_semaphore, #tpu.memory_space<semaphore_mem>>) src(%dma_wait3A_104 : memref<6400000xf32, #tpu.memory_space<hbm>>) dst(%dma_wait3A_100 : memref<128xf32, #tpu.memory_space<vmem>>)
    %dma_wait3A_105 = arith.constant 128 : i32
    %dma_wait3A_106 = tpu.memref_slice %arg13[%dma_wait3A_105] : memref<2048xf32, #tpu.memory_space<vmem>> -> memref<128xf32, #tpu.memory_space<vmem>>
    %dma_wait3A_107 = arith.constant 128 : i32
    %dma_wait3A_108 = tpu.memref_slice %arg12[%dma_wait3A_107] : memref<2048xi32, #tpu.memory_space<vmem>> -> memref<128xi32, #tpu.memory_space<vmem>>
    %dma_wait3A_109 = arith.constant 0 : i32
    %dma_wait3A_110 = tpu.memref_slice %arg2[%dma_wait3A_109] : memref<6400000xf32, #tpu.memory_space<hbm>> -> memref<6400000xf32, #tpu.memory_space<hbm>>
    tpu.wait_indirect_dma semaphore(%arg15 : memref<!tpu.dma_semaphore, #tpu.memory_space<semaphore_mem>>) src(%dma_wait3A_110 : memref<6400000xf32, #tpu.memory_space<hbm>>) dst(%dma_wait3A_106 : memref<128xf32, #tpu.memory_space<vmem>>)
    %dma_wait3A_111 = arith.constant 256 : i32
    %dma_wait3A_112 = tpu.memref_slice %arg13[%dma_wait3A_111] : memref<2048xf32, #tpu.memory_space<vmem>> -> memref<128xf32, #tpu.memory_space<vmem>>
    %dma_wait3A_113 = arith.constant 256 : i32
    %dma_wait3A_114 = tpu.memref_slice %arg12[%dma_wait3A_113] : memref<2048xi32, #tpu.memory_space<vmem>> -> memref<128xi32, #tpu.memory_space<vmem>>
    %dma_wait3A_115 = arith.constant 0 : i32
    %dma_wait3A_116 = tpu.memref_slice %arg2[%dma_wait3A_115] : memref<6400000xf32, #tpu.memory_space<hbm>> -> memref<6400000xf32, #tpu.memory_space<hbm>>
    tpu.wait_indirect_dma semaphore(%arg15 : memref<!tpu.dma_semaphore, #tpu.memory_space<semaphore_mem>>) src(%dma_wait3A_116 : memref<6400000xf32, #tpu.memory_space<hbm>>) dst(%dma_wait3A_112 : memref<128xf32, #tpu.memory_space<vmem>>)
    %dma_wait3A_117 = arith.constant 384 : i32
    %dma_wait3A_118 = tpu.memref_slice %arg13[%dma_wait3A_117] : memref<2048xf32, #tpu.memory_space<vmem>> -> memref<128xf32, #tpu.memory_space<vmem>>
    %dma_wait3A_119 = arith.constant 384 : i32
    %dma_wait3A_120 = tpu.memref_slice %arg12[%dma_wait3A_119] : memref<2048xi32, #tpu.memory_space<vmem>> -> memref<128xi32, #tpu.memory_space<vmem>>
    %dma_wait3A_121 = arith.constant 0 : i32
    %dma_wait3A_122 = tpu.memref_slice %arg2[%dma_wait3A_121] : memref<6400000xf32, #tpu.memory_space<hbm>> -> memref<6400000xf32, #tpu.memory_space<hbm>>
    tpu.wait_indirect_dma semaphore(%arg15 : memref<!tpu.dma_semaphore, #tpu.memory_space<semaphore_mem>>) src(%dma_wait3A_122 : memref<6400000xf32, #tpu.memory_space<hbm>>) dst(%dma_wait3A_118 : memref<128xf32, #tpu.memory_space<vmem>>)
    %dma_wait3A_123 = arith.constant 512 : i32
    %dma_wait3A_124 = tpu.memref_slice %arg13[%dma_wait3A_123] : memref<2048xf32, #tpu.memory_space<vmem>> -> memref<128xf32, #tpu.memory_space<vmem>>
    %dma_wait3A_125 = arith.constant 512 : i32
    %dma_wait3A_126 = tpu.memref_slice %arg12[%dma_wait3A_125] : memref<2048xi32, #tpu.memory_space<vmem>> -> memref<128xi32, #tpu.memory_space<vmem>>
    %dma_wait3A_127 = arith.constant 0 : i32
    %dma_wait3A_128 = tpu.memref_slice %arg2[%dma_wait3A_127] : memref<6400000xf32, #tpu.memory_space<hbm>> -> memref<6400000xf32, #tpu.memory_space<hbm>>
    tpu.wait_indirect_dma semaphore(%arg15 : memref<!tpu.dma_semaphore, #tpu.memory_space<semaphore_mem>>) src(%dma_wait3A_128 : memref<6400000xf32, #tpu.memory_space<hbm>>) dst(%dma_wait3A_124 : memref<128xf32, #tpu.memory_space<vmem>>)
    %dma_wait3A_129 = arith.constant 640 : i32
    %dma_wait3A_130 = tpu.memref_slice %arg13[%dma_wait3A_129] : memref<2048xf32, #tpu.memory_space<vmem>> -> memref<128xf32, #tpu.memory_space<vmem>>
    %dma_wait3A_131 = arith.constant 640 : i32
    %dma_wait3A_132 = tpu.memref_slice %arg12[%dma_wait3A_131] : memref<2048xi32, #tpu.memory_space<vmem>> -> memref<128xi32, #tpu.memory_space<vmem>>
    %dma_wait3A_133 = arith.constant 0 : i32
    %dma_wait3A_134 = tpu.memref_slice %arg2[%dma_wait3A_133] : memref<6400000xf32, #tpu.memory_space<hbm>> -> memref<6400000xf32, #tpu.memory_space<hbm>>
    tpu.wait_indirect_dma semaphore(%arg15 : memref<!tpu.dma_semaphore, #tpu.memory_space<semaphore_mem>>) src(%dma_wait3A_134 : memref<6400000xf32, #tpu.memory_space<hbm>>) dst(%dma_wait3A_130 : memref<128xf32, #tpu.memory_space<vmem>>)
    %dma_wait3A_135 = arith.constant 768 : i32
    %dma_wait3A_136 = tpu.memref_slice %arg13[%dma_wait3A_135] : memref<2048xf32, #tpu.memory_space<vmem>> -> memref<128xf32, #tpu.memory_space<vmem>>
    %dma_wait3A_137 = arith.constant 768 : i32
    %dma_wait3A_138 = tpu.memref_slice %arg12[%dma_wait3A_137] : memref<2048xi32, #tpu.memory_space<vmem>> -> memref<128xi32, #tpu.memory_space<vmem>>
    %dma_wait3A_139 = arith.constant 0 : i32
    %dma_wait3A_140 = tpu.memref_slice %arg2[%dma_wait3A_139] : memref<6400000xf32, #tpu.memory_space<hbm>> -> memref<6400000xf32, #tpu.memory_space<hbm>>
    tpu.wait_indirect_dma semaphore(%arg15 : memref<!tpu.dma_semaphore, #tpu.memory_space<semaphore_mem>>) src(%dma_wait3A_140 : memref<6400000xf32, #tpu.memory_space<hbm>>) dst(%dma_wait3A_136 : memref<128xf32, #tpu.memory_space<vmem>>)
    %dma_wait3A_141 = arith.constant 896 : i32
    %dma_wait3A_142 = tpu.memref_slice %arg13[%dma_wait3A_141] : memref<2048xf32, #tpu.memory_space<vmem>> -> memref<128xf32, #tpu.memory_space<vmem>>
    %dma_wait3A_143 = arith.constant 896 : i32
    %dma_wait3A_144 = tpu.memref_slice %arg12[%dma_wait3A_143] : memref<2048xi32, #tpu.memory_space<vmem>> -> memref<128xi32, #tpu.memory_space<vmem>>
    %dma_wait3A_145 = arith.constant 0 : i32
    %dma_wait3A_146 = tpu.memref_slice %arg2[%dma_wait3A_145] : memref<6400000xf32, #tpu.memory_space<hbm>> -> memref<6400000xf32, #tpu.memory_space<hbm>>
    tpu.wait_indirect_dma semaphore(%arg15 : memref<!tpu.dma_semaphore, #tpu.memory_space<semaphore_mem>>) src(%dma_wait3A_146 : memref<6400000xf32, #tpu.memory_space<hbm>>) dst(%dma_wait3A_142 : memref<128xf32, #tpu.memory_space<vmem>>)
    %dma_wait3A_147 = arith.constant 1024 : i32
    %dma_wait3A_148 = tpu.memref_slice %arg13[%dma_wait3A_147] : memref<2048xf32, #tpu.memory_space<vmem>> -> memref<128xf32, #tpu.memory_space<vmem>>
    %dma_wait3A_149 = arith.constant 1024 : i32
    %dma_wait3A_150 = tpu.memref_slice %arg12[%dma_wait3A_149] : memref<2048xi32, #tpu.memory_space<vmem>> -> memref<128xi32, #tpu.memory_space<vmem>>
    %dma_wait3A_151 = arith.constant 0 : i32
    %dma_wait3A_152 = tpu.memref_slice %arg2[%dma_wait3A_151] : memref<6400000xf32, #tpu.memory_space<hbm>> -> memref<6400000xf32, #tpu.memory_space<hbm>>
    tpu.wait_indirect_dma semaphore(%arg15 : memref<!tpu.dma_semaphore, #tpu.memory_space<semaphore_mem>>) src(%dma_wait3A_152 : memref<6400000xf32, #tpu.memory_space<hbm>>) dst(%dma_wait3A_148 : memref<128xf32, #tpu.memory_space<vmem>>)
    %dma_wait3A_153 = arith.constant 1152 : i32
    %dma_wait3A_154 = tpu.memref_slice %arg13[%dma_wait3A_153] : memref<2048xf32, #tpu.memory_space<vmem>> -> memref<128xf32, #tpu.memory_space<vmem>>
    %dma_wait3A_155 = arith.constant 1152 : i32
    %dma_wait3A_156 = tpu.memref_slice %arg12[%dma_wait3A_155] : memref<2048xi32, #tpu.memory_space<vmem>> -> memref<128xi32, #tpu.memory_space<vmem>>
    %dma_wait3A_157 = arith.constant 0 : i32
    %dma_wait3A_158 = tpu.memref_slice %arg2[%dma_wait3A_157] : memref<6400000xf32, #tpu.memory_space<hbm>> -> memref<6400000xf32, #tpu.memory_space<hbm>>
    tpu.wait_indirect_dma semaphore(%arg15 : memref<!tpu.dma_semaphore, #tpu.memory_space<semaphore_mem>>) src(%dma_wait3A_158 : memref<6400000xf32, #tpu.memory_space<hbm>>) dst(%dma_wait3A_154 : memref<128xf32, #tpu.memory_space<vmem>>)
    %dma_wait3A_159 = arith.constant 1280 : i32
    %dma_wait3A_160 = tpu.memref_slice %arg13[%dma_wait3A_159] : memref<2048xf32, #tpu.memory_space<vmem>> -> memref<128xf32, #tpu.memory_space<vmem>>
    %dma_wait3A_161 = arith.constant 1280 : i32
    %dma_wait3A_162 = tpu.memref_slice %arg12[%dma_wait3A_161] : memref<2048xi32, #tpu.memory_space<vmem>> -> memref<128xi32, #tpu.memory_space<vmem>>
    %dma_wait3A_163 = arith.constant 0 : i32
    %dma_wait3A_164 = tpu.memref_slice %arg2[%dma_wait3A_163] : memref<6400000xf32, #tpu.memory_space<hbm>> -> memref<6400000xf32, #tpu.memory_space<hbm>>
    tpu.wait_indirect_dma semaphore(%arg15 : memref<!tpu.dma_semaphore, #tpu.memory_space<semaphore_mem>>) src(%dma_wait3A_164 : memref<6400000xf32, #tpu.memory_space<hbm>>) dst(%dma_wait3A_160 : memref<128xf32, #tpu.memory_space<vmem>>)
    %dma_wait3A_165 = arith.constant 1408 : i32
    %dma_wait3A_166 = tpu.memref_slice %arg13[%dma_wait3A_165] : memref<2048xf32, #tpu.memory_space<vmem>> -> memref<128xf32, #tpu.memory_space<vmem>>
    %dma_wait3A_167 = arith.constant 1408 : i32
    %dma_wait3A_168 = tpu.memref_slice %arg12[%dma_wait3A_167] : memref<2048xi32, #tpu.memory_space<vmem>> -> memref<128xi32, #tpu.memory_space<vmem>>
    %dma_wait3A_169 = arith.constant 0 : i32
    %dma_wait3A_170 = tpu.memref_slice %arg2[%dma_wait3A_169] : memref<6400000xf32, #tpu.memory_space<hbm>> -> memref<6400000xf32, #tpu.memory_space<hbm>>
    tpu.wait_indirect_dma semaphore(%arg15 : memref<!tpu.dma_semaphore, #tpu.memory_space<semaphore_mem>>) src(%dma_wait3A_170 : memref<6400000xf32, #tpu.memory_space<hbm>>) dst(%dma_wait3A_166 : memref<128xf32, #tpu.memory_space<vmem>>)
    %dma_wait3A_171 = arith.constant 1536 : i32
    %dma_wait3A_172 = tpu.memref_slice %arg13[%dma_wait3A_171] : memref<2048xf32, #tpu.memory_space<vmem>> -> memref<128xf32, #tpu.memory_space<vmem>>
    %dma_wait3A_173 = arith.constant 1536 : i32
    %dma_wait3A_174 = tpu.memref_slice %arg12[%dma_wait3A_173] : memref<2048xi32, #tpu.memory_space<vmem>> -> memref<128xi32, #tpu.memory_space<vmem>>
    %dma_wait3A_175 = arith.constant 0 : i32
    %dma_wait3A_176 = tpu.memref_slice %arg2[%dma_wait3A_175] : memref<6400000xf32, #tpu.memory_space<hbm>> -> memref<6400000xf32, #tpu.memory_space<hbm>>
    tpu.wait_indirect_dma semaphore(%arg15 : memref<!tpu.dma_semaphore, #tpu.memory_space<semaphore_mem>>) src(%dma_wait3A_176 : memref<6400000xf32, #tpu.memory_space<hbm>>) dst(%dma_wait3A_172 : memref<128xf32, #tpu.memory_space<vmem>>)
    %dma_wait3A_177 = arith.constant 1664 : i32
    %dma_wait3A_178 = tpu.memref_slice %arg13[%dma_wait3A_177] : memref<2048xf32, #tpu.memory_space<vmem>> -> memref<128xf32, #tpu.memory_space<vmem>>
    %dma_wait3A_179 = arith.constant 1664 : i32
    %dma_wait3A_180 = tpu.memref_slice %arg12[%dma_wait3A_179] : memref<2048xi32, #tpu.memory_space<vmem>> -> memref<128xi32, #tpu.memory_space<vmem>>
    %dma_wait3A_181 = arith.constant 0 : i32
    %dma_wait3A_182 = tpu.memref_slice %arg2[%dma_wait3A_181] : memref<6400000xf32, #tpu.memory_space<hbm>> -> memref<6400000xf32, #tpu.memory_space<hbm>>
    tpu.wait_indirect_dma semaphore(%arg15 : memref<!tpu.dma_semaphore, #tpu.memory_space<semaphore_mem>>) src(%dma_wait3A_182 : memref<6400000xf32, #tpu.memory_space<hbm>>) dst(%dma_wait3A_178 : memref<128xf32, #tpu.memory_space<vmem>>)
    %dma_wait3A_183 = arith.constant 1792 : i32
    %dma_wait3A_184 = tpu.memref_slice %arg13[%dma_wait3A_183] : memref<2048xf32, #tpu.memory_space<vmem>> -> memref<128xf32, #tpu.memory_space<vmem>>
    %dma_wait3A_185 = arith.constant 1792 : i32
    %dma_wait3A_186 = tpu.memref_slice %arg12[%dma_wait3A_185] : memref<2048xi32, #tpu.memory_space<vmem>> -> memref<128xi32, #tpu.memory_space<vmem>>
    %dma_wait3A_187 = arith.constant 0 : i32
    %dma_wait3A_188 = tpu.memref_slice %arg2[%dma_wait3A_187] : memref<6400000xf32, #tpu.memory_space<hbm>> -> memref<6400000xf32, #tpu.memory_space<hbm>>
    tpu.wait_indirect_dma semaphore(%arg15 : memref<!tpu.dma_semaphore, #tpu.memory_space<semaphore_mem>>) src(%dma_wait3A_188 : memref<6400000xf32, #tpu.memory_space<hbm>>) dst(%dma_wait3A_184 : memref<128xf32, #tpu.memory_space<vmem>>)
    %dma_wait3A_189 = arith.constant 1920 : i32
    %dma_wait3A_190 = tpu.memref_slice %arg13[%dma_wait3A_189] : memref<2048xf32, #tpu.memory_space<vmem>> -> memref<128xf32, #tpu.memory_space<vmem>>
    %dma_wait3A_191 = arith.constant 1920 : i32
    %dma_wait3A_192 = tpu.memref_slice %arg12[%dma_wait3A_191] : memref<2048xi32, #tpu.memory_space<vmem>> -> memref<128xi32, #tpu.memory_space<vmem>>
    %dma_wait3A_193 = arith.constant 0 : i32
    %dma_wait3A_194 = tpu.memref_slice %arg2[%dma_wait3A_193] : memref<6400000xf32, #tpu.memory_space<hbm>> -> memref<6400000xf32, #tpu.memory_space<hbm>>
    tpu.wait_indirect_dma semaphore(%arg15 : memref<!tpu.dma_semaphore, #tpu.memory_space<semaphore_mem>>) src(%dma_wait3A_194 : memref<6400000xf32, #tpu.memory_space<hbm>>) dst(%dma_wait3A_190 : memref<128xf32, #tpu.memory_space<vmem>>)
    %mul3A_195 = arith.constant 16 : i32
    %mul3A_196 = arith.muli %mul3A_2, %mul3A_195 : i32
    %run_scoped3A_197 = arith.constant 0 : i32
    "tpu.region"() ({
      %run_scoped3A_1192 = tpu.sem_alloc : memref<!tpu.dma_semaphore, #tpu.memory_space<semaphore_mem>>
      %dma_start3A_1193 = tpu.memref_slice %arg8[%run_scoped3A_197, %mul3A_196] : memref<4x65536xf32, #tpu.memory_space<hbm>> -> memref<1x2048xf32, #tpu.memory_space<hbm>>
      %dma_start3A_1194 = tpu.memref_squeeze %dma_start3A_1193 : memref<1x2048xf32, #tpu.memory_space<hbm>> -> memref<2048xf32, #tpu.memory_space<hbm>>
      %dma_start3A_1195 = tpu.memref_slice %arg8[%run_scoped3A_197, %mul3A_196] : memref<4x65536xf32, #tpu.memory_space<hbm>> -> memref<1x2048xf32, #tpu.memory_space<hbm>>
      %dma_start3A_1196 = tpu.memref_squeeze %dma_start3A_1195 : memref<1x2048xf32, #tpu.memory_space<hbm>> -> memref<2048xf32, #tpu.memory_space<hbm>>
      tpu.enqueue_dma source(%arg13 : memref<2048xf32, #tpu.memory_space<vmem>>) target(%dma_start3A_1196 : memref<2048xf32, #tpu.memory_space<hbm>>) target_semaphore(%run_scoped3A_1192 : memref<!tpu.dma_semaphore, #tpu.memory_space<semaphore_mem>>)
      %dma_wait3A_1197 = tpu.memref_slice %arg8[%run_scoped3A_197, %mul3A_196] : memref<4x65536xf32, #tpu.memory_space<hbm>> -> memref<1x2048xf32, #tpu.memory_space<hbm>>
      %dma_wait3A_1198 = tpu.memref_squeeze %dma_wait3A_1197 : memref<1x2048xf32, #tpu.memory_space<hbm>> -> memref<2048xf32, #tpu.memory_space<hbm>>
      %dma_wait3A_1199 = tpu.memref_slice %arg8[%run_scoped3A_197, %mul3A_196] : memref<4x65536xf32, #tpu.memory_space<hbm>> -> memref<1x2048xf32, #tpu.memory_space<hbm>>
      %dma_wait3A_1200 = tpu.memref_squeeze %dma_wait3A_1199 : memref<1x2048xf32, #tpu.memory_space<hbm>> -> memref<2048xf32, #tpu.memory_space<hbm>>
      tpu.wait_dma2 semaphore(%run_scoped3A_1192 : memref<!tpu.dma_semaphore, #tpu.memory_space<semaphore_mem>>) src(%arg13 : memref<2048xf32, #tpu.memory_space<vmem>>) dst(%dma_wait3A_1200 : memref<2048xf32, #tpu.memory_space<hbm>>)
      tpu.yield
    }) : () -> ()
    %mul3A_198 = arith.constant 16 : i32
    %mul3A_199 = arith.muli %mul3A_2, %mul3A_198 : i32
    %run_scoped3A_200 = arith.constant 1 : i32
    "tpu.region"() ({
      %run_scoped3A_1192 = tpu.sem_alloc : memref<!tpu.dma_semaphore, #tpu.memory_space<semaphore_mem>>
      %dma_start3A_1193 = tpu.memref_slice %arg5[%run_scoped3A_200, %mul3A_199] : memref<4x65536xi32, #tpu.memory_space<hbm>> -> memref<1x2048xi32, #tpu.memory_space<hbm>>
      %dma_start3A_1194 = tpu.memref_squeeze %dma_start3A_1193 : memref<1x2048xi32, #tpu.memory_space<hbm>> -> memref<2048xi32, #tpu.memory_space<hbm>>
      %dma_start3A_1195 = tpu.memref_slice %arg5[%run_scoped3A_200, %mul3A_199] : memref<4x65536xi32, #tpu.memory_space<hbm>> -> memref<1x2048xi32, #tpu.memory_space<hbm>>
      %dma_start3A_1196 = tpu.memref_squeeze %dma_start3A_1195 : memref<1x2048xi32, #tpu.memory_space<hbm>> -> memref<2048xi32, #tpu.memory_space<hbm>>
      tpu.enqueue_dma source(%dma_start3A_1196 : memref<2048xi32, #tpu.memory_space<hbm>>) target(%arg12 : memref<2048xi32, #tpu.memory_space<vmem>>) target_semaphore(%run_scoped3A_1192 : memref<!tpu.dma_semaphore, #tpu.memory_space<semaphore_mem>>)
      %dma_wait3A_1197 = tpu.memref_slice %arg5[%run_scoped3A_200, %mul3A_199] : memref<4x65536xi32, #tpu.memory_space<hbm>> -> memref<1x2048xi32, #tpu.memory_space<hbm>>
      %dma_wait3A_1198 = tpu.memref_squeeze %dma_wait3A_1197 : memref<1x2048xi32, #tpu.memory_space<hbm>> -> memref<2048xi32, #tpu.memory_space<hbm>>
      %dma_wait3A_1199 = tpu.memref_slice %arg5[%run_scoped3A_200, %mul3A_199] : memref<4x65536xi32, #tpu.memory_space<hbm>> -> memref<1x2048xi32, #tpu.memory_space<hbm>>
      %dma_wait3A_1200 = tpu.memref_squeeze %dma_wait3A_1199 : memref<1x2048xi32, #tpu.memory_space<hbm>> -> memref<2048xi32, #tpu.memory_space<hbm>>
      tpu.wait_dma2 semaphore(%run_scoped3A_1192 : memref<!tpu.dma_semaphore, #tpu.memory_space<semaphore_mem>>) src(%dma_wait3A_1200 : memref<2048xi32, #tpu.memory_space<hbm>>) dst(%arg12 : memref<2048xi32, #tpu.memory_space<vmem>>)
      tpu.yield
    }) : () -> ()
    %dma_start3A_201 = arith.constant 0 : i32
    %dma_start3A_202 = tpu.memref_slice %arg13[%dma_start3A_201] : memref<2048xf32, #tpu.memory_space<vmem>> -> memref<128xf32, #tpu.memory_space<vmem>>
    %dma_start3A_203 = arith.constant 0 : i32
    %dma_start3A_204 = tpu.memref_slice %arg12[%dma_start3A_203] : memref<2048xi32, #tpu.memory_space<vmem>> -> memref<128xi32, #tpu.memory_space<vmem>>
    %dma_start3A_205 = arith.constant 0 : i32
    %dma_start3A_206 = tpu.memref_slice %arg2[%dma_start3A_205] : memref<6400000xf32, #tpu.memory_space<hbm>> -> memref<6400000xf32, #tpu.memory_space<hbm>>
    tpu.enqueue_indirect_dma source(%dma_start3A_206 : memref<6400000xf32, #tpu.memory_space<hbm>>) target(%dma_start3A_202 : memref<128xf32, #tpu.memory_space<vmem>>) offsets(%dma_start3A_204 : memref<128xi32, #tpu.memory_space<vmem>>) semaphore(%arg15 : memref<!tpu.dma_semaphore, #tpu.memory_space<semaphore_mem>>)
    %dma_start3A_207 = arith.constant 128 : i32
    %dma_start3A_208 = tpu.memref_slice %arg13[%dma_start3A_207] : memref<2048xf32, #tpu.memory_space<vmem>> -> memref<128xf32, #tpu.memory_space<vmem>>
    %dma_start3A_209 = arith.constant 128 : i32
    %dma_start3A_210 = tpu.memref_slice %arg12[%dma_start3A_209] : memref<2048xi32, #tpu.memory_space<vmem>> -> memref<128xi32, #tpu.memory_space<vmem>>
    %dma_start3A_211 = arith.constant 0 : i32
    %dma_start3A_212 = tpu.memref_slice %arg2[%dma_start3A_211] : memref<6400000xf32, #tpu.memory_space<hbm>> -> memref<6400000xf32, #tpu.memory_space<hbm>>
    tpu.enqueue_indirect_dma source(%dma_start3A_212 : memref<6400000xf32, #tpu.memory_space<hbm>>) target(%dma_start3A_208 : memref<128xf32, #tpu.memory_space<vmem>>) offsets(%dma_start3A_210 : memref<128xi32, #tpu.memory_space<vmem>>) semaphore(%arg15 : memref<!tpu.dma_semaphore, #tpu.memory_space<semaphore_mem>>)
    %dma_start3A_213 = arith.constant 256 : i32
    %dma_start3A_214 = tpu.memref_slice %arg13[%dma_start3A_213] : memref<2048xf32, #tpu.memory_space<vmem>> -> memref<128xf32, #tpu.memory_space<vmem>>
    %dma_start3A_215 = arith.constant 256 : i32
    %dma_start3A_216 = tpu.memref_slice %arg12[%dma_start3A_215] : memref<2048xi32, #tpu.memory_space<vmem>> -> memref<128xi32, #tpu.memory_space<vmem>>
    %dma_start3A_217 = arith.constant 0 : i32
    %dma_start3A_218 = tpu.memref_slice %arg2[%dma_start3A_217] : memref<6400000xf32, #tpu.memory_space<hbm>> -> memref<6400000xf32, #tpu.memory_space<hbm>>
    tpu.enqueue_indirect_dma source(%dma_start3A_218 : memref<6400000xf32, #tpu.memory_space<hbm>>) target(%dma_start3A_214 : memref<128xf32, #tpu.memory_space<vmem>>) offsets(%dma_start3A_216 : memref<128xi32, #tpu.memory_space<vmem>>) semaphore(%arg15 : memref<!tpu.dma_semaphore, #tpu.memory_space<semaphore_mem>>)
    %dma_start3A_219 = arith.constant 384 : i32
    %dma_start3A_220 = tpu.memref_slice %arg13[%dma_start3A_219] : memref<2048xf32, #tpu.memory_space<vmem>> -> memref<128xf32, #tpu.memory_space<vmem>>
    %dma_start3A_221 = arith.constant 384 : i32
    %dma_start3A_222 = tpu.memref_slice %arg12[%dma_start3A_221] : memref<2048xi32, #tpu.memory_space<vmem>> -> memref<128xi32, #tpu.memory_space<vmem>>
    %dma_start3A_223 = arith.constant 0 : i32
    %dma_start3A_224 = tpu.memref_slice %arg2[%dma_start3A_223] : memref<6400000xf32, #tpu.memory_space<hbm>> -> memref<6400000xf32, #tpu.memory_space<hbm>>
    tpu.enqueue_indirect_dma source(%dma_start3A_224 : memref<6400000xf32, #tpu.memory_space<hbm>>) target(%dma_start3A_220 : memref<128xf32, #tpu.memory_space<vmem>>) offsets(%dma_start3A_222 : memref<128xi32, #tpu.memory_space<vmem>>) semaphore(%arg15 : memref<!tpu.dma_semaphore, #tpu.memory_space<semaphore_mem>>)
    %dma_start3A_225 = arith.constant 512 : i32
    %dma_start3A_226 = tpu.memref_slice %arg13[%dma_start3A_225] : memref<2048xf32, #tpu.memory_space<vmem>> -> memref<128xf32, #tpu.memory_space<vmem>>
    %dma_start3A_227 = arith.constant 512 : i32
    %dma_start3A_228 = tpu.memref_slice %arg12[%dma_start3A_227] : memref<2048xi32, #tpu.memory_space<vmem>> -> memref<128xi32, #tpu.memory_space<vmem>>
    %dma_start3A_229 = arith.constant 0 : i32
    %dma_start3A_230 = tpu.memref_slice %arg2[%dma_start3A_229] : memref<6400000xf32, #tpu.memory_space<hbm>> -> memref<6400000xf32, #tpu.memory_space<hbm>>
    tpu.enqueue_indirect_dma source(%dma_start3A_230 : memref<6400000xf32, #tpu.memory_space<hbm>>) target(%dma_start3A_226 : memref<128xf32, #tpu.memory_space<vmem>>) offsets(%dma_start3A_228 : memref<128xi32, #tpu.memory_space<vmem>>) semaphore(%arg15 : memref<!tpu.dma_semaphore, #tpu.memory_space<semaphore_mem>>)
    %dma_start3A_231 = arith.constant 640 : i32
    %dma_start3A_232 = tpu.memref_slice %arg13[%dma_start3A_231] : memref<2048xf32, #tpu.memory_space<vmem>> -> memref<128xf32, #tpu.memory_space<vmem>>
    %dma_start3A_233 = arith.constant 640 : i32
    %dma_start3A_234 = tpu.memref_slice %arg12[%dma_start3A_233] : memref<2048xi32, #tpu.memory_space<vmem>> -> memref<128xi32, #tpu.memory_space<vmem>>
    %dma_start3A_235 = arith.constant 0 : i32
    %dma_start3A_236 = tpu.memref_slice %arg2[%dma_start3A_235] : memref<6400000xf32, #tpu.memory_space<hbm>> -> memref<6400000xf32, #tpu.memory_space<hbm>>
    tpu.enqueue_indirect_dma source(%dma_start3A_236 : memref<6400000xf32, #tpu.memory_space<hbm>>) target(%dma_start3A_232 : memref<128xf32, #tpu.memory_space<vmem>>) offsets(%dma_start3A_234 : memref<128xi32, #tpu.memory_space<vmem>>) semaphore(%arg15 : memref<!tpu.dma_semaphore, #tpu.memory_space<semaphore_mem>>)
    %dma_start3A_237 = arith.constant 768 : i32
    %dma_start3A_238 = tpu.memref_slice %arg13[%dma_start3A_237] : memref<2048xf32, #tpu.memory_space<vmem>> -> memref<128xf32, #tpu.memory_space<vmem>>
    %dma_start3A_239 = arith.constant 768 : i32
    %dma_start3A_240 = tpu.memref_slice %arg12[%dma_start3A_239] : memref<2048xi32, #tpu.memory_space<vmem>> -> memref<128xi32, #tpu.memory_space<vmem>>
    %dma_start3A_241 = arith.constant 0 : i32
    %dma_start3A_242 = tpu.memref_slice %arg2[%dma_start3A_241] : memref<6400000xf32, #tpu.memory_space<hbm>> -> memref<6400000xf32, #tpu.memory_space<hbm>>
    tpu.enqueue_indirect_dma source(%dma_start3A_242 : memref<6400000xf32, #tpu.memory_space<hbm>>) target(%dma_start3A_238 : memref<128xf32, #tpu.memory_space<vmem>>) offsets(%dma_start3A_240 : memref<128xi32, #tpu.memory_space<vmem>>) semaphore(%arg15 : memref<!tpu.dma_semaphore, #tpu.memory_space<semaphore_mem>>)
    %dma_start3A_243 = arith.constant 896 : i32
    %dma_start3A_244 = tpu.memref_slice %arg13[%dma_start3A_243] : memref<2048xf32, #tpu.memory_space<vmem>> -> memref<128xf32, #tpu.memory_space<vmem>>
    %dma_start3A_245 = arith.constant 896 : i32
    %dma_start3A_246 = tpu.memref_slice %arg12[%dma_start3A_245] : memref<2048xi32, #tpu.memory_space<vmem>> -> memref<128xi32, #tpu.memory_space<vmem>>
    %dma_start3A_247 = arith.constant 0 : i32
    %dma_start3A_248 = tpu.memref_slice %arg2[%dma_start3A_247] : memref<6400000xf32, #tpu.memory_space<hbm>> -> memref<6400000xf32, #tpu.memory_space<hbm>>
    tpu.enqueue_indirect_dma source(%dma_start3A_248 : memref<6400000xf32, #tpu.memory_space<hbm>>) target(%dma_start3A_244 : memref<128xf32, #tpu.memory_space<vmem>>) offsets(%dma_start3A_246 : memref<128xi32, #tpu.memory_space<vmem>>) semaphore(%arg15 : memref<!tpu.dma_semaphore, #tpu.memory_space<semaphore_mem>>)
    %dma_start3A_249 = arith.constant 1024 : i32
    %dma_start3A_250 = tpu.memref_slice %arg13[%dma_start3A_249] : memref<2048xf32, #tpu.memory_space<vmem>> -> memref<128xf32, #tpu.memory_space<vmem>>
    %dma_start3A_251 = arith.constant 1024 : i32
    %dma_start3A_252 = tpu.memref_slice %arg12[%dma_start3A_251] : memref<2048xi32, #tpu.memory_space<vmem>> -> memref<128xi32, #tpu.memory_space<vmem>>
    %dma_start3A_253 = arith.constant 0 : i32
    %dma_start3A_254 = tpu.memref_slice %arg2[%dma_start3A_253] : memref<6400000xf32, #tpu.memory_space<hbm>> -> memref<6400000xf32, #tpu.memory_space<hbm>>
    tpu.enqueue_indirect_dma source(%dma_start3A_254 : memref<6400000xf32, #tpu.memory_space<hbm>>) target(%dma_start3A_250 : memref<128xf32, #tpu.memory_space<vmem>>) offsets(%dma_start3A_252 : memref<128xi32, #tpu.memory_space<vmem>>) semaphore(%arg15 : memref<!tpu.dma_semaphore, #tpu.memory_space<semaphore_mem>>)
    %dma_start3A_255 = arith.constant 1152 : i32
    %dma_start3A_256 = tpu.memref_slice %arg13[%dma_start3A_255] : memref<2048xf32, #tpu.memory_space<vmem>> -> memref<128xf32, #tpu.memory_space<vmem>>
    %dma_start3A_257 = arith.constant 1152 : i32
    %dma_start3A_258 = tpu.memref_slice %arg12[%dma_start3A_257] : memref<2048xi32, #tpu.memory_space<vmem>> -> memref<128xi32, #tpu.memory_space<vmem>>
    %dma_start3A_259 = arith.constant 0 : i32
    %dma_start3A_260 = tpu.memref_slice %arg2[%dma_start3A_259] : memref<6400000xf32, #tpu.memory_space<hbm>> -> memref<6400000xf32, #tpu.memory_space<hbm>>
    tpu.enqueue_indirect_dma source(%dma_start3A_260 : memref<6400000xf32, #tpu.memory_space<hbm>>) target(%dma_start3A_256 : memref<128xf32, #tpu.memory_space<vmem>>) offsets(%dma_start3A_258 : memref<128xi32, #tpu.memory_space<vmem>>) semaphore(%arg15 : memref<!tpu.dma_semaphore, #tpu.memory_space<semaphore_mem>>)
    %dma_start3A_261 = arith.constant 1280 : i32
    %dma_start3A_262 = tpu.memref_slice %arg13[%dma_start3A_261] : memref<2048xf32, #tpu.memory_space<vmem>> -> memref<128xf32, #tpu.memory_space<vmem>>
    %dma_start3A_263 = arith.constant 1280 : i32
    %dma_start3A_264 = tpu.memref_slice %arg12[%dma_start3A_263] : memref<2048xi32, #tpu.memory_space<vmem>> -> memref<128xi32, #tpu.memory_space<vmem>>
    %dma_start3A_265 = arith.constant 0 : i32
    %dma_start3A_266 = tpu.memref_slice %arg2[%dma_start3A_265] : memref<6400000xf32, #tpu.memory_space<hbm>> -> memref<6400000xf32, #tpu.memory_space<hbm>>
    tpu.enqueue_indirect_dma source(%dma_start3A_266 : memref<6400000xf32, #tpu.memory_space<hbm>>) target(%dma_start3A_262 : memref<128xf32, #tpu.memory_space<vmem>>) offsets(%dma_start3A_264 : memref<128xi32, #tpu.memory_space<vmem>>) semaphore(%arg15 : memref<!tpu.dma_semaphore, #tpu.memory_space<semaphore_mem>>)
    %dma_start3A_267 = arith.constant 1408 : i32
    %dma_start3A_268 = tpu.memref_slice %arg13[%dma_start3A_267] : memref<2048xf32, #tpu.memory_space<vmem>> -> memref<128xf32, #tpu.memory_space<vmem>>
    %dma_start3A_269 = arith.constant 1408 : i32
    %dma_start3A_270 = tpu.memref_slice %arg12[%dma_start3A_269] : memref<2048xi32, #tpu.memory_space<vmem>> -> memref<128xi32, #tpu.memory_space<vmem>>
    %dma_start3A_271 = arith.constant 0 : i32
    %dma_start3A_272 = tpu.memref_slice %arg2[%dma_start3A_271] : memref<6400000xf32, #tpu.memory_space<hbm>> -> memref<6400000xf32, #tpu.memory_space<hbm>>
    tpu.enqueue_indirect_dma source(%dma_start3A_272 : memref<6400000xf32, #tpu.memory_space<hbm>>) target(%dma_start3A_268 : memref<128xf32, #tpu.memory_space<vmem>>) offsets(%dma_start3A_270 : memref<128xi32, #tpu.memory_space<vmem>>) semaphore(%arg15 : memref<!tpu.dma_semaphore, #tpu.memory_space<semaphore_mem>>)
    %dma_start3A_273 = arith.constant 1536 : i32
    %dma_start3A_274 = tpu.memref_slice %arg13[%dma_start3A_273] : memref<2048xf32, #tpu.memory_space<vmem>> -> memref<128xf32, #tpu.memory_space<vmem>>
    %dma_start3A_275 = arith.constant 1536 : i32
    %dma_start3A_276 = tpu.memref_slice %arg12[%dma_start3A_275] : memref<2048xi32, #tpu.memory_space<vmem>> -> memref<128xi32, #tpu.memory_space<vmem>>
    %dma_start3A_277 = arith.constant 0 : i32
    %dma_start3A_278 = tpu.memref_slice %arg2[%dma_start3A_277] : memref<6400000xf32, #tpu.memory_space<hbm>> -> memref<6400000xf32, #tpu.memory_space<hbm>>
    tpu.enqueue_indirect_dma source(%dma_start3A_278 : memref<6400000xf32, #tpu.memory_space<hbm>>) target(%dma_start3A_274 : memref<128xf32, #tpu.memory_space<vmem>>) offsets(%dma_start3A_276 : memref<128xi32, #tpu.memory_space<vmem>>) semaphore(%arg15 : memref<!tpu.dma_semaphore, #tpu.memory_space<semaphore_mem>>)
    %dma_start3A_279 = arith.constant 1664 : i32
    %dma_start3A_280 = tpu.memref_slice %arg13[%dma_start3A_279] : memref<2048xf32, #tpu.memory_space<vmem>> -> memref<128xf32, #tpu.memory_space<vmem>>
    %dma_start3A_281 = arith.constant 1664 : i32
    %dma_start3A_282 = tpu.memref_slice %arg12[%dma_start3A_281] : memref<2048xi32, #tpu.memory_space<vmem>> -> memref<128xi32, #tpu.memory_space<vmem>>
    %dma_start3A_283 = arith.constant 0 : i32
    %dma_start3A_284 = tpu.memref_slice %arg2[%dma_start3A_283] : memref<6400000xf32, #tpu.memory_space<hbm>> -> memref<6400000xf32, #tpu.memory_space<hbm>>
    tpu.enqueue_indirect_dma source(%dma_start3A_284 : memref<6400000xf32, #tpu.memory_space<hbm>>) target(%dma_start3A_280 : memref<128xf32, #tpu.memory_space<vmem>>) offsets(%dma_start3A_282 : memref<128xi32, #tpu.memory_space<vmem>>) semaphore(%arg15 : memref<!tpu.dma_semaphore, #tpu.memory_space<semaphore_mem>>)
    %dma_start3A_285 = arith.constant 1792 : i32
    %dma_start3A_286 = tpu.memref_slice %arg13[%dma_start3A_285] : memref<2048xf32, #tpu.memory_space<vmem>> -> memref<128xf32, #tpu.memory_space<vmem>>
    %dma_start3A_287 = arith.constant 1792 : i32
    %dma_start3A_288 = tpu.memref_slice %arg12[%dma_start3A_287] : memref<2048xi32, #tpu.memory_space<vmem>> -> memref<128xi32, #tpu.memory_space<vmem>>
    %dma_start3A_289 = arith.constant 0 : i32
    %dma_start3A_290 = tpu.memref_slice %arg2[%dma_start3A_289] : memref<6400000xf32, #tpu.memory_space<hbm>> -> memref<6400000xf32, #tpu.memory_space<hbm>>
    tpu.enqueue_indirect_dma source(%dma_start3A_290 : memref<6400000xf32, #tpu.memory_space<hbm>>) target(%dma_start3A_286 : memref<128xf32, #tpu.memory_space<vmem>>) offsets(%dma_start3A_288 : memref<128xi32, #tpu.memory_space<vmem>>) semaphore(%arg15 : memref<!tpu.dma_semaphore, #tpu.memory_space<semaphore_mem>>)
    %dma_start3A_291 = arith.constant 1920 : i32
    %dma_start3A_292 = tpu.memref_slice %arg13[%dma_start3A_291] : memref<2048xf32, #tpu.memory_space<vmem>> -> memref<128xf32, #tpu.memory_space<vmem>>
    %dma_start3A_293 = arith.constant 1920 : i32
    %dma_start3A_294 = tpu.memref_slice %arg12[%dma_start3A_293] : memref<2048xi32, #tpu.memory_space<vmem>> -> memref<128xi32, #tpu.memory_space<vmem>>
    %dma_start3A_295 = arith.constant 0 : i32
    %dma_start3A_296 = tpu.memref_slice %arg2[%dma_start3A_295] : memref<6400000xf32, #tpu.memory_space<hbm>> -> memref<6400000xf32, #tpu.memory_space<hbm>>
    tpu.enqueue_indirect_dma source(%dma_start3A_296 : memref<6400000xf32, #tpu.memory_space<hbm>>) target(%dma_start3A_292 : memref<128xf32, #tpu.memory_space<vmem>>) offsets(%dma_start3A_294 : memref<128xi32, #tpu.memory_space<vmem>>) semaphore(%arg15 : memref<!tpu.dma_semaphore, #tpu.memory_space<semaphore_mem>>)
    %dma_wait3A_297 = arith.constant 0 : i32
    %dma_wait3A_298 = tpu.memref_slice %arg13[%dma_wait3A_297] : memref<2048xf32, #tpu.memory_space<vmem>> -> memref<128xf32, #tpu.memory_space<vmem>>
    %dma_wait3A_299 = arith.constant 0 : i32
    %dma_wait3A_300 = tpu.memref_slice %arg12[%dma_wait3A_299] : memref<2048xi32, #tpu.memory_space<vmem>> -> memref<128xi32, #tpu.memory_space<vmem>>
    %dma_wait3A_301 = arith.constant 0 : i32
    %dma_wait3A_302 = tpu.memref_slice %arg2[%dma_wait3A_301] : memref<6400000xf32, #tpu.memory_space<hbm>> -> memref<6400000xf32, #tpu.memory_space<hbm>>
    tpu.wait_indirect_dma semaphore(%arg15 : memref<!tpu.dma_semaphore, #tpu.memory_space<semaphore_mem>>) src(%dma_wait3A_302 : memref<6400000xf32, #tpu.memory_space<hbm>>) dst(%dma_wait3A_298 : memref<128xf32, #tpu.memory_space<vmem>>)
    %dma_wait3A_303 = arith.constant 128 : i32
    %dma_wait3A_304 = tpu.memref_slice %arg13[%dma_wait3A_303] : memref<2048xf32, #tpu.memory_space<vmem>> -> memref<128xf32, #tpu.memory_space<vmem>>
    %dma_wait3A_305 = arith.constant 128 : i32
    %dma_wait3A_306 = tpu.memref_slice %arg12[%dma_wait3A_305] : memref<2048xi32, #tpu.memory_space<vmem>> -> memref<128xi32, #tpu.memory_space<vmem>>
    %dma_wait3A_307 = arith.constant 0 : i32
    %dma_wait3A_308 = tpu.memref_slice %arg2[%dma_wait3A_307] : memref<6400000xf32, #tpu.memory_space<hbm>> -> memref<6400000xf32, #tpu.memory_space<hbm>>
    tpu.wait_indirect_dma semaphore(%arg15 : memref<!tpu.dma_semaphore, #tpu.memory_space<semaphore_mem>>) src(%dma_wait3A_308 : memref<6400000xf32, #tpu.memory_space<hbm>>) dst(%dma_wait3A_304 : memref<128xf32, #tpu.memory_space<vmem>>)
    %dma_wait3A_309 = arith.constant 256 : i32
    %dma_wait3A_310 = tpu.memref_slice %arg13[%dma_wait3A_309] : memref<2048xf32, #tpu.memory_space<vmem>> -> memref<128xf32, #tpu.memory_space<vmem>>
    %dma_wait3A_311 = arith.constant 256 : i32
    %dma_wait3A_312 = tpu.memref_slice %arg12[%dma_wait3A_311] : memref<2048xi32, #tpu.memory_space<vmem>> -> memref<128xi32, #tpu.memory_space<vmem>>
    %dma_wait3A_313 = arith.constant 0 : i32
    %dma_wait3A_314 = tpu.memref_slice %arg2[%dma_wait3A_313] : memref<6400000xf32, #tpu.memory_space<hbm>> -> memref<6400000xf32, #tpu.memory_space<hbm>>
    tpu.wait_indirect_dma semaphore(%arg15 : memref<!tpu.dma_semaphore, #tpu.memory_space<semaphore_mem>>) src(%dma_wait3A_314 : memref<6400000xf32, #tpu.memory_space<hbm>>) dst(%dma_wait3A_310 : memref<128xf32, #tpu.memory_space<vmem>>)
    %dma_wait3A_315 = arith.constant 384 : i32
    %dma_wait3A_316 = tpu.memref_slice %arg13[%dma_wait3A_315] : memref<2048xf32, #tpu.memory_space<vmem>> -> memref<128xf32, #tpu.memory_space<vmem>>
    %dma_wait3A_317 = arith.constant 384 : i32
    %dma_wait3A_318 = tpu.memref_slice %arg12[%dma_wait3A_317] : memref<2048xi32, #tpu.memory_space<vmem>> -> memref<128xi32, #tpu.memory_space<vmem>>
    %dma_wait3A_319 = arith.constant 0 : i32
    %dma_wait3A_320 = tpu.memref_slice %arg2[%dma_wait3A_319] : memref<6400000xf32, #tpu.memory_space<hbm>> -> memref<6400000xf32, #tpu.memory_space<hbm>>
    tpu.wait_indirect_dma semaphore(%arg15 : memref<!tpu.dma_semaphore, #tpu.memory_space<semaphore_mem>>) src(%dma_wait3A_320 : memref<6400000xf32, #tpu.memory_space<hbm>>) dst(%dma_wait3A_316 : memref<128xf32, #tpu.memory_space<vmem>>)
    %dma_wait3A_321 = arith.constant 512 : i32
    %dma_wait3A_322 = tpu.memref_slice %arg13[%dma_wait3A_321] : memref<2048xf32, #tpu.memory_space<vmem>> -> memref<128xf32, #tpu.memory_space<vmem>>
    %dma_wait3A_323 = arith.constant 512 : i32
    %dma_wait3A_324 = tpu.memref_slice %arg12[%dma_wait3A_323] : memref<2048xi32, #tpu.memory_space<vmem>> -> memref<128xi32, #tpu.memory_space<vmem>>
    %dma_wait3A_325 = arith.constant 0 : i32
    %dma_wait3A_326 = tpu.memref_slice %arg2[%dma_wait3A_325] : memref<6400000xf32, #tpu.memory_space<hbm>> -> memref<6400000xf32, #tpu.memory_space<hbm>>
    tpu.wait_indirect_dma semaphore(%arg15 : memref<!tpu.dma_semaphore, #tpu.memory_space<semaphore_mem>>) src(%dma_wait3A_326 : memref<6400000xf32, #tpu.memory_space<hbm>>) dst(%dma_wait3A_322 : memref<128xf32, #tpu.memory_space<vmem>>)
    %dma_wait3A_327 = arith.constant 640 : i32
    %dma_wait3A_328 = tpu.memref_slice %arg13[%dma_wait3A_327] : memref<2048xf32, #tpu.memory_space<vmem>> -> memref<128xf32, #tpu.memory_space<vmem>>
    %dma_wait3A_329 = arith.constant 640 : i32
    %dma_wait3A_330 = tpu.memref_slice %arg12[%dma_wait3A_329] : memref<2048xi32, #tpu.memory_space<vmem>> -> memref<128xi32, #tpu.memory_space<vmem>>
    %dma_wait3A_331 = arith.constant 0 : i32
    %dma_wait3A_332 = tpu.memref_slice %arg2[%dma_wait3A_331] : memref<6400000xf32, #tpu.memory_space<hbm>> -> memref<6400000xf32, #tpu.memory_space<hbm>>
    tpu.wait_indirect_dma semaphore(%arg15 : memref<!tpu.dma_semaphore, #tpu.memory_space<semaphore_mem>>) src(%dma_wait3A_332 : memref<6400000xf32, #tpu.memory_space<hbm>>) dst(%dma_wait3A_328 : memref<128xf32, #tpu.memory_space<vmem>>)
    %dma_wait3A_333 = arith.constant 768 : i32
    %dma_wait3A_334 = tpu.memref_slice %arg13[%dma_wait3A_333] : memref<2048xf32, #tpu.memory_space<vmem>> -> memref<128xf32, #tpu.memory_space<vmem>>
    %dma_wait3A_335 = arith.constant 768 : i32
    %dma_wait3A_336 = tpu.memref_slice %arg12[%dma_wait3A_335] : memref<2048xi32, #tpu.memory_space<vmem>> -> memref<128xi32, #tpu.memory_space<vmem>>
    %dma_wait3A_337 = arith.constant 0 : i32
    %dma_wait3A_338 = tpu.memref_slice %arg2[%dma_wait3A_337] : memref<6400000xf32, #tpu.memory_space<hbm>> -> memref<6400000xf32, #tpu.memory_space<hbm>>
    tpu.wait_indirect_dma semaphore(%arg15 : memref<!tpu.dma_semaphore, #tpu.memory_space<semaphore_mem>>) src(%dma_wait3A_338 : memref<6400000xf32, #tpu.memory_space<hbm>>) dst(%dma_wait3A_334 : memref<128xf32, #tpu.memory_space<vmem>>)
    %dma_wait3A_339 = arith.constant 896 : i32
    %dma_wait3A_340 = tpu.memref_slice %arg13[%dma_wait3A_339] : memref<2048xf32, #tpu.memory_space<vmem>> -> memref<128xf32, #tpu.memory_space<vmem>>
    %dma_wait3A_341 = arith.constant 896 : i32
    %dma_wait3A_342 = tpu.memref_slice %arg12[%dma_wait3A_341] : memref<2048xi32, #tpu.memory_space<vmem>> -> memref<128xi32, #tpu.memory_space<vmem>>
    %dma_wait3A_343 = arith.constant 0 : i32
    %dma_wait3A_344 = tpu.memref_slice %arg2[%dma_wait3A_343] : memref<6400000xf32, #tpu.memory_space<hbm>> -> memref<6400000xf32, #tpu.memory_space<hbm>>
    tpu.wait_indirect_dma semaphore(%arg15 : memref<!tpu.dma_semaphore, #tpu.memory_space<semaphore_mem>>) src(%dma_wait3A_344 : memref<6400000xf32, #tpu.memory_space<hbm>>) dst(%dma_wait3A_340 : memref<128xf32, #tpu.memory_space<vmem>>)
    %dma_wait3A_345 = arith.constant 1024 : i32
    %dma_wait3A_346 = tpu.memref_slice %arg13[%dma_wait3A_345] : memref<2048xf32, #tpu.memory_space<vmem>> -> memref<128xf32, #tpu.memory_space<vmem>>
    %dma_wait3A_347 = arith.constant 1024 : i32
    %dma_wait3A_348 = tpu.memref_slice %arg12[%dma_wait3A_347] : memref<2048xi32, #tpu.memory_space<vmem>> -> memref<128xi32, #tpu.memory_space<vmem>>
    %dma_wait3A_349 = arith.constant 0 : i32
    %dma_wait3A_350 = tpu.memref_slice %arg2[%dma_wait3A_349] : memref<6400000xf32, #tpu.memory_space<hbm>> -> memref<6400000xf32, #tpu.memory_space<hbm>>
    tpu.wait_indirect_dma semaphore(%arg15 : memref<!tpu.dma_semaphore, #tpu.memory_space<semaphore_mem>>) src(%dma_wait3A_350 : memref<6400000xf32, #tpu.memory_space<hbm>>) dst(%dma_wait3A_346 : memref<128xf32, #tpu.memory_space<vmem>>)
    %dma_wait3A_351 = arith.constant 1152 : i32
    %dma_wait3A_352 = tpu.memref_slice %arg13[%dma_wait3A_351] : memref<2048xf32, #tpu.memory_space<vmem>> -> memref<128xf32, #tpu.memory_space<vmem>>
    %dma_wait3A_353 = arith.constant 1152 : i32
    %dma_wait3A_354 = tpu.memref_slice %arg12[%dma_wait3A_353] : memref<2048xi32, #tpu.memory_space<vmem>> -> memref<128xi32, #tpu.memory_space<vmem>>
    %dma_wait3A_355 = arith.constant 0 : i32
    %dma_wait3A_356 = tpu.memref_slice %arg2[%dma_wait3A_355] : memref<6400000xf32, #tpu.memory_space<hbm>> -> memref<6400000xf32, #tpu.memory_space<hbm>>
    tpu.wait_indirect_dma semaphore(%arg15 : memref<!tpu.dma_semaphore, #tpu.memory_space<semaphore_mem>>) src(%dma_wait3A_356 : memref<6400000xf32, #tpu.memory_space<hbm>>) dst(%dma_wait3A_352 : memref<128xf32, #tpu.memory_space<vmem>>)
    %dma_wait3A_357 = arith.constant 1280 : i32
    %dma_wait3A_358 = tpu.memref_slice %arg13[%dma_wait3A_357] : memref<2048xf32, #tpu.memory_space<vmem>> -> memref<128xf32, #tpu.memory_space<vmem>>
    %dma_wait3A_359 = arith.constant 1280 : i32
    %dma_wait3A_360 = tpu.memref_slice %arg12[%dma_wait3A_359] : memref<2048xi32, #tpu.memory_space<vmem>> -> memref<128xi32, #tpu.memory_space<vmem>>
    %dma_wait3A_361 = arith.constant 0 : i32
    %dma_wait3A_362 = tpu.memref_slice %arg2[%dma_wait3A_361] : memref<6400000xf32, #tpu.memory_space<hbm>> -> memref<6400000xf32, #tpu.memory_space<hbm>>
    tpu.wait_indirect_dma semaphore(%arg15 : memref<!tpu.dma_semaphore, #tpu.memory_space<semaphore_mem>>) src(%dma_wait3A_362 : memref<6400000xf32, #tpu.memory_space<hbm>>) dst(%dma_wait3A_358 : memref<128xf32, #tpu.memory_space<vmem>>)
    %dma_wait3A_363 = arith.constant 1408 : i32
    %dma_wait3A_364 = tpu.memref_slice %arg13[%dma_wait3A_363] : memref<2048xf32, #tpu.memory_space<vmem>> -> memref<128xf32, #tpu.memory_space<vmem>>
    %dma_wait3A_365 = arith.constant 1408 : i32
    %dma_wait3A_366 = tpu.memref_slice %arg12[%dma_wait3A_365] : memref<2048xi32, #tpu.memory_space<vmem>> -> memref<128xi32, #tpu.memory_space<vmem>>
    %dma_wait3A_367 = arith.constant 0 : i32
    %dma_wait3A_368 = tpu.memref_slice %arg2[%dma_wait3A_367] : memref<6400000xf32, #tpu.memory_space<hbm>> -> memref<6400000xf32, #tpu.memory_space<hbm>>
    tpu.wait_indirect_dma semaphore(%arg15 : memref<!tpu.dma_semaphore, #tpu.memory_space<semaphore_mem>>) src(%dma_wait3A_368 : memref<6400000xf32, #tpu.memory_space<hbm>>) dst(%dma_wait3A_364 : memref<128xf32, #tpu.memory_space<vmem>>)
    %dma_wait3A_369 = arith.constant 1536 : i32
    %dma_wait3A_370 = tpu.memref_slice %arg13[%dma_wait3A_369] : memref<2048xf32, #tpu.memory_space<vmem>> -> memref<128xf32, #tpu.memory_space<vmem>>
    %dma_wait3A_371 = arith.constant 1536 : i32
    %dma_wait3A_372 = tpu.memref_slice %arg12[%dma_wait3A_371] : memref<2048xi32, #tpu.memory_space<vmem>> -> memref<128xi32, #tpu.memory_space<vmem>>
    %dma_wait3A_373 = arith.constant 0 : i32
    %dma_wait3A_374 = tpu.memref_slice %arg2[%dma_wait3A_373] : memref<6400000xf32, #tpu.memory_space<hbm>> -> memref<6400000xf32, #tpu.memory_space<hbm>>
    tpu.wait_indirect_dma semaphore(%arg15 : memref<!tpu.dma_semaphore, #tpu.memory_space<semaphore_mem>>) src(%dma_wait3A_374 : memref<6400000xf32, #tpu.memory_space<hbm>>) dst(%dma_wait3A_370 : memref<128xf32, #tpu.memory_space<vmem>>)
    %dma_wait3A_375 = arith.constant 1664 : i32
    %dma_wait3A_376 = tpu.memref_slice %arg13[%dma_wait3A_375] : memref<2048xf32, #tpu.memory_space<vmem>> -> memref<128xf32, #tpu.memory_space<vmem>>
    %dma_wait3A_377 = arith.constant 1664 : i32
    %dma_wait3A_378 = tpu.memref_slice %arg12[%dma_wait3A_377] : memref<2048xi32, #tpu.memory_space<vmem>> -> memref<128xi32, #tpu.memory_space<vmem>>
    %dma_wait3A_379 = arith.constant 0 : i32
    %dma_wait3A_380 = tpu.memref_slice %arg2[%dma_wait3A_379] : memref<6400000xf32, #tpu.memory_space<hbm>> -> memref<6400000xf32, #tpu.memory_space<hbm>>
    tpu.wait_indirect_dma semaphore(%arg15 : memref<!tpu.dma_semaphore, #tpu.memory_space<semaphore_mem>>) src(%dma_wait3A_380 : memref<6400000xf32, #tpu.memory_space<hbm>>) dst(%dma_wait3A_376 : memref<128xf32, #tpu.memory_space<vmem>>)
    %dma_wait3A_381 = arith.constant 1792 : i32
    %dma_wait3A_382 = tpu.memref_slice %arg13[%dma_wait3A_381] : memref<2048xf32, #tpu.memory_space<vmem>> -> memref<128xf32, #tpu.memory_space<vmem>>
    %dma_wait3A_383 = arith.constant 1792 : i32
    %dma_wait3A_384 = tpu.memref_slice %arg12[%dma_wait3A_383] : memref<2048xi32, #tpu.memory_space<vmem>> -> memref<128xi32, #tpu.memory_space<vmem>>
    %dma_wait3A_385 = arith.constant 0 : i32
    %dma_wait3A_386 = tpu.memref_slice %arg2[%dma_wait3A_385] : memref<6400000xf32, #tpu.memory_space<hbm>> -> memref<6400000xf32, #tpu.memory_space<hbm>>
    tpu.wait_indirect_dma semaphore(%arg15 : memref<!tpu.dma_semaphore, #tpu.memory_space<semaphore_mem>>) src(%dma_wait3A_386 : memref<6400000xf32, #tpu.memory_space<hbm>>) dst(%dma_wait3A_382 : memref<128xf32, #tpu.memory_space<vmem>>)
    %dma_wait3A_387 = arith.constant 1920 : i32
    %dma_wait3A_388 = tpu.memref_slice %arg13[%dma_wait3A_387] : memref<2048xf32, #tpu.memory_space<vmem>> -> memref<128xf32, #tpu.memory_space<vmem>>
    %dma_wait3A_389 = arith.constant 1920 : i32
    %dma_wait3A_390 = tpu.memref_slice %arg12[%dma_wait3A_389] : memref<2048xi32, #tpu.memory_space<vmem>> -> memref<128xi32, #tpu.memory_space<vmem>>
    %dma_wait3A_391 = arith.constant 0 : i32
    %dma_wait3A_392 = tpu.memref_slice %arg2[%dma_wait3A_391] : memref<6400000xf32, #tpu.memory_space<hbm>> -> memref<6400000xf32, #tpu.memory_space<hbm>>
    tpu.wait_indirect_dma semaphore(%arg15 : memref<!tpu.dma_semaphore, #tpu.memory_space<semaphore_mem>>) src(%dma_wait3A_392 : memref<6400000xf32, #tpu.memory_space<hbm>>) dst(%dma_wait3A_388 : memref<128xf32, #tpu.memory_space<vmem>>)
    %mul3A_393 = arith.constant 16 : i32
    %mul3A_394 = arith.muli %mul3A_2, %mul3A_393 : i32
    %run_scoped3A_395 = arith.constant 1 : i32
    "tpu.region"() ({
      %run_scoped3A_1192 = tpu.sem_alloc : memref<!tpu.dma_semaphore, #tpu.memory_space<semaphore_mem>>
      %dma_start3A_1193 = tpu.memref_slice %arg8[%run_scoped3A_395, %mul3A_394] : memref<4x65536xf32, #tpu.memory_space<hbm>> -> memref<1x2048xf32, #tpu.memory_space<hbm>>
      %dma_start3A_1194 = tpu.memref_squeeze %dma_start3A_1193 : memref<1x2048xf32, #tpu.memory_space<hbm>> -> memref<2048xf32, #tpu.memory_space<hbm>>
      %dma_start3A_1195 = tpu.memref_slice %arg8[%run_scoped3A_395, %mul3A_394] : memref<4x65536xf32, #tpu.memory_space<hbm>> -> memref<1x2048xf32, #tpu.memory_space<hbm>>
      %dma_start3A_1196 = tpu.memref_squeeze %dma_start3A_1195 : memref<1x2048xf32, #tpu.memory_space<hbm>> -> memref<2048xf32, #tpu.memory_space<hbm>>
      tpu.enqueue_dma source(%arg13 : memref<2048xf32, #tpu.memory_space<vmem>>) target(%dma_start3A_1196 : memref<2048xf32, #tpu.memory_space<hbm>>) target_semaphore(%run_scoped3A_1192 : memref<!tpu.dma_semaphore, #tpu.memory_space<semaphore_mem>>)
      %dma_wait3A_1197 = tpu.memref_slice %arg8[%run_scoped3A_395, %mul3A_394] : memref<4x65536xf32, #tpu.memory_space<hbm>> -> memref<1x2048xf32, #tpu.memory_space<hbm>>
      %dma_wait3A_1198 = tpu.memref_squeeze %dma_wait3A_1197 : memref<1x2048xf32, #tpu.memory_space<hbm>> -> memref<2048xf32, #tpu.memory_space<hbm>>
      %dma_wait3A_1199 = tpu.memref_slice %arg8[%run_scoped3A_395, %mul3A_394] : memref<4x65536xf32, #tpu.memory_space<hbm>> -> memref<1x2048xf32, #tpu.memory_space<hbm>>
      %dma_wait3A_1200 = tpu.memref_squeeze %dma_wait3A_1199 : memref<1x2048xf32, #tpu.memory_space<hbm>> -> memref<2048xf32, #tpu.memory_space<hbm>>
      tpu.wait_dma2 semaphore(%run_scoped3A_1192 : memref<!tpu.dma_semaphore, #tpu.memory_space<semaphore_mem>>) src(%arg13 : memref<2048xf32, #tpu.memory_space<vmem>>) dst(%dma_wait3A_1200 : memref<2048xf32, #tpu.memory_space<hbm>>)
      tpu.yield
    }) : () -> ()
    %mul3A_396 = arith.constant 16 : i32
    %mul3A_397 = arith.muli %mul3A_2, %mul3A_396 : i32
    %run_scoped3A_398 = arith.constant 2 : i32
    "tpu.region"() ({
      %run_scoped3A_1192 = tpu.sem_alloc : memref<!tpu.dma_semaphore, #tpu.memory_space<semaphore_mem>>
      %dma_start3A_1193 = tpu.memref_slice %arg5[%run_scoped3A_398, %mul3A_397] : memref<4x65536xi32, #tpu.memory_space<hbm>> -> memref<1x2048xi32, #tpu.memory_space<hbm>>
      %dma_start3A_1194 = tpu.memref_squeeze %dma_start3A_1193 : memref<1x2048xi32, #tpu.memory_space<hbm>> -> memref<2048xi32, #tpu.memory_space<hbm>>
      %dma_start3A_1195 = tpu.memref_slice %arg5[%run_scoped3A_398, %mul3A_397] : memref<4x65536xi32, #tpu.memory_space<hbm>> -> memref<1x2048xi32, #tpu.memory_space<hbm>>
      %dma_start3A_1196 = tpu.memref_squeeze %dma_start3A_1195 : memref<1x2048xi32, #tpu.memory_space<hbm>> -> memref<2048xi32, #tpu.memory_space<hbm>>
      tpu.enqueue_dma source(%dma_start3A_1196 : memref<2048xi32, #tpu.memory_space<hbm>>) target(%arg12 : memref<2048xi32, #tpu.memory_space<vmem>>) target_semaphore(%run_scoped3A_1192 : memref<!tpu.dma_semaphore, #tpu.memory_space<semaphore_mem>>)
      %dma_wait3A_1197 = tpu.memref_slice %arg5[%run_scoped3A_398, %mul3A_397] : memref<4x65536xi32, #tpu.memory_space<hbm>> -> memref<1x2048xi32, #tpu.memory_space<hbm>>
      %dma_wait3A_1198 = tpu.memref_squeeze %dma_wait3A_1197 : memref<1x2048xi32, #tpu.memory_space<hbm>> -> memref<2048xi32, #tpu.memory_space<hbm>>
      %dma_wait3A_1199 = tpu.memref_slice %arg5[%run_scoped3A_398, %mul3A_397] : memref<4x65536xi32, #tpu.memory_space<hbm>> -> memref<1x2048xi32, #tpu.memory_space<hbm>>
      %dma_wait3A_1200 = tpu.memref_squeeze %dma_wait3A_1199 : memref<1x2048xi32, #tpu.memory_space<hbm>> -> memref<2048xi32, #tpu.memory_space<hbm>>
      tpu.wait_dma2 semaphore(%run_scoped3A_1192 : memref<!tpu.dma_semaphore, #tpu.memory_space<semaphore_mem>>) src(%dma_wait3A_1200 : memref<2048xi32, #tpu.memory_space<hbm>>) dst(%arg12 : memref<2048xi32, #tpu.memory_space<vmem>>)
      tpu.yield
    }) : () -> ()
    %dma_start3A_399 = arith.constant 0 : i32
    %dma_start3A_400 = tpu.memref_slice %arg13[%dma_start3A_399] : memref<2048xf32, #tpu.memory_space<vmem>> -> memref<128xf32, #tpu.memory_space<vmem>>
    %dma_start3A_401 = arith.constant 0 : i32
    %dma_start3A_402 = tpu.memref_slice %arg12[%dma_start3A_401] : memref<2048xi32, #tpu.memory_space<vmem>> -> memref<128xi32, #tpu.memory_space<vmem>>
    %dma_start3A_403 = arith.constant 0 : i32
    %dma_start3A_404 = tpu.memref_slice %arg2[%dma_start3A_403] : memref<6400000xf32, #tpu.memory_space<hbm>> -> memref<6400000xf32, #tpu.memory_space<hbm>>
    tpu.enqueue_indirect_dma source(%dma_start3A_404 : memref<6400000xf32, #tpu.memory_space<hbm>>) target(%dma_start3A_400 : memref<128xf32, #tpu.memory_space<vmem>>) offsets(%dma_start3A_402 : memref<128xi32, #tpu.memory_space<vmem>>) semaphore(%arg15 : memref<!tpu.dma_semaphore, #tpu.memory_space<semaphore_mem>>)
    %dma_start3A_405 = arith.constant 128 : i32
    %dma_start3A_406 = tpu.memref_slice %arg13[%dma_start3A_405] : memref<2048xf32, #tpu.memory_space<vmem>> -> memref<128xf32, #tpu.memory_space<vmem>>
    %dma_start3A_407 = arith.constant 128 : i32
    %dma_start3A_408 = tpu.memref_slice %arg12[%dma_start3A_407] : memref<2048xi32, #tpu.memory_space<vmem>> -> memref<128xi32, #tpu.memory_space<vmem>>
    %dma_start3A_409 = arith.constant 0 : i32
    %dma_start3A_410 = tpu.memref_slice %arg2[%dma_start3A_409] : memref<6400000xf32, #tpu.memory_space<hbm>> -> memref<6400000xf32, #tpu.memory_space<hbm>>
    tpu.enqueue_indirect_dma source(%dma_start3A_410 : memref<6400000xf32, #tpu.memory_space<hbm>>) target(%dma_start3A_406 : memref<128xf32, #tpu.memory_space<vmem>>) offsets(%dma_start3A_408 : memref<128xi32, #tpu.memory_space<vmem>>) semaphore(%arg15 : memref<!tpu.dma_semaphore, #tpu.memory_space<semaphore_mem>>)
    %dma_start3A_411 = arith.constant 256 : i32
    %dma_start3A_412 = tpu.memref_slice %arg13[%dma_start3A_411] : memref<2048xf32, #tpu.memory_space<vmem>> -> memref<128xf32, #tpu.memory_space<vmem>>
    %dma_start3A_413 = arith.constant 256 : i32
    %dma_start3A_414 = tpu.memref_slice %arg12[%dma_start3A_413] : memref<2048xi32, #tpu.memory_space<vmem>> -> memref<128xi32, #tpu.memory_space<vmem>>
    %dma_start3A_415 = arith.constant 0 : i32
    %dma_start3A_416 = tpu.memref_slice %arg2[%dma_start3A_415] : memref<6400000xf32, #tpu.memory_space<hbm>> -> memref<6400000xf32, #tpu.memory_space<hbm>>
    tpu.enqueue_indirect_dma source(%dma_start3A_416 : memref<6400000xf32, #tpu.memory_space<hbm>>) target(%dma_start3A_412 : memref<128xf32, #tpu.memory_space<vmem>>) offsets(%dma_start3A_414 : memref<128xi32, #tpu.memory_space<vmem>>) semaphore(%arg15 : memref<!tpu.dma_semaphore, #tpu.memory_space<semaphore_mem>>)
    %dma_start3A_417 = arith.constant 384 : i32
    %dma_start3A_418 = tpu.memref_slice %arg13[%dma_start3A_417] : memref<2048xf32, #tpu.memory_space<vmem>> -> memref<128xf32, #tpu.memory_space<vmem>>
    %dma_start3A_419 = arith.constant 384 : i32
    %dma_start3A_420 = tpu.memref_slice %arg12[%dma_start3A_419] : memref<2048xi32, #tpu.memory_space<vmem>> -> memref<128xi32, #tpu.memory_space<vmem>>
    %dma_start3A_421 = arith.constant 0 : i32
    %dma_start3A_422 = tpu.memref_slice %arg2[%dma_start3A_421] : memref<6400000xf32, #tpu.memory_space<hbm>> -> memref<6400000xf32, #tpu.memory_space<hbm>>
    tpu.enqueue_indirect_dma source(%dma_start3A_422 : memref<6400000xf32, #tpu.memory_space<hbm>>) target(%dma_start3A_418 : memref<128xf32, #tpu.memory_space<vmem>>) offsets(%dma_start3A_420 : memref<128xi32, #tpu.memory_space<vmem>>) semaphore(%arg15 : memref<!tpu.dma_semaphore, #tpu.memory_space<semaphore_mem>>)
    %dma_start3A_423 = arith.constant 512 : i32
    %dma_start3A_424 = tpu.memref_slice %arg13[%dma_start3A_423] : memref<2048xf32, #tpu.memory_space<vmem>> -> memref<128xf32, #tpu.memory_space<vmem>>
    %dma_start3A_425 = arith.constant 512 : i32
    %dma_start3A_426 = tpu.memref_slice %arg12[%dma_start3A_425] : memref<2048xi32, #tpu.memory_space<vmem>> -> memref<128xi32, #tpu.memory_space<vmem>>
    %dma_start3A_427 = arith.constant 0 : i32
    %dma_start3A_428 = tpu.memref_slice %arg2[%dma_start3A_427] : memref<6400000xf32, #tpu.memory_space<hbm>> -> memref<6400000xf32, #tpu.memory_space<hbm>>
    tpu.enqueue_indirect_dma source(%dma_start3A_428 : memref<6400000xf32, #tpu.memory_space<hbm>>) target(%dma_start3A_424 : memref<128xf32, #tpu.memory_space<vmem>>) offsets(%dma_start3A_426 : memref<128xi32, #tpu.memory_space<vmem>>) semaphore(%arg15 : memref<!tpu.dma_semaphore, #tpu.memory_space<semaphore_mem>>)
    %dma_start3A_429 = arith.constant 640 : i32
    %dma_start3A_430 = tpu.memref_slice %arg13[%dma_start3A_429] : memref<2048xf32, #tpu.memory_space<vmem>> -> memref<128xf32, #tpu.memory_space<vmem>>
    %dma_start3A_431 = arith.constant 640 : i32
    %dma_start3A_432 = tpu.memref_slice %arg12[%dma_start3A_431] : memref<2048xi32, #tpu.memory_space<vmem>> -> memref<128xi32, #tpu.memory_space<vmem>>
    %dma_start3A_433 = arith.constant 0 : i32
    %dma_start3A_434 = tpu.memref_slice %arg2[%dma_start3A_433] : memref<6400000xf32, #tpu.memory_space<hbm>> -> memref<6400000xf32, #tpu.memory_space<hbm>>
    tpu.enqueue_indirect_dma source(%dma_start3A_434 : memref<6400000xf32, #tpu.memory_space<hbm>>) target(%dma_start3A_430 : memref<128xf32, #tpu.memory_space<vmem>>) offsets(%dma_start3A_432 : memref<128xi32, #tpu.memory_space<vmem>>) semaphore(%arg15 : memref<!tpu.dma_semaphore, #tpu.memory_space<semaphore_mem>>)
    %dma_start3A_435 = arith.constant 768 : i32
    %dma_start3A_436 = tpu.memref_slice %arg13[%dma_start3A_435] : memref<2048xf32, #tpu.memory_space<vmem>> -> memref<128xf32, #tpu.memory_space<vmem>>
    %dma_start3A_437 = arith.constant 768 : i32
    %dma_start3A_438 = tpu.memref_slice %arg12[%dma_start3A_437] : memref<2048xi32, #tpu.memory_space<vmem>> -> memref<128xi32, #tpu.memory_space<vmem>>
    %dma_start3A_439 = arith.constant 0 : i32
    %dma_start3A_440 = tpu.memref_slice %arg2[%dma_start3A_439] : memref<6400000xf32, #tpu.memory_space<hbm>> -> memref<6400000xf32, #tpu.memory_space<hbm>>
    tpu.enqueue_indirect_dma source(%dma_start3A_440 : memref<6400000xf32, #tpu.memory_space<hbm>>) target(%dma_start3A_436 : memref<128xf32, #tpu.memory_space<vmem>>) offsets(%dma_start3A_438 : memref<128xi32, #tpu.memory_space<vmem>>) semaphore(%arg15 : memref<!tpu.dma_semaphore, #tpu.memory_space<semaphore_mem>>)
    %dma_start3A_441 = arith.constant 896 : i32
    %dma_start3A_442 = tpu.memref_slice %arg13[%dma_start3A_441] : memref<2048xf32, #tpu.memory_space<vmem>> -> memref<128xf32, #tpu.memory_space<vmem>>
    %dma_start3A_443 = arith.constant 896 : i32
    %dma_start3A_444 = tpu.memref_slice %arg12[%dma_start3A_443] : memref<2048xi32, #tpu.memory_space<vmem>> -> memref<128xi32, #tpu.memory_space<vmem>>
    %dma_start3A_445 = arith.constant 0 : i32
    %dma_start3A_446 = tpu.memref_slice %arg2[%dma_start3A_445] : memref<6400000xf32, #tpu.memory_space<hbm>> -> memref<6400000xf32, #tpu.memory_space<hbm>>
    tpu.enqueue_indirect_dma source(%dma_start3A_446 : memref<6400000xf32, #tpu.memory_space<hbm>>) target(%dma_start3A_442 : memref<128xf32, #tpu.memory_space<vmem>>) offsets(%dma_start3A_444 : memref<128xi32, #tpu.memory_space<vmem>>) semaphore(%arg15 : memref<!tpu.dma_semaphore, #tpu.memory_space<semaphore_mem>>)
    %dma_start3A_447 = arith.constant 1024 : i32
    %dma_start3A_448 = tpu.memref_slice %arg13[%dma_start3A_447] : memref<2048xf32, #tpu.memory_space<vmem>> -> memref<128xf32, #tpu.memory_space<vmem>>
    %dma_start3A_449 = arith.constant 1024 : i32
    %dma_start3A_450 = tpu.memref_slice %arg12[%dma_start3A_449] : memref<2048xi32, #tpu.memory_space<vmem>> -> memref<128xi32, #tpu.memory_space<vmem>>
    %dma_start3A_451 = arith.constant 0 : i32
    %dma_start3A_452 = tpu.memref_slice %arg2[%dma_start3A_451] : memref<6400000xf32, #tpu.memory_space<hbm>> -> memref<6400000xf32, #tpu.memory_space<hbm>>
    tpu.enqueue_indirect_dma source(%dma_start3A_452 : memref<6400000xf32, #tpu.memory_space<hbm>>) target(%dma_start3A_448 : memref<128xf32, #tpu.memory_space<vmem>>) offsets(%dma_start3A_450 : memref<128xi32, #tpu.memory_space<vmem>>) semaphore(%arg15 : memref<!tpu.dma_semaphore, #tpu.memory_space<semaphore_mem>>)
    %dma_start3A_453 = arith.constant 1152 : i32
    %dma_start3A_454 = tpu.memref_slice %arg13[%dma_start3A_453] : memref<2048xf32, #tpu.memory_space<vmem>> -> memref<128xf32, #tpu.memory_space<vmem>>
    %dma_start3A_455 = arith.constant 1152 : i32
    %dma_start3A_456 = tpu.memref_slice %arg12[%dma_start3A_455] : memref<2048xi32, #tpu.memory_space<vmem>> -> memref<128xi32, #tpu.memory_space<vmem>>
    %dma_start3A_457 = arith.constant 0 : i32
    %dma_start3A_458 = tpu.memref_slice %arg2[%dma_start3A_457] : memref<6400000xf32, #tpu.memory_space<hbm>> -> memref<6400000xf32, #tpu.memory_space<hbm>>
    tpu.enqueue_indirect_dma source(%dma_start3A_458 : memref<6400000xf32, #tpu.memory_space<hbm>>) target(%dma_start3A_454 : memref<128xf32, #tpu.memory_space<vmem>>) offsets(%dma_start3A_456 : memref<128xi32, #tpu.memory_space<vmem>>) semaphore(%arg15 : memref<!tpu.dma_semaphore, #tpu.memory_space<semaphore_mem>>)
    %dma_start3A_459 = arith.constant 1280 : i32
    %dma_start3A_460 = tpu.memref_slice %arg13[%dma_start3A_459] : memref<2048xf32, #tpu.memory_space<vmem>> -> memref<128xf32, #tpu.memory_space<vmem>>
    %dma_start3A_461 = arith.constant 1280 : i32
    %dma_start3A_462 = tpu.memref_slice %arg12[%dma_start3A_461] : memref<2048xi32, #tpu.memory_space<vmem>> -> memref<128xi32, #tpu.memory_space<vmem>>
    %dma_start3A_463 = arith.constant 0 : i32
    %dma_start3A_464 = tpu.memref_slice %arg2[%dma_start3A_463] : memref<6400000xf32, #tpu.memory_space<hbm>> -> memref<6400000xf32, #tpu.memory_space<hbm>>
    tpu.enqueue_indirect_dma source(%dma_start3A_464 : memref<6400000xf32, #tpu.memory_space<hbm>>) target(%dma_start3A_460 : memref<128xf32, #tpu.memory_space<vmem>>) offsets(%dma_start3A_462 : memref<128xi32, #tpu.memory_space<vmem>>) semaphore(%arg15 : memref<!tpu.dma_semaphore, #tpu.memory_space<semaphore_mem>>)
    %dma_start3A_465 = arith.constant 1408 : i32
    %dma_start3A_466 = tpu.memref_slice %arg13[%dma_start3A_465] : memref<2048xf32, #tpu.memory_space<vmem>> -> memref<128xf32, #tpu.memory_space<vmem>>
    %dma_start3A_467 = arith.constant 1408 : i32
    %dma_start3A_468 = tpu.memref_slice %arg12[%dma_start3A_467] : memref<2048xi32, #tpu.memory_space<vmem>> -> memref<128xi32, #tpu.memory_space<vmem>>
    %dma_start3A_469 = arith.constant 0 : i32
    %dma_start3A_470 = tpu.memref_slice %arg2[%dma_start3A_469] : memref<6400000xf32, #tpu.memory_space<hbm>> -> memref<6400000xf32, #tpu.memory_space<hbm>>
    tpu.enqueue_indirect_dma source(%dma_start3A_470 : memref<6400000xf32, #tpu.memory_space<hbm>>) target(%dma_start3A_466 : memref<128xf32, #tpu.memory_space<vmem>>) offsets(%dma_start3A_468 : memref<128xi32, #tpu.memory_space<vmem>>) semaphore(%arg15 : memref<!tpu.dma_semaphore, #tpu.memory_space<semaphore_mem>>)
    %dma_start3A_471 = arith.constant 1536 : i32
    %dma_start3A_472 = tpu.memref_slice %arg13[%dma_start3A_471] : memref<2048xf32, #tpu.memory_space<vmem>> -> memref<128xf32, #tpu.memory_space<vmem>>
    %dma_start3A_473 = arith.constant 1536 : i32
    %dma_start3A_474 = tpu.memref_slice %arg12[%dma_start3A_473] : memref<2048xi32, #tpu.memory_space<vmem>> -> memref<128xi32, #tpu.memory_space<vmem>>
    %dma_start3A_475 = arith.constant 0 : i32
    %dma_start3A_476 = tpu.memref_slice %arg2[%dma_start3A_475] : memref<6400000xf32, #tpu.memory_space<hbm>> -> memref<6400000xf32, #tpu.memory_space<hbm>>
    tpu.enqueue_indirect_dma source(%dma_start3A_476 : memref<6400000xf32, #tpu.memory_space<hbm>>) target(%dma_start3A_472 : memref<128xf32, #tpu.memory_space<vmem>>) offsets(%dma_start3A_474 : memref<128xi32, #tpu.memory_space<vmem>>) semaphore(%arg15 : memref<!tpu.dma_semaphore, #tpu.memory_space<semaphore_mem>>)
    %dma_start3A_477 = arith.constant 1664 : i32
    %dma_start3A_478 = tpu.memref_slice %arg13[%dma_start3A_477] : memref<2048xf32, #tpu.memory_space<vmem>> -> memref<128xf32, #tpu.memory_space<vmem>>
    %dma_start3A_479 = arith.constant 1664 : i32
    %dma_start3A_480 = tpu.memref_slice %arg12[%dma_start3A_479] : memref<2048xi32, #tpu.memory_space<vmem>> -> memref<128xi32, #tpu.memory_space<vmem>>
    %dma_start3A_481 = arith.constant 0 : i32
    %dma_start3A_482 = tpu.memref_slice %arg2[%dma_start3A_481] : memref<6400000xf32, #tpu.memory_space<hbm>> -> memref<6400000xf32, #tpu.memory_space<hbm>>
    tpu.enqueue_indirect_dma source(%dma_start3A_482 : memref<6400000xf32, #tpu.memory_space<hbm>>) target(%dma_start3A_478 : memref<128xf32, #tpu.memory_space<vmem>>) offsets(%dma_start3A_480 : memref<128xi32, #tpu.memory_space<vmem>>) semaphore(%arg15 : memref<!tpu.dma_semaphore, #tpu.memory_space<semaphore_mem>>)
    %dma_start3A_483 = arith.constant 1792 : i32
    %dma_start3A_484 = tpu.memref_slice %arg13[%dma_start3A_483] : memref<2048xf32, #tpu.memory_space<vmem>> -> memref<128xf32, #tpu.memory_space<vmem>>
    %dma_start3A_485 = arith.constant 1792 : i32
    %dma_start3A_486 = tpu.memref_slice %arg12[%dma_start3A_485] : memref<2048xi32, #tpu.memory_space<vmem>> -> memref<128xi32, #tpu.memory_space<vmem>>
    %dma_start3A_487 = arith.constant 0 : i32
    %dma_start3A_488 = tpu.memref_slice %arg2[%dma_start3A_487] : memref<6400000xf32, #tpu.memory_space<hbm>> -> memref<6400000xf32, #tpu.memory_space<hbm>>
    tpu.enqueue_indirect_dma source(%dma_start3A_488 : memref<6400000xf32, #tpu.memory_space<hbm>>) target(%dma_start3A_484 : memref<128xf32, #tpu.memory_space<vmem>>) offsets(%dma_start3A_486 : memref<128xi32, #tpu.memory_space<vmem>>) semaphore(%arg15 : memref<!tpu.dma_semaphore, #tpu.memory_space<semaphore_mem>>)
    %dma_start3A_489 = arith.constant 1920 : i32
    %dma_start3A_490 = tpu.memref_slice %arg13[%dma_start3A_489] : memref<2048xf32, #tpu.memory_space<vmem>> -> memref<128xf32, #tpu.memory_space<vmem>>
    %dma_start3A_491 = arith.constant 1920 : i32
    %dma_start3A_492 = tpu.memref_slice %arg12[%dma_start3A_491] : memref<2048xi32, #tpu.memory_space<vmem>> -> memref<128xi32, #tpu.memory_space<vmem>>
    %dma_start3A_493 = arith.constant 0 : i32
    %dma_start3A_494 = tpu.memref_slice %arg2[%dma_start3A_493] : memref<6400000xf32, #tpu.memory_space<hbm>> -> memref<6400000xf32, #tpu.memory_space<hbm>>
    tpu.enqueue_indirect_dma source(%dma_start3A_494 : memref<6400000xf32, #tpu.memory_space<hbm>>) target(%dma_start3A_490 : memref<128xf32, #tpu.memory_space<vmem>>) offsets(%dma_start3A_492 : memref<128xi32, #tpu.memory_space<vmem>>) semaphore(%arg15 : memref<!tpu.dma_semaphore, #tpu.memory_space<semaphore_mem>>)
    %dma_wait3A_495 = arith.constant 0 : i32
    %dma_wait3A_496 = tpu.memref_slice %arg13[%dma_wait3A_495] : memref<2048xf32, #tpu.memory_space<vmem>> -> memref<128xf32, #tpu.memory_space<vmem>>
    %dma_wait3A_497 = arith.constant 0 : i32
    %dma_wait3A_498 = tpu.memref_slice %arg12[%dma_wait3A_497] : memref<2048xi32, #tpu.memory_space<vmem>> -> memref<128xi32, #tpu.memory_space<vmem>>
    %dma_wait3A_499 = arith.constant 0 : i32
    %dma_wait3A_500 = tpu.memref_slice %arg2[%dma_wait3A_499] : memref<6400000xf32, #tpu.memory_space<hbm>> -> memref<6400000xf32, #tpu.memory_space<hbm>>
    tpu.wait_indirect_dma semaphore(%arg15 : memref<!tpu.dma_semaphore, #tpu.memory_space<semaphore_mem>>) src(%dma_wait3A_500 : memref<6400000xf32, #tpu.memory_space<hbm>>) dst(%dma_wait3A_496 : memref<128xf32, #tpu.memory_space<vmem>>)
    %dma_wait3A_501 = arith.constant 128 : i32
    %dma_wait3A_502 = tpu.memref_slice %arg13[%dma_wait3A_501] : memref<2048xf32, #tpu.memory_space<vmem>> -> memref<128xf32, #tpu.memory_space<vmem>>
    %dma_wait3A_503 = arith.constant 128 : i32
    %dma_wait3A_504 = tpu.memref_slice %arg12[%dma_wait3A_503] : memref<2048xi32, #tpu.memory_space<vmem>> -> memref<128xi32, #tpu.memory_space<vmem>>
    %dma_wait3A_505 = arith.constant 0 : i32
    %dma_wait3A_506 = tpu.memref_slice %arg2[%dma_wait3A_505] : memref<6400000xf32, #tpu.memory_space<hbm>> -> memref<6400000xf32, #tpu.memory_space<hbm>>
    tpu.wait_indirect_dma semaphore(%arg15 : memref<!tpu.dma_semaphore, #tpu.memory_space<semaphore_mem>>) src(%dma_wait3A_506 : memref<6400000xf32, #tpu.memory_space<hbm>>) dst(%dma_wait3A_502 : memref<128xf32, #tpu.memory_space<vmem>>)
    %dma_wait3A_507 = arith.constant 256 : i32
    %dma_wait3A_508 = tpu.memref_slice %arg13[%dma_wait3A_507] : memref<2048xf32, #tpu.memory_space<vmem>> -> memref<128xf32, #tpu.memory_space<vmem>>
    %dma_wait3A_509 = arith.constant 256 : i32
    %dma_wait3A_510 = tpu.memref_slice %arg12[%dma_wait3A_509] : memref<2048xi32, #tpu.memory_space<vmem>> -> memref<128xi32, #tpu.memory_space<vmem>>
    %dma_wait3A_511 = arith.constant 0 : i32
    %dma_wait3A_512 = tpu.memref_slice %arg2[%dma_wait3A_511] : memref<6400000xf32, #tpu.memory_space<hbm>> -> memref<6400000xf32, #tpu.memory_space<hbm>>
    tpu.wait_indirect_dma semaphore(%arg15 : memref<!tpu.dma_semaphore, #tpu.memory_space<semaphore_mem>>) src(%dma_wait3A_512 : memref<6400000xf32, #tpu.memory_space<hbm>>) dst(%dma_wait3A_508 : memref<128xf32, #tpu.memory_space<vmem>>)
    %dma_wait3A_513 = arith.constant 384 : i32
    %dma_wait3A_514 = tpu.memref_slice %arg13[%dma_wait3A_513] : memref<2048xf32, #tpu.memory_space<vmem>> -> memref<128xf32, #tpu.memory_space<vmem>>
    %dma_wait3A_515 = arith.constant 384 : i32
    %dma_wait3A_516 = tpu.memref_slice %arg12[%dma_wait3A_515] : memref<2048xi32, #tpu.memory_space<vmem>> -> memref<128xi32, #tpu.memory_space<vmem>>
    %dma_wait3A_517 = arith.constant 0 : i32
    %dma_wait3A_518 = tpu.memref_slice %arg2[%dma_wait3A_517] : memref<6400000xf32, #tpu.memory_space<hbm>> -> memref<6400000xf32, #tpu.memory_space<hbm>>
    tpu.wait_indirect_dma semaphore(%arg15 : memref<!tpu.dma_semaphore, #tpu.memory_space<semaphore_mem>>) src(%dma_wait3A_518 : memref<6400000xf32, #tpu.memory_space<hbm>>) dst(%dma_wait3A_514 : memref<128xf32, #tpu.memory_space<vmem>>)
    %dma_wait3A_519 = arith.constant 512 : i32
    %dma_wait3A_520 = tpu.memref_slice %arg13[%dma_wait3A_519] : memref<2048xf32, #tpu.memory_space<vmem>> -> memref<128xf32, #tpu.memory_space<vmem>>
    %dma_wait3A_521 = arith.constant 512 : i32
    %dma_wait3A_522 = tpu.memref_slice %arg12[%dma_wait3A_521] : memref<2048xi32, #tpu.memory_space<vmem>> -> memref<128xi32, #tpu.memory_space<vmem>>
    %dma_wait3A_523 = arith.constant 0 : i32
    %dma_wait3A_524 = tpu.memref_slice %arg2[%dma_wait3A_523] : memref<6400000xf32, #tpu.memory_space<hbm>> -> memref<6400000xf32, #tpu.memory_space<hbm>>
    tpu.wait_indirect_dma semaphore(%arg15 : memref<!tpu.dma_semaphore, #tpu.memory_space<semaphore_mem>>) src(%dma_wait3A_524 : memref<6400000xf32, #tpu.memory_space<hbm>>) dst(%dma_wait3A_520 : memref<128xf32, #tpu.memory_space<vmem>>)
    %dma_wait3A_525 = arith.constant 640 : i32
    %dma_wait3A_526 = tpu.memref_slice %arg13[%dma_wait3A_525] : memref<2048xf32, #tpu.memory_space<vmem>> -> memref<128xf32, #tpu.memory_space<vmem>>
    %dma_wait3A_527 = arith.constant 640 : i32
    %dma_wait3A_528 = tpu.memref_slice %arg12[%dma_wait3A_527] : memref<2048xi32, #tpu.memory_space<vmem>> -> memref<128xi32, #tpu.memory_space<vmem>>
    %dma_wait3A_529 = arith.constant 0 : i32
    %dma_wait3A_530 = tpu.memref_slice %arg2[%dma_wait3A_529] : memref<6400000xf32, #tpu.memory_space<hbm>> -> memref<6400000xf32, #tpu.memory_space<hbm>>
    tpu.wait_indirect_dma semaphore(%arg15 : memref<!tpu.dma_semaphore, #tpu.memory_space<semaphore_mem>>) src(%dma_wait3A_530 : memref<6400000xf32, #tpu.memory_space<hbm>>) dst(%dma_wait3A_526 : memref<128xf32, #tpu.memory_space<vmem>>)
    %dma_wait3A_531 = arith.constant 768 : i32
    %dma_wait3A_532 = tpu.memref_slice %arg13[%dma_wait3A_531] : memref<2048xf32, #tpu.memory_space<vmem>> -> memref<128xf32, #tpu.memory_space<vmem>>
    %dma_wait3A_533 = arith.constant 768 : i32
    %dma_wait3A_534 = tpu.memref_slice %arg12[%dma_wait3A_533] : memref<2048xi32, #tpu.memory_space<vmem>> -> memref<128xi32, #tpu.memory_space<vmem>>
    %dma_wait3A_535 = arith.constant 0 : i32
    %dma_wait3A_536 = tpu.memref_slice %arg2[%dma_wait3A_535] : memref<6400000xf32, #tpu.memory_space<hbm>> -> memref<6400000xf32, #tpu.memory_space<hbm>>
    tpu.wait_indirect_dma semaphore(%arg15 : memref<!tpu.dma_semaphore, #tpu.memory_space<semaphore_mem>>) src(%dma_wait3A_536 : memref<6400000xf32, #tpu.memory_space<hbm>>) dst(%dma_wait3A_532 : memref<128xf32, #tpu.memory_space<vmem>>)
    %dma_wait3A_537 = arith.constant 896 : i32
    %dma_wait3A_538 = tpu.memref_slice %arg13[%dma_wait3A_537] : memref<2048xf32, #tpu.memory_space<vmem>> -> memref<128xf32, #tpu.memory_space<vmem>>
    %dma_wait3A_539 = arith.constant 896 : i32
    %dma_wait3A_540 = tpu.memref_slice %arg12[%dma_wait3A_539] : memref<2048xi32, #tpu.memory_space<vmem>> -> memref<128xi32, #tpu.memory_space<vmem>>
    %dma_wait3A_541 = arith.constant 0 : i32
    %dma_wait3A_542 = tpu.memref_slice %arg2[%dma_wait3A_541] : memref<6400000xf32, #tpu.memory_space<hbm>> -> memref<6400000xf32, #tpu.memory_space<hbm>>
    tpu.wait_indirect_dma semaphore(%arg15 : memref<!tpu.dma_semaphore, #tpu.memory_space<semaphore_mem>>) src(%dma_wait3A_542 : memref<6400000xf32, #tpu.memory_space<hbm>>) dst(%dma_wait3A_538 : memref<128xf32, #tpu.memory_space<vmem>>)
    %dma_wait3A_543 = arith.constant 1024 : i32
    %dma_wait3A_544 = tpu.memref_slice %arg13[%dma_wait3A_543] : memref<2048xf32, #tpu.memory_space<vmem>> -> memref<128xf32, #tpu.memory_space<vmem>>
    %dma_wait3A_545 = arith.constant 1024 : i32
    %dma_wait3A_546 = tpu.memref_slice %arg12[%dma_wait3A_545] : memref<2048xi32, #tpu.memory_space<vmem>> -> memref<128xi32, #tpu.memory_space<vmem>>
    %dma_wait3A_547 = arith.constant 0 : i32
    %dma_wait3A_548 = tpu.memref_slice %arg2[%dma_wait3A_547] : memref<6400000xf32, #tpu.memory_space<hbm>> -> memref<6400000xf32, #tpu.memory_space<hbm>>
    tpu.wait_indirect_dma semaphore(%arg15 : memref<!tpu.dma_semaphore, #tpu.memory_space<semaphore_mem>>) src(%dma_wait3A_548 : memref<6400000xf32, #tpu.memory_space<hbm>>) dst(%dma_wait3A_544 : memref<128xf32, #tpu.memory_space<vmem>>)
    %dma_wait3A_549 = arith.constant 1152 : i32
    %dma_wait3A_550 = tpu.memref_slice %arg13[%dma_wait3A_549] : memref<2048xf32, #tpu.memory_space<vmem>> -> memref<128xf32, #tpu.memory_space<vmem>>
    %dma_wait3A_551 = arith.constant 1152 : i32
    %dma_wait3A_552 = tpu.memref_slice %arg12[%dma_wait3A_551] : memref<2048xi32, #tpu.memory_space<vmem>> -> memref<128xi32, #tpu.memory_space<vmem>>
    %dma_wait3A_553 = arith.constant 0 : i32
    %dma_wait3A_554 = tpu.memref_slice %arg2[%dma_wait3A_553] : memref<6400000xf32, #tpu.memory_space<hbm>> -> memref<6400000xf32, #tpu.memory_space<hbm>>
    tpu.wait_indirect_dma semaphore(%arg15 : memref<!tpu.dma_semaphore, #tpu.memory_space<semaphore_mem>>) src(%dma_wait3A_554 : memref<6400000xf32, #tpu.memory_space<hbm>>) dst(%dma_wait3A_550 : memref<128xf32, #tpu.memory_space<vmem>>)
    %dma_wait3A_555 = arith.constant 1280 : i32
    %dma_wait3A_556 = tpu.memref_slice %arg13[%dma_wait3A_555] : memref<2048xf32, #tpu.memory_space<vmem>> -> memref<128xf32, #tpu.memory_space<vmem>>
    %dma_wait3A_557 = arith.constant 1280 : i32
    %dma_wait3A_558 = tpu.memref_slice %arg12[%dma_wait3A_557] : memref<2048xi32, #tpu.memory_space<vmem>> -> memref<128xi32, #tpu.memory_space<vmem>>
    %dma_wait3A_559 = arith.constant 0 : i32
    %dma_wait3A_560 = tpu.memref_slice %arg2[%dma_wait3A_559] : memref<6400000xf32, #tpu.memory_space<hbm>> -> memref<6400000xf32, #tpu.memory_space<hbm>>
    tpu.wait_indirect_dma semaphore(%arg15 : memref<!tpu.dma_semaphore, #tpu.memory_space<semaphore_mem>>) src(%dma_wait3A_560 : memref<6400000xf32, #tpu.memory_space<hbm>>) dst(%dma_wait3A_556 : memref<128xf32, #tpu.memory_space<vmem>>)
    %dma_wait3A_561 = arith.constant 1408 : i32
    %dma_wait3A_562 = tpu.memref_slice %arg13[%dma_wait3A_561] : memref<2048xf32, #tpu.memory_space<vmem>> -> memref<128xf32, #tpu.memory_space<vmem>>
    %dma_wait3A_563 = arith.constant 1408 : i32
    %dma_wait3A_564 = tpu.memref_slice %arg12[%dma_wait3A_563] : memref<2048xi32, #tpu.memory_space<vmem>> -> memref<128xi32, #tpu.memory_space<vmem>>
    %dma_wait3A_565 = arith.constant 0 : i32
    %dma_wait3A_566 = tpu.memref_slice %arg2[%dma_wait3A_565] : memref<6400000xf32, #tpu.memory_space<hbm>> -> memref<6400000xf32, #tpu.memory_space<hbm>>
    tpu.wait_indirect_dma semaphore(%arg15 : memref<!tpu.dma_semaphore, #tpu.memory_space<semaphore_mem>>) src(%dma_wait3A_566 : memref<6400000xf32, #tpu.memory_space<hbm>>) dst(%dma_wait3A_562 : memref<128xf32, #tpu.memory_space<vmem>>)
    %dma_wait3A_567 = arith.constant 1536 : i32
    %dma_wait3A_568 = tpu.memref_slice %arg13[%dma_wait3A_567] : memref<2048xf32, #tpu.memory_space<vmem>> -> memref<128xf32, #tpu.memory_space<vmem>>
    %dma_wait3A_569 = arith.constant 1536 : i32
    %dma_wait3A_570 = tpu.memref_slice %arg12[%dma_wait3A_569] : memref<2048xi32, #tpu.memory_space<vmem>> -> memref<128xi32, #tpu.memory_space<vmem>>
    %dma_wait3A_571 = arith.constant 0 : i32
    %dma_wait3A_572 = tpu.memref_slice %arg2[%dma_wait3A_571] : memref<6400000xf32, #tpu.memory_space<hbm>> -> memref<6400000xf32, #tpu.memory_space<hbm>>
    tpu.wait_indirect_dma semaphore(%arg15 : memref<!tpu.dma_semaphore, #tpu.memory_space<semaphore_mem>>) src(%dma_wait3A_572 : memref<6400000xf32, #tpu.memory_space<hbm>>) dst(%dma_wait3A_568 : memref<128xf32, #tpu.memory_space<vmem>>)
    %dma_wait3A_573 = arith.constant 1664 : i32
    %dma_wait3A_574 = tpu.memref_slice %arg13[%dma_wait3A_573] : memref<2048xf32, #tpu.memory_space<vmem>> -> memref<128xf32, #tpu.memory_space<vmem>>
    %dma_wait3A_575 = arith.constant 1664 : i32
    %dma_wait3A_576 = tpu.memref_slice %arg12[%dma_wait3A_575] : memref<2048xi32, #tpu.memory_space<vmem>> -> memref<128xi32, #tpu.memory_space<vmem>>
    %dma_wait3A_577 = arith.constant 0 : i32
    %dma_wait3A_578 = tpu.memref_slice %arg2[%dma_wait3A_577] : memref<6400000xf32, #tpu.memory_space<hbm>> -> memref<6400000xf32, #tpu.memory_space<hbm>>
    tpu.wait_indirect_dma semaphore(%arg15 : memref<!tpu.dma_semaphore, #tpu.memory_space<semaphore_mem>>) src(%dma_wait3A_578 : memref<6400000xf32, #tpu.memory_space<hbm>>) dst(%dma_wait3A_574 : memref<128xf32, #tpu.memory_space<vmem>>)
    %dma_wait3A_579 = arith.constant 1792 : i32
    %dma_wait3A_580 = tpu.memref_slice %arg13[%dma_wait3A_579] : memref<2048xf32, #tpu.memory_space<vmem>> -> memref<128xf32, #tpu.memory_space<vmem>>
    %dma_wait3A_581 = arith.constant 1792 : i32
    %dma_wait3A_582 = tpu.memref_slice %arg12[%dma_wait3A_581] : memref<2048xi32, #tpu.memory_space<vmem>> -> memref<128xi32, #tpu.memory_space<vmem>>
    %dma_wait3A_583 = arith.constant 0 : i32
    %dma_wait3A_584 = tpu.memref_slice %arg2[%dma_wait3A_583] : memref<6400000xf32, #tpu.memory_space<hbm>> -> memref<6400000xf32, #tpu.memory_space<hbm>>
    tpu.wait_indirect_dma semaphore(%arg15 : memref<!tpu.dma_semaphore, #tpu.memory_space<semaphore_mem>>) src(%dma_wait3A_584 : memref<6400000xf32, #tpu.memory_space<hbm>>) dst(%dma_wait3A_580 : memref<128xf32, #tpu.memory_space<vmem>>)
    %dma_wait3A_585 = arith.constant 1920 : i32
    %dma_wait3A_586 = tpu.memref_slice %arg13[%dma_wait3A_585] : memref<2048xf32, #tpu.memory_space<vmem>> -> memref<128xf32, #tpu.memory_space<vmem>>
    %dma_wait3A_587 = arith.constant 1920 : i32
    %dma_wait3A_588 = tpu.memref_slice %arg12[%dma_wait3A_587] : memref<2048xi32, #tpu.memory_space<vmem>> -> memref<128xi32, #tpu.memory_space<vmem>>
    %dma_wait3A_589 = arith.constant 0 : i32
    %dma_wait3A_590 = tpu.memref_slice %arg2[%dma_wait3A_589] : memref<6400000xf32, #tpu.memory_space<hbm>> -> memref<6400000xf32, #tpu.memory_space<hbm>>
    tpu.wait_indirect_dma semaphore(%arg15 : memref<!tpu.dma_semaphore, #tpu.memory_space<semaphore_mem>>) src(%dma_wait3A_590 : memref<6400000xf32, #tpu.memory_space<hbm>>) dst(%dma_wait3A_586 : memref<128xf32, #tpu.memory_space<vmem>>)
    %mul3A_591 = arith.constant 16 : i32
    %mul3A_592 = arith.muli %mul3A_2, %mul3A_591 : i32
    %run_scoped3A_593 = arith.constant 2 : i32
    "tpu.region"() ({
      %run_scoped3A_1192 = tpu.sem_alloc : memref<!tpu.dma_semaphore, #tpu.memory_space<semaphore_mem>>
      %dma_start3A_1193 = tpu.memref_slice %arg8[%run_scoped3A_593, %mul3A_592] : memref<4x65536xf32, #tpu.memory_space<hbm>> -> memref<1x2048xf32, #tpu.memory_space<hbm>>
      %dma_start3A_1194 = tpu.memref_squeeze %dma_start3A_1193 : memref<1x2048xf32, #tpu.memory_space<hbm>> -> memref<2048xf32, #tpu.memory_space<hbm>>
      %dma_start3A_1195 = tpu.memref_slice %arg8[%run_scoped3A_593, %mul3A_592] : memref<4x65536xf32, #tpu.memory_space<hbm>> -> memref<1x2048xf32, #tpu.memory_space<hbm>>
      %dma_start3A_1196 = tpu.memref_squeeze %dma_start3A_1195 : memref<1x2048xf32, #tpu.memory_space<hbm>> -> memref<2048xf32, #tpu.memory_space<hbm>>
      tpu.enqueue_dma source(%arg13 : memref<2048xf32, #tpu.memory_space<vmem>>) target(%dma_start3A_1196 : memref<2048xf32, #tpu.memory_space<hbm>>) target_semaphore(%run_scoped3A_1192 : memref<!tpu.dma_semaphore, #tpu.memory_space<semaphore_mem>>)
      %dma_wait3A_1197 = tpu.memref_slice %arg8[%run_scoped3A_593, %mul3A_592] : memref<4x65536xf32, #tpu.memory_space<hbm>> -> memref<1x2048xf32, #tpu.memory_space<hbm>>
      %dma_wait3A_1198 = tpu.memref_squeeze %dma_wait3A_1197 : memref<1x2048xf32, #tpu.memory_space<hbm>> -> memref<2048xf32, #tpu.memory_space<hbm>>
      %dma_wait3A_1199 = tpu.memref_slice %arg8[%run_scoped3A_593, %mul3A_592] : memref<4x65536xf32, #tpu.memory_space<hbm>> -> memref<1x2048xf32, #tpu.memory_space<hbm>>
      %dma_wait3A_1200 = tpu.memref_squeeze %dma_wait3A_1199 : memref<1x2048xf32, #tpu.memory_space<hbm>> -> memref<2048xf32, #tpu.memory_space<hbm>>
      tpu.wait_dma2 semaphore(%run_scoped3A_1192 : memref<!tpu.dma_semaphore, #tpu.memory_space<semaphore_mem>>) src(%arg13 : memref<2048xf32, #tpu.memory_space<vmem>>) dst(%dma_wait3A_1200 : memref<2048xf32, #tpu.memory_space<hbm>>)
      tpu.yield
    }) : () -> ()
    %mul3A_594 = arith.constant 16 : i32
    %mul3A_595 = arith.muli %mul3A_2, %mul3A_594 : i32
    %run_scoped3A_596 = arith.constant 3 : i32
    "tpu.region"() ({
      %run_scoped3A_1192 = tpu.sem_alloc : memref<!tpu.dma_semaphore, #tpu.memory_space<semaphore_mem>>
      %dma_start3A_1193 = tpu.memref_slice %arg5[%run_scoped3A_596, %mul3A_595] : memref<4x65536xi32, #tpu.memory_space<hbm>> -> memref<1x2048xi32, #tpu.memory_space<hbm>>
      %dma_start3A_1194 = tpu.memref_squeeze %dma_start3A_1193 : memref<1x2048xi32, #tpu.memory_space<hbm>> -> memref<2048xi32, #tpu.memory_space<hbm>>
      %dma_start3A_1195 = tpu.memref_slice %arg5[%run_scoped3A_596, %mul3A_595] : memref<4x65536xi32, #tpu.memory_space<hbm>> -> memref<1x2048xi32, #tpu.memory_space<hbm>>
      %dma_start3A_1196 = tpu.memref_squeeze %dma_start3A_1195 : memref<1x2048xi32, #tpu.memory_space<hbm>> -> memref<2048xi32, #tpu.memory_space<hbm>>
      tpu.enqueue_dma source(%dma_start3A_1196 : memref<2048xi32, #tpu.memory_space<hbm>>) target(%arg12 : memref<2048xi32, #tpu.memory_space<vmem>>) target_semaphore(%run_scoped3A_1192 : memref<!tpu.dma_semaphore, #tpu.memory_space<semaphore_mem>>)
      %dma_wait3A_1197 = tpu.memref_slice %arg5[%run_scoped3A_596, %mul3A_595] : memref<4x65536xi32, #tpu.memory_space<hbm>> -> memref<1x2048xi32, #tpu.memory_space<hbm>>
      %dma_wait3A_1198 = tpu.memref_squeeze %dma_wait3A_1197 : memref<1x2048xi32, #tpu.memory_space<hbm>> -> memref<2048xi32, #tpu.memory_space<hbm>>
      %dma_wait3A_1199 = tpu.memref_slice %arg5[%run_scoped3A_596, %mul3A_595] : memref<4x65536xi32, #tpu.memory_space<hbm>> -> memref<1x2048xi32, #tpu.memory_space<hbm>>
      %dma_wait3A_1200 = tpu.memref_squeeze %dma_wait3A_1199 : memref<1x2048xi32, #tpu.memory_space<hbm>> -> memref<2048xi32, #tpu.memory_space<hbm>>
      tpu.wait_dma2 semaphore(%run_scoped3A_1192 : memref<!tpu.dma_semaphore, #tpu.memory_space<semaphore_mem>>) src(%dma_wait3A_1200 : memref<2048xi32, #tpu.memory_space<hbm>>) dst(%arg12 : memref<2048xi32, #tpu.memory_space<vmem>>)
      tpu.yield
    }) : () -> ()
    %dma_start3A_597 = arith.constant 0 : i32
    %dma_start3A_598 = tpu.memref_slice %arg13[%dma_start3A_597] : memref<2048xf32, #tpu.memory_space<vmem>> -> memref<128xf32, #tpu.memory_space<vmem>>
    %dma_start3A_599 = arith.constant 0 : i32
    %dma_start3A_600 = tpu.memref_slice %arg12[%dma_start3A_599] : memref<2048xi32, #tpu.memory_space<vmem>> -> memref<128xi32, #tpu.memory_space<vmem>>
    %dma_start3A_601 = arith.constant 0 : i32
    %dma_start3A_602 = tpu.memref_slice %arg2[%dma_start3A_601] : memref<6400000xf32, #tpu.memory_space<hbm>> -> memref<6400000xf32, #tpu.memory_space<hbm>>
    tpu.enqueue_indirect_dma source(%dma_start3A_602 : memref<6400000xf32, #tpu.memory_space<hbm>>) target(%dma_start3A_598 : memref<128xf32, #tpu.memory_space<vmem>>) offsets(%dma_start3A_600 : memref<128xi32, #tpu.memory_space<vmem>>) semaphore(%arg15 : memref<!tpu.dma_semaphore, #tpu.memory_space<semaphore_mem>>)
    %dma_start3A_603 = arith.constant 128 : i32
    %dma_start3A_604 = tpu.memref_slice %arg13[%dma_start3A_603] : memref<2048xf32, #tpu.memory_space<vmem>> -> memref<128xf32, #tpu.memory_space<vmem>>
    %dma_start3A_605 = arith.constant 128 : i32
    %dma_start3A_606 = tpu.memref_slice %arg12[%dma_start3A_605] : memref<2048xi32, #tpu.memory_space<vmem>> -> memref<128xi32, #tpu.memory_space<vmem>>
    %dma_start3A_607 = arith.constant 0 : i32
    %dma_start3A_608 = tpu.memref_slice %arg2[%dma_start3A_607] : memref<6400000xf32, #tpu.memory_space<hbm>> -> memref<6400000xf32, #tpu.memory_space<hbm>>
    tpu.enqueue_indirect_dma source(%dma_start3A_608 : memref<6400000xf32, #tpu.memory_space<hbm>>) target(%dma_start3A_604 : memref<128xf32, #tpu.memory_space<vmem>>) offsets(%dma_start3A_606 : memref<128xi32, #tpu.memory_space<vmem>>) semaphore(%arg15 : memref<!tpu.dma_semaphore, #tpu.memory_space<semaphore_mem>>)
    %dma_start3A_609 = arith.constant 256 : i32
    %dma_start3A_610 = tpu.memref_slice %arg13[%dma_start3A_609] : memref<2048xf32, #tpu.memory_space<vmem>> -> memref<128xf32, #tpu.memory_space<vmem>>
    %dma_start3A_611 = arith.constant 256 : i32
    %dma_start3A_612 = tpu.memref_slice %arg12[%dma_start3A_611] : memref<2048xi32, #tpu.memory_space<vmem>> -> memref<128xi32, #tpu.memory_space<vmem>>
    %dma_start3A_613 = arith.constant 0 : i32
    %dma_start3A_614 = tpu.memref_slice %arg2[%dma_start3A_613] : memref<6400000xf32, #tpu.memory_space<hbm>> -> memref<6400000xf32, #tpu.memory_space<hbm>>
    tpu.enqueue_indirect_dma source(%dma_start3A_614 : memref<6400000xf32, #tpu.memory_space<hbm>>) target(%dma_start3A_610 : memref<128xf32, #tpu.memory_space<vmem>>) offsets(%dma_start3A_612 : memref<128xi32, #tpu.memory_space<vmem>>) semaphore(%arg15 : memref<!tpu.dma_semaphore, #tpu.memory_space<semaphore_mem>>)
    %dma_start3A_615 = arith.constant 384 : i32
    %dma_start3A_616 = tpu.memref_slice %arg13[%dma_start3A_615] : memref<2048xf32, #tpu.memory_space<vmem>> -> memref<128xf32, #tpu.memory_space<vmem>>
    %dma_start3A_617 = arith.constant 384 : i32
    %dma_start3A_618 = tpu.memref_slice %arg12[%dma_start3A_617] : memref<2048xi32, #tpu.memory_space<vmem>> -> memref<128xi32, #tpu.memory_space<vmem>>
    %dma_start3A_619 = arith.constant 0 : i32
    %dma_start3A_620 = tpu.memref_slice %arg2[%dma_start3A_619] : memref<6400000xf32, #tpu.memory_space<hbm>> -> memref<6400000xf32, #tpu.memory_space<hbm>>
    tpu.enqueue_indirect_dma source(%dma_start3A_620 : memref<6400000xf32, #tpu.memory_space<hbm>>) target(%dma_start3A_616 : memref<128xf32, #tpu.memory_space<vmem>>) offsets(%dma_start3A_618 : memref<128xi32, #tpu.memory_space<vmem>>) semaphore(%arg15 : memref<!tpu.dma_semaphore, #tpu.memory_space<semaphore_mem>>)
    %dma_start3A_621 = arith.constant 512 : i32
    %dma_start3A_622 = tpu.memref_slice %arg13[%dma_start3A_621] : memref<2048xf32, #tpu.memory_space<vmem>> -> memref<128xf32, #tpu.memory_space<vmem>>
    %dma_start3A_623 = arith.constant 512 : i32
    %dma_start3A_624 = tpu.memref_slice %arg12[%dma_start3A_623] : memref<2048xi32, #tpu.memory_space<vmem>> -> memref<128xi32, #tpu.memory_space<vmem>>
    %dma_start3A_625 = arith.constant 0 : i32
    %dma_start3A_626 = tpu.memref_slice %arg2[%dma_start3A_625] : memref<6400000xf32, #tpu.memory_space<hbm>> -> memref<6400000xf32, #tpu.memory_space<hbm>>
    tpu.enqueue_indirect_dma source(%dma_start3A_626 : memref<6400000xf32, #tpu.memory_space<hbm>>) target(%dma_start3A_622 : memref<128xf32, #tpu.memory_space<vmem>>) offsets(%dma_start3A_624 : memref<128xi32, #tpu.memory_space<vmem>>) semaphore(%arg15 : memref<!tpu.dma_semaphore, #tpu.memory_space<semaphore_mem>>)
    %dma_start3A_627 = arith.constant 640 : i32
    %dma_start3A_628 = tpu.memref_slice %arg13[%dma_start3A_627] : memref<2048xf32, #tpu.memory_space<vmem>> -> memref<128xf32, #tpu.memory_space<vmem>>
    %dma_start3A_629 = arith.constant 640 : i32
    %dma_start3A_630 = tpu.memref_slice %arg12[%dma_start3A_629] : memref<2048xi32, #tpu.memory_space<vmem>> -> memref<128xi32, #tpu.memory_space<vmem>>
    %dma_start3A_631 = arith.constant 0 : i32
    %dma_start3A_632 = tpu.memref_slice %arg2[%dma_start3A_631] : memref<6400000xf32, #tpu.memory_space<hbm>> -> memref<6400000xf32, #tpu.memory_space<hbm>>
    tpu.enqueue_indirect_dma source(%dma_start3A_632 : memref<6400000xf32, #tpu.memory_space<hbm>>) target(%dma_start3A_628 : memref<128xf32, #tpu.memory_space<vmem>>) offsets(%dma_start3A_630 : memref<128xi32, #tpu.memory_space<vmem>>) semaphore(%arg15 : memref<!tpu.dma_semaphore, #tpu.memory_space<semaphore_mem>>)
    %dma_start3A_633 = arith.constant 768 : i32
    %dma_start3A_634 = tpu.memref_slice %arg13[%dma_start3A_633] : memref<2048xf32, #tpu.memory_space<vmem>> -> memref<128xf32, #tpu.memory_space<vmem>>
    %dma_start3A_635 = arith.constant 768 : i32
    %dma_start3A_636 = tpu.memref_slice %arg12[%dma_start3A_635] : memref<2048xi32, #tpu.memory_space<vmem>> -> memref<128xi32, #tpu.memory_space<vmem>>
    %dma_start3A_637 = arith.constant 0 : i32
    %dma_start3A_638 = tpu.memref_slice %arg2[%dma_start3A_637] : memref<6400000xf32, #tpu.memory_space<hbm>> -> memref<6400000xf32, #tpu.memory_space<hbm>>
    tpu.enqueue_indirect_dma source(%dma_start3A_638 : memref<6400000xf32, #tpu.memory_space<hbm>>) target(%dma_start3A_634 : memref<128xf32, #tpu.memory_space<vmem>>) offsets(%dma_start3A_636 : memref<128xi32, #tpu.memory_space<vmem>>) semaphore(%arg15 : memref<!tpu.dma_semaphore, #tpu.memory_space<semaphore_mem>>)
    %dma_start3A_639 = arith.constant 896 : i32
    %dma_start3A_640 = tpu.memref_slice %arg13[%dma_start3A_639] : memref<2048xf32, #tpu.memory_space<vmem>> -> memref<128xf32, #tpu.memory_space<vmem>>
    %dma_start3A_641 = arith.constant 896 : i32
    %dma_start3A_642 = tpu.memref_slice %arg12[%dma_start3A_641] : memref<2048xi32, #tpu.memory_space<vmem>> -> memref<128xi32, #tpu.memory_space<vmem>>
    %dma_start3A_643 = arith.constant 0 : i32
    %dma_start3A_644 = tpu.memref_slice %arg2[%dma_start3A_643] : memref<6400000xf32, #tpu.memory_space<hbm>> -> memref<6400000xf32, #tpu.memory_space<hbm>>
    tpu.enqueue_indirect_dma source(%dma_start3A_644 : memref<6400000xf32, #tpu.memory_space<hbm>>) target(%dma_start3A_640 : memref<128xf32, #tpu.memory_space<vmem>>) offsets(%dma_start3A_642 : memref<128xi32, #tpu.memory_space<vmem>>) semaphore(%arg15 : memref<!tpu.dma_semaphore, #tpu.memory_space<semaphore_mem>>)
    %dma_start3A_645 = arith.constant 1024 : i32
    %dma_start3A_646 = tpu.memref_slice %arg13[%dma_start3A_645] : memref<2048xf32, #tpu.memory_space<vmem>> -> memref<128xf32, #tpu.memory_space<vmem>>
    %dma_start3A_647 = arith.constant 1024 : i32
    %dma_start3A_648 = tpu.memref_slice %arg12[%dma_start3A_647] : memref<2048xi32, #tpu.memory_space<vmem>> -> memref<128xi32, #tpu.memory_space<vmem>>
    %dma_start3A_649 = arith.constant 0 : i32
    %dma_start3A_650 = tpu.memref_slice %arg2[%dma_start3A_649] : memref<6400000xf32, #tpu.memory_space<hbm>> -> memref<6400000xf32, #tpu.memory_space<hbm>>
    tpu.enqueue_indirect_dma source(%dma_start3A_650 : memref<6400000xf32, #tpu.memory_space<hbm>>) target(%dma_start3A_646 : memref<128xf32, #tpu.memory_space<vmem>>) offsets(%dma_start3A_648 : memref<128xi32, #tpu.memory_space<vmem>>) semaphore(%arg15 : memref<!tpu.dma_semaphore, #tpu.memory_space<semaphore_mem>>)
    %dma_start3A_651 = arith.constant 1152 : i32
    %dma_start3A_652 = tpu.memref_slice %arg13[%dma_start3A_651] : memref<2048xf32, #tpu.memory_space<vmem>> -> memref<128xf32, #tpu.memory_space<vmem>>
    %dma_start3A_653 = arith.constant 1152 : i32
    %dma_start3A_654 = tpu.memref_slice %arg12[%dma_start3A_653] : memref<2048xi32, #tpu.memory_space<vmem>> -> memref<128xi32, #tpu.memory_space<vmem>>
    %dma_start3A_655 = arith.constant 0 : i32
    %dma_start3A_656 = tpu.memref_slice %arg2[%dma_start3A_655] : memref<6400000xf32, #tpu.memory_space<hbm>> -> memref<6400000xf32, #tpu.memory_space<hbm>>
    tpu.enqueue_indirect_dma source(%dma_start3A_656 : memref<6400000xf32, #tpu.memory_space<hbm>>) target(%dma_start3A_652 : memref<128xf32, #tpu.memory_space<vmem>>) offsets(%dma_start3A_654 : memref<128xi32, #tpu.memory_space<vmem>>) semaphore(%arg15 : memref<!tpu.dma_semaphore, #tpu.memory_space<semaphore_mem>>)
    %dma_start3A_657 = arith.constant 1280 : i32
    %dma_start3A_658 = tpu.memref_slice %arg13[%dma_start3A_657] : memref<2048xf32, #tpu.memory_space<vmem>> -> memref<128xf32, #tpu.memory_space<vmem>>
    %dma_start3A_659 = arith.constant 1280 : i32
    %dma_start3A_660 = tpu.memref_slice %arg12[%dma_start3A_659] : memref<2048xi32, #tpu.memory_space<vmem>> -> memref<128xi32, #tpu.memory_space<vmem>>
    %dma_start3A_661 = arith.constant 0 : i32
    %dma_start3A_662 = tpu.memref_slice %arg2[%dma_start3A_661] : memref<6400000xf32, #tpu.memory_space<hbm>> -> memref<6400000xf32, #tpu.memory_space<hbm>>
    tpu.enqueue_indirect_dma source(%dma_start3A_662 : memref<6400000xf32, #tpu.memory_space<hbm>>) target(%dma_start3A_658 : memref<128xf32, #tpu.memory_space<vmem>>) offsets(%dma_start3A_660 : memref<128xi32, #tpu.memory_space<vmem>>) semaphore(%arg15 : memref<!tpu.dma_semaphore, #tpu.memory_space<semaphore_mem>>)
    %dma_start3A_663 = arith.constant 1408 : i32
    %dma_start3A_664 = tpu.memref_slice %arg13[%dma_start3A_663] : memref<2048xf32, #tpu.memory_space<vmem>> -> memref<128xf32, #tpu.memory_space<vmem>>
    %dma_start3A_665 = arith.constant 1408 : i32
    %dma_start3A_666 = tpu.memref_slice %arg12[%dma_start3A_665] : memref<2048xi32, #tpu.memory_space<vmem>> -> memref<128xi32, #tpu.memory_space<vmem>>
    %dma_start3A_667 = arith.constant 0 : i32
    %dma_start3A_668 = tpu.memref_slice %arg2[%dma_start3A_667] : memref<6400000xf32, #tpu.memory_space<hbm>> -> memref<6400000xf32, #tpu.memory_space<hbm>>
    tpu.enqueue_indirect_dma source(%dma_start3A_668 : memref<6400000xf32, #tpu.memory_space<hbm>>) target(%dma_start3A_664 : memref<128xf32, #tpu.memory_space<vmem>>) offsets(%dma_start3A_666 : memref<128xi32, #tpu.memory_space<vmem>>) semaphore(%arg15 : memref<!tpu.dma_semaphore, #tpu.memory_space<semaphore_mem>>)
    %dma_start3A_669 = arith.constant 1536 : i32
    %dma_start3A_670 = tpu.memref_slice %arg13[%dma_start3A_669] : memref<2048xf32, #tpu.memory_space<vmem>> -> memref<128xf32, #tpu.memory_space<vmem>>
    %dma_start3A_671 = arith.constant 1536 : i32
    %dma_start3A_672 = tpu.memref_slice %arg12[%dma_start3A_671] : memref<2048xi32, #tpu.memory_space<vmem>> -> memref<128xi32, #tpu.memory_space<vmem>>
    %dma_start3A_673 = arith.constant 0 : i32
    %dma_start3A_674 = tpu.memref_slice %arg2[%dma_start3A_673] : memref<6400000xf32, #tpu.memory_space<hbm>> -> memref<6400000xf32, #tpu.memory_space<hbm>>
    tpu.enqueue_indirect_dma source(%dma_start3A_674 : memref<6400000xf32, #tpu.memory_space<hbm>>) target(%dma_start3A_670 : memref<128xf32, #tpu.memory_space<vmem>>) offsets(%dma_start3A_672 : memref<128xi32, #tpu.memory_space<vmem>>) semaphore(%arg15 : memref<!tpu.dma_semaphore, #tpu.memory_space<semaphore_mem>>)
    %dma_start3A_675 = arith.constant 1664 : i32
    %dma_start3A_676 = tpu.memref_slice %arg13[%dma_start3A_675] : memref<2048xf32, #tpu.memory_space<vmem>> -> memref<128xf32, #tpu.memory_space<vmem>>
    %dma_start3A_677 = arith.constant 1664 : i32
    %dma_start3A_678 = tpu.memref_slice %arg12[%dma_start3A_677] : memref<2048xi32, #tpu.memory_space<vmem>> -> memref<128xi32, #tpu.memory_space<vmem>>
    %dma_start3A_679 = arith.constant 0 : i32
    %dma_start3A_680 = tpu.memref_slice %arg2[%dma_start3A_679] : memref<6400000xf32, #tpu.memory_space<hbm>> -> memref<6400000xf32, #tpu.memory_space<hbm>>
    tpu.enqueue_indirect_dma source(%dma_start3A_680 : memref<6400000xf32, #tpu.memory_space<hbm>>) target(%dma_start3A_676 : memref<128xf32, #tpu.memory_space<vmem>>) offsets(%dma_start3A_678 : memref<128xi32, #tpu.memory_space<vmem>>) semaphore(%arg15 : memref<!tpu.dma_semaphore, #tpu.memory_space<semaphore_mem>>)
    %dma_start3A_681 = arith.constant 1792 : i32
    %dma_start3A_682 = tpu.memref_slice %arg13[%dma_start3A_681] : memref<2048xf32, #tpu.memory_space<vmem>> -> memref<128xf32, #tpu.memory_space<vmem>>
    %dma_start3A_683 = arith.constant 1792 : i32
    %dma_start3A_684 = tpu.memref_slice %arg12[%dma_start3A_683] : memref<2048xi32, #tpu.memory_space<vmem>> -> memref<128xi32, #tpu.memory_space<vmem>>
    %dma_start3A_685 = arith.constant 0 : i32
    %dma_start3A_686 = tpu.memref_slice %arg2[%dma_start3A_685] : memref<6400000xf32, #tpu.memory_space<hbm>> -> memref<6400000xf32, #tpu.memory_space<hbm>>
    tpu.enqueue_indirect_dma source(%dma_start3A_686 : memref<6400000xf32, #tpu.memory_space<hbm>>) target(%dma_start3A_682 : memref<128xf32, #tpu.memory_space<vmem>>) offsets(%dma_start3A_684 : memref<128xi32, #tpu.memory_space<vmem>>) semaphore(%arg15 : memref<!tpu.dma_semaphore, #tpu.memory_space<semaphore_mem>>)
    %dma_start3A_687 = arith.constant 1920 : i32
    %dma_start3A_688 = tpu.memref_slice %arg13[%dma_start3A_687] : memref<2048xf32, #tpu.memory_space<vmem>> -> memref<128xf32, #tpu.memory_space<vmem>>
    %dma_start3A_689 = arith.constant 1920 : i32
    %dma_start3A_690 = tpu.memref_slice %arg12[%dma_start3A_689] : memref<2048xi32, #tpu.memory_space<vmem>> -> memref<128xi32, #tpu.memory_space<vmem>>
    %dma_start3A_691 = arith.constant 0 : i32
    %dma_start3A_692 = tpu.memref_slice %arg2[%dma_start3A_691] : memref<6400000xf32, #tpu.memory_space<hbm>> -> memref<6400000xf32, #tpu.memory_space<hbm>>
    tpu.enqueue_indirect_dma source(%dma_start3A_692 : memref<6400000xf32, #tpu.memory_space<hbm>>) target(%dma_start3A_688 : memref<128xf32, #tpu.memory_space<vmem>>) offsets(%dma_start3A_690 : memref<128xi32, #tpu.memory_space<vmem>>) semaphore(%arg15 : memref<!tpu.dma_semaphore, #tpu.memory_space<semaphore_mem>>)
    %dma_wait3A_693 = arith.constant 0 : i32
    %dma_wait3A_694 = tpu.memref_slice %arg13[%dma_wait3A_693] : memref<2048xf32, #tpu.memory_space<vmem>> -> memref<128xf32, #tpu.memory_space<vmem>>
    %dma_wait3A_695 = arith.constant 0 : i32
    %dma_wait3A_696 = tpu.memref_slice %arg12[%dma_wait3A_695] : memref<2048xi32, #tpu.memory_space<vmem>> -> memref<128xi32, #tpu.memory_space<vmem>>
    %dma_wait3A_697 = arith.constant 0 : i32
    %dma_wait3A_698 = tpu.memref_slice %arg2[%dma_wait3A_697] : memref<6400000xf32, #tpu.memory_space<hbm>> -> memref<6400000xf32, #tpu.memory_space<hbm>>
    tpu.wait_indirect_dma semaphore(%arg15 : memref<!tpu.dma_semaphore, #tpu.memory_space<semaphore_mem>>) src(%dma_wait3A_698 : memref<6400000xf32, #tpu.memory_space<hbm>>) dst(%dma_wait3A_694 : memref<128xf32, #tpu.memory_space<vmem>>)
    %dma_wait3A_699 = arith.constant 128 : i32
    %dma_wait3A_700 = tpu.memref_slice %arg13[%dma_wait3A_699] : memref<2048xf32, #tpu.memory_space<vmem>> -> memref<128xf32, #tpu.memory_space<vmem>>
    %dma_wait3A_701 = arith.constant 128 : i32
    %dma_wait3A_702 = tpu.memref_slice %arg12[%dma_wait3A_701] : memref<2048xi32, #tpu.memory_space<vmem>> -> memref<128xi32, #tpu.memory_space<vmem>>
    %dma_wait3A_703 = arith.constant 0 : i32
    %dma_wait3A_704 = tpu.memref_slice %arg2[%dma_wait3A_703] : memref<6400000xf32, #tpu.memory_space<hbm>> -> memref<6400000xf32, #tpu.memory_space<hbm>>
    tpu.wait_indirect_dma semaphore(%arg15 : memref<!tpu.dma_semaphore, #tpu.memory_space<semaphore_mem>>) src(%dma_wait3A_704 : memref<6400000xf32, #tpu.memory_space<hbm>>) dst(%dma_wait3A_700 : memref<128xf32, #tpu.memory_space<vmem>>)
    %dma_wait3A_705 = arith.constant 256 : i32
    %dma_wait3A_706 = tpu.memref_slice %arg13[%dma_wait3A_705] : memref<2048xf32, #tpu.memory_space<vmem>> -> memref<128xf32, #tpu.memory_space<vmem>>
    %dma_wait3A_707 = arith.constant 256 : i32
    %dma_wait3A_708 = tpu.memref_slice %arg12[%dma_wait3A_707] : memref<2048xi32, #tpu.memory_space<vmem>> -> memref<128xi32, #tpu.memory_space<vmem>>
    %dma_wait3A_709 = arith.constant 0 : i32
    %dma_wait3A_710 = tpu.memref_slice %arg2[%dma_wait3A_709] : memref<6400000xf32, #tpu.memory_space<hbm>> -> memref<6400000xf32, #tpu.memory_space<hbm>>
    tpu.wait_indirect_dma semaphore(%arg15 : memref<!tpu.dma_semaphore, #tpu.memory_space<semaphore_mem>>) src(%dma_wait3A_710 : memref<6400000xf32, #tpu.memory_space<hbm>>) dst(%dma_wait3A_706 : memref<128xf32, #tpu.memory_space<vmem>>)
    %dma_wait3A_711 = arith.constant 384 : i32
    %dma_wait3A_712 = tpu.memref_slice %arg13[%dma_wait3A_711] : memref<2048xf32, #tpu.memory_space<vmem>> -> memref<128xf32, #tpu.memory_space<vmem>>
    %dma_wait3A_713 = arith.constant 384 : i32
    %dma_wait3A_714 = tpu.memref_slice %arg12[%dma_wait3A_713] : memref<2048xi32, #tpu.memory_space<vmem>> -> memref<128xi32, #tpu.memory_space<vmem>>
    %dma_wait3A_715 = arith.constant 0 : i32
    %dma_wait3A_716 = tpu.memref_slice %arg2[%dma_wait3A_715] : memref<6400000xf32, #tpu.memory_space<hbm>> -> memref<6400000xf32, #tpu.memory_space<hbm>>
    tpu.wait_indirect_dma semaphore(%arg15 : memref<!tpu.dma_semaphore, #tpu.memory_space<semaphore_mem>>) src(%dma_wait3A_716 : memref<6400000xf32, #tpu.memory_space<hbm>>) dst(%dma_wait3A_712 : memref<128xf32, #tpu.memory_space<vmem>>)
    %dma_wait3A_717 = arith.constant 512 : i32
    %dma_wait3A_718 = tpu.memref_slice %arg13[%dma_wait3A_717] : memref<2048xf32, #tpu.memory_space<vmem>> -> memref<128xf32, #tpu.memory_space<vmem>>
    %dma_wait3A_719 = arith.constant 512 : i32
    %dma_wait3A_720 = tpu.memref_slice %arg12[%dma_wait3A_719] : memref<2048xi32, #tpu.memory_space<vmem>> -> memref<128xi32, #tpu.memory_space<vmem>>
    %dma_wait3A_721 = arith.constant 0 : i32
    %dma_wait3A_722 = tpu.memref_slice %arg2[%dma_wait3A_721] : memref<6400000xf32, #tpu.memory_space<hbm>> -> memref<6400000xf32, #tpu.memory_space<hbm>>
    tpu.wait_indirect_dma semaphore(%arg15 : memref<!tpu.dma_semaphore, #tpu.memory_space<semaphore_mem>>) src(%dma_wait3A_722 : memref<6400000xf32, #tpu.memory_space<hbm>>) dst(%dma_wait3A_718 : memref<128xf32, #tpu.memory_space<vmem>>)
    %dma_wait3A_723 = arith.constant 640 : i32
    %dma_wait3A_724 = tpu.memref_slice %arg13[%dma_wait3A_723] : memref<2048xf32, #tpu.memory_space<vmem>> -> memref<128xf32, #tpu.memory_space<vmem>>
    %dma_wait3A_725 = arith.constant 640 : i32
    %dma_wait3A_726 = tpu.memref_slice %arg12[%dma_wait3A_725] : memref<2048xi32, #tpu.memory_space<vmem>> -> memref<128xi32, #tpu.memory_space<vmem>>
    %dma_wait3A_727 = arith.constant 0 : i32
    %dma_wait3A_728 = tpu.memref_slice %arg2[%dma_wait3A_727] : memref<6400000xf32, #tpu.memory_space<hbm>> -> memref<6400000xf32, #tpu.memory_space<hbm>>
    tpu.wait_indirect_dma semaphore(%arg15 : memref<!tpu.dma_semaphore, #tpu.memory_space<semaphore_mem>>) src(%dma_wait3A_728 : memref<6400000xf32, #tpu.memory_space<hbm>>) dst(%dma_wait3A_724 : memref<128xf32, #tpu.memory_space<vmem>>)
    %dma_wait3A_729 = arith.constant 768 : i32
    %dma_wait3A_730 = tpu.memref_slice %arg13[%dma_wait3A_729] : memref<2048xf32, #tpu.memory_space<vmem>> -> memref<128xf32, #tpu.memory_space<vmem>>
    %dma_wait3A_731 = arith.constant 768 : i32
    %dma_wait3A_732 = tpu.memref_slice %arg12[%dma_wait3A_731] : memref<2048xi32, #tpu.memory_space<vmem>> -> memref<128xi32, #tpu.memory_space<vmem>>
    %dma_wait3A_733 = arith.constant 0 : i32
    %dma_wait3A_734 = tpu.memref_slice %arg2[%dma_wait3A_733] : memref<6400000xf32, #tpu.memory_space<hbm>> -> memref<6400000xf32, #tpu.memory_space<hbm>>
    tpu.wait_indirect_dma semaphore(%arg15 : memref<!tpu.dma_semaphore, #tpu.memory_space<semaphore_mem>>) src(%dma_wait3A_734 : memref<6400000xf32, #tpu.memory_space<hbm>>) dst(%dma_wait3A_730 : memref<128xf32, #tpu.memory_space<vmem>>)
    %dma_wait3A_735 = arith.constant 896 : i32
    %dma_wait3A_736 = tpu.memref_slice %arg13[%dma_wait3A_735] : memref<2048xf32, #tpu.memory_space<vmem>> -> memref<128xf32, #tpu.memory_space<vmem>>
    %dma_wait3A_737 = arith.constant 896 : i32
    %dma_wait3A_738 = tpu.memref_slice %arg12[%dma_wait3A_737] : memref<2048xi32, #tpu.memory_space<vmem>> -> memref<128xi32, #tpu.memory_space<vmem>>
    %dma_wait3A_739 = arith.constant 0 : i32
    %dma_wait3A_740 = tpu.memref_slice %arg2[%dma_wait3A_739] : memref<6400000xf32, #tpu.memory_space<hbm>> -> memref<6400000xf32, #tpu.memory_space<hbm>>
    tpu.wait_indirect_dma semaphore(%arg15 : memref<!tpu.dma_semaphore, #tpu.memory_space<semaphore_mem>>) src(%dma_wait3A_740 : memref<6400000xf32, #tpu.memory_space<hbm>>) dst(%dma_wait3A_736 : memref<128xf32, #tpu.memory_space<vmem>>)
    %dma_wait3A_741 = arith.constant 1024 : i32
    %dma_wait3A_742 = tpu.memref_slice %arg13[%dma_wait3A_741] : memref<2048xf32, #tpu.memory_space<vmem>> -> memref<128xf32, #tpu.memory_space<vmem>>
    %dma_wait3A_743 = arith.constant 1024 : i32
    %dma_wait3A_744 = tpu.memref_slice %arg12[%dma_wait3A_743] : memref<2048xi32, #tpu.memory_space<vmem>> -> memref<128xi32, #tpu.memory_space<vmem>>
    %dma_wait3A_745 = arith.constant 0 : i32
    %dma_wait3A_746 = tpu.memref_slice %arg2[%dma_wait3A_745] : memref<6400000xf32, #tpu.memory_space<hbm>> -> memref<6400000xf32, #tpu.memory_space<hbm>>
    tpu.wait_indirect_dma semaphore(%arg15 : memref<!tpu.dma_semaphore, #tpu.memory_space<semaphore_mem>>) src(%dma_wait3A_746 : memref<6400000xf32, #tpu.memory_space<hbm>>) dst(%dma_wait3A_742 : memref<128xf32, #tpu.memory_space<vmem>>)
    %dma_wait3A_747 = arith.constant 1152 : i32
    %dma_wait3A_748 = tpu.memref_slice %arg13[%dma_wait3A_747] : memref<2048xf32, #tpu.memory_space<vmem>> -> memref<128xf32, #tpu.memory_space<vmem>>
    %dma_wait3A_749 = arith.constant 1152 : i32
    %dma_wait3A_750 = tpu.memref_slice %arg12[%dma_wait3A_749] : memref<2048xi32, #tpu.memory_space<vmem>> -> memref<128xi32, #tpu.memory_space<vmem>>
    %dma_wait3A_751 = arith.constant 0 : i32
    %dma_wait3A_752 = tpu.memref_slice %arg2[%dma_wait3A_751] : memref<6400000xf32, #tpu.memory_space<hbm>> -> memref<6400000xf32, #tpu.memory_space<hbm>>
    tpu.wait_indirect_dma semaphore(%arg15 : memref<!tpu.dma_semaphore, #tpu.memory_space<semaphore_mem>>) src(%dma_wait3A_752 : memref<6400000xf32, #tpu.memory_space<hbm>>) dst(%dma_wait3A_748 : memref<128xf32, #tpu.memory_space<vmem>>)
    %dma_wait3A_753 = arith.constant 1280 : i32
    %dma_wait3A_754 = tpu.memref_slice %arg13[%dma_wait3A_753] : memref<2048xf32, #tpu.memory_space<vmem>> -> memref<128xf32, #tpu.memory_space<vmem>>
    %dma_wait3A_755 = arith.constant 1280 : i32
    %dma_wait3A_756 = tpu.memref_slice %arg12[%dma_wait3A_755] : memref<2048xi32, #tpu.memory_space<vmem>> -> memref<128xi32, #tpu.memory_space<vmem>>
    %dma_wait3A_757 = arith.constant 0 : i32
    %dma_wait3A_758 = tpu.memref_slice %arg2[%dma_wait3A_757] : memref<6400000xf32, #tpu.memory_space<hbm>> -> memref<6400000xf32, #tpu.memory_space<hbm>>
    tpu.wait_indirect_dma semaphore(%arg15 : memref<!tpu.dma_semaphore, #tpu.memory_space<semaphore_mem>>) src(%dma_wait3A_758 : memref<6400000xf32, #tpu.memory_space<hbm>>) dst(%dma_wait3A_754 : memref<128xf32, #tpu.memory_space<vmem>>)
    %dma_wait3A_759 = arith.constant 1408 : i32
    %dma_wait3A_760 = tpu.memref_slice %arg13[%dma_wait3A_759] : memref<2048xf32, #tpu.memory_space<vmem>> -> memref<128xf32, #tpu.memory_space<vmem>>
    %dma_wait3A_761 = arith.constant 1408 : i32
    %dma_wait3A_762 = tpu.memref_slice %arg12[%dma_wait3A_761] : memref<2048xi32, #tpu.memory_space<vmem>> -> memref<128xi32, #tpu.memory_space<vmem>>
    %dma_wait3A_763 = arith.constant 0 : i32
    %dma_wait3A_764 = tpu.memref_slice %arg2[%dma_wait3A_763] : memref<6400000xf32, #tpu.memory_space<hbm>> -> memref<6400000xf32, #tpu.memory_space<hbm>>
    tpu.wait_indirect_dma semaphore(%arg15 : memref<!tpu.dma_semaphore, #tpu.memory_space<semaphore_mem>>) src(%dma_wait3A_764 : memref<6400000xf32, #tpu.memory_space<hbm>>) dst(%dma_wait3A_760 : memref<128xf32, #tpu.memory_space<vmem>>)
    %dma_wait3A_765 = arith.constant 1536 : i32
    %dma_wait3A_766 = tpu.memref_slice %arg13[%dma_wait3A_765] : memref<2048xf32, #tpu.memory_space<vmem>> -> memref<128xf32, #tpu.memory_space<vmem>>
    %dma_wait3A_767 = arith.constant 1536 : i32
    %dma_wait3A_768 = tpu.memref_slice %arg12[%dma_wait3A_767] : memref<2048xi32, #tpu.memory_space<vmem>> -> memref<128xi32, #tpu.memory_space<vmem>>
    %dma_wait3A_769 = arith.constant 0 : i32
    %dma_wait3A_770 = tpu.memref_slice %arg2[%dma_wait3A_769] : memref<6400000xf32, #tpu.memory_space<hbm>> -> memref<6400000xf32, #tpu.memory_space<hbm>>
    tpu.wait_indirect_dma semaphore(%arg15 : memref<!tpu.dma_semaphore, #tpu.memory_space<semaphore_mem>>) src(%dma_wait3A_770 : memref<6400000xf32, #tpu.memory_space<hbm>>) dst(%dma_wait3A_766 : memref<128xf32, #tpu.memory_space<vmem>>)
    %dma_wait3A_771 = arith.constant 1664 : i32
    %dma_wait3A_772 = tpu.memref_slice %arg13[%dma_wait3A_771] : memref<2048xf32, #tpu.memory_space<vmem>> -> memref<128xf32, #tpu.memory_space<vmem>>
    %dma_wait3A_773 = arith.constant 1664 : i32
    %dma_wait3A_774 = tpu.memref_slice %arg12[%dma_wait3A_773] : memref<2048xi32, #tpu.memory_space<vmem>> -> memref<128xi32, #tpu.memory_space<vmem>>
    %dma_wait3A_775 = arith.constant 0 : i32
    %dma_wait3A_776 = tpu.memref_slice %arg2[%dma_wait3A_775] : memref<6400000xf32, #tpu.memory_space<hbm>> -> memref<6400000xf32, #tpu.memory_space<hbm>>
    tpu.wait_indirect_dma semaphore(%arg15 : memref<!tpu.dma_semaphore, #tpu.memory_space<semaphore_mem>>) src(%dma_wait3A_776 : memref<6400000xf32, #tpu.memory_space<hbm>>) dst(%dma_wait3A_772 : memref<128xf32, #tpu.memory_space<vmem>>)
    %dma_wait3A_777 = arith.constant 1792 : i32
    %dma_wait3A_778 = tpu.memref_slice %arg13[%dma_wait3A_777] : memref<2048xf32, #tpu.memory_space<vmem>> -> memref<128xf32, #tpu.memory_space<vmem>>
    %dma_wait3A_779 = arith.constant 1792 : i32
    %dma_wait3A_780 = tpu.memref_slice %arg12[%dma_wait3A_779] : memref<2048xi32, #tpu.memory_space<vmem>> -> memref<128xi32, #tpu.memory_space<vmem>>
    %dma_wait3A_781 = arith.constant 0 : i32
    %dma_wait3A_782 = tpu.memref_slice %arg2[%dma_wait3A_781] : memref<6400000xf32, #tpu.memory_space<hbm>> -> memref<6400000xf32, #tpu.memory_space<hbm>>
    tpu.wait_indirect_dma semaphore(%arg15 : memref<!tpu.dma_semaphore, #tpu.memory_space<semaphore_mem>>) src(%dma_wait3A_782 : memref<6400000xf32, #tpu.memory_space<hbm>>) dst(%dma_wait3A_778 : memref<128xf32, #tpu.memory_space<vmem>>)
    %dma_wait3A_783 = arith.constant 1920 : i32
    %dma_wait3A_784 = tpu.memref_slice %arg13[%dma_wait3A_783] : memref<2048xf32, #tpu.memory_space<vmem>> -> memref<128xf32, #tpu.memory_space<vmem>>
    %dma_wait3A_785 = arith.constant 1920 : i32
    %dma_wait3A_786 = tpu.memref_slice %arg12[%dma_wait3A_785] : memref<2048xi32, #tpu.memory_space<vmem>> -> memref<128xi32, #tpu.memory_space<vmem>>
    %dma_wait3A_787 = arith.constant 0 : i32
    %dma_wait3A_788 = tpu.memref_slice %arg2[%dma_wait3A_787] : memref<6400000xf32, #tpu.memory_space<hbm>> -> memref<6400000xf32, #tpu.memory_space<hbm>>
    tpu.wait_indirect_dma semaphore(%arg15 : memref<!tpu.dma_semaphore, #tpu.memory_space<semaphore_mem>>) src(%dma_wait3A_788 : memref<6400000xf32, #tpu.memory_space<hbm>>) dst(%dma_wait3A_784 : memref<128xf32, #tpu.memory_space<vmem>>)
    %mul3A_789 = arith.constant 16 : i32
    %mul3A_790 = arith.muli %mul3A_2, %mul3A_789 : i32
    %run_scoped3A_791 = arith.constant 3 : i32
    "tpu.region"() ({
      %run_scoped3A_1192 = tpu.sem_alloc : memref<!tpu.dma_semaphore, #tpu.memory_space<semaphore_mem>>
      %dma_start3A_1193 = tpu.memref_slice %arg8[%run_scoped3A_791, %mul3A_790] : memref<4x65536xf32, #tpu.memory_space<hbm>> -> memref<1x2048xf32, #tpu.memory_space<hbm>>
      %dma_start3A_1194 = tpu.memref_squeeze %dma_start3A_1193 : memref<1x2048xf32, #tpu.memory_space<hbm>> -> memref<2048xf32, #tpu.memory_space<hbm>>
      %dma_start3A_1195 = tpu.memref_slice %arg8[%run_scoped3A_791, %mul3A_790] : memref<4x65536xf32, #tpu.memory_space<hbm>> -> memref<1x2048xf32, #tpu.memory_space<hbm>>
      %dma_start3A_1196 = tpu.memref_squeeze %dma_start3A_1195 : memref<1x2048xf32, #tpu.memory_space<hbm>> -> memref<2048xf32, #tpu.memory_space<hbm>>
      tpu.enqueue_dma source(%arg13 : memref<2048xf32, #tpu.memory_space<vmem>>) target(%dma_start3A_1196 : memref<2048xf32, #tpu.memory_space<hbm>>) target_semaphore(%run_scoped3A_1192 : memref<!tpu.dma_semaphore, #tpu.memory_space<semaphore_mem>>)
      %dma_wait3A_1197 = tpu.memref_slice %arg8[%run_scoped3A_791, %mul3A_790] : memref<4x65536xf32, #tpu.memory_space<hbm>> -> memref<1x2048xf32, #tpu.memory_space<hbm>>
      %dma_wait3A_1198 = tpu.memref_squeeze %dma_wait3A_1197 : memref<1x2048xf32, #tpu.memory_space<hbm>> -> memref<2048xf32, #tpu.memory_space<hbm>>
      %dma_wait3A_1199 = tpu.memref_slice %arg8[%run_scoped3A_791, %mul3A_790] : memref<4x65536xf32, #tpu.memory_space<hbm>> -> memref<1x2048xf32, #tpu.memory_space<hbm>>
      %dma_wait3A_1200 = tpu.memref_squeeze %dma_wait3A_1199 : memref<1x2048xf32, #tpu.memory_space<hbm>> -> memref<2048xf32, #tpu.memory_space<hbm>>
      tpu.wait_dma2 semaphore(%run_scoped3A_1192 : memref<!tpu.dma_semaphore, #tpu.memory_space<semaphore_mem>>) src(%arg13 : memref<2048xf32, #tpu.memory_space<vmem>>) dst(%dma_wait3A_1200 : memref<2048xf32, #tpu.memory_space<hbm>>)
      tpu.yield
    }) : () -> ()
    %mul3A_792 = arith.constant 16 : i32
    %mul3A_793 = arith.muli %mul3A_2, %mul3A_792 : i32
    %run_scoped3A_794 = arith.constant 0 : i32
    "tpu.region"() ({
      %run_scoped3A_1192 = tpu.sem_alloc : memref<!tpu.dma_semaphore, #tpu.memory_space<semaphore_mem>>
      %dma_start3A_1193 = tpu.memref_slice %arg6[%run_scoped3A_794, %mul3A_793] : memref<2x65536xi32, #tpu.memory_space<hbm>> -> memref<1x2048xi32, #tpu.memory_space<hbm>>
      %dma_start3A_1194 = tpu.memref_squeeze %dma_start3A_1193 : memref<1x2048xi32, #tpu.memory_space<hbm>> -> memref<2048xi32, #tpu.memory_space<hbm>>
      %dma_start3A_1195 = tpu.memref_slice %arg6[%run_scoped3A_794, %mul3A_793] : memref<2x65536xi32, #tpu.memory_space<hbm>> -> memref<1x2048xi32, #tpu.memory_space<hbm>>
      %dma_start3A_1196 = tpu.memref_squeeze %dma_start3A_1195 : memref<1x2048xi32, #tpu.memory_space<hbm>> -> memref<2048xi32, #tpu.memory_space<hbm>>
      tpu.enqueue_dma source(%dma_start3A_1196 : memref<2048xi32, #tpu.memory_space<hbm>>) target(%arg12 : memref<2048xi32, #tpu.memory_space<vmem>>) target_semaphore(%run_scoped3A_1192 : memref<!tpu.dma_semaphore, #tpu.memory_space<semaphore_mem>>)
      %dma_wait3A_1197 = tpu.memref_slice %arg6[%run_scoped3A_794, %mul3A_793] : memref<2x65536xi32, #tpu.memory_space<hbm>> -> memref<1x2048xi32, #tpu.memory_space<hbm>>
      %dma_wait3A_1198 = tpu.memref_squeeze %dma_wait3A_1197 : memref<1x2048xi32, #tpu.memory_space<hbm>> -> memref<2048xi32, #tpu.memory_space<hbm>>
      %dma_wait3A_1199 = tpu.memref_slice %arg6[%run_scoped3A_794, %mul3A_793] : memref<2x65536xi32, #tpu.memory_space<hbm>> -> memref<1x2048xi32, #tpu.memory_space<hbm>>
      %dma_wait3A_1200 = tpu.memref_squeeze %dma_wait3A_1199 : memref<1x2048xi32, #tpu.memory_space<hbm>> -> memref<2048xi32, #tpu.memory_space<hbm>>
      tpu.wait_dma2 semaphore(%run_scoped3A_1192 : memref<!tpu.dma_semaphore, #tpu.memory_space<semaphore_mem>>) src(%dma_wait3A_1200 : memref<2048xi32, #tpu.memory_space<hbm>>) dst(%arg12 : memref<2048xi32, #tpu.memory_space<vmem>>)
      tpu.yield
    }) : () -> ()
    %dma_start3A_795 = arith.constant 0 : i32
    %dma_start3A_796 = tpu.memref_slice %arg13[%dma_start3A_795] : memref<2048xf32, #tpu.memory_space<vmem>> -> memref<128xf32, #tpu.memory_space<vmem>>
    %dma_start3A_797 = arith.constant 0 : i32
    %dma_start3A_798 = tpu.memref_slice %arg12[%dma_start3A_797] : memref<2048xi32, #tpu.memory_space<vmem>> -> memref<128xi32, #tpu.memory_space<vmem>>
    %dma_start3A_799 = arith.constant 0 : i32
    %dma_start3A_800 = tpu.memref_slice %arg3[%dma_start3A_799] : memref<3200000xf32, #tpu.memory_space<hbm>> -> memref<3200000xf32, #tpu.memory_space<hbm>>
    tpu.enqueue_indirect_dma source(%dma_start3A_800 : memref<3200000xf32, #tpu.memory_space<hbm>>) target(%dma_start3A_796 : memref<128xf32, #tpu.memory_space<vmem>>) offsets(%dma_start3A_798 : memref<128xi32, #tpu.memory_space<vmem>>) semaphore(%arg15 : memref<!tpu.dma_semaphore, #tpu.memory_space<semaphore_mem>>)
    %dma_start3A_801 = arith.constant 128 : i32
    %dma_start3A_802 = tpu.memref_slice %arg13[%dma_start3A_801] : memref<2048xf32, #tpu.memory_space<vmem>> -> memref<128xf32, #tpu.memory_space<vmem>>
    %dma_start3A_803 = arith.constant 128 : i32
    %dma_start3A_804 = tpu.memref_slice %arg12[%dma_start3A_803] : memref<2048xi32, #tpu.memory_space<vmem>> -> memref<128xi32, #tpu.memory_space<vmem>>
    %dma_start3A_805 = arith.constant 0 : i32
    %dma_start3A_806 = tpu.memref_slice %arg3[%dma_start3A_805] : memref<3200000xf32, #tpu.memory_space<hbm>> -> memref<3200000xf32, #tpu.memory_space<hbm>>
    tpu.enqueue_indirect_dma source(%dma_start3A_806 : memref<3200000xf32, #tpu.memory_space<hbm>>) target(%dma_start3A_802 : memref<128xf32, #tpu.memory_space<vmem>>) offsets(%dma_start3A_804 : memref<128xi32, #tpu.memory_space<vmem>>) semaphore(%arg15 : memref<!tpu.dma_semaphore, #tpu.memory_space<semaphore_mem>>)
    %dma_start3A_807 = arith.constant 256 : i32
    %dma_start3A_808 = tpu.memref_slice %arg13[%dma_start3A_807] : memref<2048xf32, #tpu.memory_space<vmem>> -> memref<128xf32, #tpu.memory_space<vmem>>
    %dma_start3A_809 = arith.constant 256 : i32
    %dma_start3A_810 = tpu.memref_slice %arg12[%dma_start3A_809] : memref<2048xi32, #tpu.memory_space<vmem>> -> memref<128xi32, #tpu.memory_space<vmem>>
    %dma_start3A_811 = arith.constant 0 : i32
    %dma_start3A_812 = tpu.memref_slice %arg3[%dma_start3A_811] : memref<3200000xf32, #tpu.memory_space<hbm>> -> memref<3200000xf32, #tpu.memory_space<hbm>>
    tpu.enqueue_indirect_dma source(%dma_start3A_812 : memref<3200000xf32, #tpu.memory_space<hbm>>) target(%dma_start3A_808 : memref<128xf32, #tpu.memory_space<vmem>>) offsets(%dma_start3A_810 : memref<128xi32, #tpu.memory_space<vmem>>) semaphore(%arg15 : memref<!tpu.dma_semaphore, #tpu.memory_space<semaphore_mem>>)
    %dma_start3A_813 = arith.constant 384 : i32
    %dma_start3A_814 = tpu.memref_slice %arg13[%dma_start3A_813] : memref<2048xf32, #tpu.memory_space<vmem>> -> memref<128xf32, #tpu.memory_space<vmem>>
    %dma_start3A_815 = arith.constant 384 : i32
    %dma_start3A_816 = tpu.memref_slice %arg12[%dma_start3A_815] : memref<2048xi32, #tpu.memory_space<vmem>> -> memref<128xi32, #tpu.memory_space<vmem>>
    %dma_start3A_817 = arith.constant 0 : i32
    %dma_start3A_818 = tpu.memref_slice %arg3[%dma_start3A_817] : memref<3200000xf32, #tpu.memory_space<hbm>> -> memref<3200000xf32, #tpu.memory_space<hbm>>
    tpu.enqueue_indirect_dma source(%dma_start3A_818 : memref<3200000xf32, #tpu.memory_space<hbm>>) target(%dma_start3A_814 : memref<128xf32, #tpu.memory_space<vmem>>) offsets(%dma_start3A_816 : memref<128xi32, #tpu.memory_space<vmem>>) semaphore(%arg15 : memref<!tpu.dma_semaphore, #tpu.memory_space<semaphore_mem>>)
    %dma_start3A_819 = arith.constant 512 : i32
    %dma_start3A_820 = tpu.memref_slice %arg13[%dma_start3A_819] : memref<2048xf32, #tpu.memory_space<vmem>> -> memref<128xf32, #tpu.memory_space<vmem>>
    %dma_start3A_821 = arith.constant 512 : i32
    %dma_start3A_822 = tpu.memref_slice %arg12[%dma_start3A_821] : memref<2048xi32, #tpu.memory_space<vmem>> -> memref<128xi32, #tpu.memory_space<vmem>>
    %dma_start3A_823 = arith.constant 0 : i32
    %dma_start3A_824 = tpu.memref_slice %arg3[%dma_start3A_823] : memref<3200000xf32, #tpu.memory_space<hbm>> -> memref<3200000xf32, #tpu.memory_space<hbm>>
    tpu.enqueue_indirect_dma source(%dma_start3A_824 : memref<3200000xf32, #tpu.memory_space<hbm>>) target(%dma_start3A_820 : memref<128xf32, #tpu.memory_space<vmem>>) offsets(%dma_start3A_822 : memref<128xi32, #tpu.memory_space<vmem>>) semaphore(%arg15 : memref<!tpu.dma_semaphore, #tpu.memory_space<semaphore_mem>>)
    %dma_start3A_825 = arith.constant 640 : i32
    %dma_start3A_826 = tpu.memref_slice %arg13[%dma_start3A_825] : memref<2048xf32, #tpu.memory_space<vmem>> -> memref<128xf32, #tpu.memory_space<vmem>>
    %dma_start3A_827 = arith.constant 640 : i32
    %dma_start3A_828 = tpu.memref_slice %arg12[%dma_start3A_827] : memref<2048xi32, #tpu.memory_space<vmem>> -> memref<128xi32, #tpu.memory_space<vmem>>
    %dma_start3A_829 = arith.constant 0 : i32
    %dma_start3A_830 = tpu.memref_slice %arg3[%dma_start3A_829] : memref<3200000xf32, #tpu.memory_space<hbm>> -> memref<3200000xf32, #tpu.memory_space<hbm>>
    tpu.enqueue_indirect_dma source(%dma_start3A_830 : memref<3200000xf32, #tpu.memory_space<hbm>>) target(%dma_start3A_826 : memref<128xf32, #tpu.memory_space<vmem>>) offsets(%dma_start3A_828 : memref<128xi32, #tpu.memory_space<vmem>>) semaphore(%arg15 : memref<!tpu.dma_semaphore, #tpu.memory_space<semaphore_mem>>)
    %dma_start3A_831 = arith.constant 768 : i32
    %dma_start3A_832 = tpu.memref_slice %arg13[%dma_start3A_831] : memref<2048xf32, #tpu.memory_space<vmem>> -> memref<128xf32, #tpu.memory_space<vmem>>
    %dma_start3A_833 = arith.constant 768 : i32
    %dma_start3A_834 = tpu.memref_slice %arg12[%dma_start3A_833] : memref<2048xi32, #tpu.memory_space<vmem>> -> memref<128xi32, #tpu.memory_space<vmem>>
    %dma_start3A_835 = arith.constant 0 : i32
    %dma_start3A_836 = tpu.memref_slice %arg3[%dma_start3A_835] : memref<3200000xf32, #tpu.memory_space<hbm>> -> memref<3200000xf32, #tpu.memory_space<hbm>>
    tpu.enqueue_indirect_dma source(%dma_start3A_836 : memref<3200000xf32, #tpu.memory_space<hbm>>) target(%dma_start3A_832 : memref<128xf32, #tpu.memory_space<vmem>>) offsets(%dma_start3A_834 : memref<128xi32, #tpu.memory_space<vmem>>) semaphore(%arg15 : memref<!tpu.dma_semaphore, #tpu.memory_space<semaphore_mem>>)
    %dma_start3A_837 = arith.constant 896 : i32
    %dma_start3A_838 = tpu.memref_slice %arg13[%dma_start3A_837] : memref<2048xf32, #tpu.memory_space<vmem>> -> memref<128xf32, #tpu.memory_space<vmem>>
    %dma_start3A_839 = arith.constant 896 : i32
    %dma_start3A_840 = tpu.memref_slice %arg12[%dma_start3A_839] : memref<2048xi32, #tpu.memory_space<vmem>> -> memref<128xi32, #tpu.memory_space<vmem>>
    %dma_start3A_841 = arith.constant 0 : i32
    %dma_start3A_842 = tpu.memref_slice %arg3[%dma_start3A_841] : memref<3200000xf32, #tpu.memory_space<hbm>> -> memref<3200000xf32, #tpu.memory_space<hbm>>
    tpu.enqueue_indirect_dma source(%dma_start3A_842 : memref<3200000xf32, #tpu.memory_space<hbm>>) target(%dma_start3A_838 : memref<128xf32, #tpu.memory_space<vmem>>) offsets(%dma_start3A_840 : memref<128xi32, #tpu.memory_space<vmem>>) semaphore(%arg15 : memref<!tpu.dma_semaphore, #tpu.memory_space<semaphore_mem>>)
    %dma_start3A_843 = arith.constant 1024 : i32
    %dma_start3A_844 = tpu.memref_slice %arg13[%dma_start3A_843] : memref<2048xf32, #tpu.memory_space<vmem>> -> memref<128xf32, #tpu.memory_space<vmem>>
    %dma_start3A_845 = arith.constant 1024 : i32
    %dma_start3A_846 = tpu.memref_slice %arg12[%dma_start3A_845] : memref<2048xi32, #tpu.memory_space<vmem>> -> memref<128xi32, #tpu.memory_space<vmem>>
    %dma_start3A_847 = arith.constant 0 : i32
    %dma_start3A_848 = tpu.memref_slice %arg3[%dma_start3A_847] : memref<3200000xf32, #tpu.memory_space<hbm>> -> memref<3200000xf32, #tpu.memory_space<hbm>>
    tpu.enqueue_indirect_dma source(%dma_start3A_848 : memref<3200000xf32, #tpu.memory_space<hbm>>) target(%dma_start3A_844 : memref<128xf32, #tpu.memory_space<vmem>>) offsets(%dma_start3A_846 : memref<128xi32, #tpu.memory_space<vmem>>) semaphore(%arg15 : memref<!tpu.dma_semaphore, #tpu.memory_space<semaphore_mem>>)
    %dma_start3A_849 = arith.constant 1152 : i32
    %dma_start3A_850 = tpu.memref_slice %arg13[%dma_start3A_849] : memref<2048xf32, #tpu.memory_space<vmem>> -> memref<128xf32, #tpu.memory_space<vmem>>
    %dma_start3A_851 = arith.constant 1152 : i32
    %dma_start3A_852 = tpu.memref_slice %arg12[%dma_start3A_851] : memref<2048xi32, #tpu.memory_space<vmem>> -> memref<128xi32, #tpu.memory_space<vmem>>
    %dma_start3A_853 = arith.constant 0 : i32
    %dma_start3A_854 = tpu.memref_slice %arg3[%dma_start3A_853] : memref<3200000xf32, #tpu.memory_space<hbm>> -> memref<3200000xf32, #tpu.memory_space<hbm>>
    tpu.enqueue_indirect_dma source(%dma_start3A_854 : memref<3200000xf32, #tpu.memory_space<hbm>>) target(%dma_start3A_850 : memref<128xf32, #tpu.memory_space<vmem>>) offsets(%dma_start3A_852 : memref<128xi32, #tpu.memory_space<vmem>>) semaphore(%arg15 : memref<!tpu.dma_semaphore, #tpu.memory_space<semaphore_mem>>)
    %dma_start3A_855 = arith.constant 1280 : i32
    %dma_start3A_856 = tpu.memref_slice %arg13[%dma_start3A_855] : memref<2048xf32, #tpu.memory_space<vmem>> -> memref<128xf32, #tpu.memory_space<vmem>>
    %dma_start3A_857 = arith.constant 1280 : i32
    %dma_start3A_858 = tpu.memref_slice %arg12[%dma_start3A_857] : memref<2048xi32, #tpu.memory_space<vmem>> -> memref<128xi32, #tpu.memory_space<vmem>>
    %dma_start3A_859 = arith.constant 0 : i32
    %dma_start3A_860 = tpu.memref_slice %arg3[%dma_start3A_859] : memref<3200000xf32, #tpu.memory_space<hbm>> -> memref<3200000xf32, #tpu.memory_space<hbm>>
    tpu.enqueue_indirect_dma source(%dma_start3A_860 : memref<3200000xf32, #tpu.memory_space<hbm>>) target(%dma_start3A_856 : memref<128xf32, #tpu.memory_space<vmem>>) offsets(%dma_start3A_858 : memref<128xi32, #tpu.memory_space<vmem>>) semaphore(%arg15 : memref<!tpu.dma_semaphore, #tpu.memory_space<semaphore_mem>>)
    %dma_start3A_861 = arith.constant 1408 : i32
    %dma_start3A_862 = tpu.memref_slice %arg13[%dma_start3A_861] : memref<2048xf32, #tpu.memory_space<vmem>> -> memref<128xf32, #tpu.memory_space<vmem>>
    %dma_start3A_863 = arith.constant 1408 : i32
    %dma_start3A_864 = tpu.memref_slice %arg12[%dma_start3A_863] : memref<2048xi32, #tpu.memory_space<vmem>> -> memref<128xi32, #tpu.memory_space<vmem>>
    %dma_start3A_865 = arith.constant 0 : i32
    %dma_start3A_866 = tpu.memref_slice %arg3[%dma_start3A_865] : memref<3200000xf32, #tpu.memory_space<hbm>> -> memref<3200000xf32, #tpu.memory_space<hbm>>
    tpu.enqueue_indirect_dma source(%dma_start3A_866 : memref<3200000xf32, #tpu.memory_space<hbm>>) target(%dma_start3A_862 : memref<128xf32, #tpu.memory_space<vmem>>) offsets(%dma_start3A_864 : memref<128xi32, #tpu.memory_space<vmem>>) semaphore(%arg15 : memref<!tpu.dma_semaphore, #tpu.memory_space<semaphore_mem>>)
    %dma_start3A_867 = arith.constant 1536 : i32
    %dma_start3A_868 = tpu.memref_slice %arg13[%dma_start3A_867] : memref<2048xf32, #tpu.memory_space<vmem>> -> memref<128xf32, #tpu.memory_space<vmem>>
    %dma_start3A_869 = arith.constant 1536 : i32
    %dma_start3A_870 = tpu.memref_slice %arg12[%dma_start3A_869] : memref<2048xi32, #tpu.memory_space<vmem>> -> memref<128xi32, #tpu.memory_space<vmem>>
    %dma_start3A_871 = arith.constant 0 : i32
    %dma_start3A_872 = tpu.memref_slice %arg3[%dma_start3A_871] : memref<3200000xf32, #tpu.memory_space<hbm>> -> memref<3200000xf32, #tpu.memory_space<hbm>>
    tpu.enqueue_indirect_dma source(%dma_start3A_872 : memref<3200000xf32, #tpu.memory_space<hbm>>) target(%dma_start3A_868 : memref<128xf32, #tpu.memory_space<vmem>>) offsets(%dma_start3A_870 : memref<128xi32, #tpu.memory_space<vmem>>) semaphore(%arg15 : memref<!tpu.dma_semaphore, #tpu.memory_space<semaphore_mem>>)
    %dma_start3A_873 = arith.constant 1664 : i32
    %dma_start3A_874 = tpu.memref_slice %arg13[%dma_start3A_873] : memref<2048xf32, #tpu.memory_space<vmem>> -> memref<128xf32, #tpu.memory_space<vmem>>
    %dma_start3A_875 = arith.constant 1664 : i32
    %dma_start3A_876 = tpu.memref_slice %arg12[%dma_start3A_875] : memref<2048xi32, #tpu.memory_space<vmem>> -> memref<128xi32, #tpu.memory_space<vmem>>
    %dma_start3A_877 = arith.constant 0 : i32
    %dma_start3A_878 = tpu.memref_slice %arg3[%dma_start3A_877] : memref<3200000xf32, #tpu.memory_space<hbm>> -> memref<3200000xf32, #tpu.memory_space<hbm>>
    tpu.enqueue_indirect_dma source(%dma_start3A_878 : memref<3200000xf32, #tpu.memory_space<hbm>>) target(%dma_start3A_874 : memref<128xf32, #tpu.memory_space<vmem>>) offsets(%dma_start3A_876 : memref<128xi32, #tpu.memory_space<vmem>>) semaphore(%arg15 : memref<!tpu.dma_semaphore, #tpu.memory_space<semaphore_mem>>)
    %dma_start3A_879 = arith.constant 1792 : i32
    %dma_start3A_880 = tpu.memref_slice %arg13[%dma_start3A_879] : memref<2048xf32, #tpu.memory_space<vmem>> -> memref<128xf32, #tpu.memory_space<vmem>>
    %dma_start3A_881 = arith.constant 1792 : i32
    %dma_start3A_882 = tpu.memref_slice %arg12[%dma_start3A_881] : memref<2048xi32, #tpu.memory_space<vmem>> -> memref<128xi32, #tpu.memory_space<vmem>>
    %dma_start3A_883 = arith.constant 0 : i32
    %dma_start3A_884 = tpu.memref_slice %arg3[%dma_start3A_883] : memref<3200000xf32, #tpu.memory_space<hbm>> -> memref<3200000xf32, #tpu.memory_space<hbm>>
    tpu.enqueue_indirect_dma source(%dma_start3A_884 : memref<3200000xf32, #tpu.memory_space<hbm>>) target(%dma_start3A_880 : memref<128xf32, #tpu.memory_space<vmem>>) offsets(%dma_start3A_882 : memref<128xi32, #tpu.memory_space<vmem>>) semaphore(%arg15 : memref<!tpu.dma_semaphore, #tpu.memory_space<semaphore_mem>>)
    %dma_start3A_885 = arith.constant 1920 : i32
    %dma_start3A_886 = tpu.memref_slice %arg13[%dma_start3A_885] : memref<2048xf32, #tpu.memory_space<vmem>> -> memref<128xf32, #tpu.memory_space<vmem>>
    %dma_start3A_887 = arith.constant 1920 : i32
    %dma_start3A_888 = tpu.memref_slice %arg12[%dma_start3A_887] : memref<2048xi32, #tpu.memory_space<vmem>> -> memref<128xi32, #tpu.memory_space<vmem>>
    %dma_start3A_889 = arith.constant 0 : i32
    %dma_start3A_890 = tpu.memref_slice %arg3[%dma_start3A_889] : memref<3200000xf32, #tpu.memory_space<hbm>> -> memref<3200000xf32, #tpu.memory_space<hbm>>
    tpu.enqueue_indirect_dma source(%dma_start3A_890 : memref<3200000xf32, #tpu.memory_space<hbm>>) target(%dma_start3A_886 : memref<128xf32, #tpu.memory_space<vmem>>) offsets(%dma_start3A_888 : memref<128xi32, #tpu.memory_space<vmem>>) semaphore(%arg15 : memref<!tpu.dma_semaphore, #tpu.memory_space<semaphore_mem>>)
    %dma_wait3A_891 = arith.constant 0 : i32
    %dma_wait3A_892 = tpu.memref_slice %arg13[%dma_wait3A_891] : memref<2048xf32, #tpu.memory_space<vmem>> -> memref<128xf32, #tpu.memory_space<vmem>>
    %dma_wait3A_893 = arith.constant 0 : i32
    %dma_wait3A_894 = tpu.memref_slice %arg12[%dma_wait3A_893] : memref<2048xi32, #tpu.memory_space<vmem>> -> memref<128xi32, #tpu.memory_space<vmem>>
    %dma_wait3A_895 = arith.constant 0 : i32
    %dma_wait3A_896 = tpu.memref_slice %arg3[%dma_wait3A_895] : memref<3200000xf32, #tpu.memory_space<hbm>> -> memref<3200000xf32, #tpu.memory_space<hbm>>
    tpu.wait_indirect_dma semaphore(%arg15 : memref<!tpu.dma_semaphore, #tpu.memory_space<semaphore_mem>>) src(%dma_wait3A_896 : memref<3200000xf32, #tpu.memory_space<hbm>>) dst(%dma_wait3A_892 : memref<128xf32, #tpu.memory_space<vmem>>)
    %dma_wait3A_897 = arith.constant 128 : i32
    %dma_wait3A_898 = tpu.memref_slice %arg13[%dma_wait3A_897] : memref<2048xf32, #tpu.memory_space<vmem>> -> memref<128xf32, #tpu.memory_space<vmem>>
    %dma_wait3A_899 = arith.constant 128 : i32
    %dma_wait3A_900 = tpu.memref_slice %arg12[%dma_wait3A_899] : memref<2048xi32, #tpu.memory_space<vmem>> -> memref<128xi32, #tpu.memory_space<vmem>>
    %dma_wait3A_901 = arith.constant 0 : i32
    %dma_wait3A_902 = tpu.memref_slice %arg3[%dma_wait3A_901] : memref<3200000xf32, #tpu.memory_space<hbm>> -> memref<3200000xf32, #tpu.memory_space<hbm>>
    tpu.wait_indirect_dma semaphore(%arg15 : memref<!tpu.dma_semaphore, #tpu.memory_space<semaphore_mem>>) src(%dma_wait3A_902 : memref<3200000xf32, #tpu.memory_space<hbm>>) dst(%dma_wait3A_898 : memref<128xf32, #tpu.memory_space<vmem>>)
    %dma_wait3A_903 = arith.constant 256 : i32
    %dma_wait3A_904 = tpu.memref_slice %arg13[%dma_wait3A_903] : memref<2048xf32, #tpu.memory_space<vmem>> -> memref<128xf32, #tpu.memory_space<vmem>>
    %dma_wait3A_905 = arith.constant 256 : i32
    %dma_wait3A_906 = tpu.memref_slice %arg12[%dma_wait3A_905] : memref<2048xi32, #tpu.memory_space<vmem>> -> memref<128xi32, #tpu.memory_space<vmem>>
    %dma_wait3A_907 = arith.constant 0 : i32
    %dma_wait3A_908 = tpu.memref_slice %arg3[%dma_wait3A_907] : memref<3200000xf32, #tpu.memory_space<hbm>> -> memref<3200000xf32, #tpu.memory_space<hbm>>
    tpu.wait_indirect_dma semaphore(%arg15 : memref<!tpu.dma_semaphore, #tpu.memory_space<semaphore_mem>>) src(%dma_wait3A_908 : memref<3200000xf32, #tpu.memory_space<hbm>>) dst(%dma_wait3A_904 : memref<128xf32, #tpu.memory_space<vmem>>)
    %dma_wait3A_909 = arith.constant 384 : i32
    %dma_wait3A_910 = tpu.memref_slice %arg13[%dma_wait3A_909] : memref<2048xf32, #tpu.memory_space<vmem>> -> memref<128xf32, #tpu.memory_space<vmem>>
    %dma_wait3A_911 = arith.constant 384 : i32
    %dma_wait3A_912 = tpu.memref_slice %arg12[%dma_wait3A_911] : memref<2048xi32, #tpu.memory_space<vmem>> -> memref<128xi32, #tpu.memory_space<vmem>>
    %dma_wait3A_913 = arith.constant 0 : i32
    %dma_wait3A_914 = tpu.memref_slice %arg3[%dma_wait3A_913] : memref<3200000xf32, #tpu.memory_space<hbm>> -> memref<3200000xf32, #tpu.memory_space<hbm>>
    tpu.wait_indirect_dma semaphore(%arg15 : memref<!tpu.dma_semaphore, #tpu.memory_space<semaphore_mem>>) src(%dma_wait3A_914 : memref<3200000xf32, #tpu.memory_space<hbm>>) dst(%dma_wait3A_910 : memref<128xf32, #tpu.memory_space<vmem>>)
    %dma_wait3A_915 = arith.constant 512 : i32
    %dma_wait3A_916 = tpu.memref_slice %arg13[%dma_wait3A_915] : memref<2048xf32, #tpu.memory_space<vmem>> -> memref<128xf32, #tpu.memory_space<vmem>>
    %dma_wait3A_917 = arith.constant 512 : i32
    %dma_wait3A_918 = tpu.memref_slice %arg12[%dma_wait3A_917] : memref<2048xi32, #tpu.memory_space<vmem>> -> memref<128xi32, #tpu.memory_space<vmem>>
    %dma_wait3A_919 = arith.constant 0 : i32
    %dma_wait3A_920 = tpu.memref_slice %arg3[%dma_wait3A_919] : memref<3200000xf32, #tpu.memory_space<hbm>> -> memref<3200000xf32, #tpu.memory_space<hbm>>
    tpu.wait_indirect_dma semaphore(%arg15 : memref<!tpu.dma_semaphore, #tpu.memory_space<semaphore_mem>>) src(%dma_wait3A_920 : memref<3200000xf32, #tpu.memory_space<hbm>>) dst(%dma_wait3A_916 : memref<128xf32, #tpu.memory_space<vmem>>)
    %dma_wait3A_921 = arith.constant 640 : i32
    %dma_wait3A_922 = tpu.memref_slice %arg13[%dma_wait3A_921] : memref<2048xf32, #tpu.memory_space<vmem>> -> memref<128xf32, #tpu.memory_space<vmem>>
    %dma_wait3A_923 = arith.constant 640 : i32
    %dma_wait3A_924 = tpu.memref_slice %arg12[%dma_wait3A_923] : memref<2048xi32, #tpu.memory_space<vmem>> -> memref<128xi32, #tpu.memory_space<vmem>>
    %dma_wait3A_925 = arith.constant 0 : i32
    %dma_wait3A_926 = tpu.memref_slice %arg3[%dma_wait3A_925] : memref<3200000xf32, #tpu.memory_space<hbm>> -> memref<3200000xf32, #tpu.memory_space<hbm>>
    tpu.wait_indirect_dma semaphore(%arg15 : memref<!tpu.dma_semaphore, #tpu.memory_space<semaphore_mem>>) src(%dma_wait3A_926 : memref<3200000xf32, #tpu.memory_space<hbm>>) dst(%dma_wait3A_922 : memref<128xf32, #tpu.memory_space<vmem>>)
    %dma_wait3A_927 = arith.constant 768 : i32
    %dma_wait3A_928 = tpu.memref_slice %arg13[%dma_wait3A_927] : memref<2048xf32, #tpu.memory_space<vmem>> -> memref<128xf32, #tpu.memory_space<vmem>>
    %dma_wait3A_929 = arith.constant 768 : i32
    %dma_wait3A_930 = tpu.memref_slice %arg12[%dma_wait3A_929] : memref<2048xi32, #tpu.memory_space<vmem>> -> memref<128xi32, #tpu.memory_space<vmem>>
    %dma_wait3A_931 = arith.constant 0 : i32
    %dma_wait3A_932 = tpu.memref_slice %arg3[%dma_wait3A_931] : memref<3200000xf32, #tpu.memory_space<hbm>> -> memref<3200000xf32, #tpu.memory_space<hbm>>
    tpu.wait_indirect_dma semaphore(%arg15 : memref<!tpu.dma_semaphore, #tpu.memory_space<semaphore_mem>>) src(%dma_wait3A_932 : memref<3200000xf32, #tpu.memory_space<hbm>>) dst(%dma_wait3A_928 : memref<128xf32, #tpu.memory_space<vmem>>)
    %dma_wait3A_933 = arith.constant 896 : i32
    %dma_wait3A_934 = tpu.memref_slice %arg13[%dma_wait3A_933] : memref<2048xf32, #tpu.memory_space<vmem>> -> memref<128xf32, #tpu.memory_space<vmem>>
    %dma_wait3A_935 = arith.constant 896 : i32
    %dma_wait3A_936 = tpu.memref_slice %arg12[%dma_wait3A_935] : memref<2048xi32, #tpu.memory_space<vmem>> -> memref<128xi32, #tpu.memory_space<vmem>>
    %dma_wait3A_937 = arith.constant 0 : i32
    %dma_wait3A_938 = tpu.memref_slice %arg3[%dma_wait3A_937] : memref<3200000xf32, #tpu.memory_space<hbm>> -> memref<3200000xf32, #tpu.memory_space<hbm>>
    tpu.wait_indirect_dma semaphore(%arg15 : memref<!tpu.dma_semaphore, #tpu.memory_space<semaphore_mem>>) src(%dma_wait3A_938 : memref<3200000xf32, #tpu.memory_space<hbm>>) dst(%dma_wait3A_934 : memref<128xf32, #tpu.memory_space<vmem>>)
    %dma_wait3A_939 = arith.constant 1024 : i32
    %dma_wait3A_940 = tpu.memref_slice %arg13[%dma_wait3A_939] : memref<2048xf32, #tpu.memory_space<vmem>> -> memref<128xf32, #tpu.memory_space<vmem>>
    %dma_wait3A_941 = arith.constant 1024 : i32
    %dma_wait3A_942 = tpu.memref_slice %arg12[%dma_wait3A_941] : memref<2048xi32, #tpu.memory_space<vmem>> -> memref<128xi32, #tpu.memory_space<vmem>>
    %dma_wait3A_943 = arith.constant 0 : i32
    %dma_wait3A_944 = tpu.memref_slice %arg3[%dma_wait3A_943] : memref<3200000xf32, #tpu.memory_space<hbm>> -> memref<3200000xf32, #tpu.memory_space<hbm>>
    tpu.wait_indirect_dma semaphore(%arg15 : memref<!tpu.dma_semaphore, #tpu.memory_space<semaphore_mem>>) src(%dma_wait3A_944 : memref<3200000xf32, #tpu.memory_space<hbm>>) dst(%dma_wait3A_940 : memref<128xf32, #tpu.memory_space<vmem>>)
    %dma_wait3A_945 = arith.constant 1152 : i32
    %dma_wait3A_946 = tpu.memref_slice %arg13[%dma_wait3A_945] : memref<2048xf32, #tpu.memory_space<vmem>> -> memref<128xf32, #tpu.memory_space<vmem>>
    %dma_wait3A_947 = arith.constant 1152 : i32
    %dma_wait3A_948 = tpu.memref_slice %arg12[%dma_wait3A_947] : memref<2048xi32, #tpu.memory_space<vmem>> -> memref<128xi32, #tpu.memory_space<vmem>>
    %dma_wait3A_949 = arith.constant 0 : i32
    %dma_wait3A_950 = tpu.memref_slice %arg3[%dma_wait3A_949] : memref<3200000xf32, #tpu.memory_space<hbm>> -> memref<3200000xf32, #tpu.memory_space<hbm>>
    tpu.wait_indirect_dma semaphore(%arg15 : memref<!tpu.dma_semaphore, #tpu.memory_space<semaphore_mem>>) src(%dma_wait3A_950 : memref<3200000xf32, #tpu.memory_space<hbm>>) dst(%dma_wait3A_946 : memref<128xf32, #tpu.memory_space<vmem>>)
    %dma_wait3A_951 = arith.constant 1280 : i32
    %dma_wait3A_952 = tpu.memref_slice %arg13[%dma_wait3A_951] : memref<2048xf32, #tpu.memory_space<vmem>> -> memref<128xf32, #tpu.memory_space<vmem>>
    %dma_wait3A_953 = arith.constant 1280 : i32
    %dma_wait3A_954 = tpu.memref_slice %arg12[%dma_wait3A_953] : memref<2048xi32, #tpu.memory_space<vmem>> -> memref<128xi32, #tpu.memory_space<vmem>>
    %dma_wait3A_955 = arith.constant 0 : i32
    %dma_wait3A_956 = tpu.memref_slice %arg3[%dma_wait3A_955] : memref<3200000xf32, #tpu.memory_space<hbm>> -> memref<3200000xf32, #tpu.memory_space<hbm>>
    tpu.wait_indirect_dma semaphore(%arg15 : memref<!tpu.dma_semaphore, #tpu.memory_space<semaphore_mem>>) src(%dma_wait3A_956 : memref<3200000xf32, #tpu.memory_space<hbm>>) dst(%dma_wait3A_952 : memref<128xf32, #tpu.memory_space<vmem>>)
    %dma_wait3A_957 = arith.constant 1408 : i32
    %dma_wait3A_958 = tpu.memref_slice %arg13[%dma_wait3A_957] : memref<2048xf32, #tpu.memory_space<vmem>> -> memref<128xf32, #tpu.memory_space<vmem>>
    %dma_wait3A_959 = arith.constant 1408 : i32
    %dma_wait3A_960 = tpu.memref_slice %arg12[%dma_wait3A_959] : memref<2048xi32, #tpu.memory_space<vmem>> -> memref<128xi32, #tpu.memory_space<vmem>>
    %dma_wait3A_961 = arith.constant 0 : i32
    %dma_wait3A_962 = tpu.memref_slice %arg3[%dma_wait3A_961] : memref<3200000xf32, #tpu.memory_space<hbm>> -> memref<3200000xf32, #tpu.memory_space<hbm>>
    tpu.wait_indirect_dma semaphore(%arg15 : memref<!tpu.dma_semaphore, #tpu.memory_space<semaphore_mem>>) src(%dma_wait3A_962 : memref<3200000xf32, #tpu.memory_space<hbm>>) dst(%dma_wait3A_958 : memref<128xf32, #tpu.memory_space<vmem>>)
    %dma_wait3A_963 = arith.constant 1536 : i32
    %dma_wait3A_964 = tpu.memref_slice %arg13[%dma_wait3A_963] : memref<2048xf32, #tpu.memory_space<vmem>> -> memref<128xf32, #tpu.memory_space<vmem>>
    %dma_wait3A_965 = arith.constant 1536 : i32
    %dma_wait3A_966 = tpu.memref_slice %arg12[%dma_wait3A_965] : memref<2048xi32, #tpu.memory_space<vmem>> -> memref<128xi32, #tpu.memory_space<vmem>>
    %dma_wait3A_967 = arith.constant 0 : i32
    %dma_wait3A_968 = tpu.memref_slice %arg3[%dma_wait3A_967] : memref<3200000xf32, #tpu.memory_space<hbm>> -> memref<3200000xf32, #tpu.memory_space<hbm>>
    tpu.wait_indirect_dma semaphore(%arg15 : memref<!tpu.dma_semaphore, #tpu.memory_space<semaphore_mem>>) src(%dma_wait3A_968 : memref<3200000xf32, #tpu.memory_space<hbm>>) dst(%dma_wait3A_964 : memref<128xf32, #tpu.memory_space<vmem>>)
    %dma_wait3A_969 = arith.constant 1664 : i32
    %dma_wait3A_970 = tpu.memref_slice %arg13[%dma_wait3A_969] : memref<2048xf32, #tpu.memory_space<vmem>> -> memref<128xf32, #tpu.memory_space<vmem>>
    %dma_wait3A_971 = arith.constant 1664 : i32
    %dma_wait3A_972 = tpu.memref_slice %arg12[%dma_wait3A_971] : memref<2048xi32, #tpu.memory_space<vmem>> -> memref<128xi32, #tpu.memory_space<vmem>>
    %dma_wait3A_973 = arith.constant 0 : i32
    %dma_wait3A_974 = tpu.memref_slice %arg3[%dma_wait3A_973] : memref<3200000xf32, #tpu.memory_space<hbm>> -> memref<3200000xf32, #tpu.memory_space<hbm>>
    tpu.wait_indirect_dma semaphore(%arg15 : memref<!tpu.dma_semaphore, #tpu.memory_space<semaphore_mem>>) src(%dma_wait3A_974 : memref<3200000xf32, #tpu.memory_space<hbm>>) dst(%dma_wait3A_970 : memref<128xf32, #tpu.memory_space<vmem>>)
    %dma_wait3A_975 = arith.constant 1792 : i32
    %dma_wait3A_976 = tpu.memref_slice %arg13[%dma_wait3A_975] : memref<2048xf32, #tpu.memory_space<vmem>> -> memref<128xf32, #tpu.memory_space<vmem>>
    %dma_wait3A_977 = arith.constant 1792 : i32
    %dma_wait3A_978 = tpu.memref_slice %arg12[%dma_wait3A_977] : memref<2048xi32, #tpu.memory_space<vmem>> -> memref<128xi32, #tpu.memory_space<vmem>>
    %dma_wait3A_979 = arith.constant 0 : i32
    %dma_wait3A_980 = tpu.memref_slice %arg3[%dma_wait3A_979] : memref<3200000xf32, #tpu.memory_space<hbm>> -> memref<3200000xf32, #tpu.memory_space<hbm>>
    tpu.wait_indirect_dma semaphore(%arg15 : memref<!tpu.dma_semaphore, #tpu.memory_space<semaphore_mem>>) src(%dma_wait3A_980 : memref<3200000xf32, #tpu.memory_space<hbm>>) dst(%dma_wait3A_976 : memref<128xf32, #tpu.memory_space<vmem>>)
    %dma_wait3A_981 = arith.constant 1920 : i32
    %dma_wait3A_982 = tpu.memref_slice %arg13[%dma_wait3A_981] : memref<2048xf32, #tpu.memory_space<vmem>> -> memref<128xf32, #tpu.memory_space<vmem>>
    %dma_wait3A_983 = arith.constant 1920 : i32
    %dma_wait3A_984 = tpu.memref_slice %arg12[%dma_wait3A_983] : memref<2048xi32, #tpu.memory_space<vmem>> -> memref<128xi32, #tpu.memory_space<vmem>>
    %dma_wait3A_985 = arith.constant 0 : i32
    %dma_wait3A_986 = tpu.memref_slice %arg3[%dma_wait3A_985] : memref<3200000xf32, #tpu.memory_space<hbm>> -> memref<3200000xf32, #tpu.memory_space<hbm>>
    tpu.wait_indirect_dma semaphore(%arg15 : memref<!tpu.dma_semaphore, #tpu.memory_space<semaphore_mem>>) src(%dma_wait3A_986 : memref<3200000xf32, #tpu.memory_space<hbm>>) dst(%dma_wait3A_982 : memref<128xf32, #tpu.memory_space<vmem>>)
    %mul3A_987 = arith.constant 16 : i32
    %mul3A_988 = arith.muli %mul3A_2, %mul3A_987 : i32
    %run_scoped3A_989 = arith.constant 0 : i32
    "tpu.region"() ({
      %run_scoped3A_1192 = tpu.sem_alloc : memref<!tpu.dma_semaphore, #tpu.memory_space<semaphore_mem>>
      %dma_start3A_1193 = tpu.memref_slice %arg9[%run_scoped3A_989, %mul3A_988] : memref<2x65536xf32, #tpu.memory_space<hbm>> -> memref<1x2048xf32, #tpu.memory_space<hbm>>
      %dma_start3A_1194 = tpu.memref_squeeze %dma_start3A_1193 : memref<1x2048xf32, #tpu.memory_space<hbm>> -> memref<2048xf32, #tpu.memory_space<hbm>>
      %dma_start3A_1195 = tpu.memref_slice %arg9[%run_scoped3A_989, %mul3A_988] : memref<2x65536xf32, #tpu.memory_space<hbm>> -> memref<1x2048xf32, #tpu.memory_space<hbm>>
      %dma_start3A_1196 = tpu.memref_squeeze %dma_start3A_1195 : memref<1x2048xf32, #tpu.memory_space<hbm>> -> memref<2048xf32, #tpu.memory_space<hbm>>
      tpu.enqueue_dma source(%arg13 : memref<2048xf32, #tpu.memory_space<vmem>>) target(%dma_start3A_1196 : memref<2048xf32, #tpu.memory_space<hbm>>) target_semaphore(%run_scoped3A_1192 : memref<!tpu.dma_semaphore, #tpu.memory_space<semaphore_mem>>)
      %dma_wait3A_1197 = tpu.memref_slice %arg9[%run_scoped3A_989, %mul3A_988] : memref<2x65536xf32, #tpu.memory_space<hbm>> -> memref<1x2048xf32, #tpu.memory_space<hbm>>
      %dma_wait3A_1198 = tpu.memref_squeeze %dma_wait3A_1197 : memref<1x2048xf32, #tpu.memory_space<hbm>> -> memref<2048xf32, #tpu.memory_space<hbm>>
      %dma_wait3A_1199 = tpu.memref_slice %arg9[%run_scoped3A_989, %mul3A_988] : memref<2x65536xf32, #tpu.memory_space<hbm>> -> memref<1x2048xf32, #tpu.memory_space<hbm>>
      %dma_wait3A_1200 = tpu.memref_squeeze %dma_wait3A_1199 : memref<1x2048xf32, #tpu.memory_space<hbm>> -> memref<2048xf32, #tpu.memory_space<hbm>>
      tpu.wait_dma2 semaphore(%run_scoped3A_1192 : memref<!tpu.dma_semaphore, #tpu.memory_space<semaphore_mem>>) src(%arg13 : memref<2048xf32, #tpu.memory_space<vmem>>) dst(%dma_wait3A_1200 : memref<2048xf32, #tpu.memory_space<hbm>>)
      tpu.yield
    }) : () -> ()
    %mul3A_990 = arith.constant 16 : i32
    %mul3A_991 = arith.muli %mul3A_2, %mul3A_990 : i32
    %run_scoped3A_992 = arith.constant 1 : i32
    "tpu.region"() ({
      %run_scoped3A_1192 = tpu.sem_alloc : memref<!tpu.dma_semaphore, #tpu.memory_space<semaphore_mem>>
      %dma_start3A_1193 = tpu.memref_slice %arg6[%run_scoped3A_992, %mul3A_991] : memref<2x65536xi32, #tpu.memory_space<hbm>> -> memref<1x2048xi32, #tpu.memory_space<hbm>>
      %dma_start3A_1194 = tpu.memref_squeeze %dma_start3A_1193 : memref<1x2048xi32, #tpu.memory_space<hbm>> -> memref<2048xi32, #tpu.memory_space<hbm>>
      %dma_start3A_1195 = tpu.memref_slice %arg6[%run_scoped3A_992, %mul3A_991] : memref<2x65536xi32, #tpu.memory_space<hbm>> -> memref<1x2048xi32, #tpu.memory_space<hbm>>
      %dma_start3A_1196 = tpu.memref_squeeze %dma_start3A_1195 : memref<1x2048xi32, #tpu.memory_space<hbm>> -> memref<2048xi32, #tpu.memory_space<hbm>>
      tpu.enqueue_dma source(%dma_start3A_1196 : memref<2048xi32, #tpu.memory_space<hbm>>) target(%arg12 : memref<2048xi32, #tpu.memory_space<vmem>>) target_semaphore(%run_scoped3A_1192 : memref<!tpu.dma_semaphore, #tpu.memory_space<semaphore_mem>>)
      %dma_wait3A_1197 = tpu.memref_slice %arg6[%run_scoped3A_992, %mul3A_991] : memref<2x65536xi32, #tpu.memory_space<hbm>> -> memref<1x2048xi32, #tpu.memory_space<hbm>>
      %dma_wait3A_1198 = tpu.memref_squeeze %dma_wait3A_1197 : memref<1x2048xi32, #tpu.memory_space<hbm>> -> memref<2048xi32, #tpu.memory_space<hbm>>
      %dma_wait3A_1199 = tpu.memref_slice %arg6[%run_scoped3A_992, %mul3A_991] : memref<2x65536xi32, #tpu.memory_space<hbm>> -> memref<1x2048xi32, #tpu.memory_space<hbm>>
      %dma_wait3A_1200 = tpu.memref_squeeze %dma_wait3A_1199 : memref<1x2048xi32, #tpu.memory_space<hbm>> -> memref<2048xi32, #tpu.memory_space<hbm>>
      tpu.wait_dma2 semaphore(%run_scoped3A_1192 : memref<!tpu.dma_semaphore, #tpu.memory_space<semaphore_mem>>) src(%dma_wait3A_1200 : memref<2048xi32, #tpu.memory_space<hbm>>) dst(%arg12 : memref<2048xi32, #tpu.memory_space<vmem>>)
      tpu.yield
    }) : () -> ()
    %dma_start3A_993 = arith.constant 0 : i32
    %dma_start3A_994 = tpu.memref_slice %arg13[%dma_start3A_993] : memref<2048xf32, #tpu.memory_space<vmem>> -> memref<128xf32, #tpu.memory_space<vmem>>
    %dma_start3A_995 = arith.constant 0 : i32
    %dma_start3A_996 = tpu.memref_slice %arg12[%dma_start3A_995] : memref<2048xi32, #tpu.memory_space<vmem>> -> memref<128xi32, #tpu.memory_space<vmem>>
    %dma_start3A_997 = arith.constant 0 : i32
    %dma_start3A_998 = tpu.memref_slice %arg3[%dma_start3A_997] : memref<3200000xf32, #tpu.memory_space<hbm>> -> memref<3200000xf32, #tpu.memory_space<hbm>>
    tpu.enqueue_indirect_dma source(%dma_start3A_998 : memref<3200000xf32, #tpu.memory_space<hbm>>) target(%dma_start3A_994 : memref<128xf32, #tpu.memory_space<vmem>>) offsets(%dma_start3A_996 : memref<128xi32, #tpu.memory_space<vmem>>) semaphore(%arg15 : memref<!tpu.dma_semaphore, #tpu.memory_space<semaphore_mem>>)
    %dma_start3A_999 = arith.constant 128 : i32
    %dma_start3A_1000 = tpu.memref_slice %arg13[%dma_start3A_999] : memref<2048xf32, #tpu.memory_space<vmem>> -> memref<128xf32, #tpu.memory_space<vmem>>
    %dma_start3A_1001 = arith.constant 128 : i32
    %dma_start3A_1002 = tpu.memref_slice %arg12[%dma_start3A_1001] : memref<2048xi32, #tpu.memory_space<vmem>> -> memref<128xi32, #tpu.memory_space<vmem>>
    %dma_start3A_1003 = arith.constant 0 : i32
    %dma_start3A_1004 = tpu.memref_slice %arg3[%dma_start3A_1003] : memref<3200000xf32, #tpu.memory_space<hbm>> -> memref<3200000xf32, #tpu.memory_space<hbm>>
    tpu.enqueue_indirect_dma source(%dma_start3A_1004 : memref<3200000xf32, #tpu.memory_space<hbm>>) target(%dma_start3A_1000 : memref<128xf32, #tpu.memory_space<vmem>>) offsets(%dma_start3A_1002 : memref<128xi32, #tpu.memory_space<vmem>>) semaphore(%arg15 : memref<!tpu.dma_semaphore, #tpu.memory_space<semaphore_mem>>)
    %dma_start3A_1005 = arith.constant 256 : i32
    %dma_start3A_1006 = tpu.memref_slice %arg13[%dma_start3A_1005] : memref<2048xf32, #tpu.memory_space<vmem>> -> memref<128xf32, #tpu.memory_space<vmem>>
    %dma_start3A_1007 = arith.constant 256 : i32
    %dma_start3A_1008 = tpu.memref_slice %arg12[%dma_start3A_1007] : memref<2048xi32, #tpu.memory_space<vmem>> -> memref<128xi32, #tpu.memory_space<vmem>>
    %dma_start3A_1009 = arith.constant 0 : i32
    %dma_start3A_1010 = tpu.memref_slice %arg3[%dma_start3A_1009] : memref<3200000xf32, #tpu.memory_space<hbm>> -> memref<3200000xf32, #tpu.memory_space<hbm>>
    tpu.enqueue_indirect_dma source(%dma_start3A_1010 : memref<3200000xf32, #tpu.memory_space<hbm>>) target(%dma_start3A_1006 : memref<128xf32, #tpu.memory_space<vmem>>) offsets(%dma_start3A_1008 : memref<128xi32, #tpu.memory_space<vmem>>) semaphore(%arg15 : memref<!tpu.dma_semaphore, #tpu.memory_space<semaphore_mem>>)
    %dma_start3A_1011 = arith.constant 384 : i32
    %dma_start3A_1012 = tpu.memref_slice %arg13[%dma_start3A_1011] : memref<2048xf32, #tpu.memory_space<vmem>> -> memref<128xf32, #tpu.memory_space<vmem>>
    %dma_start3A_1013 = arith.constant 384 : i32
    %dma_start3A_1014 = tpu.memref_slice %arg12[%dma_start3A_1013] : memref<2048xi32, #tpu.memory_space<vmem>> -> memref<128xi32, #tpu.memory_space<vmem>>
    %dma_start3A_1015 = arith.constant 0 : i32
    %dma_start3A_1016 = tpu.memref_slice %arg3[%dma_start3A_1015] : memref<3200000xf32, #tpu.memory_space<hbm>> -> memref<3200000xf32, #tpu.memory_space<hbm>>
    tpu.enqueue_indirect_dma source(%dma_start3A_1016 : memref<3200000xf32, #tpu.memory_space<hbm>>) target(%dma_start3A_1012 : memref<128xf32, #tpu.memory_space<vmem>>) offsets(%dma_start3A_1014 : memref<128xi32, #tpu.memory_space<vmem>>) semaphore(%arg15 : memref<!tpu.dma_semaphore, #tpu.memory_space<semaphore_mem>>)
    %dma_start3A_1017 = arith.constant 512 : i32
    %dma_start3A_1018 = tpu.memref_slice %arg13[%dma_start3A_1017] : memref<2048xf32, #tpu.memory_space<vmem>> -> memref<128xf32, #tpu.memory_space<vmem>>
    %dma_start3A_1019 = arith.constant 512 : i32
    %dma_start3A_1020 = tpu.memref_slice %arg12[%dma_start3A_1019] : memref<2048xi32, #tpu.memory_space<vmem>> -> memref<128xi32, #tpu.memory_space<vmem>>
    %dma_start3A_1021 = arith.constant 0 : i32
    %dma_start3A_1022 = tpu.memref_slice %arg3[%dma_start3A_1021] : memref<3200000xf32, #tpu.memory_space<hbm>> -> memref<3200000xf32, #tpu.memory_space<hbm>>
    tpu.enqueue_indirect_dma source(%dma_start3A_1022 : memref<3200000xf32, #tpu.memory_space<hbm>>) target(%dma_start3A_1018 : memref<128xf32, #tpu.memory_space<vmem>>) offsets(%dma_start3A_1020 : memref<128xi32, #tpu.memory_space<vmem>>) semaphore(%arg15 : memref<!tpu.dma_semaphore, #tpu.memory_space<semaphore_mem>>)
    %dma_start3A_1023 = arith.constant 640 : i32
    %dma_start3A_1024 = tpu.memref_slice %arg13[%dma_start3A_1023] : memref<2048xf32, #tpu.memory_space<vmem>> -> memref<128xf32, #tpu.memory_space<vmem>>
    %dma_start3A_1025 = arith.constant 640 : i32
    %dma_start3A_1026 = tpu.memref_slice %arg12[%dma_start3A_1025] : memref<2048xi32, #tpu.memory_space<vmem>> -> memref<128xi32, #tpu.memory_space<vmem>>
    %dma_start3A_1027 = arith.constant 0 : i32
    %dma_start3A_1028 = tpu.memref_slice %arg3[%dma_start3A_1027] : memref<3200000xf32, #tpu.memory_space<hbm>> -> memref<3200000xf32, #tpu.memory_space<hbm>>
    tpu.enqueue_indirect_dma source(%dma_start3A_1028 : memref<3200000xf32, #tpu.memory_space<hbm>>) target(%dma_start3A_1024 : memref<128xf32, #tpu.memory_space<vmem>>) offsets(%dma_start3A_1026 : memref<128xi32, #tpu.memory_space<vmem>>) semaphore(%arg15 : memref<!tpu.dma_semaphore, #tpu.memory_space<semaphore_mem>>)
    %dma_start3A_1029 = arith.constant 768 : i32
    %dma_start3A_1030 = tpu.memref_slice %arg13[%dma_start3A_1029] : memref<2048xf32, #tpu.memory_space<vmem>> -> memref<128xf32, #tpu.memory_space<vmem>>
    %dma_start3A_1031 = arith.constant 768 : i32
    %dma_start3A_1032 = tpu.memref_slice %arg12[%dma_start3A_1031] : memref<2048xi32, #tpu.memory_space<vmem>> -> memref<128xi32, #tpu.memory_space<vmem>>
    %dma_start3A_1033 = arith.constant 0 : i32
    %dma_start3A_1034 = tpu.memref_slice %arg3[%dma_start3A_1033] : memref<3200000xf32, #tpu.memory_space<hbm>> -> memref<3200000xf32, #tpu.memory_space<hbm>>
    tpu.enqueue_indirect_dma source(%dma_start3A_1034 : memref<3200000xf32, #tpu.memory_space<hbm>>) target(%dma_start3A_1030 : memref<128xf32, #tpu.memory_space<vmem>>) offsets(%dma_start3A_1032 : memref<128xi32, #tpu.memory_space<vmem>>) semaphore(%arg15 : memref<!tpu.dma_semaphore, #tpu.memory_space<semaphore_mem>>)
    %dma_start3A_1035 = arith.constant 896 : i32
    %dma_start3A_1036 = tpu.memref_slice %arg13[%dma_start3A_1035] : memref<2048xf32, #tpu.memory_space<vmem>> -> memref<128xf32, #tpu.memory_space<vmem>>
    %dma_start3A_1037 = arith.constant 896 : i32
    %dma_start3A_1038 = tpu.memref_slice %arg12[%dma_start3A_1037] : memref<2048xi32, #tpu.memory_space<vmem>> -> memref<128xi32, #tpu.memory_space<vmem>>
    %dma_start3A_1039 = arith.constant 0 : i32
    %dma_start3A_1040 = tpu.memref_slice %arg3[%dma_start3A_1039] : memref<3200000xf32, #tpu.memory_space<hbm>> -> memref<3200000xf32, #tpu.memory_space<hbm>>
    tpu.enqueue_indirect_dma source(%dma_start3A_1040 : memref<3200000xf32, #tpu.memory_space<hbm>>) target(%dma_start3A_1036 : memref<128xf32, #tpu.memory_space<vmem>>) offsets(%dma_start3A_1038 : memref<128xi32, #tpu.memory_space<vmem>>) semaphore(%arg15 : memref<!tpu.dma_semaphore, #tpu.memory_space<semaphore_mem>>)
    %dma_start3A_1041 = arith.constant 1024 : i32
    %dma_start3A_1042 = tpu.memref_slice %arg13[%dma_start3A_1041] : memref<2048xf32, #tpu.memory_space<vmem>> -> memref<128xf32, #tpu.memory_space<vmem>>
    %dma_start3A_1043 = arith.constant 1024 : i32
    %dma_start3A_1044 = tpu.memref_slice %arg12[%dma_start3A_1043] : memref<2048xi32, #tpu.memory_space<vmem>> -> memref<128xi32, #tpu.memory_space<vmem>>
    %dma_start3A_1045 = arith.constant 0 : i32
    %dma_start3A_1046 = tpu.memref_slice %arg3[%dma_start3A_1045] : memref<3200000xf32, #tpu.memory_space<hbm>> -> memref<3200000xf32, #tpu.memory_space<hbm>>
    tpu.enqueue_indirect_dma source(%dma_start3A_1046 : memref<3200000xf32, #tpu.memory_space<hbm>>) target(%dma_start3A_1042 : memref<128xf32, #tpu.memory_space<vmem>>) offsets(%dma_start3A_1044 : memref<128xi32, #tpu.memory_space<vmem>>) semaphore(%arg15 : memref<!tpu.dma_semaphore, #tpu.memory_space<semaphore_mem>>)
    %dma_start3A_1047 = arith.constant 1152 : i32
    %dma_start3A_1048 = tpu.memref_slice %arg13[%dma_start3A_1047] : memref<2048xf32, #tpu.memory_space<vmem>> -> memref<128xf32, #tpu.memory_space<vmem>>
    %dma_start3A_1049 = arith.constant 1152 : i32
    %dma_start3A_1050 = tpu.memref_slice %arg12[%dma_start3A_1049] : memref<2048xi32, #tpu.memory_space<vmem>> -> memref<128xi32, #tpu.memory_space<vmem>>
    %dma_start3A_1051 = arith.constant 0 : i32
    %dma_start3A_1052 = tpu.memref_slice %arg3[%dma_start3A_1051] : memref<3200000xf32, #tpu.memory_space<hbm>> -> memref<3200000xf32, #tpu.memory_space<hbm>>
    tpu.enqueue_indirect_dma source(%dma_start3A_1052 : memref<3200000xf32, #tpu.memory_space<hbm>>) target(%dma_start3A_1048 : memref<128xf32, #tpu.memory_space<vmem>>) offsets(%dma_start3A_1050 : memref<128xi32, #tpu.memory_space<vmem>>) semaphore(%arg15 : memref<!tpu.dma_semaphore, #tpu.memory_space<semaphore_mem>>)
    %dma_start3A_1053 = arith.constant 1280 : i32
    %dma_start3A_1054 = tpu.memref_slice %arg13[%dma_start3A_1053] : memref<2048xf32, #tpu.memory_space<vmem>> -> memref<128xf32, #tpu.memory_space<vmem>>
    %dma_start3A_1055 = arith.constant 1280 : i32
    %dma_start3A_1056 = tpu.memref_slice %arg12[%dma_start3A_1055] : memref<2048xi32, #tpu.memory_space<vmem>> -> memref<128xi32, #tpu.memory_space<vmem>>
    %dma_start3A_1057 = arith.constant 0 : i32
    %dma_start3A_1058 = tpu.memref_slice %arg3[%dma_start3A_1057] : memref<3200000xf32, #tpu.memory_space<hbm>> -> memref<3200000xf32, #tpu.memory_space<hbm>>
    tpu.enqueue_indirect_dma source(%dma_start3A_1058 : memref<3200000xf32, #tpu.memory_space<hbm>>) target(%dma_start3A_1054 : memref<128xf32, #tpu.memory_space<vmem>>) offsets(%dma_start3A_1056 : memref<128xi32, #tpu.memory_space<vmem>>) semaphore(%arg15 : memref<!tpu.dma_semaphore, #tpu.memory_space<semaphore_mem>>)
    %dma_start3A_1059 = arith.constant 1408 : i32
    %dma_start3A_1060 = tpu.memref_slice %arg13[%dma_start3A_1059] : memref<2048xf32, #tpu.memory_space<vmem>> -> memref<128xf32, #tpu.memory_space<vmem>>
    %dma_start3A_1061 = arith.constant 1408 : i32
    %dma_start3A_1062 = tpu.memref_slice %arg12[%dma_start3A_1061] : memref<2048xi32, #tpu.memory_space<vmem>> -> memref<128xi32, #tpu.memory_space<vmem>>
    %dma_start3A_1063 = arith.constant 0 : i32
    %dma_start3A_1064 = tpu.memref_slice %arg3[%dma_start3A_1063] : memref<3200000xf32, #tpu.memory_space<hbm>> -> memref<3200000xf32, #tpu.memory_space<hbm>>
    tpu.enqueue_indirect_dma source(%dma_start3A_1064 : memref<3200000xf32, #tpu.memory_space<hbm>>) target(%dma_start3A_1060 : memref<128xf32, #tpu.memory_space<vmem>>) offsets(%dma_start3A_1062 : memref<128xi32, #tpu.memory_space<vmem>>) semaphore(%arg15 : memref<!tpu.dma_semaphore, #tpu.memory_space<semaphore_mem>>)
    %dma_start3A_1065 = arith.constant 1536 : i32
    %dma_start3A_1066 = tpu.memref_slice %arg13[%dma_start3A_1065] : memref<2048xf32, #tpu.memory_space<vmem>> -> memref<128xf32, #tpu.memory_space<vmem>>
    %dma_start3A_1067 = arith.constant 1536 : i32
    %dma_start3A_1068 = tpu.memref_slice %arg12[%dma_start3A_1067] : memref<2048xi32, #tpu.memory_space<vmem>> -> memref<128xi32, #tpu.memory_space<vmem>>
    %dma_start3A_1069 = arith.constant 0 : i32
    %dma_start3A_1070 = tpu.memref_slice %arg3[%dma_start3A_1069] : memref<3200000xf32, #tpu.memory_space<hbm>> -> memref<3200000xf32, #tpu.memory_space<hbm>>
    tpu.enqueue_indirect_dma source(%dma_start3A_1070 : memref<3200000xf32, #tpu.memory_space<hbm>>) target(%dma_start3A_1066 : memref<128xf32, #tpu.memory_space<vmem>>) offsets(%dma_start3A_1068 : memref<128xi32, #tpu.memory_space<vmem>>) semaphore(%arg15 : memref<!tpu.dma_semaphore, #tpu.memory_space<semaphore_mem>>)
    %dma_start3A_1071 = arith.constant 1664 : i32
    %dma_start3A_1072 = tpu.memref_slice %arg13[%dma_start3A_1071] : memref<2048xf32, #tpu.memory_space<vmem>> -> memref<128xf32, #tpu.memory_space<vmem>>
    %dma_start3A_1073 = arith.constant 1664 : i32
    %dma_start3A_1074 = tpu.memref_slice %arg12[%dma_start3A_1073] : memref<2048xi32, #tpu.memory_space<vmem>> -> memref<128xi32, #tpu.memory_space<vmem>>
    %dma_start3A_1075 = arith.constant 0 : i32
    %dma_start3A_1076 = tpu.memref_slice %arg3[%dma_start3A_1075] : memref<3200000xf32, #tpu.memory_space<hbm>> -> memref<3200000xf32, #tpu.memory_space<hbm>>
    tpu.enqueue_indirect_dma source(%dma_start3A_1076 : memref<3200000xf32, #tpu.memory_space<hbm>>) target(%dma_start3A_1072 : memref<128xf32, #tpu.memory_space<vmem>>) offsets(%dma_start3A_1074 : memref<128xi32, #tpu.memory_space<vmem>>) semaphore(%arg15 : memref<!tpu.dma_semaphore, #tpu.memory_space<semaphore_mem>>)
    %dma_start3A_1077 = arith.constant 1792 : i32
    %dma_start3A_1078 = tpu.memref_slice %arg13[%dma_start3A_1077] : memref<2048xf32, #tpu.memory_space<vmem>> -> memref<128xf32, #tpu.memory_space<vmem>>
    %dma_start3A_1079 = arith.constant 1792 : i32
    %dma_start3A_1080 = tpu.memref_slice %arg12[%dma_start3A_1079] : memref<2048xi32, #tpu.memory_space<vmem>> -> memref<128xi32, #tpu.memory_space<vmem>>
    %dma_start3A_1081 = arith.constant 0 : i32
    %dma_start3A_1082 = tpu.memref_slice %arg3[%dma_start3A_1081] : memref<3200000xf32, #tpu.memory_space<hbm>> -> memref<3200000xf32, #tpu.memory_space<hbm>>
    tpu.enqueue_indirect_dma source(%dma_start3A_1082 : memref<3200000xf32, #tpu.memory_space<hbm>>) target(%dma_start3A_1078 : memref<128xf32, #tpu.memory_space<vmem>>) offsets(%dma_start3A_1080 : memref<128xi32, #tpu.memory_space<vmem>>) semaphore(%arg15 : memref<!tpu.dma_semaphore, #tpu.memory_space<semaphore_mem>>)
    %dma_start3A_1083 = arith.constant 1920 : i32
    %dma_start3A_1084 = tpu.memref_slice %arg13[%dma_start3A_1083] : memref<2048xf32, #tpu.memory_space<vmem>> -> memref<128xf32, #tpu.memory_space<vmem>>
    %dma_start3A_1085 = arith.constant 1920 : i32
    %dma_start3A_1086 = tpu.memref_slice %arg12[%dma_start3A_1085] : memref<2048xi32, #tpu.memory_space<vmem>> -> memref<128xi32, #tpu.memory_space<vmem>>
    %dma_start3A_1087 = arith.constant 0 : i32
    %dma_start3A_1088 = tpu.memref_slice %arg3[%dma_start3A_1087] : memref<3200000xf32, #tpu.memory_space<hbm>> -> memref<3200000xf32, #tpu.memory_space<hbm>>
    tpu.enqueue_indirect_dma source(%dma_start3A_1088 : memref<3200000xf32, #tpu.memory_space<hbm>>) target(%dma_start3A_1084 : memref<128xf32, #tpu.memory_space<vmem>>) offsets(%dma_start3A_1086 : memref<128xi32, #tpu.memory_space<vmem>>) semaphore(%arg15 : memref<!tpu.dma_semaphore, #tpu.memory_space<semaphore_mem>>)
    %dma_wait3A_1089 = arith.constant 0 : i32
    %dma_wait3A_1090 = tpu.memref_slice %arg13[%dma_wait3A_1089] : memref<2048xf32, #tpu.memory_space<vmem>> -> memref<128xf32, #tpu.memory_space<vmem>>
    %dma_wait3A_1091 = arith.constant 0 : i32
    %dma_wait3A_1092 = tpu.memref_slice %arg12[%dma_wait3A_1091] : memref<2048xi32, #tpu.memory_space<vmem>> -> memref<128xi32, #tpu.memory_space<vmem>>
    %dma_wait3A_1093 = arith.constant 0 : i32
    %dma_wait3A_1094 = tpu.memref_slice %arg3[%dma_wait3A_1093] : memref<3200000xf32, #tpu.memory_space<hbm>> -> memref<3200000xf32, #tpu.memory_space<hbm>>
    tpu.wait_indirect_dma semaphore(%arg15 : memref<!tpu.dma_semaphore, #tpu.memory_space<semaphore_mem>>) src(%dma_wait3A_1094 : memref<3200000xf32, #tpu.memory_space<hbm>>) dst(%dma_wait3A_1090 : memref<128xf32, #tpu.memory_space<vmem>>)
    %dma_wait3A_1095 = arith.constant 128 : i32
    %dma_wait3A_1096 = tpu.memref_slice %arg13[%dma_wait3A_1095] : memref<2048xf32, #tpu.memory_space<vmem>> -> memref<128xf32, #tpu.memory_space<vmem>>
    %dma_wait3A_1097 = arith.constant 128 : i32
    %dma_wait3A_1098 = tpu.memref_slice %arg12[%dma_wait3A_1097] : memref<2048xi32, #tpu.memory_space<vmem>> -> memref<128xi32, #tpu.memory_space<vmem>>
    %dma_wait3A_1099 = arith.constant 0 : i32
    %dma_wait3A_1100 = tpu.memref_slice %arg3[%dma_wait3A_1099] : memref<3200000xf32, #tpu.memory_space<hbm>> -> memref<3200000xf32, #tpu.memory_space<hbm>>
    tpu.wait_indirect_dma semaphore(%arg15 : memref<!tpu.dma_semaphore, #tpu.memory_space<semaphore_mem>>) src(%dma_wait3A_1100 : memref<3200000xf32, #tpu.memory_space<hbm>>) dst(%dma_wait3A_1096 : memref<128xf32, #tpu.memory_space<vmem>>)
    %dma_wait3A_1101 = arith.constant 256 : i32
    %dma_wait3A_1102 = tpu.memref_slice %arg13[%dma_wait3A_1101] : memref<2048xf32, #tpu.memory_space<vmem>> -> memref<128xf32, #tpu.memory_space<vmem>>
    %dma_wait3A_1103 = arith.constant 256 : i32
    %dma_wait3A_1104 = tpu.memref_slice %arg12[%dma_wait3A_1103] : memref<2048xi32, #tpu.memory_space<vmem>> -> memref<128xi32, #tpu.memory_space<vmem>>
    %dma_wait3A_1105 = arith.constant 0 : i32
    %dma_wait3A_1106 = tpu.memref_slice %arg3[%dma_wait3A_1105] : memref<3200000xf32, #tpu.memory_space<hbm>> -> memref<3200000xf32, #tpu.memory_space<hbm>>
    tpu.wait_indirect_dma semaphore(%arg15 : memref<!tpu.dma_semaphore, #tpu.memory_space<semaphore_mem>>) src(%dma_wait3A_1106 : memref<3200000xf32, #tpu.memory_space<hbm>>) dst(%dma_wait3A_1102 : memref<128xf32, #tpu.memory_space<vmem>>)
    %dma_wait3A_1107 = arith.constant 384 : i32
    %dma_wait3A_1108 = tpu.memref_slice %arg13[%dma_wait3A_1107] : memref<2048xf32, #tpu.memory_space<vmem>> -> memref<128xf32, #tpu.memory_space<vmem>>
    %dma_wait3A_1109 = arith.constant 384 : i32
    %dma_wait3A_1110 = tpu.memref_slice %arg12[%dma_wait3A_1109] : memref<2048xi32, #tpu.memory_space<vmem>> -> memref<128xi32, #tpu.memory_space<vmem>>
    %dma_wait3A_1111 = arith.constant 0 : i32
    %dma_wait3A_1112 = tpu.memref_slice %arg3[%dma_wait3A_1111] : memref<3200000xf32, #tpu.memory_space<hbm>> -> memref<3200000xf32, #tpu.memory_space<hbm>>
    tpu.wait_indirect_dma semaphore(%arg15 : memref<!tpu.dma_semaphore, #tpu.memory_space<semaphore_mem>>) src(%dma_wait3A_1112 : memref<3200000xf32, #tpu.memory_space<hbm>>) dst(%dma_wait3A_1108 : memref<128xf32, #tpu.memory_space<vmem>>)
    %dma_wait3A_1113 = arith.constant 512 : i32
    %dma_wait3A_1114 = tpu.memref_slice %arg13[%dma_wait3A_1113] : memref<2048xf32, #tpu.memory_space<vmem>> -> memref<128xf32, #tpu.memory_space<vmem>>
    %dma_wait3A_1115 = arith.constant 512 : i32
    %dma_wait3A_1116 = tpu.memref_slice %arg12[%dma_wait3A_1115] : memref<2048xi32, #tpu.memory_space<vmem>> -> memref<128xi32, #tpu.memory_space<vmem>>
    %dma_wait3A_1117 = arith.constant 0 : i32
    %dma_wait3A_1118 = tpu.memref_slice %arg3[%dma_wait3A_1117] : memref<3200000xf32, #tpu.memory_space<hbm>> -> memref<3200000xf32, #tpu.memory_space<hbm>>
    tpu.wait_indirect_dma semaphore(%arg15 : memref<!tpu.dma_semaphore, #tpu.memory_space<semaphore_mem>>) src(%dma_wait3A_1118 : memref<3200000xf32, #tpu.memory_space<hbm>>) dst(%dma_wait3A_1114 : memref<128xf32, #tpu.memory_space<vmem>>)
    %dma_wait3A_1119 = arith.constant 640 : i32
    %dma_wait3A_1120 = tpu.memref_slice %arg13[%dma_wait3A_1119] : memref<2048xf32, #tpu.memory_space<vmem>> -> memref<128xf32, #tpu.memory_space<vmem>>
    %dma_wait3A_1121 = arith.constant 640 : i32
    %dma_wait3A_1122 = tpu.memref_slice %arg12[%dma_wait3A_1121] : memref<2048xi32, #tpu.memory_space<vmem>> -> memref<128xi32, #tpu.memory_space<vmem>>
    %dma_wait3A_1123 = arith.constant 0 : i32
    %dma_wait3A_1124 = tpu.memref_slice %arg3[%dma_wait3A_1123] : memref<3200000xf32, #tpu.memory_space<hbm>> -> memref<3200000xf32, #tpu.memory_space<hbm>>
    tpu.wait_indirect_dma semaphore(%arg15 : memref<!tpu.dma_semaphore, #tpu.memory_space<semaphore_mem>>) src(%dma_wait3A_1124 : memref<3200000xf32, #tpu.memory_space<hbm>>) dst(%dma_wait3A_1120 : memref<128xf32, #tpu.memory_space<vmem>>)
    %dma_wait3A_1125 = arith.constant 768 : i32
    %dma_wait3A_1126 = tpu.memref_slice %arg13[%dma_wait3A_1125] : memref<2048xf32, #tpu.memory_space<vmem>> -> memref<128xf32, #tpu.memory_space<vmem>>
    %dma_wait3A_1127 = arith.constant 768 : i32
    %dma_wait3A_1128 = tpu.memref_slice %arg12[%dma_wait3A_1127] : memref<2048xi32, #tpu.memory_space<vmem>> -> memref<128xi32, #tpu.memory_space<vmem>>
    %dma_wait3A_1129 = arith.constant 0 : i32
    %dma_wait3A_1130 = tpu.memref_slice %arg3[%dma_wait3A_1129] : memref<3200000xf32, #tpu.memory_space<hbm>> -> memref<3200000xf32, #tpu.memory_space<hbm>>
    tpu.wait_indirect_dma semaphore(%arg15 : memref<!tpu.dma_semaphore, #tpu.memory_space<semaphore_mem>>) src(%dma_wait3A_1130 : memref<3200000xf32, #tpu.memory_space<hbm>>) dst(%dma_wait3A_1126 : memref<128xf32, #tpu.memory_space<vmem>>)
    %dma_wait3A_1131 = arith.constant 896 : i32
    %dma_wait3A_1132 = tpu.memref_slice %arg13[%dma_wait3A_1131] : memref<2048xf32, #tpu.memory_space<vmem>> -> memref<128xf32, #tpu.memory_space<vmem>>
    %dma_wait3A_1133 = arith.constant 896 : i32
    %dma_wait3A_1134 = tpu.memref_slice %arg12[%dma_wait3A_1133] : memref<2048xi32, #tpu.memory_space<vmem>> -> memref<128xi32, #tpu.memory_space<vmem>>
    %dma_wait3A_1135 = arith.constant 0 : i32
    %dma_wait3A_1136 = tpu.memref_slice %arg3[%dma_wait3A_1135] : memref<3200000xf32, #tpu.memory_space<hbm>> -> memref<3200000xf32, #tpu.memory_space<hbm>>
    tpu.wait_indirect_dma semaphore(%arg15 : memref<!tpu.dma_semaphore, #tpu.memory_space<semaphore_mem>>) src(%dma_wait3A_1136 : memref<3200000xf32, #tpu.memory_space<hbm>>) dst(%dma_wait3A_1132 : memref<128xf32, #tpu.memory_space<vmem>>)
    %dma_wait3A_1137 = arith.constant 1024 : i32
    %dma_wait3A_1138 = tpu.memref_slice %arg13[%dma_wait3A_1137] : memref<2048xf32, #tpu.memory_space<vmem>> -> memref<128xf32, #tpu.memory_space<vmem>>
    %dma_wait3A_1139 = arith.constant 1024 : i32
    %dma_wait3A_1140 = tpu.memref_slice %arg12[%dma_wait3A_1139] : memref<2048xi32, #tpu.memory_space<vmem>> -> memref<128xi32, #tpu.memory_space<vmem>>
    %dma_wait3A_1141 = arith.constant 0 : i32
    %dma_wait3A_1142 = tpu.memref_slice %arg3[%dma_wait3A_1141] : memref<3200000xf32, #tpu.memory_space<hbm>> -> memref<3200000xf32, #tpu.memory_space<hbm>>
    tpu.wait_indirect_dma semaphore(%arg15 : memref<!tpu.dma_semaphore, #tpu.memory_space<semaphore_mem>>) src(%dma_wait3A_1142 : memref<3200000xf32, #tpu.memory_space<hbm>>) dst(%dma_wait3A_1138 : memref<128xf32, #tpu.memory_space<vmem>>)
    %dma_wait3A_1143 = arith.constant 1152 : i32
    %dma_wait3A_1144 = tpu.memref_slice %arg13[%dma_wait3A_1143] : memref<2048xf32, #tpu.memory_space<vmem>> -> memref<128xf32, #tpu.memory_space<vmem>>
    %dma_wait3A_1145 = arith.constant 1152 : i32
    %dma_wait3A_1146 = tpu.memref_slice %arg12[%dma_wait3A_1145] : memref<2048xi32, #tpu.memory_space<vmem>> -> memref<128xi32, #tpu.memory_space<vmem>>
    %dma_wait3A_1147 = arith.constant 0 : i32
    %dma_wait3A_1148 = tpu.memref_slice %arg3[%dma_wait3A_1147] : memref<3200000xf32, #tpu.memory_space<hbm>> -> memref<3200000xf32, #tpu.memory_space<hbm>>
    tpu.wait_indirect_dma semaphore(%arg15 : memref<!tpu.dma_semaphore, #tpu.memory_space<semaphore_mem>>) src(%dma_wait3A_1148 : memref<3200000xf32, #tpu.memory_space<hbm>>) dst(%dma_wait3A_1144 : memref<128xf32, #tpu.memory_space<vmem>>)
    %dma_wait3A_1149 = arith.constant 1280 : i32
    %dma_wait3A_1150 = tpu.memref_slice %arg13[%dma_wait3A_1149] : memref<2048xf32, #tpu.memory_space<vmem>> -> memref<128xf32, #tpu.memory_space<vmem>>
    %dma_wait3A_1151 = arith.constant 1280 : i32
    %dma_wait3A_1152 = tpu.memref_slice %arg12[%dma_wait3A_1151] : memref<2048xi32, #tpu.memory_space<vmem>> -> memref<128xi32, #tpu.memory_space<vmem>>
    %dma_wait3A_1153 = arith.constant 0 : i32
    %dma_wait3A_1154 = tpu.memref_slice %arg3[%dma_wait3A_1153] : memref<3200000xf32, #tpu.memory_space<hbm>> -> memref<3200000xf32, #tpu.memory_space<hbm>>
    tpu.wait_indirect_dma semaphore(%arg15 : memref<!tpu.dma_semaphore, #tpu.memory_space<semaphore_mem>>) src(%dma_wait3A_1154 : memref<3200000xf32, #tpu.memory_space<hbm>>) dst(%dma_wait3A_1150 : memref<128xf32, #tpu.memory_space<vmem>>)
    %dma_wait3A_1155 = arith.constant 1408 : i32
    %dma_wait3A_1156 = tpu.memref_slice %arg13[%dma_wait3A_1155] : memref<2048xf32, #tpu.memory_space<vmem>> -> memref<128xf32, #tpu.memory_space<vmem>>
    %dma_wait3A_1157 = arith.constant 1408 : i32
    %dma_wait3A_1158 = tpu.memref_slice %arg12[%dma_wait3A_1157] : memref<2048xi32, #tpu.memory_space<vmem>> -> memref<128xi32, #tpu.memory_space<vmem>>
    %dma_wait3A_1159 = arith.constant 0 : i32
    %dma_wait3A_1160 = tpu.memref_slice %arg3[%dma_wait3A_1159] : memref<3200000xf32, #tpu.memory_space<hbm>> -> memref<3200000xf32, #tpu.memory_space<hbm>>
    tpu.wait_indirect_dma semaphore(%arg15 : memref<!tpu.dma_semaphore, #tpu.memory_space<semaphore_mem>>) src(%dma_wait3A_1160 : memref<3200000xf32, #tpu.memory_space<hbm>>) dst(%dma_wait3A_1156 : memref<128xf32, #tpu.memory_space<vmem>>)
    %dma_wait3A_1161 = arith.constant 1536 : i32
    %dma_wait3A_1162 = tpu.memref_slice %arg13[%dma_wait3A_1161] : memref<2048xf32, #tpu.memory_space<vmem>> -> memref<128xf32, #tpu.memory_space<vmem>>
    %dma_wait3A_1163 = arith.constant 1536 : i32
    %dma_wait3A_1164 = tpu.memref_slice %arg12[%dma_wait3A_1163] : memref<2048xi32, #tpu.memory_space<vmem>> -> memref<128xi32, #tpu.memory_space<vmem>>
    %dma_wait3A_1165 = arith.constant 0 : i32
    %dma_wait3A_1166 = tpu.memref_slice %arg3[%dma_wait3A_1165] : memref<3200000xf32, #tpu.memory_space<hbm>> -> memref<3200000xf32, #tpu.memory_space<hbm>>
    tpu.wait_indirect_dma semaphore(%arg15 : memref<!tpu.dma_semaphore, #tpu.memory_space<semaphore_mem>>) src(%dma_wait3A_1166 : memref<3200000xf32, #tpu.memory_space<hbm>>) dst(%dma_wait3A_1162 : memref<128xf32, #tpu.memory_space<vmem>>)
    %dma_wait3A_1167 = arith.constant 1664 : i32
    %dma_wait3A_1168 = tpu.memref_slice %arg13[%dma_wait3A_1167] : memref<2048xf32, #tpu.memory_space<vmem>> -> memref<128xf32, #tpu.memory_space<vmem>>
    %dma_wait3A_1169 = arith.constant 1664 : i32
    %dma_wait3A_1170 = tpu.memref_slice %arg12[%dma_wait3A_1169] : memref<2048xi32, #tpu.memory_space<vmem>> -> memref<128xi32, #tpu.memory_space<vmem>>
    %dma_wait3A_1171 = arith.constant 0 : i32
    %dma_wait3A_1172 = tpu.memref_slice %arg3[%dma_wait3A_1171] : memref<3200000xf32, #tpu.memory_space<hbm>> -> memref<3200000xf32, #tpu.memory_space<hbm>>
    tpu.wait_indirect_dma semaphore(%arg15 : memref<!tpu.dma_semaphore, #tpu.memory_space<semaphore_mem>>) src(%dma_wait3A_1172 : memref<3200000xf32, #tpu.memory_space<hbm>>) dst(%dma_wait3A_1168 : memref<128xf32, #tpu.memory_space<vmem>>)
    %dma_wait3A_1173 = arith.constant 1792 : i32
    %dma_wait3A_1174 = tpu.memref_slice %arg13[%dma_wait3A_1173] : memref<2048xf32, #tpu.memory_space<vmem>> -> memref<128xf32, #tpu.memory_space<vmem>>
    %dma_wait3A_1175 = arith.constant 1792 : i32
    %dma_wait3A_1176 = tpu.memref_slice %arg12[%dma_wait3A_1175] : memref<2048xi32, #tpu.memory_space<vmem>> -> memref<128xi32, #tpu.memory_space<vmem>>
    %dma_wait3A_1177 = arith.constant 0 : i32
    %dma_wait3A_1178 = tpu.memref_slice %arg3[%dma_wait3A_1177] : memref<3200000xf32, #tpu.memory_space<hbm>> -> memref<3200000xf32, #tpu.memory_space<hbm>>
    tpu.wait_indirect_dma semaphore(%arg15 : memref<!tpu.dma_semaphore, #tpu.memory_space<semaphore_mem>>) src(%dma_wait3A_1178 : memref<3200000xf32, #tpu.memory_space<hbm>>) dst(%dma_wait3A_1174 : memref<128xf32, #tpu.memory_space<vmem>>)
    %dma_wait3A_1179 = arith.constant 1920 : i32
    %dma_wait3A_1180 = tpu.memref_slice %arg13[%dma_wait3A_1179] : memref<2048xf32, #tpu.memory_space<vmem>> -> memref<128xf32, #tpu.memory_space<vmem>>
    %dma_wait3A_1181 = arith.constant 1920 : i32
    %dma_wait3A_1182 = tpu.memref_slice %arg12[%dma_wait3A_1181] : memref<2048xi32, #tpu.memory_space<vmem>> -> memref<128xi32, #tpu.memory_space<vmem>>
    %dma_wait3A_1183 = arith.constant 0 : i32
    %dma_wait3A_1184 = tpu.memref_slice %arg3[%dma_wait3A_1183] : memref<3200000xf32, #tpu.memory_space<hbm>> -> memref<3200000xf32, #tpu.memory_space<hbm>>
    tpu.wait_indirect_dma semaphore(%arg15 : memref<!tpu.dma_semaphore, #tpu.memory_space<semaphore_mem>>) src(%dma_wait3A_1184 : memref<3200000xf32, #tpu.memory_space<hbm>>) dst(%dma_wait3A_1180 : memref<128xf32, #tpu.memory_space<vmem>>)
    %mul3A_1185 = arith.constant 16 : i32
    %mul3A_1186 = arith.muli %mul3A_2, %mul3A_1185 : i32
    %run_scoped3A_1187 = arith.constant 1 : i32
    "tpu.region"() ({
      %run_scoped3A_1192 = tpu.sem_alloc : memref<!tpu.dma_semaphore, #tpu.memory_space<semaphore_mem>>
      %dma_start3A_1193 = tpu.memref_slice %arg9[%run_scoped3A_1187, %mul3A_1186] : memref<2x65536xf32, #tpu.memory_space<hbm>> -> memref<1x2048xf32, #tpu.memory_space<hbm>>
      %dma_start3A_1194 = tpu.memref_squeeze %dma_start3A_1193 : memref<1x2048xf32, #tpu.memory_space<hbm>> -> memref<2048xf32, #tpu.memory_space<hbm>>
      %dma_start3A_1195 = tpu.memref_slice %arg9[%run_scoped3A_1187, %mul3A_1186] : memref<2x65536xf32, #tpu.memory_space<hbm>> -> memref<1x2048xf32, #tpu.memory_space<hbm>>
      %dma_start3A_1196 = tpu.memref_squeeze %dma_start3A_1195 : memref<1x2048xf32, #tpu.memory_space<hbm>> -> memref<2048xf32, #tpu.memory_space<hbm>>
      tpu.enqueue_dma source(%arg13 : memref<2048xf32, #tpu.memory_space<vmem>>) target(%dma_start3A_1196 : memref<2048xf32, #tpu.memory_space<hbm>>) target_semaphore(%run_scoped3A_1192 : memref<!tpu.dma_semaphore, #tpu.memory_space<semaphore_mem>>)
      %dma_wait3A_1197 = tpu.memref_slice %arg9[%run_scoped3A_1187, %mul3A_1186] : memref<2x65536xf32, #tpu.memory_space<hbm>> -> memref<1x2048xf32, #tpu.memory_space<hbm>>
      %dma_wait3A_1198 = tpu.memref_squeeze %dma_wait3A_1197 : memref<1x2048xf32, #tpu.memory_space<hbm>> -> memref<2048xf32, #tpu.memory_space<hbm>>
      %dma_wait3A_1199 = tpu.memref_slice %arg9[%run_scoped3A_1187, %mul3A_1186] : memref<2x65536xf32, #tpu.memory_space<hbm>> -> memref<1x2048xf32, #tpu.memory_space<hbm>>
      %dma_wait3A_1200 = tpu.memref_squeeze %dma_wait3A_1199 : memref<1x2048xf32, #tpu.memory_space<hbm>> -> memref<2048xf32, #tpu.memory_space<hbm>>
      tpu.wait_dma2 semaphore(%run_scoped3A_1192 : memref<!tpu.dma_semaphore, #tpu.memory_space<semaphore_mem>>) src(%arg13 : memref<2048xf32, #tpu.memory_space<vmem>>) dst(%dma_wait3A_1200 : memref<2048xf32, #tpu.memory_space<hbm>>)
      tpu.yield
    }) : () -> ()
    "tpu.region"() ({
      %run_scoped3A_1192 = tpu.sem_alloc : memref<!tpu.dma_semaphore, #tpu.memory_space<semaphore_mem>>
      %dma_start3A_1193 = tpu.memref_slice %arg7[%mul3A_2] : memref<4096xi32, #tpu.memory_space<hbm>> -> memref<128xi32, #tpu.memory_space<hbm>>
      %dma_start3A_1194 = tpu.memref_slice %arg7[%mul3A_2] : memref<4096xi32, #tpu.memory_space<hbm>> -> memref<128xi32, #tpu.memory_space<hbm>>
      tpu.enqueue_dma source(%dma_start3A_1194 : memref<128xi32, #tpu.memory_space<hbm>>) target(%arg11 : memref<128xi32, #tpu.memory_space<vmem>>) target_semaphore(%run_scoped3A_1192 : memref<!tpu.dma_semaphore, #tpu.memory_space<semaphore_mem>>)
      %dma_wait3A_1195 = tpu.memref_slice %arg7[%mul3A_2] : memref<4096xi32, #tpu.memory_space<hbm>> -> memref<128xi32, #tpu.memory_space<hbm>>
      %dma_wait3A_1196 = tpu.memref_slice %arg7[%mul3A_2] : memref<4096xi32, #tpu.memory_space<hbm>> -> memref<128xi32, #tpu.memory_space<hbm>>
      tpu.wait_dma2 semaphore(%run_scoped3A_1192 : memref<!tpu.dma_semaphore, #tpu.memory_space<semaphore_mem>>) src(%dma_wait3A_1196 : memref<128xi32, #tpu.memory_space<hbm>>) dst(%arg11 : memref<128xi32, #tpu.memory_space<vmem>>)
      tpu.yield
    }) : () -> ()
    %dma_start3A_1188 = arith.constant 0 : i32
    %dma_start3A_1189 = tpu.memref_slice %arg4[%dma_start3A_1188] : memref<100000xf32, #tpu.memory_space<hbm>> -> memref<100000xf32, #tpu.memory_space<hbm>>
    tpu.enqueue_indirect_dma source(%dma_start3A_1189 : memref<100000xf32, #tpu.memory_space<hbm>>) target(%arg14 : memref<128xf32, #tpu.memory_space<vmem>>) offsets(%arg11 : memref<128xi32, #tpu.memory_space<vmem>>) semaphore(%arg15 : memref<!tpu.dma_semaphore, #tpu.memory_space<semaphore_mem>>)
    %dma_wait3A_1190 = arith.constant 0 : i32
    %dma_wait3A_1191 = tpu.memref_slice %arg4[%dma_wait3A_1190] : memref<100000xf32, #tpu.memory_space<hbm>> -> memref<100000xf32, #tpu.memory_space<hbm>>
    tpu.wait_indirect_dma semaphore(%arg15 : memref<!tpu.dma_semaphore, #tpu.memory_space<semaphore_mem>>) src(%dma_wait3A_1191 : memref<100000xf32, #tpu.memory_space<hbm>>) dst(%arg14 : memref<128xf32, #tpu.memory_space<vmem>>)
    "tpu.region"() ({
      %run_scoped3A_1192 = tpu.sem_alloc : memref<!tpu.dma_semaphore, #tpu.memory_space<semaphore_mem>>
      %dma_start3A_1193 = tpu.memref_slice %arg10[%mul3A_2] : memref<4096xf32, #tpu.memory_space<hbm>> -> memref<128xf32, #tpu.memory_space<hbm>>
      %dma_start3A_1194 = tpu.memref_slice %arg10[%mul3A_2] : memref<4096xf32, #tpu.memory_space<hbm>> -> memref<128xf32, #tpu.memory_space<hbm>>
      tpu.enqueue_dma source(%arg14 : memref<128xf32, #tpu.memory_space<vmem>>) target(%dma_start3A_1194 : memref<128xf32, #tpu.memory_space<hbm>>) target_semaphore(%run_scoped3A_1192 : memref<!tpu.dma_semaphore, #tpu.memory_space<semaphore_mem>>)
      %dma_wait3A_1195 = tpu.memref_slice %arg10[%mul3A_2] : memref<4096xf32, #tpu.memory_space<hbm>> -> memref<128xf32, #tpu.memory_space<hbm>>
      %dma_wait3A_1196 = tpu.memref_slice %arg10[%mul3A_2] : memref<4096xf32, #tpu.memory_space<hbm>> -> memref<128xf32, #tpu.memory_space<hbm>>
      tpu.wait_dma2 semaphore(%run_scoped3A_1192 : memref<!tpu.dma_semaphore, #tpu.memory_space<semaphore_mem>>) src(%arg14 : memref<128xf32, #tpu.memory_space<vmem>>) dst(%dma_wait3A_1196 : memref<128xf32, #tpu.memory_space<hbm>>)
      tpu.yield
    }) : () -> ()
    return
  }
}

module attributes {stable_mosaic.version = 14 : i64} {
  func.func @_tc_dense(%arg0: memref<4x4096x16xf32, #tpu.memory_space<vmem>>, %arg1: memref<2x4096x16xf32, #tpu.memory_space<vmem>>, %arg2: memref<4096x1xf32, #tpu.memory_space<vmem>>, %arg3: memref<64x128xf32, #tpu.memory_space<vmem>>, %arg4: memref<1x128xf32, #tpu.memory_space<vmem>>, %arg5: memref<1x128xf32, #tpu.memory_space<vmem>>, %arg6: memref<1x128xf32, #tpu.memory_space<vmem>>, %arg7: memref<128x64xf32, #tpu.memory_space<vmem>>, %arg8: memref<1x64xf32, #tpu.memory_space<vmem>>, %arg9: memref<1x64xf32, #tpu.memory_space<vmem>>, %arg10: memref<1x64xf32, #tpu.memory_space<vmem>>, %arg11: memref<32x128xf32, #tpu.memory_space<vmem>>, %arg12: memref<1x128xf32, #tpu.memory_space<vmem>>, %arg13: memref<1x128xf32, #tpu.memory_space<vmem>>, %arg14: memref<1x128xf32, #tpu.memory_space<vmem>>, %arg15: memref<128x64xf32, #tpu.memory_space<vmem>>, %arg16: memref<1x64xf32, #tpu.memory_space<vmem>>, %arg17: memref<1x64xf32, #tpu.memory_space<vmem>>, %arg18: memref<1x64xf32, #tpu.memory_space<vmem>>, %arg19: memref<4096x4xf32, #tpu.memory_space<vmem>>) attributes {dimension_semantics = [], scalar_prefetch = 0 : i64, scratch_operands = 0 : i64, tpu.core_type = #tpu.core_type<tc>} {
    %get3A = arith.constant 0 : index
    %get3A_0 = arith.constant 0 : index
    %get3A_1 = arith.constant 0 : index
    %get3A_2 = vector.load %arg0[%get3A, %get3A_0, %get3A_1] : memref<4x4096x16xf32, #tpu.memory_space<vmem>>, vector<1x4096x16xf32>
    %get3A_3 = vector.shape_cast %get3A_2 : vector<1x4096x16xf32> to vector<4096x16xf32>
    %get3A_4 = arith.constant 1 : index
    %get3A_5 = arith.constant 0 : index
    %get3A_6 = arith.constant 0 : index
    %get3A_7 = vector.load %arg0[%get3A_4, %get3A_5, %get3A_6] : memref<4x4096x16xf32, #tpu.memory_space<vmem>>, vector<1x4096x16xf32>
    %get3A_8 = vector.shape_cast %get3A_7 : vector<1x4096x16xf32> to vector<4096x16xf32>
    %get3A_9 = arith.constant 2 : index
    %get3A_10 = arith.constant 0 : index
    %get3A_11 = arith.constant 0 : index
    %get3A_12 = vector.load %arg0[%get3A_9, %get3A_10, %get3A_11] : memref<4x4096x16xf32, #tpu.memory_space<vmem>>, vector<1x4096x16xf32>
    %get3A_13 = vector.shape_cast %get3A_12 : vector<1x4096x16xf32> to vector<4096x16xf32>
    %get3A_14 = arith.constant 3 : index
    %get3A_15 = arith.constant 0 : index
    %get3A_16 = arith.constant 0 : index
    %get3A_17 = vector.load %arg0[%get3A_14, %get3A_15, %get3A_16] : memref<4x4096x16xf32, #tpu.memory_space<vmem>>, vector<1x4096x16xf32>
    %get3A_18 = vector.shape_cast %get3A_17 : vector<1x4096x16xf32> to vector<4096x16xf32>
    %concatenate3A = tpu.concatenate %get3A_3, %get3A_8, %get3A_13, %get3A_18 in 1 : vector<4096x16xf32>, vector<4096x16xf32>, vector<4096x16xf32>, vector<4096x16xf32> -> vector<4096x64xf32>
    %get3A_19 = arith.constant 0 : index
    %get3A_20 = arith.constant 0 : index
    %get3A_21 = arith.constant 0 : index
    %get3A_22 = vector.load %arg1[%get3A_19, %get3A_20, %get3A_21] : memref<2x4096x16xf32, #tpu.memory_space<vmem>>, vector<1x4096x16xf32>
    %get3A_23 = vector.shape_cast %get3A_22 : vector<1x4096x16xf32> to vector<4096x16xf32>
    %get3A_24 = arith.constant 1 : index
    %get3A_25 = arith.constant 0 : index
    %get3A_26 = arith.constant 0 : index
    %get3A_27 = vector.load %arg1[%get3A_24, %get3A_25, %get3A_26] : memref<2x4096x16xf32, #tpu.memory_space<vmem>>, vector<1x4096x16xf32>
    %get3A_28 = vector.shape_cast %get3A_27 : vector<1x4096x16xf32> to vector<4096x16xf32>
    %concatenate3A_29 = tpu.concatenate %get3A_23, %get3A_28 in 1 : vector<4096x16xf32>, vector<4096x16xf32> -> vector<4096x32xf32>
    %get3A_30 = arith.constant 0 : index
    %get3A_31 = arith.constant 0 : index
    %get3A_32 = vector.load %arg3[%get3A_30, %get3A_31] : memref<64x128xf32, #tpu.memory_space<vmem>>, vector<64x128xf32>
    %dot_general3A = arith.constant dense<0.000000e+00> : vector<4096x128xf32>
    %dot_general3A_33 = tpu.matmul %concatenate3A, %get3A_32, %dot_general3A {dimension_numbers = #tpu.dot_dimension_numbers<[1], [0], [0], [1], [0, 0, 1, 1], [], []>, transpose_lhs_hint = false} : vector<4096x64xf32>, vector<64x128xf32>, vector<4096x128xf32> -> vector<4096x128xf32>
    %get3A_34 = arith.constant 0 : index
    %get3A_35 = arith.constant 0 : index
    %get3A_36 = vector.load %arg4[%get3A_34, %get3A_35] : memref<1x128xf32, #tpu.memory_space<vmem>>, vector<1x128xf32>
    %add3A = vector.broadcast %get3A_36 : vector<1x128xf32> to vector<4096x128xf32>
    %add3A_37 = arith.addf %dot_general3A_33, %add3A : vector<4096x128xf32>
    %get3A_38 = arith.constant 0 : index
    %get3A_39 = arith.constant 0 : index
    %get3A_40 = vector.load %arg5[%get3A_38, %get3A_39] : memref<1x128xf32, #tpu.memory_space<vmem>>, vector<1x128xf32>
    %get3A_41 = arith.constant 0 : index
    %get3A_42 = arith.constant 0 : index
    %get3A_43 = vector.load %arg6[%get3A_41, %get3A_42] : memref<1x128xf32, #tpu.memory_space<vmem>>, vector<1x128xf32>
    %reduce_sum3A = arith.constant dense<0.000000e+00> : vector<128xf32>
    %reduce_sum3A_44 = vector.multi_reduction <add>, %add3A_37, %reduce_sum3A [0] : vector<4096x128xf32> to vector<128xf32>
    %broadcast_in_dim3A = vector.shape_cast %reduce_sum3A_44 : vector<128xf32> to vector<1x128xf32>
    %div3A = arith.constant 4.096000e+03 : f32
    %div3A_45 = vector.broadcast %div3A : f32 to vector<1x128xf32>
    %div3A_46 = arith.divf %broadcast_in_dim3A, %div3A_45 : vector<1x128xf32>
    %sub3A = vector.broadcast %div3A_46 : vector<1x128xf32> to vector<4096x128xf32>
    %sub3A_47 = arith.subf %add3A_37, %sub3A : vector<4096x128xf32>
    %integer_pow3A = arith.mulf %sub3A_47, %sub3A_47 : vector<4096x128xf32>
    %reduce_sum3A_48 = arith.constant dense<0.000000e+00> : vector<128xf32>
    %reduce_sum3A_49 = vector.multi_reduction <add>, %integer_pow3A, %reduce_sum3A_48 [0] : vector<4096x128xf32> to vector<128xf32>
    %broadcast_in_dim3A_50 = vector.shape_cast %reduce_sum3A_49 : vector<128xf32> to vector<1x128xf32>
    %div3A_51 = arith.constant 4.096000e+03 : f32
    %div3A_52 = vector.broadcast %div3A_51 : f32 to vector<1x128xf32>
    %div3A_53 = arith.divf %broadcast_in_dim3A_50, %div3A_52 : vector<1x128xf32>
    %sub3A_54 = vector.broadcast %div3A_46 : vector<1x128xf32> to vector<4096x128xf32>
    %sub3A_55 = arith.subf %add3A_37, %sub3A_54 : vector<4096x128xf32>
    %add3A_56 = arith.constant 9.99999974E-6 : f32
    %add3A_57 = vector.broadcast %add3A_56 : f32 to vector<1x128xf32>
    %add3A_58 = arith.addf %div3A_53, %add3A_57 : vector<1x128xf32>
    %rsqrt3A = math.rsqrt %add3A_58 : vector<1x128xf32>
    %mul3A = vector.broadcast %rsqrt3A : vector<1x128xf32> to vector<4096x128xf32>
    %mul3A_59 = arith.mulf %sub3A_55, %mul3A : vector<4096x128xf32>
    %mul3A_60 = vector.broadcast %get3A_40 : vector<1x128xf32> to vector<4096x128xf32>
    %mul3A_61 = arith.mulf %mul3A_59, %mul3A_60 : vector<4096x128xf32>
    %add3A_62 = vector.broadcast %get3A_43 : vector<1x128xf32> to vector<4096x128xf32>
    %add3A_63 = arith.addf %mul3A_61, %add3A_62 : vector<4096x128xf32>
    %max3A = arith.constant 0.000000e+00 : f32
    %max3A_64 = vector.broadcast %max3A : f32 to vector<4096x128xf32>
    %max3A_65 = arith.maximumf %add3A_63, %max3A_64 : vector<4096x128xf32>
    %get3A_66 = arith.constant 0 : index
    %get3A_67 = arith.constant 0 : index
    %get3A_68 = vector.load %arg7[%get3A_66, %get3A_67] : memref<128x64xf32, #tpu.memory_space<vmem>>, vector<128x64xf32>
    %dot_general3A_69 = arith.constant dense<0.000000e+00> : vector<4096x64xf32>
    %dot_general3A_70 = tpu.matmul %max3A_65, %get3A_68, %dot_general3A_69 {dimension_numbers = #tpu.dot_dimension_numbers<[1], [0], [0], [1], [0, 0, 1, 1], [], []>, transpose_lhs_hint = false} : vector<4096x128xf32>, vector<128x64xf32>, vector<4096x64xf32> -> vector<4096x64xf32>
    %get3A_71 = arith.constant 0 : index
    %get3A_72 = arith.constant 0 : index
    %get3A_73 = vector.load %arg8[%get3A_71, %get3A_72] : memref<1x64xf32, #tpu.memory_space<vmem>>, vector<1x64xf32>
    %add3A_74 = vector.broadcast %get3A_73 : vector<1x64xf32> to vector<4096x64xf32>
    %add3A_75 = arith.addf %dot_general3A_70, %add3A_74 : vector<4096x64xf32>
    %get3A_76 = arith.constant 0 : index
    %get3A_77 = arith.constant 0 : index
    %get3A_78 = vector.load %arg9[%get3A_76, %get3A_77] : memref<1x64xf32, #tpu.memory_space<vmem>>, vector<1x64xf32>
    %get3A_79 = arith.constant 0 : index
    %get3A_80 = arith.constant 0 : index
    %get3A_81 = vector.load %arg10[%get3A_79, %get3A_80] : memref<1x64xf32, #tpu.memory_space<vmem>>, vector<1x64xf32>
    %reduce_sum3A_82 = arith.constant dense<0.000000e+00> : vector<64xf32>
    %reduce_sum3A_83 = vector.multi_reduction <add>, %add3A_75, %reduce_sum3A_82 [0] : vector<4096x64xf32> to vector<64xf32>
    %broadcast_in_dim3A_84 = vector.shape_cast %reduce_sum3A_83 : vector<64xf32> to vector<1x64xf32>
    %div3A_85 = arith.constant 4.096000e+03 : f32
    %div3A_86 = vector.broadcast %div3A_85 : f32 to vector<1x64xf32>
    %div3A_87 = arith.divf %broadcast_in_dim3A_84, %div3A_86 : vector<1x64xf32>
    %sub3A_88 = vector.broadcast %div3A_87 : vector<1x64xf32> to vector<4096x64xf32>
    %sub3A_89 = arith.subf %add3A_75, %sub3A_88 : vector<4096x64xf32>
    %integer_pow3A_90 = arith.mulf %sub3A_89, %sub3A_89 : vector<4096x64xf32>
    %reduce_sum3A_91 = arith.constant dense<0.000000e+00> : vector<64xf32>
    %reduce_sum3A_92 = vector.multi_reduction <add>, %integer_pow3A_90, %reduce_sum3A_91 [0] : vector<4096x64xf32> to vector<64xf32>
    %broadcast_in_dim3A_93 = vector.shape_cast %reduce_sum3A_92 : vector<64xf32> to vector<1x64xf32>
    %div3A_94 = arith.constant 4.096000e+03 : f32
    %div3A_95 = vector.broadcast %div3A_94 : f32 to vector<1x64xf32>
    %div3A_96 = arith.divf %broadcast_in_dim3A_93, %div3A_95 : vector<1x64xf32>
    %sub3A_97 = vector.broadcast %div3A_87 : vector<1x64xf32> to vector<4096x64xf32>
    %sub3A_98 = arith.subf %add3A_75, %sub3A_97 : vector<4096x64xf32>
    %add3A_99 = arith.constant 9.99999974E-6 : f32
    %add3A_100 = vector.broadcast %add3A_99 : f32 to vector<1x64xf32>
    %add3A_101 = arith.addf %div3A_96, %add3A_100 : vector<1x64xf32>
    %rsqrt3A_102 = math.rsqrt %add3A_101 : vector<1x64xf32>
    %mul3A_103 = vector.broadcast %rsqrt3A_102 : vector<1x64xf32> to vector<4096x64xf32>
    %mul3A_104 = arith.mulf %sub3A_98, %mul3A_103 : vector<4096x64xf32>
    %mul3A_105 = vector.broadcast %get3A_78 : vector<1x64xf32> to vector<4096x64xf32>
    %mul3A_106 = arith.mulf %mul3A_104, %mul3A_105 : vector<4096x64xf32>
    %add3A_107 = vector.broadcast %get3A_81 : vector<1x64xf32> to vector<4096x64xf32>
    %add3A_108 = arith.addf %mul3A_106, %add3A_107 : vector<4096x64xf32>
    %max3A_109 = arith.constant 0.000000e+00 : f32
    %max3A_110 = vector.broadcast %max3A_109 : f32 to vector<4096x64xf32>
    %max3A_111 = arith.maximumf %add3A_108, %max3A_110 : vector<4096x64xf32>
    %get3A_112 = arith.constant 0 : index
    %get3A_113 = arith.constant 0 : index
    %get3A_114 = vector.load %arg11[%get3A_112, %get3A_113] : memref<32x128xf32, #tpu.memory_space<vmem>>, vector<32x128xf32>
    %dot_general3A_115 = arith.constant dense<0.000000e+00> : vector<4096x128xf32>
    %dot_general3A_116 = tpu.matmul %concatenate3A_29, %get3A_114, %dot_general3A_115 {dimension_numbers = #tpu.dot_dimension_numbers<[1], [0], [0], [1], [0, 0, 1, 1], [], []>, transpose_lhs_hint = false} : vector<4096x32xf32>, vector<32x128xf32>, vector<4096x128xf32> -> vector<4096x128xf32>
    %get3A_117 = arith.constant 0 : index
    %get3A_118 = arith.constant 0 : index
    %get3A_119 = vector.load %arg12[%get3A_117, %get3A_118] : memref<1x128xf32, #tpu.memory_space<vmem>>, vector<1x128xf32>
    %add3A_120 = vector.broadcast %get3A_119 : vector<1x128xf32> to vector<4096x128xf32>
    %add3A_121 = arith.addf %dot_general3A_116, %add3A_120 : vector<4096x128xf32>
    %get3A_122 = arith.constant 0 : index
    %get3A_123 = arith.constant 0 : index
    %get3A_124 = vector.load %arg13[%get3A_122, %get3A_123] : memref<1x128xf32, #tpu.memory_space<vmem>>, vector<1x128xf32>
    %get3A_125 = arith.constant 0 : index
    %get3A_126 = arith.constant 0 : index
    %get3A_127 = vector.load %arg14[%get3A_125, %get3A_126] : memref<1x128xf32, #tpu.memory_space<vmem>>, vector<1x128xf32>
    %reduce_sum3A_128 = arith.constant dense<0.000000e+00> : vector<128xf32>
    %reduce_sum3A_129 = vector.multi_reduction <add>, %add3A_121, %reduce_sum3A_128 [0] : vector<4096x128xf32> to vector<128xf32>
    %broadcast_in_dim3A_130 = vector.shape_cast %reduce_sum3A_129 : vector<128xf32> to vector<1x128xf32>
    %div3A_131 = arith.constant 4.096000e+03 : f32
    %div3A_132 = vector.broadcast %div3A_131 : f32 to vector<1x128xf32>
    %div3A_133 = arith.divf %broadcast_in_dim3A_130, %div3A_132 : vector<1x128xf32>
    %sub3A_134 = vector.broadcast %div3A_133 : vector<1x128xf32> to vector<4096x128xf32>
    %sub3A_135 = arith.subf %add3A_121, %sub3A_134 : vector<4096x128xf32>
    %integer_pow3A_136 = arith.mulf %sub3A_135, %sub3A_135 : vector<4096x128xf32>
    %reduce_sum3A_137 = arith.constant dense<0.000000e+00> : vector<128xf32>
    %reduce_sum3A_138 = vector.multi_reduction <add>, %integer_pow3A_136, %reduce_sum3A_137 [0] : vector<4096x128xf32> to vector<128xf32>
    %broadcast_in_dim3A_139 = vector.shape_cast %reduce_sum3A_138 : vector<128xf32> to vector<1x128xf32>
    %div3A_140 = arith.constant 4.096000e+03 : f32
    %div3A_141 = vector.broadcast %div3A_140 : f32 to vector<1x128xf32>
    %div3A_142 = arith.divf %broadcast_in_dim3A_139, %div3A_141 : vector<1x128xf32>
    %sub3A_143 = vector.broadcast %div3A_133 : vector<1x128xf32> to vector<4096x128xf32>
    %sub3A_144 = arith.subf %add3A_121, %sub3A_143 : vector<4096x128xf32>
    %add3A_145 = arith.constant 9.99999974E-6 : f32
    %add3A_146 = vector.broadcast %add3A_145 : f32 to vector<1x128xf32>
    %add3A_147 = arith.addf %div3A_142, %add3A_146 : vector<1x128xf32>
    %rsqrt3A_148 = math.rsqrt %add3A_147 : vector<1x128xf32>
    %mul3A_149 = vector.broadcast %rsqrt3A_148 : vector<1x128xf32> to vector<4096x128xf32>
    %mul3A_150 = arith.mulf %sub3A_144, %mul3A_149 : vector<4096x128xf32>
    %mul3A_151 = vector.broadcast %get3A_124 : vector<1x128xf32> to vector<4096x128xf32>
    %mul3A_152 = arith.mulf %mul3A_150, %mul3A_151 : vector<4096x128xf32>
    %add3A_153 = vector.broadcast %get3A_127 : vector<1x128xf32> to vector<4096x128xf32>
    %add3A_154 = arith.addf %mul3A_152, %add3A_153 : vector<4096x128xf32>
    %max3A_155 = arith.constant 0.000000e+00 : f32
    %max3A_156 = vector.broadcast %max3A_155 : f32 to vector<4096x128xf32>
    %max3A_157 = arith.maximumf %add3A_154, %max3A_156 : vector<4096x128xf32>
    %get3A_158 = arith.constant 0 : index
    %get3A_159 = arith.constant 0 : index
    %get3A_160 = vector.load %arg15[%get3A_158, %get3A_159] : memref<128x64xf32, #tpu.memory_space<vmem>>, vector<128x64xf32>
    %dot_general3A_161 = arith.constant dense<0.000000e+00> : vector<4096x64xf32>
    %dot_general3A_162 = tpu.matmul %max3A_157, %get3A_160, %dot_general3A_161 {dimension_numbers = #tpu.dot_dimension_numbers<[1], [0], [0], [1], [0, 0, 1, 1], [], []>, transpose_lhs_hint = false} : vector<4096x128xf32>, vector<128x64xf32>, vector<4096x64xf32> -> vector<4096x64xf32>
    %get3A_163 = arith.constant 0 : index
    %get3A_164 = arith.constant 0 : index
    %get3A_165 = vector.load %arg16[%get3A_163, %get3A_164] : memref<1x64xf32, #tpu.memory_space<vmem>>, vector<1x64xf32>
    %add3A_166 = vector.broadcast %get3A_165 : vector<1x64xf32> to vector<4096x64xf32>
    %add3A_167 = arith.addf %dot_general3A_162, %add3A_166 : vector<4096x64xf32>
    %get3A_168 = arith.constant 0 : index
    %get3A_169 = arith.constant 0 : index
    %get3A_170 = vector.load %arg17[%get3A_168, %get3A_169] : memref<1x64xf32, #tpu.memory_space<vmem>>, vector<1x64xf32>
    %get3A_171 = arith.constant 0 : index
    %get3A_172 = arith.constant 0 : index
    %get3A_173 = vector.load %arg18[%get3A_171, %get3A_172] : memref<1x64xf32, #tpu.memory_space<vmem>>, vector<1x64xf32>
    %reduce_sum3A_174 = arith.constant dense<0.000000e+00> : vector<64xf32>
    %reduce_sum3A_175 = vector.multi_reduction <add>, %add3A_167, %reduce_sum3A_174 [0] : vector<4096x64xf32> to vector<64xf32>
    %broadcast_in_dim3A_176 = vector.shape_cast %reduce_sum3A_175 : vector<64xf32> to vector<1x64xf32>
    %div3A_177 = arith.constant 4.096000e+03 : f32
    %div3A_178 = vector.broadcast %div3A_177 : f32 to vector<1x64xf32>
    %div3A_179 = arith.divf %broadcast_in_dim3A_176, %div3A_178 : vector<1x64xf32>
    %sub3A_180 = vector.broadcast %div3A_179 : vector<1x64xf32> to vector<4096x64xf32>
    %sub3A_181 = arith.subf %add3A_167, %sub3A_180 : vector<4096x64xf32>
    %integer_pow3A_182 = arith.mulf %sub3A_181, %sub3A_181 : vector<4096x64xf32>
    %reduce_sum3A_183 = arith.constant dense<0.000000e+00> : vector<64xf32>
    %reduce_sum3A_184 = vector.multi_reduction <add>, %integer_pow3A_182, %reduce_sum3A_183 [0] : vector<4096x64xf32> to vector<64xf32>
    %broadcast_in_dim3A_185 = vector.shape_cast %reduce_sum3A_184 : vector<64xf32> to vector<1x64xf32>
    %div3A_186 = arith.constant 4.096000e+03 : f32
    %div3A_187 = vector.broadcast %div3A_186 : f32 to vector<1x64xf32>
    %div3A_188 = arith.divf %broadcast_in_dim3A_185, %div3A_187 : vector<1x64xf32>
    %sub3A_189 = vector.broadcast %div3A_179 : vector<1x64xf32> to vector<4096x64xf32>
    %sub3A_190 = arith.subf %add3A_167, %sub3A_189 : vector<4096x64xf32>
    %add3A_191 = arith.constant 9.99999974E-6 : f32
    %add3A_192 = vector.broadcast %add3A_191 : f32 to vector<1x64xf32>
    %add3A_193 = arith.addf %div3A_188, %add3A_192 : vector<1x64xf32>
    %rsqrt3A_194 = math.rsqrt %add3A_193 : vector<1x64xf32>
    %mul3A_195 = vector.broadcast %rsqrt3A_194 : vector<1x64xf32> to vector<4096x64xf32>
    %mul3A_196 = arith.mulf %sub3A_190, %mul3A_195 : vector<4096x64xf32>
    %mul3A_197 = vector.broadcast %get3A_170 : vector<1x64xf32> to vector<4096x64xf32>
    %mul3A_198 = arith.mulf %mul3A_196, %mul3A_197 : vector<4096x64xf32>
    %add3A_199 = vector.broadcast %get3A_173 : vector<1x64xf32> to vector<4096x64xf32>
    %add3A_200 = arith.addf %mul3A_198, %add3A_199 : vector<4096x64xf32>
    %max3A_201 = arith.constant 0.000000e+00 : f32
    %max3A_202 = vector.broadcast %max3A_201 : f32 to vector<4096x64xf32>
    %max3A_203 = arith.maximumf %add3A_200, %max3A_202 : vector<4096x64xf32>
    %mul3A_204 = arith.mulf %max3A_111, %max3A_111 : vector<4096x64xf32>
    %reduce_sum3A_205 = arith.constant dense<0.000000e+00> : vector<4096xf32>
    %reduce_sum3A_206 = vector.multi_reduction <add>, %mul3A_204, %reduce_sum3A_205 [1] : vector<4096x64xf32> to vector<4096xf32>
    %broadcast_in_dim3A_207 = vector.shape_cast %reduce_sum3A_206 : vector<4096xf32> to vector<4096x1xf32>
    %sqrt3A = math.sqrt %broadcast_in_dim3A_207 : vector<4096x1xf32>
    %max3A_208 = arith.constant 9.99999993E-9 : f32
    %max3A_209 = vector.broadcast %max3A_208 : f32 to vector<4096x1xf32>
    %max3A_210 = arith.maximumf %sqrt3A, %max3A_209 : vector<4096x1xf32>
    %div3A_211 = vector.broadcast %max3A_210 : vector<4096x1xf32> to vector<4096x64xf32>
    %div3A_212 = arith.divf %max3A_111, %div3A_211 : vector<4096x64xf32>
    %mul3A_213 = arith.mulf %max3A_203, %max3A_203 : vector<4096x64xf32>
    %reduce_sum3A_214 = arith.constant dense<0.000000e+00> : vector<4096xf32>
    %reduce_sum3A_215 = vector.multi_reduction <add>, %mul3A_213, %reduce_sum3A_214 [1] : vector<4096x64xf32> to vector<4096xf32>
    %broadcast_in_dim3A_216 = vector.shape_cast %reduce_sum3A_215 : vector<4096xf32> to vector<4096x1xf32>
    %sqrt3A_217 = math.sqrt %broadcast_in_dim3A_216 : vector<4096x1xf32>
    %max3A_218 = arith.constant 9.99999993E-9 : f32
    %max3A_219 = vector.broadcast %max3A_218 : f32 to vector<4096x1xf32>
    %max3A_220 = arith.maximumf %sqrt3A_217, %max3A_219 : vector<4096x1xf32>
    %div3A_221 = vector.broadcast %max3A_220 : vector<4096x1xf32> to vector<4096x64xf32>
    %div3A_222 = arith.divf %max3A_203, %div3A_221 : vector<4096x64xf32>
    %get3A_223 = arith.constant 0 : index
    %get3A_224 = arith.constant 0 : index
    %get3A_225 = vector.load %arg2[%get3A_223, %get3A_224] : memref<4096x1xf32, #tpu.memory_space<vmem>>, vector<4096x1xf32>
    %log3A = math.log %get3A_225 : vector<4096x1xf32>
    %mul3A_226 = arith.mulf %div3A_212, %div3A_222 : vector<4096x64xf32>
    %reduce_sum3A_227 = arith.constant dense<0.000000e+00> : vector<4096xf32>
    %reduce_sum3A_228 = vector.multi_reduction <add>, %mul3A_226, %reduce_sum3A_227 [1] : vector<4096x64xf32> to vector<4096xf32>
    %broadcast_in_dim3A_229 = vector.shape_cast %reduce_sum3A_228 : vector<4096xf32> to vector<4096x1xf32>
    %sub3A_230 = arith.subf %broadcast_in_dim3A_229, %log3A : vector<4096x1xf32>
    %slice3A = vector.extract_strided_slice %div3A_222 {offsets = [1, 0], sizes = [4095, 64], strides = [1, 1]} : vector<4096x64xf32> to vector<4095x64xf32>
    %slice3A_231 = vector.extract_strided_slice %div3A_222 {offsets = [0, 0], sizes = [1, 64], strides = [1, 1]} : vector<4096x64xf32> to vector<1x64xf32>
    %concatenate3A_232 = tpu.concatenate %slice3A, %slice3A_231 in 0 : vector<4095x64xf32>, vector<1x64xf32> -> vector<4096x64xf32>
    %slice3A_233 = vector.extract_strided_slice %log3A {offsets = [1, 0], sizes = [4095, 1], strides = [1, 1]} : vector<4096x1xf32> to vector<4095x1xf32>
    %slice3A_234 = vector.extract_strided_slice %log3A {offsets = [0, 0], sizes = [1, 1], strides = [1, 1]} : vector<4096x1xf32> to vector<1x1xf32>
    %concatenate3A_235 = tpu.concatenate %slice3A_233, %slice3A_234 in 0 : vector<4095x1xf32>, vector<1x1xf32> -> vector<4096x1xf32>
    %mul3A_236 = arith.mulf %div3A_212, %concatenate3A_232 : vector<4096x64xf32>
    %reduce_sum3A_237 = arith.constant dense<0.000000e+00> : vector<4096xf32>
    %reduce_sum3A_238 = vector.multi_reduction <add>, %mul3A_236, %reduce_sum3A_237 [1] : vector<4096x64xf32> to vector<4096xf32>
    %broadcast_in_dim3A_239 = vector.shape_cast %reduce_sum3A_238 : vector<4096xf32> to vector<4096x1xf32>
    %sub3A_240 = arith.subf %broadcast_in_dim3A_239, %concatenate3A_235 : vector<4096x1xf32>
    %slice3A_241 = vector.extract_strided_slice %div3A_222 {offsets = [2, 0], sizes = [4094, 64], strides = [1, 1]} : vector<4096x64xf32> to vector<4094x64xf32>
    %slice3A_242 = vector.extract_strided_slice %div3A_222 {offsets = [0, 0], sizes = [2, 64], strides = [1, 1]} : vector<4096x64xf32> to vector<2x64xf32>
    %concatenate3A_243 = tpu.concatenate %slice3A_241, %slice3A_242 in 0 : vector<4094x64xf32>, vector<2x64xf32> -> vector<4096x64xf32>
    %slice3A_244 = vector.extract_strided_slice %log3A {offsets = [2, 0], sizes = [4094, 1], strides = [1, 1]} : vector<4096x1xf32> to vector<4094x1xf32>
    %slice3A_245 = vector.extract_strided_slice %log3A {offsets = [0, 0], sizes = [2, 1], strides = [1, 1]} : vector<4096x1xf32> to vector<2x1xf32>
    %concatenate3A_246 = tpu.concatenate %slice3A_244, %slice3A_245 in 0 : vector<4094x1xf32>, vector<2x1xf32> -> vector<4096x1xf32>
    %mul3A_247 = arith.mulf %div3A_212, %concatenate3A_243 : vector<4096x64xf32>
    %reduce_sum3A_248 = arith.constant dense<0.000000e+00> : vector<4096xf32>
    %reduce_sum3A_249 = vector.multi_reduction <add>, %mul3A_247, %reduce_sum3A_248 [1] : vector<4096x64xf32> to vector<4096xf32>
    %broadcast_in_dim3A_250 = vector.shape_cast %reduce_sum3A_249 : vector<4096xf32> to vector<4096x1xf32>
    %sub3A_251 = arith.subf %broadcast_in_dim3A_250, %concatenate3A_246 : vector<4096x1xf32>
    %slice3A_252 = vector.extract_strided_slice %div3A_222 {offsets = [3, 0], sizes = [4093, 64], strides = [1, 1]} : vector<4096x64xf32> to vector<4093x64xf32>
    %slice3A_253 = vector.extract_strided_slice %div3A_222 {offsets = [0, 0], sizes = [3, 64], strides = [1, 1]} : vector<4096x64xf32> to vector<3x64xf32>
    %concatenate3A_254 = tpu.concatenate %slice3A_252, %slice3A_253 in 0 : vector<4093x64xf32>, vector<3x64xf32> -> vector<4096x64xf32>
    %slice3A_255 = vector.extract_strided_slice %log3A {offsets = [3, 0], sizes = [4093, 1], strides = [1, 1]} : vector<4096x1xf32> to vector<4093x1xf32>
    %slice3A_256 = vector.extract_strided_slice %log3A {offsets = [0, 0], sizes = [3, 1], strides = [1, 1]} : vector<4096x1xf32> to vector<3x1xf32>
    %concatenate3A_257 = tpu.concatenate %slice3A_255, %slice3A_256 in 0 : vector<4093x1xf32>, vector<3x1xf32> -> vector<4096x1xf32>
    %mul3A_258 = arith.mulf %div3A_212, %concatenate3A_254 : vector<4096x64xf32>
    %reduce_sum3A_259 = arith.constant dense<0.000000e+00> : vector<4096xf32>
    %reduce_sum3A_260 = vector.multi_reduction <add>, %mul3A_258, %reduce_sum3A_259 [1] : vector<4096x64xf32> to vector<4096xf32>
    %broadcast_in_dim3A_261 = vector.shape_cast %reduce_sum3A_260 : vector<4096xf32> to vector<4096x1xf32>
    %sub3A_262 = arith.subf %broadcast_in_dim3A_261, %concatenate3A_257 : vector<4096x1xf32>
    %concatenate3A_263 = tpu.concatenate %sub3A_230, %sub3A_240, %sub3A_251, %sub3A_262 in 1 : vector<4096x1xf32>, vector<4096x1xf32>, vector<4096x1xf32>, vector<4096x1xf32> -> vector<4096x4xf32>
    %swap3A = arith.constant 0 : index
    %swap3A_264 = arith.constant 0 : index
    %swap3A_265 = vector.load %arg19[%swap3A, %swap3A_264] : memref<4096x4xf32, #tpu.memory_space<vmem>>, vector<4096x4xf32>
    tpu.vector_store %arg19[%swap3A, %swap3A_264], %concatenate3A_263 {strides = array<i32>} : memref<4096x4xf32, #tpu.memory_space<vmem>>, vector<4096x4xf32>,
    return
  }
}

</mosaic_0001>

<sc_bundles>
// kernel: kernel.4.cloned.1.call-start
scs
__scs_entry_jumppad:
0x0: {  	(pc) =	sbr.rel $0x88, $3  }
0x1: {  	(tag) =	ssettag $0x0;
	lr =	simm.s32 $0x1  }
0x2: {  	[smem:$0x3F87] =	sst lr;
	_ =	strace $0xD0000000  }
0x3: {  	_ = 	snop  }
0x4: {  	_ = 	snop  }
0x5: {  	_ = 	snop  }
0x6: {  	_ = 	snop  }
0x7: {  	_ = 	snop  }
__scs_overlays_trampoline_lowered:
0x8: {  	[smem:$0x3F96] =	sst s0  }
0x9: {  	[smem:$0x3F97] =	sst s1  }
0xa: {  	[smem:$0x3F98] =	sst s2  }
0xb: {  	[smem:$0x3F99] =	sst s3  }
0xc: {  	[smem:$0x3F9A] =	sst s4  }
0xd: {  	[smem:$0x3F9B] =	sst s5  }
0xe: {  	[smem:$0x3F9C] =	sst s6  }
0xf: {  	[smem:$0x3F9D] =	sst s7  }
0x10: {  	[smem:$0x3F9E] =	sst s8  }
0x11: {  	[smem:$0x3F9F] =	sst s9;
	s0 =	simm.s32 @!p0 $0x0  }
0x12: {  	s1 =	sld [smem:$0x3F85];
	s0 =	simm.s32 @p0 $0x1  }
0x13: {  	[smem:$0x3FA0] =	sst s0;
	s0 =	simm.s32 @!p1 $0x0  }
0x14: {  	s2 =	sld [smem:$0x3F84];
	s0 =	simm.s32 @p1 $0x1  }
0x15: {  	[smem:$0x3FA1] =	sst s0;
	s0 =	simm.s32 @!p2 $0x0  }
0x16: {  	s3 =	sld [smem:$0x3FDB];
	s0 =	simm.s32 @p2 $0x1  }
0x17: {  	s4 =	simm.s32 $0x1BF5;
	[smem:$0x3FA3] =	sst s0  }
0x18: {  	s0 =	sld [smem:$0x3F86];
	_ =	swait.ge [sflag:s4], $0x0  }
0x19: {  	s7 =	sld [smem:$0x3F87]  }
0x1a: {  	s8 =	sadd.s32 $0xFFFFE003, lr  }
0x1b: {  	s9 =	sadd.s32 $0xFFFFFEF7, lr;
	s5 =	simm.s32 $0xFFFFFFFF;
	p2 =	slt.u32 s8, $0xFFFFF086  }
0x1c: {  	p1 =	slt.u32 s9, $0xF7A;
	s5 =	simm.s32 @!p2 $0x0  }
0x1d: {  	s5 =	simm.s32 @p1 $0x1;
	p0 =	seq.s32 s7, s2  }
0x1e: {  	s7 =	smul.u32 @!p0 $0xF7A, s2;
	p2 =	seq.s32 @!p0 s5, $0x0  }
0x1f: {  	s9 =	smul.u32 $0xF7A, s1;
	s8 =	simm.s32 @!p0 $0x1BF5;
	p2 =	por !p2, p0  }
0x20: {  	[sflag:s8] =	ssyncset.s32 @!p0 $0xFFFFF086;
	s6 =	sadd.s32 @!p0 s3, s7;
	s7 =	simm.s32 @!p0 $0x108  }
0x21: {  	s3 =	sadd.s32 s3, s9;
	s6 =	sadd.s32 @!p0 $0x88, s6;
	s7 =	simm.s32 @p2 $0x1082  }
0x22: {  	[simem:s7], [sflag:s8] =	dma.local @!p0 [hbm:s6], $0xF7A  }
0x23: {  	s9 =	sor.u32 $0xD0000000, s2;
	s6 =	simm.s32 $0x108;
	_ =	swait.ge @!p0 [sflag:s8], $0x0  }
0x24: {  	s3 =	sadd.s32 $0x88, s3;
	s6 =	simm.s32 @!p1 $0x1082;
	[sflag:s4] =	ssyncset.s32 $0xFFFFF086  }
0x25: {  	[simem:s6], [sflag:s4] =	dma.local [hbm:s3], $0xF7A  }
0x26: {  	[smem:$0x3F87] =	sst s1;
	(tag) =	ssettag s2;
	_ =	strace s9  }
0x27: {  	s1 =	sld [smem:$0x3F97]  }
0x28: {  	s2 =	sld [smem:$0x3F98]  }
0x29: {  	s4 =	sld [smem:$0x3F9A]  }
0x2a: {  	p0 =	seq.s32 s5, $0x0;
	s5 =	sld [smem:$0x3F9B]  }
0x2b: {  	s6 =	sld [smem:$0x3F9C]  }
0x2c: {  	s7 =	sld [smem:$0x3F9D]  }
0x2d: {  	s3 =	simm.s32 $0x108;
	s8 =	sld [smem:$0x3F9E]  }
0x2e: {  	s3 =	simm.s32 @!p0 $0x1082;
	s9 =	sld [smem:$0x3F9F]  }
0x2f: {  	lr =	sadd.s32 s0, s3;
	s0 =	sld [smem:$0x3F96]  }
0x30: {  	s3 =	sld [smem:$0x3F99]  }
0x31: {  	[smem:$0x3FA2] =	sst s10  }
0x32: {  	s10 =	sld [smem:$0x3FA0];
	_ =	sdelay $0x3  }
0x33: {  	p0 =	seq.s32 s10, $0x1;
	s10 =	sld [smem:$0x3FA2];
	_ =	sdelay $0x3  }
0x34: {  	[smem:$0x3FA2] =	sst s10  }
0x35: {  	s10 =	sld [smem:$0x3FA1];
	_ =	sdelay $0x3  }
0x36: {  	p1 =	seq.s32 s10, $0x1;
	s10 =	sld [smem:$0x3FA2];
	_ =	sdelay $0x3  }
0x37: {  	[smem:$0x3FA2] =	sst s10  }
0x38: {  	s10 =	sld [smem:$0x3FA3]  }
0x39: {  	_ = 	snop;
	(pc) =	sbr.ind lr, $3  }
0x3a: {  	_ = 	snop  }
0x3b: {  	_ = 	snop  }
0x3c: {  	p2 =	seq.s32 s10, $0x1;
	s10 =	sld [smem:$0x3FA2]  }
0x3d: {  	_ =	shalt  }
0x3e: {  	_ =	shalt  }
0x3f: {  	_ =	shalt  }
0x40: {  	_ =	shalt  }
0x41: {  	_ =	shalt  }
0x42: {  	_ =	shalt  }
0x43: {  	_ =	shalt  }
0x44: {  	_ =	shalt  }
0x45: {  	_ =	shalt  }
0x46: {  	_ =	shalt  }
0x47: {  	_ =	shalt  }
0x48: {  	_ =	shalt  }
0x49: {  	_ =	shalt  }
0x4a: {  	_ =	shalt  }
0x4b: {  	_ =	shalt  }
0x4c: {  	_ =	shalt  }
0x4d: {  	_ =	shalt  }
0x4e: {  	_ =	shalt  }
0x4f: {  	_ =	shalt  }
0x50: {  	_ =	shalt  }
0x51: {  	_ =	shalt  }
0x52: {  	_ =	shalt  }
0x53: {  	_ =	shalt  }
0x54: {  	_ =	shalt  }
0x55: {  	_ =	shalt  }
0x56: {  	_ =	shalt  }
0x57: {  	_ =	shalt  }
0x58: {  	_ =	shalt  }
0x59: {  	_ =	shalt  }
0x5a: {  	_ =	shalt  }
0x5b: {  	_ =	shalt  }
0x5c: {  	_ =	shalt  }
0x5d: {  	_ =	shalt  }
0x5e: {  	_ =	shalt  }
0x5f: {  	_ =	shalt  }
0x60: {  	_ =	shalt  }
0x61: {  	_ =	shalt  }
0x62: {  	_ =	shalt  }
0x63: {  	_ =	shalt  }
0x64: {  	_ =	shalt  }
0x65: {  	_ =	shalt  }
0x66: {  	_ =	shalt  }
0x67: {  	_ =	shalt  }
0x68: {  	_ =	shalt  }
0x69: {  	_ =	shalt  }
0x6a: {  	_ =	shalt  }
0x6b: {  	_ =	shalt  }
0x6c: {  	_ =	shalt  }
0x6d: {  	_ =	shalt  }
0x6e: {  	_ =	shalt  }
0x6f: {  	_ =	shalt  }
0x70: {  	_ =	shalt  }
0x71: {  	_ =	shalt  }
0x72: {  	_ =	shalt  }
0x73: {  	_ =	shalt  }
0x74: {  	_ =	shalt  }
0x75: {  	_ =	shalt  }
0x76: {  	_ =	shalt  }
0x77: {  	_ =	shalt  }
0x78: {  	_ =	shalt  }
0x79: {  	_ =	shalt  }
0x7a: {  	_ =	shalt  }
0x7b: {  	_ =	shalt  }
0x7c: {  	_ =	shalt  }
0x7d: {  	_ =	shalt  }
0x7e: {  	_ =	shalt  }
0x7f: {  	_ =	shalt  }
0x80: {  	_ =	shalt  }
0x81: {  	_ =	shalt  }
0x82: {  	_ =	shalt  }
0x83: {  	_ =	shalt  }
0x84: {  	_ =	shalt  }
0x85: {  	_ =	shalt  }
0x86: {  	_ =	shalt  }
0x87: {  	_ =	shalt  }
.Lfunc_end0:
.L_simem_size_0:
called_computation_lowered:
.L_overlay_start_0:
0x88: {  	s2 =	sld [smem:$0x3FD9]  }
0x89: {  	s3 =	sld [smem:$0x3FFE];
	_ =	sdelay $0x1  }
0x8a: {  	s1 =	srdreg.scid  }
0x8b: {  	s0 =	sand.u32 $0x1, s1  }
0x8c: {  	s17 =	sshll.u32 s0, $0xA;
	s2 =	sadd.s32 s3, s2  }
0x8d: {  	s2 =	sadd.s32 s2, s17  }
0x8e: {  	[smem:$0x3FAE] =	sst s2  }
0x8f: {  	_ = 	snop  }
0x90: {  	s2 =	sld [smem:$0x3FC3]  }
0x91: {  	s18 =	sld [smem:$0x3FD0];
	(tm) =	ssettm $0x1  }
0x92: {  	s4 =	sld [smem:$0x3FFB];
	_ =	sdelay $0x3  }
0x93: {  	_ =	strace s4  }
0x94: {  	s4 =	sld [smem:$0x3FFC];
	_ =	sdelay $0x3  }
0x95: {  	_ =	strace s4  }
0x96: {  	s4 =	sld [smem:$0x3FFD];
	_ =	sdelay $0x3  }
0x97: {  	_ =	strace s4  }
0x98: {  	_ =	strace $0x8FFFFFFF  }
0x99: {  	s19 =	sld [smem:$0x3FDB];
	_ =	sdelay $0x1  }
0x9a: {  	s5 =	simm.s32 $_scs_section_size  }
0x9b: {  	s6 =	simm.s32 $_size__tile_overlayer_lowered;
	s7 =	simm.s32 $_tile_overlayer_lowered  }
0x9c: {  	s22 =	simm.s32 $0x1BFF;
	s21 =	sshll.u32 s7, $0x1;
	s4 =	sadd.s32 s5, s19  }
0x9d: {  	s8 =	simm.s32 $0x0;
	s20 =	sshll.u32 s6, $0x1;
	s6 =	sadd.s32 s21, s4  }
0x9e: {  	[timem:s8], [sflag:s22] =	dma.local [hbm:s6], s20  }
0x9f: {  	_ =	swait.ge [sflag:s22], s20  }
0xa0: {  	s5 =	ssub.s32 $0x0, s20;
	[sflag:s22] =	ssyncset.done $0x0  }
0xa1: {  	[sflag:s22] =	ssyncadd.s32 s5;
	_ =	sdelay $0x1  }
0xa2: {  	s23 =	simm.s32 $0x1B8B  }
0xa3: {  	_ =	swait.ge [sflag:s23], $0x1  }
0xa4: {  	[sflag:s23] =	ssyncset.done $0x0  }
0xa5: {  	s25 =	simm.s32 $0x1B8E;
	s24 =	sld [smem:$0x3FFE];
	[sflag:s23] =	ssyncadd.s32 $0xFFFFFFFF  }
0xa6: {  	s26 =	simm.s32 $execute0_lowered;
	[smem:$0x3FD2] =	sst s25  }
0xa7: {  	s6 =	sshll.u32 s26, $0x1;
	_ =	strace $0x80000046;
	[dreg:$0x1] =	wrdreg $0xFFFFFFFF  }
0xa8: {  	s28 =	simm.s32 $_size_execute0_lowered;
	s4 =	sadd.s32 s4, s6;
	[dreg:$0x0] =	wrdreg $0x0  }
0xa9: {  	s6 =	sshll.u32 s28, $0x1;
	[dreg:$0x2] =	wrdreg s4  }
0xaa: {  	[dreg:$0x3] =	wrdreg s6  }
0xab: {  	[dreg:$0x4] =	wrdreg $0xC0  }
0xac: {  	_ =	task [dreg:s8], $0x5FFFF  }
0xad: {  	[dreg:$0x1] =	wrdreg $0xFFFFFFFF  }
0xae: {  	[dreg:$0x0] =	wrdreg $0x60  }
0xaf: {  	[dreg:$0x2] =	wrdreg s24  }
0xb0: {  	[dreg:$0x3] =	wrdreg s2  }
0xb1: {  	[dreg:$0x4] =	wrdreg s18  }
0xb2: {  	[dreg:$0x5] =	wrdreg $0x9  }
0xb3: {  	_ =	task.clear_ibuf [dreg:s8], $0x6FFFF;
	_ =	strace $0x90000046  }
0xb4: {  	s29 =	simm.s32 $0x9;
	_ =	strace $0x80000048  }
0xb5: {  	_ =	swait.ge [sflag:s29], $0x1  }
0xb6: {  	[sflag:s29] =	ssyncadd.s32 $0xFFFFFFFF  }
0xb7: {  	_ =	strace $0x90000048  }
0xb8: {  	_ =	sfence  }
0xb9: {  	s30 =	sld [smem:$0x0];
	_ =	sdelay $0x2  }
0xba: {  	s31 =	sshll.u32 s1, $0xD;
	s1 =	sshrl.u32 s1, $0x2  }
0xbb: {  	s3 =	sand.u32 $0x4000, s31;
	s1 =	sadd.s32 s1, s30  }
0xbc: {  	s0 =	sor.u32 s3, s0;
	s1 =	sshll.u32 s1, $0x11  }
0xbd: {  	s0 =	sor.u32 s1, s0  }
0xbe: {  	s0 =	sadd.s32 $0x8F2B, s0  }
0xbf: {  	[sflag:s0] =	ssyncadd.remote.s32 $0x1  }
0xc0: {  	_ =	sfence.sel $0xFFFF  }
0xc1: {  	[dreg:$0x0] =	wrdreg $0xFFFFFFFF;
	(pc) =	sbr.abs _section_cstart, $3  }
0xc2: {  	[dreg:$0x1] =	wrdreg $0xFFFFFFFF  }
0xc3: {  	_ =	task.clear_ibuf [dreg:s8], $0x2FFFF;
	_ =	strace $0x9FFFFFFF  }
0xc4: {  	(tm) =	ssettm $0x7FFFFFFF  }
0xc5: {  	_ =	shalt  }
tec
execute0_lowered:
.L_overlay_start_1:
0x0: {  	(tag) =	ssettag $0x1  }
0x1: {  	s0 =	rddreg [dreg:$0x0]  }
0x2: {  	s1 =	rddreg [dreg:$0x1]  }
0x3: {  	s3 =	rddreg [dreg:$0x2];
	s12 =	simm.s32 $0x0;
	s4 =	srdreg.scid  }
0x4: {  	s5 =	stileid.u32;
	s2 =	simm.s32 $0x880;
	p0 =	por $0x0, $0x0  }
0x5: {  	[smem:$0x7FF] =	sst s12;
	s4 =	sand.u32 $0x1, s4;
	s5 =	sshll.u32 s5, $0x1  }
0x6: {  	s6 =	sadd.s32 $0x135000, s0;
	s7 =	sadd.s32 $0x3E00, s0;
	s5 =	sor.u32 s4, s5  }
0x7: {  	s15 =	sadd.s32 $0x138200, s0;
	s22 =	sadd.s32 $0xBE00, s0;
	s8 =	sshll.u32 s5, $0x8  }
0x8: {  	_ =	strace $0x80000047;
	[dreg:$0x4] =	wrdreg s6;
	s9 =	sadd.s32 s7, s8  }
0x9: {  	s23 =	sadd.s32 $0x140200, s0;
	s16 =	sadd.s32 s15, s8;
	[dreg:$0x5] =	wrdreg s9  }
0xa: {  	s4 =	ssub.s32 $0x2, s4;
	s24 =	sadd.s32 s22, s8;
	[dreg:$0x6] =	wrdreg s16  }
0xb: {  	s5 =	sshll.u32 s5, $0x4;
	s25 =	sadd.s32 s23, s8;
	[dreg:$0xd] =	wrdreg s24  }
0xc: {  	s29 =	sshrl.u32 s4, $0x1;
	s1 =	sadd.s32 s1, s5;
	[dreg:$0xe] =	wrdreg s25  }
0xd: {  	s10 =	sor.u32 $0x2000, s8;
	s30 =	sadd.s32 s3, s5;
	[dreg:$0x11] =	wrdreg s1  }
0xe: {  	s11 =	sor.u32 $0x4000, s8;
	s17 =	sadd.s32 s7, s10;
	[dreg:$0x12] =	wrdreg s30  }
0xf: {  	s21 =	sor.u32 $0x6000, s8;
	s18 =	sadd.s32 s15, s10;
	[dreg:$0x7] =	wrdreg s17  }
0x10: {  	s4 =	ssub.s32 s4, s29;
	s19 =	sadd.s32 s7, s11;
	[dreg:$0x8] =	wrdreg s18  }
0x11: {  	s20 =	sadd.s32 s15, s11;
	s31 =	smax.u32 s4, $0x1;
	[dreg:$0x9] =	wrdreg s19  }
0x12: {  	s7 =	sadd.s32 s7, s21;
	[dreg:$0xa] =	wrdreg s20;
	p1 =	sne.s32 s31, $0x1  }
.Ltmp0:
0x13: {  	s6 =	sadd.s32 s15, s21;
	[dreg:$0xb] =	wrdreg s7;
	(pc) =	sbr.rel @!p1 .LBB2_3-.Ltmp0, $4  }
0x14: {  	s14 =	sadd.s32 $0xFE00, s0;
	s26 =	sadd.s32 s22, s10;
	[dreg:$0xc] =	wrdreg s6  }
0x15: {  	s8 =	sadd.s32 $0xD3400, s0;
	s28 =	sadd.s32 s23, s10;
	[dreg:$0xf] =	wrdreg s26  }
0x16: {  	s3 =	simm.s32 $0x2;
	s4 =	simm.s32 $0x80;
	[dreg:$0x10] =	wrdreg s28  }
0x17: {  	s0 =	sadd.s32 $0xFFFFFFFF, s31;
	s6 =	simm.s32 $0x1;
	s16 =	rddreg [dreg:$0x5]  }
0x18: {  	[tilespmem:s4], [sflag:$0x2] =	stream.linear.gather [hbm4b:s16+s12], $0x800, $0x38;
	[tilespmem:$0x1100] =	vst v63  }
0x19: {  	_ =	swait.ge [sflag:s3], $0x800  }
0x1a: {  	[sflag:s3] =	ssyncset.done $0x0  }
0x1b: {  	[sflag:s3] =	ssyncadd.s32 $0xFFFFF800  }
0x1c: {  	[tilespmem:s2], [sflag:$0x1] =	stream.indirect.gather [hbm4b:s14+s4], $0x1, s4, s4, $0xb8;
	[tilespmem:$0x1100] =	vst v63  }
0x1d: {  	s1 =	simm.s32 $0x100;
	s26 =	simm.s32 $0x900  }
0x1e: {  	[tilespmem:s26], [sflag:$0x1] =	stream.indirect.gather [hbm4b:s14+s4], $0x1, s1, s4, $0xb8;
	[tilespmem:$0x1100] =	vst v63  }
0x1f: {  	s28 =	simm.s32 $0x180;
	s29 =	simm.s32 $0x980  }
0x20: {  	[tilespmem:s29], [sflag:$0x1] =	stream.indirect.gather [hbm4b:s14+s4], $0x1, s28, s4, $0xb8;
	[tilespmem:$0x1100] =	vst v63  }
0x21: {  	s30 =	simm.s32 $0x200;
	s31 =	simm.s32 $0xA00  }
0x22: {  	[tilespmem:s31], [sflag:$0x1] =	stream.indirect.gather [hbm4b:s14+s4], $0x1, s30, s4, $0xb8;
	[tilespmem:$0x1100] =	vst v63  }
0x23: {  	s5 =	simm.s32 $0xA80;
	s2 =	simm.s32 $0x280  }
0x24: {  	[tilespmem:s5], [sflag:$0x1] =	stream.indirect.gather [hbm4b:s14+s4], $0x1, s2, s4, $0xb8;
	[tilespmem:$0x1100] =	vst v63  }
0x25: {  	s7 =	simm.s32 $0x300;
	s9 =	simm.s32 $0xB00  }
0x26: {  	[tilespmem:s9], [sflag:$0x1] =	stream.indirect.gather [hbm4b:s14+s4], $0x1, s7, s4, $0xb8;
	[tilespmem:$0x1100] =	vst v63  }
0x27: {  	s10 =	simm.s32 $0x380;
	s11 =	simm.s32 $0xB80  }
0x28: {  	[tilespmem:s11], [sflag:$0x1] =	stream.indirect.gather [hbm4b:s14+s4], $0x1, s10, s4, $0xb8;
	[tilespmem:$0x1100] =	vst v63  }
0x29: {  	s12 =	simm.s32 $0x400;
	s13 =	simm.s32 $0xC00  }
0x2a: {  	[tilespmem:s13], [sflag:$0x1] =	stream.indirect.gather [hbm4b:s14+s4], $0x1, s12, s4, $0xb8;
	[tilespmem:$0x1100] =	vst v63  }
0x2b: {  	s16 =	simm.s32 $0x480;
	s17 =	simm.s32 $0xC80  }
0x2c: {  	[tilespmem:s17], [sflag:$0x1] =	stream.indirect.gather [hbm4b:s14+s4], $0x1, s16, s4, $0xb8;
	[tilespmem:$0x1100] =	vst v63  }
0x2d: {  	s18 =	simm.s32 $0x500;
	s22 =	simm.s32 $0xD00  }
0x2e: {  	[tilespmem:s22], [sflag:$0x1] =	stream.indirect.gather [hbm4b:s14+s4], $0x1, s18, s4, $0xb8;
	[tilespmem:$0x1100] =	vst v63  }
0x2f: {  	s2 =	simm.s32 $0x580;
	s5 =	simm.s32 $0xD80  }
0x30: {  	[tilespmem:s5], [sflag:$0x1] =	stream.indirect.gather [hbm4b:s14+s4], $0x1, s2, s4, $0xb8;
	[tilespmem:$0x1100] =	vst v63  }
0x31: {  	s7 =	simm.s32 $0x600;
	s9 =	simm.s32 $0xE00  }
0x32: {  	[tilespmem:s9], [sflag:$0x1] =	stream.indirect.gather [hbm4b:s14+s4], $0x1, s7, s4, $0xb8;
	[tilespmem:$0x1100] =	vst v63  }
0x33: {  	s11 =	simm.s32 $0x680;
	s16 =	simm.s32 $0xE80  }
0x34: {  	[tilespmem:s16], [sflag:$0x1] =	stream.indirect.gather [hbm4b:s14+s4], $0x1, s11, s4, $0xb8;
	[tilespmem:$0x1100] =	vst v63  }
0x35: {  	s18 =	simm.s32 $0x700;
	s22 =	simm.s32 $0xF00  }
0x36: {  	[tilespmem:s22], [sflag:$0x1] =	stream.indirect.gather [hbm4b:s14+s4], $0x1, s18, s4, $0xb8;
	[tilespmem:$0x1100] =	vst v63  }
0x37: {  	s2 =	simm.s32 $0x780;
	s11 =	simm.s32 $0xF80  }
0x38: {  	[tilespmem:s11], [sflag:$0x1] =	stream.indirect.gather [hbm4b:s14+s4], $0x1, s2, s4, $0xb8;
	[tilespmem:$0x1100] =	vst v63  }
0x39: {  	[dreg:$0x13] =	wrdreg s0;
	s16 =	simm.s32 $0x800;
	s22 =	simm.s32 $0x1000  }
0x3a: {  	[tilespmem:s22], [sflag:$0x1] =	stream.indirect.gather [hbm4b:s14+s4], $0x1, s16, s4, $0xb8;
	[tilespmem:$0x1100] =	vst v63  }
0x3b: {  	_ =	swait.ge [sflag:s6], $0x80  }
0x3c: {  	[sflag:s6] =	ssyncset.done $0x0  }
0x3d: {  	[sflag:s6] =	ssyncadd.s32 $0xFFFFFF80  }
0x3e: {  	_ =	swait.ge [sflag:s6], $0x80  }
0x3f: {  	[sflag:s6] =	ssyncset.done $0x0  }
0x40: {  	[sflag:s6] =	ssyncadd.s32 $0xFFFFFF80  }
0x41: {  	_ =	swait.ge [sflag:s6], $0x80  }
0x42: {  	[sflag:s6] =	ssyncset.done $0x0  }
0x43: {  	[sflag:s6] =	ssyncadd.s32 $0xFFFFFF80  }
0x44: {  	_ =	swait.ge [sflag:s6], $0x80  }
0x45: {  	[sflag:s6] =	ssyncset.done $0x0  }
0x46: {  	[sflag:s6] =	ssyncadd.s32 $0xFFFFFF80  }
0x47: {  	_ =	swait.ge [sflag:s6], $0x80  }
0x48: {  	[sflag:s6] =	ssyncset.done $0x0  }
0x49: {  	[sflag:s6] =	ssyncadd.s32 $0xFFFFFF80  }
0x4a: {  	_ =	swait.ge [sflag:s6], $0x80  }
0x4b: {  	[sflag:s6] =	ssyncset.done $0x0  }
0x4c: {  	[sflag:s6] =	ssyncadd.s32 $0xFFFFFF80  }
0x4d: {  	_ =	swait.ge [sflag:s6], $0x80  }
0x4e: {  	[sflag:s6] =	ssyncset.done $0x0  }
0x4f: {  	[sflag:s6] =	ssyncadd.s32 $0xFFFFFF80  }
0x50: {  	_ =	swait.ge [sflag:s6], $0x80  }
0x51: {  	[sflag:s6] =	ssyncset.done $0x0  }
0x52: {  	[sflag:s6] =	ssyncadd.s32 $0xFFFFFF80  }
0x53: {  	_ =	swait.ge [sflag:s6], $0x80  }
0x54: {  	[sflag:s6] =	ssyncset.done $0x0  }
0x55: {  	[sflag:s6] =	ssyncadd.s32 $0xFFFFFF80  }
0x56: {  	_ =	swait.ge [sflag:s6], $0x80  }
0x57: {  	[sflag:s6] =	ssyncset.done $0x0  }
0x58: {  	[sflag:s6] =	ssyncadd.s32 $0xFFFFFF80  }
0x59: {  	_ =	swait.ge [sflag:s6], $0x80  }
0x5a: {  	[sflag:s6] =	ssyncset.done $0x0  }
0x5b: {  	[sflag:s6] =	ssyncadd.s32 $0xFFFFFF80  }
0x5c: {  	_ =	swait.ge [sflag:s6], $0x80  }
0x5d: {  	[sflag:s6] =	ssyncset.done $0x0  }
0x5e: {  	[sflag:s6] =	ssyncadd.s32 $0xFFFFFF80  }
0x5f: {  	_ =	swait.ge [sflag:s6], $0x80  }
0x60: {  	[sflag:s6] =	ssyncset.done $0x0  }
0x61: {  	[sflag:s6] =	ssyncadd.s32 $0xFFFFFF80  }
0x62: {  	_ =	swait.ge [sflag:s6], $0x80  }
0x63: {  	[sflag:s6] =	ssyncset.done $0x0  }
0x64: {  	[sflag:s6] =	ssyncadd.s32 $0xFFFFFF80  }
0x65: {  	_ =	swait.ge [sflag:s6], $0x80  }
0x66: {  	[sflag:s6] =	ssyncset.done $0x0  }
0x67: {  	[sflag:s6] =	ssyncadd.s32 $0xFFFFFF80  }
0x68: {  	_ =	swait.ge [sflag:s6], $0x80  }
0x69: {  	s15 =	simm.s32 $0x0;
	[sflag:s6] =	ssyncset.done $0x0  }
0x6a: {  	s5 =	simm.s32 $0x880;
	s1 =	rddreg [dreg:$0x6];
	[sflag:s6] =	ssyncadd.s32 $0xFFFFFF80  }
0x6b: {  	[hbm4b:s1+s15] =	stream.linear.scatter [tilespmem:s5], [sflag:$0x2], $0x800, $0x38;
	[tilespmem:$0x1100] =	vst v63  }
0x6c: {  	_ =	swait.ge [sflag:s3], $0x800  }
0x6d: {  	[sflag:s3] =	ssyncset.done $0x0  }
0x6e: {  	s2 =	rddreg [dreg:$0x7];
	[sflag:s3] =	ssyncadd.s32 $0xFFFFF800  }
0x6f: {  	[tilespmem:s4], [sflag:$0x2] =	stream.linear.gather [hbm4b:s2+s15], $0x800, $0x38;
	[tilespmem:$0x1100] =	vst v63  }
0x70: {  	_ =	swait.ge [sflag:s3], $0x800  }
0x71: {  	[sflag:s3] =	ssyncset.done $0x0  }
0x72: {  	[sflag:s3] =	ssyncadd.s32 $0xFFFFF800  }
0x73: {  	[tilespmem:s5], [sflag:$0x1] =	stream.indirect.gather [hbm4b:s14+s4], $0x1, s4, s4, $0xb8;
	[tilespmem:$0x1100] =	vst v63  }
0x74: {  	s1 =	simm.s32 $0x100;
	s2 =	simm.s32 $0x900  }
0x75: {  	[tilespmem:s2], [sflag:$0x1] =	stream.indirect.gather [hbm4b:s14+s4], $0x1, s1, s4, $0xb8;
	[tilespmem:$0x1100] =	vst v63  }
0x76: {  	s0 =	simm.s32 $0x980;
	s16 =	simm.s32 $0x180  }
0x77: {  	[tilespmem:s0], [sflag:$0x1] =	stream.indirect.gather [hbm4b:s14+s4], $0x1, s16, s4, $0xb8;
	[tilespmem:$0x1100] =	vst v63  }
0x78: {  	s31 =	simm.s32 $0x200;
	s16 =	simm.s32 $0xA00  }
0x79: {  	[tilespmem:s16], [sflag:$0x1] =	stream.indirect.gather [hbm4b:s14+s4], $0x1, s31, s4, $0xb8;
	[tilespmem:$0x1100] =	vst v63  }
0x7a: {  	s29 =	simm.s32 $0x280;
	s30 =	simm.s32 $0xA80  }
0x7b: {  	[tilespmem:s30], [sflag:$0x1] =	stream.indirect.gather [hbm4b:s14+s4], $0x1, s29, s4, $0xb8;
	[tilespmem:$0x1100] =	vst v63  }
0x7c: {  	s26 =	simm.s32 $0x300;
	s28 =	simm.s32 $0xB00  }
0x7d: {  	[tilespmem:s28], [sflag:$0x1] =	stream.indirect.gather [hbm4b:s14+s4], $0x1, s26, s4, $0xb8;
	[tilespmem:$0x1100] =	vst v63  }
0x7e: {  	s25 =	simm.s32 $0xB80;
	s24 =	simm.s32 $0x380  }
0x7f: {  	[tilespmem:s25], [sflag:$0x1] =	stream.indirect.gather [hbm4b:s14+s4], $0x1, s24, s4, $0xb8;
	[tilespmem:$0x1100] =	vst v63  }
0x80: {  	s23 =	simm.s32 $0xC00;
	s21 =	simm.s32 $0x400  }
0x81: {  	[tilespmem:s23], [sflag:$0x1] =	stream.indirect.gather [hbm4b:s14+s4], $0x1, s21, s4, $0xb8;
	[tilespmem:$0x1100] =	vst v63  }
0x82: {  	s20 =	simm.s32 $0xC80;
	s19 =	simm.s32 $0x480  }
0x83: {  	[tilespmem:s20], [sflag:$0x1] =	stream.indirect.gather [hbm4b:s14+s4], $0x1, s19, s4, $0xb8;
	[tilespmem:$0x1100] =	vst v63  }
0x84: {  	s13 =	simm.s32 $0x500;
	s17 =	simm.s32 $0xD00  }
0x85: {  	[tilespmem:s17], [sflag:$0x1] =	stream.indirect.gather [hbm4b:s14+s4], $0x1, s13, s4, $0xb8;
	[tilespmem:$0x1100] =	vst v63  }
0x86: {  	s10 =	simm.s32 $0x580;
	s12 =	simm.s32 $0xD80  }
0x87: {  	[tilespmem:s12], [sflag:$0x1] =	stream.indirect.gather [hbm4b:s14+s4], $0x1, s10, s4, $0xb8;
	[tilespmem:$0x1100] =	vst v63  }
0x88: {  	s9 =	simm.s32 $0xE00;
	s7 =	simm.s32 $0x600  }
0x89: {  	[tilespmem:s9], [sflag:$0x1] =	stream.indirect.gather [hbm4b:s14+s4], $0x1, s7, s4, $0xb8;
	[tilespmem:$0x1100] =	vst v63  }
0x8a: {  	s0 =	simm.s32 $0xE80;
	s31 =	simm.s32 $0x680  }
0x8b: {  	[tilespmem:s0], [sflag:$0x1] =	stream.indirect.gather [hbm4b:s14+s4], $0x1, s31, s4, $0xb8;
	[tilespmem:$0x1100] =	vst v63  }
0x8c: {  	s21 =	simm.s32 $0xF00;
	s12 =	simm.s32 $0x700  }
0x8d: {  	[tilespmem:s21], [sflag:$0x1] =	stream.indirect.gather [hbm4b:s14+s4], $0x1, s12, s4, $0xb8;
	[tilespmem:$0x1100] =	vst v63  }
0x8e: {  	s18 =	simm.s32 $0xF80;
	s20 =	simm.s32 $0x780  }
0x8f: {  	[tilespmem:s18], [sflag:$0x1] =	stream.indirect.gather [hbm4b:s14+s4], $0x1, s20, s4, $0xb8;
	[tilespmem:$0x1100] =	vst v63  }
0x90: {  	s11 =	simm.s32 $0x1000;
	s22 =	simm.s32 $0x800  }
0x91: {  	[tilespmem:s11], [sflag:$0x1] =	stream.indirect.gather [hbm4b:s14+s4], $0x1, s22, s4, $0xb8;
	[tilespmem:$0x1100] =	vst v63  }
0x92: {  	_ =	swait.ge [sflag:s6], $0x80  }
0x93: {  	[sflag:s6] =	ssyncset.done $0x0  }
0x94: {  	[sflag:s6] =	ssyncadd.s32 $0xFFFFFF80  }
0x95: {  	_ =	swait.ge [sflag:s6], $0x80  }
0x96: {  	[sflag:s6] =	ssyncset.done $0x0  }
0x97: {  	[sflag:s6] =	ssyncadd.s32 $0xFFFFFF80  }
0x98: {  	_ =	swait.ge [sflag:s6], $0x80  }
0x99: {  	[sflag:s6] =	ssyncset.done $0x0  }
0x9a: {  	[sflag:s6] =	ssyncadd.s32 $0xFFFFFF80  }
0x9b: {  	_ =	swait.ge [sflag:s6], $0x80  }
0x9c: {  	[sflag:s6] =	ssyncset.done $0x0  }
0x9d: {  	[sflag:s6] =	ssyncadd.s32 $0xFFFFFF80  }
0x9e: {  	_ =	swait.ge [sflag:s6], $0x80  }
0x9f: {  	[sflag:s6] =	ssyncset.done $0x0  }
0xa0: {  	[sflag:s6] =	ssyncadd.s32 $0xFFFFFF80  }
0xa1: {  	_ =	swait.ge [sflag:s6], $0x80  }
0xa2: {  	[sflag:s6] =	ssyncset.done $0x0  }
0xa3: {  	[sflag:s6] =	ssyncadd.s32 $0xFFFFFF80  }
0xa4: {  	_ =	swait.ge [sflag:s6], $0x80  }
0xa5: {  	[sflag:s6] =	ssyncset.done $0x0  }
0xa6: {  	[sflag:s6] =	ssyncadd.s32 $0xFFFFFF80  }
0xa7: {  	_ =	swait.ge [sflag:s6], $0x80  }
0xa8: {  	[sflag:s6] =	ssyncset.done $0x0  }
0xa9: {  	[sflag:s6] =	ssyncadd.s32 $0xFFFFFF80  }
0xaa: {  	_ =	swait.ge [sflag:s6], $0x80  }
0xab: {  	[sflag:s6] =	ssyncset.done $0x0  }
0xac: {  	[sflag:s6] =	ssyncadd.s32 $0xFFFFFF80  }
0xad: {  	_ =	swait.ge [sflag:s6], $0x80  }
0xae: {  	[sflag:s6] =	ssyncset.done $0x0  }
0xaf: {  	[sflag:s6] =	ssyncadd.s32 $0xFFFFFF80  }
0xb0: {  	_ =	swait.ge [sflag:s6], $0x80  }
0xb1: {  	[sflag:s6] =	ssyncset.done $0x0  }
0xb2: {  	[sflag:s6] =	ssyncadd.s32 $0xFFFFFF80  }
0xb3: {  	_ =	swait.ge [sflag:s6], $0x80  }
0xb4: {  	[sflag:s6] =	ssyncset.done $0x0  }
0xb5: {  	[sflag:s6] =	ssyncadd.s32 $0xFFFFFF80  }
0xb6: {  	_ =	swait.ge [sflag:s6], $0x80  }
0xb7: {  	[sflag:s6] =	ssyncset.done $0x0  }
0xb8: {  	[sflag:s6] =	ssyncadd.s32 $0xFFFFFF80  }
0xb9: {  	_ =	swait.ge [sflag:s6], $0x80  }
0xba: {  	[sflag:s6] =	ssyncset.done $0x0  }
0xbb: {  	[sflag:s6] =	ssyncadd.s32 $0xFFFFFF80  }
0xbc: {  	_ =	swait.ge [sflag:s6], $0x80  }
0xbd: {  	[sflag:s6] =	ssyncset.done $0x0  }
0xbe: {  	[sflag:s6] =	ssyncadd.s32 $0xFFFFFF80  }
0xbf: {  	_ =	swait.ge [sflag:s6], $0x80  }
0xc0: {  	[sflag:s6] =	ssyncset.done $0x0  }
0xc1: {  	s18 =	rddreg [dreg:$0x8];
	[sflag:s6] =	ssyncadd.s32 $0xFFFFFF80  }
0xc2: {  	[hbm4b:s18+s15] =	stream.linear.scatter [tilespmem:s5], [sflag:$0x2], $0x800, $0x38;
	[tilespmem:$0x1100] =	vst v63  }
0xc3: {  	_ =	swait.ge [sflag:s3], $0x800  }
0xc4: {  	[sflag:s3] =	ssyncset.done $0x0  }
0xc5: {  	s22 =	rddreg [dreg:$0x9];
	[sflag:s3] =	ssyncadd.s32 $0xFFFFF800  }
0xc6: {  	[tilespmem:s4], [sflag:$0x2] =	stream.linear.gather [hbm4b:s22+s15], $0x800, $0x38;
	[tilespmem:$0x1100] =	vst v63  }
0xc7: {  	_ =	swait.ge [sflag:s3], $0x800  }
0xc8: {  	[sflag:s3] =	ssyncset.done $0x0  }
0xc9: {  	[sflag:s3] =	ssyncadd.s32 $0xFFFFF800  }
0xca: {  	[tilespmem:s5], [sflag:$0x1] =	stream.indirect.gather [hbm4b:s14+s4], $0x1, s4, s4, $0xb8;
	[tilespmem:$0x1100] =	vst v63  }
0xcb: {  	_ = 	snop  }
0xcc: {  	[tilespmem:s2], [sflag:$0x1] =	stream.indirect.gather [hbm4b:s14+s4], $0x1, s1, s4, $0xb8;
	[tilespmem:$0x1100] =	vst v63  }
0xcd: {  	s18 =	simm.s32 $0x980;
	s22 =	simm.s32 $0x180  }
0xce: {  	[tilespmem:s18], [sflag:$0x1] =	stream.indirect.gather [hbm4b:s14+s4], $0x1, s22, s4, $0xb8;
	[tilespmem:$0x1100] =	vst v63  }
0xcf: {  	s16 =	simm.s32 $0xA00;
	s22 =	simm.s32 $0x200  }
0xd0: {  	[tilespmem:s16], [sflag:$0x1] =	stream.indirect.gather [hbm4b:s14+s4], $0x1, s22, s4, $0xb8;
	[tilespmem:$0x1100] =	vst v63  }
0xd1: {  	s1 =	simm.s32 $0xA80;
	s16 =	simm.s32 $0x280  }
0xd2: {  	[tilespmem:s1], [sflag:$0x1] =	stream.indirect.gather [hbm4b:s14+s4], $0x1, s16, s4, $0xb8;
	[tilespmem:$0x1100] =	vst v63  }
0xd3: {  	s1 =	simm.s32 $0xB00;
	s16 =	simm.s32 $0x300  }
0xd4: {  	[tilespmem:s1], [sflag:$0x1] =	stream.indirect.gather [hbm4b:s14+s4], $0x1, s16, s4, $0xb8;
	[tilespmem:$0x1100] =	vst v63  }
0xd5: {  	s29 =	simm.s32 $0x380;
	s16 =	simm.s32 $0xB80  }
0xd6: {  	[tilespmem:s16], [sflag:$0x1] =	stream.indirect.gather [hbm4b:s14+s4], $0x1, s29, s4, $0xb8;
	[tilespmem:$0x1100] =	vst v63  }
0xd7: {  	s30 =	simm.s32 $0xC00;
	s28 =	simm.s32 $0x400  }
0xd8: {  	[tilespmem:s30], [sflag:$0x1] =	stream.indirect.gather [hbm4b:s14+s4], $0x1, s28, s4, $0xb8;
	[tilespmem:$0x1100] =	vst v63  }
0xd9: {  	s26 =	simm.s32 $0xC80;
	s24 =	simm.s32 $0x480  }
0xda: {  	[tilespmem:s26], [sflag:$0x1] =	stream.indirect.gather [hbm4b:s14+s4], $0x1, s24, s4, $0xb8;
	[tilespmem:$0x1100] =	vst v63  }
0xdb: {  	s25 =	simm.s32 $0xD00;
	s19 =	simm.s32 $0x500  }
0xdc: {  	[tilespmem:s25], [sflag:$0x1] =	stream.indirect.gather [hbm4b:s14+s4], $0x1, s19, s4, $0xb8;
	[tilespmem:$0x1100] =	vst v63  }
0xdd: {  	s23 =	simm.s32 $0xD80;
	s17 =	simm.s32 $0x580  }
0xde: {  	[tilespmem:s23], [sflag:$0x1] =	stream.indirect.gather [hbm4b:s14+s4], $0x1, s17, s4, $0xb8;
	[tilespmem:$0x1100] =	vst v63  }
0xdf: {  	s13 =	simm.s32 $0xE00;
	s10 =	simm.s32 $0x600  }
0xe0: {  	[tilespmem:s13], [sflag:$0x1] =	stream.indirect.gather [hbm4b:s14+s4], $0x1, s10, s4, $0xb8;
	[tilespmem:$0x1100] =	vst v63  }
0xe1: {  	_ = 	snop  }
0xe2: {  	[tilespmem:s0], [sflag:$0x1] =	stream.indirect.gather [hbm4b:s14+s4], $0x1, s31, s4, $0xb8;
	[tilespmem:$0x1100] =	vst v63  }
0xe3: {  	_ = 	snop  }
0xe4: {  	[tilespmem:s21], [sflag:$0x1] =	stream.indirect.gather [hbm4b:s14+s4], $0x1, s12, s4, $0xb8;
	[tilespmem:$0x1100] =	vst v63  }
0xe5: {  	s9 =	simm.s32 $0xF80  }
0xe6: {  	[tilespmem:s9], [sflag:$0x1] =	stream.indirect.gather [hbm4b:s14+s4], $0x1, s20, s4, $0xb8;
	[tilespmem:$0x1100] =	vst v63  }
0xe7: {  	s7 =	simm.s32 $0x1000;
	s11 =	simm.s32 $0x800  }
0xe8: {  	[tilespmem:s7], [sflag:$0x1] =	stream.indirect.gather [hbm4b:s14+s4], $0x1, s11, s4, $0xb8;
	[tilespmem:$0x1100] =	vst v63  }
0xe9: {  	_ =	swait.ge [sflag:s6], $0x80  }
0xea: {  	[sflag:s6] =	ssyncset.done $0x0  }
0xeb: {  	[sflag:s6] =	ssyncadd.s32 $0xFFFFFF80  }
0xec: {  	_ =	swait.ge [sflag:s6], $0x80  }
0xed: {  	[sflag:s6] =	ssyncset.done $0x0  }
0xee: {  	[sflag:s6] =	ssyncadd.s32 $0xFFFFFF80  }
0xef: {  	_ =	swait.ge [sflag:s6], $0x80  }
0xf0: {  	[sflag:s6] =	ssyncset.done $0x0  }
0xf1: {  	[sflag:s6] =	ssyncadd.s32 $0xFFFFFF80  }
0xf2: {  	_ =	swait.ge [sflag:s6], $0x80  }
0xf3: {  	[sflag:s6] =	ssyncset.done $0x0  }
0xf4: {  	[sflag:s6] =	ssyncadd.s32 $0xFFFFFF80  }
0xf5: {  	_ =	swait.ge [sflag:s6], $0x80  }
0xf6: {  	[sflag:s6] =	ssyncset.done $0x0  }
0xf7: {  	[sflag:s6] =	ssyncadd.s32 $0xFFFFFF80  }
0xf8: {  	_ =	swait.ge [sflag:s6], $0x80  }
0xf9: {  	[sflag:s6] =	ssyncset.done $0x0  }
0xfa: {  	[sflag:s6] =	ssyncadd.s32 $0xFFFFFF80  }
0xfb: {  	_ =	swait.ge [sflag:s6], $0x80  }
0xfc: {  	[sflag:s6] =	ssyncset.done $0x0  }
0xfd: {  	[sflag:s6] =	ssyncadd.s32 $0xFFFFFF80  }
0xfe: {  	_ =	swait.ge [sflag:s6], $0x80  }
0xff: {  	[sflag:s6] =	ssyncset.done $0x0  }
0x100: {  	[sflag:s6] =	ssyncadd.s32 $0xFFFFFF80  }
0x101: {  	_ =	swait.ge [sflag:s6], $0x80  }
0x102: {  	[sflag:s6] =	ssyncset.done $0x0  }
0x103: {  	[sflag:s6] =	ssyncadd.s32 $0xFFFFFF80  }
0x104: {  	_ =	swait.ge [sflag:s6], $0x80  }
0x105: {  	[sflag:s6] =	ssyncset.done $0x0  }
0x106: {  	[sflag:s6] =	ssyncadd.s32 $0xFFFFFF80  }
0x107: {  	_ =	swait.ge [sflag:s6], $0x80  }
0x108: {  	[sflag:s6] =	ssyncset.done $0x0  }
0x109: {  	[sflag:s6] =	ssyncadd.s32 $0xFFFFFF80  }
0x10a: {  	_ =	swait.ge [sflag:s6], $0x80  }
0x10b: {  	[sflag:s6] =	ssyncset.done $0x0  }
0x10c: {  	[sflag:s6] =	ssyncadd.s32 $0xFFFFFF80  }
0x10d: {  	_ =	swait.ge [sflag:s6], $0x80  }
0x10e: {  	[sflag:s6] =	ssyncset.done $0x0  }
0x10f: {  	[sflag:s6] =	ssyncadd.s32 $0xFFFFFF80  }
0x110: {  	_ =	swait.ge [sflag:s6], $0x80  }
0x111: {  	[sflag:s6] =	ssyncset.done $0x0  }
0x112: {  	[sflag:s6] =	ssyncadd.s32 $0xFFFFFF80  }
0x113: {  	_ =	swait.ge [sflag:s6], $0x80  }
0x114: {  	[sflag:s6] =	ssyncset.done $0x0  }
0x115: {  	[sflag:s6] =	ssyncadd.s32 $0xFFFFFF80  }
0x116: {  	_ =	swait.ge [sflag:s6], $0x80  }
0x117: {  	[sflag:s6] =	ssyncset.done $0x0  }
0x118: {  	s20 =	rddreg [dreg:$0xa];
	[sflag:s6] =	ssyncadd.s32 $0xFFFFFF80  }
0x119: {  	[hbm4b:s20+s15] =	stream.linear.scatter [tilespmem:s5], [sflag:$0x2], $0x800, $0x38;
	[tilespmem:$0x1100] =	vst v63  }
0x11a: {  	_ =	swait.ge [sflag:s3], $0x800  }
0x11b: {  	[sflag:s3] =	ssyncset.done $0x0  }
0x11c: {  	s21 =	rddreg [dreg:$0xb];
	[sflag:s3] =	ssyncadd.s32 $0xFFFFF800  }
0x11d: {  	[tilespmem:s4], [sflag:$0x2] =	stream.linear.gather [hbm4b:s21+s15], $0x800, $0x38;
	[tilespmem:$0x1100] =	vst v63  }
0x11e: {  	_ =	swait.ge [sflag:s3], $0x800  }
0x11f: {  	[sflag:s3] =	ssyncset.done $0x0  }
0x120: {  	[sflag:s3] =	ssyncadd.s32 $0xFFFFF800  }
0x121: {  	[tilespmem:s5], [sflag:$0x1] =	stream.indirect.gather [hbm4b:s14+s4], $0x1, s4, s4, $0xb8;
	[tilespmem:$0x1100] =	vst v63  }
0x122: {  	s2 =	simm.s32 $0x900;
	s23 =	simm.s32 $0x100  }
0x123: {  	[tilespmem:s2], [sflag:$0x1] =	stream.indirect.gather [hbm4b:s14+s4], $0x1, s23, s4, $0xb8;
	[tilespmem:$0x1100] =	vst v63  }
0x124: {  	s18 =	simm.s32 $0x980;
	s12 =	simm.s32 $0x180  }
0x125: {  	[tilespmem:s18], [sflag:$0x1] =	stream.indirect.gather [hbm4b:s14+s4], $0x1, s12, s4, $0xb8;
	[tilespmem:$0x1100] =	vst v63  }
0x126: {  	s22 =	simm.s32 $0xA00;
	s16 =	simm.s32 $0x200  }
0x127: {  	[tilespmem:s22], [sflag:$0x1] =	stream.indirect.gather [hbm4b:s14+s4], $0x1, s16, s4, $0xb8;
	[tilespmem:$0x1100] =	vst v63  }
0x128: {  	s20 =	simm.s32 $0xA80;
	s18 =	simm.s32 $0x280  }
0x129: {  	[tilespmem:s20], [sflag:$0x1] =	stream.indirect.gather [hbm4b:s14+s4], $0x1, s18, s4, $0xb8;
	[tilespmem:$0x1100] =	vst v63  }
0x12a: {  	s21 =	simm.s32 $0x300;
	s22 =	simm.s32 $0xB00  }
0x12b: {  	[tilespmem:s22], [sflag:$0x1] =	stream.indirect.gather [hbm4b:s14+s4], $0x1, s21, s4, $0xb8;
	[tilespmem:$0x1100] =	vst v63  }
0x12c: {  	s29 =	simm.s32 $0xB80;
	s23 =	simm.s32 $0x380  }
0x12d: {  	[tilespmem:s29], [sflag:$0x1] =	stream.indirect.gather [hbm4b:s14+s4], $0x1, s23, s4, $0xb8;
	[tilespmem:$0x1100] =	vst v63  }
0x12e: {  	s30 =	simm.s32 $0x400;
	s28 =	simm.s32 $0xC00  }
0x12f: {  	[tilespmem:s28], [sflag:$0x1] =	stream.indirect.gather [hbm4b:s14+s4], $0x1, s30, s4, $0xb8;
	[tilespmem:$0x1100] =	vst v63  }
0x130: {  	s26 =	simm.s32 $0x480;
	s24 =	simm.s32 $0xC80  }
0x131: {  	[tilespmem:s24], [sflag:$0x1] =	stream.indirect.gather [hbm4b:s14+s4], $0x1, s26, s4, $0xb8;
	[tilespmem:$0x1100] =	vst v63  }
0x132: {  	s25 =	simm.s32 $0x500;
	s19 =	simm.s32 $0xD00  }
0x133: {  	[tilespmem:s19], [sflag:$0x1] =	stream.indirect.gather [hbm4b:s14+s4], $0x1, s25, s4, $0xb8;
	[tilespmem:$0x1100] =	vst v63  }
0x134: {  	s17 =	simm.s32 $0xD80;
	s26 =	simm.s32 $0x580  }
0x135: {  	[tilespmem:s17], [sflag:$0x1] =	stream.indirect.gather [hbm4b:s14+s4], $0x1, s26, s4, $0xb8;
	[tilespmem:$0x1100] =	vst v63  }
0x136: {  	s13 =	simm.s32 $0xE00;
	s30 =	simm.s32 $0x600  }
0x137: {  	[tilespmem:s13], [sflag:$0x1] =	stream.indirect.gather [hbm4b:s14+s4], $0x1, s30, s4, $0xb8;
	[tilespmem:$0x1100] =	vst v63  }
0x138: {  	s10 =	simm.s32 $0x680;
	s31 =	simm.s32 $0xE80  }
0x139: {  	[tilespmem:s31], [sflag:$0x1] =	stream.indirect.gather [hbm4b:s14+s4], $0x1, s10, s4, $0xb8;
	[tilespmem:$0x1100] =	vst v63  }
0x13a: {  	s1 =	simm.s32 $0x700;
	s31 =	simm.s32 $0xF00  }
0x13b: {  	[tilespmem:s31], [sflag:$0x1] =	stream.indirect.gather [hbm4b:s14+s4], $0x1, s1, s4, $0xb8;
	[tilespmem:$0x1100] =	vst v63  }
0x13c: {  	s0 =	simm.s32 $0x780;
	s26 =	simm.s32 $0xF80  }
0x13d: {  	[tilespmem:s26], [sflag:$0x1] =	stream.indirect.gather [hbm4b:s14+s4], $0x1, s0, s4, $0xb8;
	[tilespmem:$0x1100] =	vst v63  }
0x13e: {  	s11 =	simm.s32 $0x1000;
	s7 =	simm.s32 $0x800  }
0x13f: {  	[tilespmem:s11], [sflag:$0x1] =	stream.indirect.gather [hbm4b:s14+s4], $0x1, s7, s4, $0xb8;
	[tilespmem:$0x1100] =	vst v63  }
0x140: {  	_ =	swait.ge [sflag:s6], $0x80  }
0x141: {  	[sflag:s6] =	ssyncset.done $0x0  }
0x142: {  	[sflag:s6] =	ssyncadd.s32 $0xFFFFFF80  }
0x143: {  	_ =	swait.ge [sflag:s6], $0x80  }
0x144: {  	[sflag:s6] =	ssyncset.done $0x0  }
0x145: {  	[sflag:s6] =	ssyncadd.s32 $0xFFFFFF80  }
0x146: {  	_ =	swait.ge [sflag:s6], $0x80  }
0x147: {  	[sflag:s6] =	ssyncset.done $0x0  }
0x148: {  	[sflag:s6] =	ssyncadd.s32 $0xFFFFFF80  }
0x149: {  	_ =	swait.ge [sflag:s6], $0x80  }
0x14a: {  	[sflag:s6] =	ssyncset.done $0x0  }
0x14b: {  	[sflag:s6] =	ssyncadd.s32 $0xFFFFFF80  }
0x14c: {  	_ =	swait.ge [sflag:s6], $0x80  }
0x14d: {  	[sflag:s6] =	ssyncset.done $0x0  }
0x14e: {  	[sflag:s6] =	ssyncadd.s32 $0xFFFFFF80  }
0x14f: {  	_ =	swait.ge [sflag:s6], $0x80  }
0x150: {  	[sflag:s6] =	ssyncset.done $0x0  }
0x151: {  	[sflag:s6] =	ssyncadd.s32 $0xFFFFFF80  }
0x152: {  	_ =	swait.ge [sflag:s6], $0x80  }
0x153: {  	[sflag:s6] =	ssyncset.done $0x0  }
0x154: {  	[sflag:s6] =	ssyncadd.s32 $0xFFFFFF80  }
0x155: {  	_ =	swait.ge [sflag:s6], $0x80  }
0x156: {  	[sflag:s6] =	ssyncset.done $0x0  }
0x157: {  	[sflag:s6] =	ssyncadd.s32 $0xFFFFFF80  }
0x158: {  	_ =	swait.ge [sflag:s6], $0x80  }
0x159: {  	[sflag:s6] =	ssyncset.done $0x0  }
0x15a: {  	[sflag:s6] =	ssyncadd.s32 $0xFFFFFF80  }
0x15b: {  	_ =	swait.ge [sflag:s6], $0x80  }
0x15c: {  	[sflag:s6] =	ssyncset.done $0x0  }
0x15d: {  	[sflag:s6] =	ssyncadd.s32 $0xFFFFFF80  }
0x15e: {  	_ =	swait.ge [sflag:s6], $0x80  }
0x15f: {  	[sflag:s6] =	ssyncset.done $0x0  }
0x160: {  	[sflag:s6] =	ssyncadd.s32 $0xFFFFFF80  }
0x161: {  	_ =	swait.ge [sflag:s6], $0x80  }
0x162: {  	[sflag:s6] =	ssyncset.done $0x0  }
0x163: {  	[sflag:s6] =	ssyncadd.s32 $0xFFFFFF80  }
0x164: {  	_ =	swait.ge [sflag:s6], $0x80  }
0x165: {  	[sflag:s6] =	ssyncset.done $0x0  }
0x166: {  	[sflag:s6] =	ssyncadd.s32 $0xFFFFFF80  }
0x167: {  	_ =	swait.ge [sflag:s6], $0x80  }
0x168: {  	[sflag:s6] =	ssyncset.done $0x0  }
0x169: {  	[sflag:s6] =	ssyncadd.s32 $0xFFFFFF80  }
0x16a: {  	_ =	swait.ge [sflag:s6], $0x80  }
0x16b: {  	[sflag:s6] =	ssyncset.done $0x0  }
0x16c: {  	[sflag:s6] =	ssyncadd.s32 $0xFFFFFF80  }
0x16d: {  	_ =	swait.ge [sflag:s6], $0x80  }
0x16e: {  	[sflag:s6] =	ssyncset.done $0x0  }
0x16f: {  	s30 =	rddreg [dreg:$0xc];
	[sflag:s6] =	ssyncadd.s32 $0xFFFFFF80  }
0x170: {  	[hbm4b:s30+s15] =	stream.linear.scatter [tilespmem:s5], [sflag:$0x2], $0x800, $0x38;
	[tilespmem:$0x1100] =	vst v63  }
0x171: {  	_ =	swait.ge [sflag:s3], $0x800  }
0x172: {  	[sflag:s3] =	ssyncset.done $0x0  }
0x173: {  	s11 =	rddreg [dreg:$0xd];
	[sflag:s3] =	ssyncadd.s32 $0xFFFFF800  }
0x174: {  	[tilespmem:s4], [sflag:$0x2] =	stream.linear.gather [hbm4b:s11+s15], $0x800, $0x38;
	[tilespmem:$0x1100] =	vst v63  }
0x175: {  	_ =	swait.ge [sflag:s3], $0x800  }
0x176: {  	[sflag:s3] =	ssyncset.done $0x0  }
0x177: {  	[sflag:s3] =	ssyncadd.s32 $0xFFFFF800  }
0x178: {  	[tilespmem:s5], [sflag:$0x1] =	stream.indirect.gather [hbm4b:s8+s4], $0x1, s4, s4, $0xb8;
	[tilespmem:$0x1100] =	vst v63  }
0x179: {  	s2 =	simm.s32 $0x100;
	s26 =	simm.s32 $0x900  }
0x17a: {  	[tilespmem:s26], [sflag:$0x1] =	stream.indirect.gather [hbm4b:s8+s4], $0x1, s2, s4, $0xb8;
	[tilespmem:$0x1100] =	vst v63  }
0x17b: {  	s9 =	simm.s32 $0x180;
	s30 =	simm.s32 $0x980  }
0x17c: {  	[tilespmem:s30], [sflag:$0x1] =	stream.indirect.gather [hbm4b:s8+s4], $0x1, s9, s4, $0xb8;
	[tilespmem:$0x1100] =	vst v63  }
0x17d: {  	s12 =	simm.s32 $0x200;
	s16 =	simm.s32 $0xA00  }
0x17e: {  	[tilespmem:s16], [sflag:$0x1] =	stream.indirect.gather [hbm4b:s8+s4], $0x1, s12, s4, $0xb8;
	[tilespmem:$0x1100] =	vst v63  }
0x17f: {  	s18 =	simm.s32 $0x280;
	s16 =	simm.s32 $0xA80  }
0x180: {  	[tilespmem:s16], [sflag:$0x1] =	stream.indirect.gather [hbm4b:s8+s4], $0x1, s18, s4, $0xb8;
	[tilespmem:$0x1100] =	vst v63  }
0x181: {  	s20 =	simm.s32 $0x300;
	s16 =	simm.s32 $0xB00  }
0x182: {  	[tilespmem:s16], [sflag:$0x1] =	stream.indirect.gather [hbm4b:s8+s4], $0x1, s20, s4, $0xb8;
	[tilespmem:$0x1100] =	vst v63  }
0x183: {  	s21 =	simm.s32 $0x380;
	s29 =	simm.s32 $0xB80  }
0x184: {  	[tilespmem:s29], [sflag:$0x1] =	stream.indirect.gather [hbm4b:s8+s4], $0x1, s21, s4, $0xb8;
	[tilespmem:$0x1100] =	vst v63  }
0x185: {  	s22 =	simm.s32 $0x400;
	s28 =	simm.s32 $0xC00  }
0x186: {  	[tilespmem:s28], [sflag:$0x1] =	stream.indirect.gather [hbm4b:s8+s4], $0x1, s22, s4, $0xb8;
	[tilespmem:$0x1100] =	vst v63  }
0x187: {  	s23 =	simm.s32 $0x480;
	s24 =	simm.s32 $0xC80  }
0x188: {  	[tilespmem:s24], [sflag:$0x1] =	stream.indirect.gather [hbm4b:s8+s4], $0x1, s23, s4, $0xb8;
	[tilespmem:$0x1100] =	vst v63  }
0x189: {  	s19 =	simm.s32 $0x500;
	s23 =	simm.s32 $0xD00  }
0x18a: {  	[tilespmem:s23], [sflag:$0x1] =	stream.indirect.gather [hbm4b:s8+s4], $0x1, s19, s4, $0xb8;
	[tilespmem:$0x1100] =	vst v63  }
0x18b: {  	s17 =	simm.s32 $0x580;
	s23 =	simm.s32 $0xD80  }
0x18c: {  	[tilespmem:s23], [sflag:$0x1] =	stream.indirect.gather [hbm4b:s8+s4], $0x1, s17, s4, $0xb8;
	[tilespmem:$0x1100] =	vst v63  }
0x18d: {  	s25 =	simm.s32 $0xE00;
	s13 =	simm.s32 $0x600  }
0x18e: {  	[tilespmem:s25], [sflag:$0x1] =	stream.indirect.gather [hbm4b:s8+s4], $0x1, s13, s4, $0xb8;
	[tilespmem:$0x1100] =	vst v63  }
0x18f: {  	s10 =	simm.s32 $0xE80;
	s23 =	simm.s32 $0x680  }
0x190: {  	[tilespmem:s10], [sflag:$0x1] =	stream.indirect.gather [hbm4b:s8+s4], $0x1, s23, s4, $0xb8;
	[tilespmem:$0x1100] =	vst v63  }
0x191: {  	s1 =	simm.s32 $0xF00;
	s13 =	simm.s32 $0x700  }
0x192: {  	[tilespmem:s1], [sflag:$0x1] =	stream.indirect.gather [hbm4b:s8+s4], $0x1, s13, s4, $0xb8;
	[tilespmem:$0x1100] =	vst v63  }
0x193: {  	s31 =	simm.s32 $0x780;
	s0 =	simm.s32 $0xF80  }
0x194: {  	[tilespmem:s0], [sflag:$0x1] =	stream.indirect.gather [hbm4b:s8+s4], $0x1, s31, s4, $0xb8;
	[tilespmem:$0x1100] =	vst v63  }
0x195: {  	s7 =	simm.s32 $0x1000;
	s16 =	simm.s32 $0x800  }
0x196: {  	[tilespmem:s7], [sflag:$0x1] =	stream.indirect.gather [hbm4b:s8+s4], $0x1, s16, s4, $0xb8;
	[tilespmem:$0x1100] =	vst v63  }
0x197: {  	_ =	swait.ge [sflag:s6], $0x80  }
0x198: {  	[sflag:s6] =	ssyncset.done $0x0  }
0x199: {  	[sflag:s6] =	ssyncadd.s32 $0xFFFFFF80  }
0x19a: {  	_ =	swait.ge [sflag:s6], $0x80  }
0x19b: {  	[sflag:s6] =	ssyncset.done $0x0  }
0x19c: {  	[sflag:s6] =	ssyncadd.s32 $0xFFFFFF80  }
0x19d: {  	_ =	swait.ge [sflag:s6], $0x80  }
0x19e: {  	[sflag:s6] =	ssyncset.done $0x0  }
0x19f: {  	[sflag:s6] =	ssyncadd.s32 $0xFFFFFF80  }
0x1a0: {  	_ =	swait.ge [sflag:s6], $0x80  }
0x1a1: {  	[sflag:s6] =	ssyncset.done $0x0  }
0x1a2: {  	[sflag:s6] =	ssyncadd.s32 $0xFFFFFF80  }
0x1a3: {  	_ =	swait.ge [sflag:s6], $0x80  }
0x1a4: {  	[sflag:s6] =	ssyncset.done $0x0  }
0x1a5: {  	[sflag:s6] =	ssyncadd.s32 $0xFFFFFF80  }
0x1a6: {  	_ =	swait.ge [sflag:s6], $0x80  }
0x1a7: {  	[sflag:s6] =	ssyncset.done $0x0  }
0x1a8: {  	[sflag:s6] =	ssyncadd.s32 $0xFFFFFF80  }
0x1a9: {  	_ =	swait.ge [sflag:s6], $0x80  }
0x1aa: {  	[sflag:s6] =	ssyncset.done $0x0  }
0x1ab: {  	[sflag:s6] =	ssyncadd.s32 $0xFFFFFF80  }
0x1ac: {  	_ =	swait.ge [sflag:s6], $0x80  }
0x1ad: {  	[sflag:s6] =	ssyncset.done $0x0  }
0x1ae: {  	[sflag:s6] =	ssyncadd.s32 $0xFFFFFF80  }
0x1af: {  	_ =	swait.ge [sflag:s6], $0x80  }
0x1b0: {  	[sflag:s6] =	ssyncset.done $0x0  }
0x1b1: {  	[sflag:s6] =	ssyncadd.s32 $0xFFFFFF80  }
0x1b2: {  	_ =	swait.ge [sflag:s6], $0x80  }
0x1b3: {  	[sflag:s6] =	ssyncset.done $0x0  }
0x1b4: {  	[sflag:s6] =	ssyncadd.s32 $0xFFFFFF80  }
0x1b5: {  	_ =	swait.ge [sflag:s6], $0x80  }
0x1b6: {  	[sflag:s6] =	ssyncset.done $0x0  }
0x1b7: {  	[sflag:s6] =	ssyncadd.s32 $0xFFFFFF80  }
0x1b8: {  	_ =	swait.ge [sflag:s6], $0x80  }
0x1b9: {  	[sflag:s6] =	ssyncset.done $0x0  }
0x1ba: {  	[sflag:s6] =	ssyncadd.s32 $0xFFFFFF80  }
0x1bb: {  	_ =	swait.ge [sflag:s6], $0x80  }
0x1bc: {  	[sflag:s6] =	ssyncset.done $0x0  }
0x1bd: {  	[sflag:s6] =	ssyncadd.s32 $0xFFFFFF80  }
0x1be: {  	_ =	swait.ge [sflag:s6], $0x80  }
0x1bf: {  	[sflag:s6] =	ssyncset.done $0x0  }
0x1c0: {  	[sflag:s6] =	ssyncadd.s32 $0xFFFFFF80  }
0x1c1: {  	_ =	swait.ge [sflag:s6], $0x80  }
0x1c2: {  	[sflag:s6] =	ssyncset.done $0x0  }
0x1c3: {  	[sflag:s6] =	ssyncadd.s32 $0xFFFFFF80  }
0x1c4: {  	_ =	swait.ge [sflag:s6], $0x80  }
0x1c5: {  	[sflag:s6] =	ssyncset.done $0x0  }
0x1c6: {  	s16 =	rddreg [dreg:$0xe];
	[sflag:s6] =	ssyncadd.s32 $0xFFFFFF80  }
0x1c7: {  	[hbm4b:s16+s15] =	stream.linear.scatter [tilespmem:s5], [sflag:$0x2], $0x800, $0x38;
	[tilespmem:$0x1100] =	vst v63  }
0x1c8: {  	_ =	swait.ge [sflag:s3], $0x800  }
0x1c9: {  	[sflag:s3] =	ssyncset.done $0x0  }
0x1ca: {  	s16 =	rddreg [dreg:$0xf];
	[sflag:s3] =	ssyncadd.s32 $0xFFFFF800  }
0x1cb: {  	[tilespmem:s4], [sflag:$0x2] =	stream.linear.gather [hbm4b:s16+s15], $0x800, $0x38;
	[tilespmem:$0x1100] =	vst v63  }
0x1cc: {  	_ =	swait.ge [sflag:s3], $0x800  }
0x1cd: {  	[sflag:s3] =	ssyncset.done $0x0  }
0x1ce: {  	[sflag:s3] =	ssyncadd.s32 $0xFFFFF800  }
0x1cf: {  	[tilespmem:s5], [sflag:$0x1] =	stream.indirect.gather [hbm4b:s8+s4], $0x1, s4, s4, $0xb8;
	[tilespmem:$0x1100] =	vst v63  }
0x1d0: {  	s26 =	simm.s32 $0x100;
	s2 =	simm.s32 $0x900  }
0x1d1: {  	[tilespmem:s2], [sflag:$0x1] =	stream.indirect.gather [hbm4b:s8+s4], $0x1, s26, s4, $0xb8;
	[tilespmem:$0x1100] =	vst v63  }
0x1d2: {  	s11 =	simm.s32 $0x980;
	s30 =	simm.s32 $0x180  }
0x1d3: {  	[tilespmem:s11], [sflag:$0x1] =	stream.indirect.gather [hbm4b:s8+s4], $0x1, s30, s4, $0xb8;
	[tilespmem:$0x1100] =	vst v63  }
0x1d4: {  	s9 =	simm.s32 $0x200;
	s12 =	simm.s32 $0xA00  }
0x1d5: {  	[tilespmem:s12], [sflag:$0x1] =	stream.indirect.gather [hbm4b:s8+s4], $0x1, s9, s4, $0xb8;
	[tilespmem:$0x1100] =	vst v63  }
0x1d6: {  	s18 =	simm.s32 $0xA80;
	s15 =	simm.s32 $0x280  }
0x1d7: {  	[tilespmem:s18], [sflag:$0x1] =	stream.indirect.gather [hbm4b:s8+s4], $0x1, s15, s4, $0xb8;
	[tilespmem:$0x1100] =	vst v63  }
0x1d8: {  	s20 =	simm.s32 $0xB00;
	s16 =	simm.s32 $0x300  }
0x1d9: {  	[tilespmem:s20], [sflag:$0x1] =	stream.indirect.gather [hbm4b:s8+s4], $0x1, s16, s4, $0xb8;
	[tilespmem:$0x1100] =	vst v63  }
0x1da: {  	s29 =	simm.s32 $0x380;
	s21 =	simm.s32 $0xB80  }
0x1db: {  	[tilespmem:s21], [sflag:$0x1] =	stream.indirect.gather [hbm4b:s8+s4], $0x1, s29, s4, $0xb8;
	[tilespmem:$0x1100] =	vst v63  }
0x1dc: {  	s28 =	simm.s32 $0x400;
	s22 =	simm.s32 $0xC00  }
0x1dd: {  	[tilespmem:s22], [sflag:$0x1] =	stream.indirect.gather [hbm4b:s8+s4], $0x1, s28, s4, $0xb8;
	[tilespmem:$0x1100] =	vst v63  }
0x1de: {  	s24 =	simm.s32 $0xC80;
	s18 =	simm.s32 $0x480  }
0x1df: {  	[tilespmem:s24], [sflag:$0x1] =	stream.indirect.gather [hbm4b:s8+s4], $0x1, s18, s4, $0xb8;
	[tilespmem:$0x1100] =	vst v63  }
0x1e0: {  	s19 =	simm.s32 $0xD00;
	s20 =	simm.s32 $0x500  }
0x1e1: {  	[tilespmem:s19], [sflag:$0x1] =	stream.indirect.gather [hbm4b:s8+s4], $0x1, s20, s4, $0xb8;
	[tilespmem:$0x1100] =	vst v63  }
0x1e2: {  	s17 =	simm.s32 $0xD80;
	s21 =	simm.s32 $0x580  }
0x1e3: {  	[tilespmem:s17], [sflag:$0x1] =	stream.indirect.gather [hbm4b:s8+s4], $0x1, s21, s4, $0xb8;
	[tilespmem:$0x1100] =	vst v63  }
0x1e4: {  	s25 =	simm.s32 $0xE00;
	s22 =	simm.s32 $0x600  }
0x1e5: {  	[tilespmem:s25], [sflag:$0x1] =	stream.indirect.gather [hbm4b:s8+s4], $0x1, s22, s4, $0xb8;
	[tilespmem:$0x1100] =	vst v63  }
0x1e6: {  	s23 =	simm.s32 $0x680;
	s24 =	simm.s32 $0xE80  }
0x1e7: {  	[tilespmem:s24], [sflag:$0x1] =	stream.indirect.gather [hbm4b:s8+s4], $0x1, s23, s4, $0xb8;
	[tilespmem:$0x1100] =	vst v63  }
0x1e8: {  	s10 =	simm.s32 $0x700;
	s1 =	simm.s32 $0xF00  }
0x1e9: {  	[tilespmem:s1], [sflag:$0x1] =	stream.indirect.gather [hbm4b:s8+s4], $0x1, s10, s4, $0xb8;
	[tilespmem:$0x1100] =	vst v63  }
0x1ea: {  	s31 =	simm.s32 $0xF80;
	s0 =	simm.s32 $0x780  }
0x1eb: {  	[tilespmem:s31], [sflag:$0x1] =	stream.indirect.gather [hbm4b:s8+s4], $0x1, s0, s4, $0xb8;
	[tilespmem:$0x1100] =	vst v63  }
0x1ec: {  	s13 =	simm.s32 $0x800;
	s7 =	simm.s32 $0x1000  }
0x1ed: {  	[tilespmem:s7], [sflag:$0x1] =	stream.indirect.gather [hbm4b:s8+s4], $0x1, s13, s4, $0xb8;
	[tilespmem:$0x1100] =	vst v63  }
0x1ee: {  	_ =	swait.ge [sflag:s6], $0x80  }
0x1ef: {  	[sflag:s6] =	ssyncset.done $0x0  }
0x1f0: {  	[sflag:s6] =	ssyncadd.s32 $0xFFFFFF80  }
0x1f1: {  	_ =	swait.ge [sflag:s6], $0x80  }
0x1f2: {  	[sflag:s6] =	ssyncset.done $0x0  }
0x1f3: {  	[sflag:s6] =	ssyncadd.s32 $0xFFFFFF80  }
0x1f4: {  	_ =	swait.ge [sflag:s6], $0x80  }
0x1f5: {  	[sflag:s6] =	ssyncset.done $0x0  }
0x1f6: {  	[sflag:s6] =	ssyncadd.s32 $0xFFFFFF80  }
0x1f7: {  	_ =	swait.ge [sflag:s6], $0x80  }
0x1f8: {  	[sflag:s6] =	ssyncset.done $0x0  }
0x1f9: {  	[sflag:s6] =	ssyncadd.s32 $0xFFFFFF80  }
0x1fa: {  	_ =	swait.ge [sflag:s6], $0x80  }
0x1fb: {  	[sflag:s6] =	ssyncset.done $0x0  }
0x1fc: {  	[sflag:s6] =	ssyncadd.s32 $0xFFFFFF80  }
0x1fd: {  	_ =	swait.ge [sflag:s6], $0x80  }
0x1fe: {  	[sflag:s6] =	ssyncset.done $0x0  }
0x1ff: {  	[sflag:s6] =	ssyncadd.s32 $0xFFFFFF80  }
0x200: {  	_ =	swait.ge [sflag:s6], $0x80  }
0x201: {  	[sflag:s6] =	ssyncset.done $0x0  }
0x202: {  	[sflag:s6] =	ssyncadd.s32 $0xFFFFFF80  }
0x203: {  	_ =	swait.ge [sflag:s6], $0x80  }
0x204: {  	[sflag:s6] =	ssyncset.done $0x0  }
0x205: {  	[sflag:s6] =	ssyncadd.s32 $0xFFFFFF80  }
0x206: {  	_ =	swait.ge [sflag:s6], $0x80  }
0x207: {  	[sflag:s6] =	ssyncset.done $0x0  }
0x208: {  	[sflag:s6] =	ssyncadd.s32 $0xFFFFFF80  }
0x209: {  	_ =	swait.ge [sflag:s6], $0x80  }
0x20a: {  	[sflag:s6] =	ssyncset.done $0x0  }
0x20b: {  	[sflag:s6] =	ssyncadd.s32 $0xFFFFFF80  }
0x20c: {  	_ =	swait.ge [sflag:s6], $0x80  }
0x20d: {  	[sflag:s6] =	ssyncset.done $0x0  }
0x20e: {  	[sflag:s6] =	ssyncadd.s32 $0xFFFFFF80  }
0x20f: {  	_ =	swait.ge [sflag:s6], $0x80  }
0x210: {  	[sflag:s6] =	ssyncset.done $0x0  }
0x211: {  	[sflag:s6] =	ssyncadd.s32 $0xFFFFFF80  }
0x212: {  	_ =	swait.ge [sflag:s6], $0x80  }
0x213: {  	[sflag:s6] =	ssyncset.done $0x0  }
0x214: {  	[sflag:s6] =	ssyncadd.s32 $0xFFFFFF80  }
0x215: {  	_ =	swait.ge [sflag:s6], $0x80  }
0x216: {  	[sflag:s6] =	ssyncset.done $0x0  }
0x217: {  	[sflag:s6] =	ssyncadd.s32 $0xFFFFFF80  }
0x218: {  	_ =	swait.ge [sflag:s6], $0x80  }
0x219: {  	[sflag:s6] =	ssyncset.done $0x0  }
0x21a: {  	[sflag:s6] =	ssyncadd.s32 $0xFFFFFF80  }
0x21b: {  	_ =	swait.ge [sflag:s6], $0x80  }
0x21c: {  	s2 =	simm.s32 $0x880;
	[sflag:s6] =	ssyncset.done $0x0  }
0x21d: {  	s12 =	simm.s32 $0x0;
	s25 =	rddreg [dreg:$0x10];
	[sflag:s6] =	ssyncadd.s32 $0xFFFFFF80  }
0x21e: {  	[hbm4b:s25+s12] =	stream.linear.scatter [tilespmem:s2], [sflag:$0x2], $0x800, $0x38;
	[tilespmem:$0x1100] =	vst v63  }
0x21f: {  	_ =	swait.ge [sflag:s3], $0x800  }
0x220: {  	[sflag:s3] =	ssyncset.done $0x0  }
0x221: {  	s26 =	rddreg [dreg:$0x11];
	[sflag:s3] =	ssyncadd.s32 $0xFFFFF800  }
0x222: {  	[tilespmem:s12], [sflag:$0x2] =	stream.linear.gather [hbm4b:s26+s12], $0x80, $0x38;
	[tilespmem:$0x1100] =	vst v63  }
0x223: {  	_ =	swait.ge [sflag:s3], $0x80  }
0x224: {  	[sflag:s3] =	ssyncset.done $0x0  }
0x225: {  	s29 =	simm.s32 $0x1080;
	s28 =	rddreg [dreg:$0x4];
	[sflag:s3] =	ssyncadd.s32 $0xFFFFFF80  }
0x226: {  	[tilespmem:s29], [sflag:$0x1] =	stream.indirect.gather [hbm4b:s28+s4], $0x1, s12, s4, $0xb8;
	[tilespmem:$0x1100] =	vst v63  }
0x227: {  	_ =	swait.ge [sflag:s6], $0x80  }
0x228: {  	s31 =	rddreg [dreg:$0x13]  }
0x229: {  	p1 =	sne.s32 s31, $0x1  }
.Ltmp1:
0x22a: {  	[sflag:s6] =	ssyncset.done $0x0;
	(pc) =	sbr.rel @!p1 .LBB2_3-.Ltmp1, $4  }
0x22b: {  	s30 =	rddreg [dreg:$0x12];
	[sflag:s6] =	ssyncadd.s32 $0xFFFFFF80  }
0x22c: {  	[hbm4b:s30+s12] =	stream.linear.scatter [tilespmem:s29], [sflag:$0x2], $0x80, $0x38;
	[tilespmem:$0x1100] =	vst v63  }
0x22d: {  	p0 =	por $0x1, $0x1;
	_ =	swait.ge [sflag:s3], $0x80  }
0x22e: {  	s13 =	sadd.s32 $0xFFFFFFFF, s31;
	s16 =	rddreg [dreg:$0x5];
	[sflag:s3] =	ssyncset.done $0x0  }
.LBB2_2:
0x22f: {  	[sflag:s3] =	ssyncadd.s32 $0xFFFFFF80  }
0x230: {  	[tilespmem:s4], [sflag:$0x2] =	stream.linear.gather [hbm4b:s16+s12], $0x800, $0x38;
	[tilespmem:$0x1100] =	vst v63  }
0x231: {  	_ =	swait.ge [sflag:s3], $0x800  }
0x232: {  	[sflag:s3] =	ssyncset.done $0x0  }
0x233: {  	[sflag:s3] =	ssyncadd.s32 $0xFFFFF800  }
0x234: {  	[tilespmem:s2], [sflag:$0x1] =	stream.indirect.gather [hbm4b:s14+s4], $0x1, s4, s4, $0xb8;
	[tilespmem:$0x1100] =	vst v63  }
0x235: {  	s0 =	simm.s32 $0x100;
	s1 =	simm.s32 $0x900  }
0x236: {  	[tilespmem:s1], [sflag:$0x1] =	stream.indirect.gather [hbm4b:s14+s4], $0x1, s0, s4, $0xb8;
	[tilespmem:$0x1100] =	vst v63  }
0x237: {  	s9 =	simm.s32 $0x180;
	s10 =	simm.s32 $0x980  }
0x238: {  	[tilespmem:s10], [sflag:$0x1] =	stream.indirect.gather [hbm4b:s14+s4], $0x1, s9, s4, $0xb8;
	[tilespmem:$0x1100] =	vst v63  }
0x239: {  	s11 =	simm.s32 $0x200;
	s12 =	simm.s32 $0xA00  }
0x23a: {  	[tilespmem:s12], [sflag:$0x1] =	stream.indirect.gather [hbm4b:s14+s4], $0x1, s11, s4, $0xb8;
	[tilespmem:$0x1100] =	vst v63  }
0x23b: {  	s15 =	simm.s32 $0x280;
	s16 =	simm.s32 $0xA80  }
0x23c: {  	[tilespmem:s16], [sflag:$0x1] =	stream.indirect.gather [hbm4b:s14+s4], $0x1, s15, s4, $0xb8;
	[tilespmem:$0x1100] =	vst v63  }
0x23d: {  	s17 =	simm.s32 $0x300;
	s18 =	simm.s32 $0xB00  }
0x23e: {  	[tilespmem:s18], [sflag:$0x1] =	stream.indirect.gather [hbm4b:s14+s4], $0x1, s17, s4, $0xb8;
	[tilespmem:$0x1100] =	vst v63  }
0x23f: {  	s19 =	simm.s32 $0x380;
	s20 =	simm.s32 $0xB80  }
0x240: {  	[tilespmem:s20], [sflag:$0x1] =	stream.indirect.gather [hbm4b:s14+s4], $0x1, s19, s4, $0xb8;
	[tilespmem:$0x1100] =	vst v63  }
0x241: {  	s21 =	simm.s32 $0x400;
	s22 =	simm.s32 $0xC00  }
0x242: {  	[tilespmem:s22], [sflag:$0x1] =	stream.indirect.gather [hbm4b:s14+s4], $0x1, s21, s4, $0xb8;
	[tilespmem:$0x1100] =	vst v63  }
0x243: {  	s23 =	simm.s32 $0x480;
	s24 =	simm.s32 $0xC80  }
0x244: {  	[tilespmem:s24], [sflag:$0x1] =	stream.indirect.gather [hbm4b:s14+s4], $0x1, s23, s4, $0xb8;
	[tilespmem:$0x1100] =	vst v63  }
0x245: {  	s5 =	simm.s32 $0xD00;
	s2 =	simm.s32 $0x500  }
0x246: {  	[tilespmem:s5], [sflag:$0x1] =	stream.indirect.gather [hbm4b:s14+s4], $0x1, s2, s4, $0xb8;
	[tilespmem:$0x1100] =	vst v63  }
0x247: {  	s15 =	simm.s32 $0x580;
	s16 =	simm.s32 $0xD80  }
0x248: {  	[tilespmem:s16], [sflag:$0x1] =	stream.indirect.gather [hbm4b:s14+s4], $0x1, s15, s4, $0xb8;
	[tilespmem:$0x1100] =	vst v63  }
0x249: {  	s19 =	simm.s32 $0x600;
	s21 =	simm.s32 $0xE00  }
0x24a: {  	[tilespmem:s21], [sflag:$0x1] =	stream.indirect.gather [hbm4b:s14+s4], $0x1, s19, s4, $0xb8;
	[tilespmem:$0x1100] =	vst v63  }
0x24b: {  	s1 =	simm.s32 $0x680;
	s19 =	simm.s32 $0xE80  }
0x24c: {  	[tilespmem:s19], [sflag:$0x1] =	stream.indirect.gather [hbm4b:s14+s4], $0x1, s1, s4, $0xb8;
	[tilespmem:$0x1100] =	vst v63  }
0x24d: {  	s5 =	simm.s32 $0x700;
	s19 =	simm.s32 $0xF00  }
0x24e: {  	[tilespmem:s19], [sflag:$0x1] =	stream.indirect.gather [hbm4b:s14+s4], $0x1, s5, s4, $0xb8;
	[tilespmem:$0x1100] =	vst v63  }
0x24f: {  	s5 =	simm.s32 $0x780;
	s19 =	simm.s32 $0xF80  }
0x250: {  	[tilespmem:s19], [sflag:$0x1] =	stream.indirect.gather [hbm4b:s14+s4], $0x1, s5, s4, $0xb8;
	[tilespmem:$0x1100] =	vst v63  }
0x251: {  	s1 =	simm.s32 $0x800;
	s5 =	simm.s32 $0x1000  }
0x252: {  	[tilespmem:s5], [sflag:$0x1] =	stream.indirect.gather [hbm4b:s14+s4], $0x1, s1, s4, $0xb8;
	[tilespmem:$0x1100] =	vst v63  }
0x253: {  	_ =	swait.ge [sflag:s6], $0x80  }
0x254: {  	[sflag:s6] =	ssyncset.done $0x0  }
0x255: {  	[sflag:s6] =	ssyncadd.s32 $0xFFFFFF80  }
0x256: {  	_ =	swait.ge [sflag:s6], $0x80  }
0x257: {  	[sflag:s6] =	ssyncset.done $0x0  }
0x258: {  	[sflag:s6] =	ssyncadd.s32 $0xFFFFFF80  }
0x259: {  	_ =	swait.ge [sflag:s6], $0x80  }
0x25a: {  	[sflag:s6] =	ssyncset.done $0x0  }
0x25b: {  	[sflag:s6] =	ssyncadd.s32 $0xFFFFFF80  }
0x25c: {  	_ =	swait.ge [sflag:s6], $0x80  }
0x25d: {  	[sflag:s6] =	ssyncset.done $0x0  }
0x25e: {  	[sflag:s6] =	ssyncadd.s32 $0xFFFFFF80  }
0x25f: {  	_ =	swait.ge [sflag:s6], $0x80  }
0x260: {  	[sflag:s6] =	ssyncset.done $0x0  }
0x261: {  	[sflag:s6] =	ssyncadd.s32 $0xFFFFFF80  }
0x262: {  	_ =	swait.ge [sflag:s6], $0x80  }
0x263: {  	[sflag:s6] =	ssyncset.done $0x0  }
0x264: {  	[sflag:s6] =	ssyncadd.s32 $0xFFFFFF80  }
0x265: {  	_ =	swait.ge [sflag:s6], $0x80  }
0x266: {  	[sflag:s6] =	ssyncset.done $0x0  }
0x267: {  	[sflag:s6] =	ssyncadd.s32 $0xFFFFFF80  }
0x268: {  	_ =	swait.ge [sflag:s6], $0x80  }
0x269: {  	[sflag:s6] =	ssyncset.done $0x0  }
0x26a: {  	[sflag:s6] =	ssyncadd.s32 $0xFFFFFF80  }
0x26b: {  	_ =	swait.ge [sflag:s6], $0x80  }
0x26c: {  	[sflag:s6] =	ssyncset.done $0x0  }
0x26d: {  	[sflag:s6] =	ssyncadd.s32 $0xFFFFFF80  }
0x26e: {  	_ =	swait.ge [sflag:s6], $0x80  }
0x26f: {  	[sflag:s6] =	ssyncset.done $0x0  }
0x270: {  	[sflag:s6] =	ssyncadd.s32 $0xFFFFFF80  }
0x271: {  	_ =	swait.ge [sflag:s6], $0x80  }
0x272: {  	[sflag:s6] =	ssyncset.done $0x0  }
0x273: {  	[sflag:s6] =	ssyncadd.s32 $0xFFFFFF80  }
0x274: {  	_ =	swait.ge [sflag:s6], $0x80  }
0x275: {  	[sflag:s6] =	ssyncset.done $0x0  }
0x276: {  	[sflag:s6] =	ssyncadd.s32 $0xFFFFFF80  }
0x277: {  	_ =	swait.ge [sflag:s6], $0x80  }
0x278: {  	[sflag:s6] =	ssyncset.done $0x0  }
0x279: {  	[sflag:s6] =	ssyncadd.s32 $0xFFFFFF80  }
0x27a: {  	_ =	swait.ge [sflag:s6], $0x80  }
0x27b: {  	[sflag:s6] =	ssyncset.done $0x0  }
0x27c: {  	[sflag:s6] =	ssyncadd.s32 $0xFFFFFF80  }
0x27d: {  	_ =	swait.ge [sflag:s6], $0x80  }
0x27e: {  	[sflag:s6] =	ssyncset.done $0x0  }
0x27f: {  	[sflag:s6] =	ssyncadd.s32 $0xFFFFFF80  }
0x280: {  	_ =	swait.ge [sflag:s6], $0x80  }
0x281: {  	s0 =	simm.s32 $0x0;
	[sflag:s6] =	ssyncset.done $0x0  }
0x282: {  	s2 =	simm.s32 $0x880;
	s19 =	rddreg [dreg:$0x6];
	[sflag:s6] =	ssyncadd.s32 $0xFFFFFF80  }
0x283: {  	[hbm4b:s19+s0] =	stream.linear.scatter [tilespmem:s2], [sflag:$0x2], $0x800, $0x38;
	[tilespmem:$0x1100] =	vst v63  }
0x284: {  	_ =	swait.ge [sflag:s3], $0x800  }
0x285: {  	[sflag:s3] =	ssyncset.done $0x0  }
0x286: {  	s19 =	rddreg [dreg:$0x7];
	[sflag:s3] =	ssyncadd.s32 $0xFFFFF800  }
0x287: {  	[tilespmem:s4], [sflag:$0x2] =	stream.linear.gather [hbm4b:s19+s0], $0x800, $0x38;
	[tilespmem:$0x1100] =	vst v63  }
0x288: {  	_ =	swait.ge [sflag:s3], $0x800  }
0x289: {  	[sflag:s3] =	ssyncset.done $0x0  }
0x28a: {  	[sflag:s3] =	ssyncadd.s32 $0xFFFFF800  }
0x28b: {  	[tilespmem:s2], [sflag:$0x1] =	stream.indirect.gather [hbm4b:s14+s4], $0x1, s4, s4, $0xb8;
	[tilespmem:$0x1100] =	vst v63  }
0x28c: {  	s31 =	simm.s32 $0x900;
	s30 =	simm.s32 $0x100  }
0x28d: {  	[tilespmem:s31], [sflag:$0x1] =	stream.indirect.gather [hbm4b:s14+s4], $0x1, s30, s4, $0xb8;
	[tilespmem:$0x1100] =	vst v63  }
0x28e: {  	s29 =	simm.s32 $0x980;
	s28 =	simm.s32 $0x180  }
0x28f: {  	[tilespmem:s29], [sflag:$0x1] =	stream.indirect.gather [hbm4b:s14+s4], $0x1, s28, s4, $0xb8;
	[tilespmem:$0x1100] =	vst v63  }
0x290: {  	s26 =	simm.s32 $0xA00;
	s25 =	simm.s32 $0x200  }
0x291: {  	[tilespmem:s26], [sflag:$0x1] =	stream.indirect.gather [hbm4b:s14+s4], $0x1, s25, s4, $0xb8;
	[tilespmem:$0x1100] =	vst v63  }
0x292: {  	s12 =	simm.s32 $0xA80;
	s11 =	simm.s32 $0x280  }
0x293: {  	[tilespmem:s12], [sflag:$0x1] =	stream.indirect.gather [hbm4b:s14+s4], $0x1, s11, s4, $0xb8;
	[tilespmem:$0x1100] =	vst v63  }
0x294: {  	s10 =	simm.s32 $0xB00;
	s9 =	simm.s32 $0x300  }
0x295: {  	[tilespmem:s10], [sflag:$0x1] =	stream.indirect.gather [hbm4b:s14+s4], $0x1, s9, s4, $0xb8;
	[tilespmem:$0x1100] =	vst v63  }
0x296: {  	s7 =	simm.s32 $0xB80;
	s17 =	simm.s32 $0x380  }
0x297: {  	[tilespmem:s7], [sflag:$0x1] =	stream.indirect.gather [hbm4b:s14+s4], $0x1, s17, s4, $0xb8;
	[tilespmem:$0x1100] =	vst v63  }
0x298: {  	s18 =	simm.s32 $0x400;
	s20 =	simm.s32 $0xC00  }
0x299: {  	[tilespmem:s20], [sflag:$0x1] =	stream.indirect.gather [hbm4b:s14+s4], $0x1, s18, s4, $0xb8;
	[tilespmem:$0x1100] =	vst v63  }
0x29a: {  	s24 =	simm.s32 $0x480;
	s20 =	simm.s32 $0xC80  }
0x29b: {  	[tilespmem:s20], [sflag:$0x1] =	stream.indirect.gather [hbm4b:s14+s4], $0x1, s24, s4, $0xb8;
	[tilespmem:$0x1100] =	vst v63  }
0x29c: {  	s23 =	simm.s32 $0x500;
	s24 =	simm.s32 $0xD00  }
0x29d: {  	[tilespmem:s24], [sflag:$0x1] =	stream.indirect.gather [hbm4b:s14+s4], $0x1, s23, s4, $0xb8;
	[tilespmem:$0x1100] =	vst v63  }
0x29e: {  	s22 =	simm.s32 $0xD80;
	s15 =	simm.s32 $0x580  }
0x29f: {  	[tilespmem:s22], [sflag:$0x1] =	stream.indirect.gather [hbm4b:s14+s4], $0x1, s15, s4, $0xb8;
	[tilespmem:$0x1100] =	vst v63  }
0x2a0: {  	s18 =	simm.s32 $0xE00;
	s15 =	simm.s32 $0x600  }
0x2a1: {  	[tilespmem:s18], [sflag:$0x1] =	stream.indirect.gather [hbm4b:s14+s4], $0x1, s15, s4, $0xb8;
	[tilespmem:$0x1100] =	vst v63  }
0x2a2: {  	s21 =	simm.s32 $0x680;
	s19 =	simm.s32 $0xE80  }
0x2a3: {  	[tilespmem:s19], [sflag:$0x1] =	stream.indirect.gather [hbm4b:s14+s4], $0x1, s21, s4, $0xb8;
	[tilespmem:$0x1100] =	vst v63  }
0x2a4: {  	s22 =	simm.s32 $0x700;
	s21 =	simm.s32 $0xF00  }
0x2a5: {  	[tilespmem:s21], [sflag:$0x1] =	stream.indirect.gather [hbm4b:s14+s4], $0x1, s22, s4, $0xb8;
	[tilespmem:$0x1100] =	vst v63  }
0x2a6: {  	s17 =	simm.s32 $0xF80;
	s23 =	simm.s32 $0x780  }
0x2a7: {  	[tilespmem:s17], [sflag:$0x1] =	stream.indirect.gather [hbm4b:s14+s4], $0x1, s23, s4, $0xb8;
	[tilespmem:$0x1100] =	vst v63  }
0x2a8: {  	s5 =	simm.s32 $0x1000;
	s1 =	simm.s32 $0x800  }
0x2a9: {  	[tilespmem:s5], [sflag:$0x1] =	stream.indirect.gather [hbm4b:s14+s4], $0x1, s1, s4, $0xb8;
	[tilespmem:$0x1100] =	vst v63  }
0x2aa: {  	_ =	swait.ge [sflag:s6], $0x80  }
0x2ab: {  	[sflag:s6] =	ssyncset.done $0x0  }
0x2ac: {  	[sflag:s6] =	ssyncadd.s32 $0xFFFFFF80  }
0x2ad: {  	_ =	swait.ge [sflag:s6], $0x80  }
0x2ae: {  	[sflag:s6] =	ssyncset.done $0x0  }
0x2af: {  	[sflag:s6] =	ssyncadd.s32 $0xFFFFFF80  }
0x2b0: {  	_ =	swait.ge [sflag:s6], $0x80  }
0x2b1: {  	[sflag:s6] =	ssyncset.done $0x0  }
0x2b2: {  	[sflag:s6] =	ssyncadd.s32 $0xFFFFFF80  }
0x2b3: {  	_ =	swait.ge [sflag:s6], $0x80  }
0x2b4: {  	[sflag:s6] =	ssyncset.done $0x0  }
0x2b5: {  	[sflag:s6] =	ssyncadd.s32 $0xFFFFFF80  }
0x2b6: {  	_ =	swait.ge [sflag:s6], $0x80  }
0x2b7: {  	[sflag:s6] =	ssyncset.done $0x0  }
0x2b8: {  	[sflag:s6] =	ssyncadd.s32 $0xFFFFFF80  }
0x2b9: {  	_ =	swait.ge [sflag:s6], $0x80  }
0x2ba: {  	[sflag:s6] =	ssyncset.done $0x0  }
0x2bb: {  	[sflag:s6] =	ssyncadd.s32 $0xFFFFFF80  }
0x2bc: {  	_ =	swait.ge [sflag:s6], $0x80  }
0x2bd: {  	[sflag:s6] =	ssyncset.done $0x0  }
0x2be: {  	[sflag:s6] =	ssyncadd.s32 $0xFFFFFF80  }
0x2bf: {  	_ =	swait.ge [sflag:s6], $0x80  }
0x2c0: {  	[sflag:s6] =	ssyncset.done $0x0  }
0x2c1: {  	[sflag:s6] =	ssyncadd.s32 $0xFFFFFF80  }
0x2c2: {  	_ =	swait.ge [sflag:s6], $0x80  }
0x2c3: {  	[sflag:s6] =	ssyncset.done $0x0  }
0x2c4: {  	[sflag:s6] =	ssyncadd.s32 $0xFFFFFF80  }
0x2c5: {  	_ =	swait.ge [sflag:s6], $0x80  }
0x2c6: {  	[sflag:s6] =	ssyncset.done $0x0  }
0x2c7: {  	[sflag:s6] =	ssyncadd.s32 $0xFFFFFF80  }
0x2c8: {  	_ =	swait.ge [sflag:s6], $0x80  }
0x2c9: {  	[sflag:s6] =	ssyncset.done $0x0  }
0x2ca: {  	[sflag:s6] =	ssyncadd.s32 $0xFFFFFF80  }
0x2cb: {  	_ =	swait.ge [sflag:s6], $0x80  }
0x2cc: {  	[sflag:s6] =	ssyncset.done $0x0  }
0x2cd: {  	[sflag:s6] =	ssyncadd.s32 $0xFFFFFF80  }
0x2ce: {  	_ =	swait.ge [sflag:s6], $0x80  }
0x2cf: {  	[sflag:s6] =	ssyncset.done $0x0  }
0x2d0: {  	[sflag:s6] =	ssyncadd.s32 $0xFFFFFF80  }
0x2d1: {  	_ =	swait.ge [sflag:s6], $0x80  }
0x2d2: {  	[sflag:s6] =	ssyncset.done $0x0  }
0x2d3: {  	[sflag:s6] =	ssyncadd.s32 $0xFFFFFF80  }
0x2d4: {  	_ =	swait.ge [sflag:s6], $0x80  }
0x2d5: {  	[sflag:s6] =	ssyncset.done $0x0  }
0x2d6: {  	[sflag:s6] =	ssyncadd.s32 $0xFFFFFF80  }
0x2d7: {  	_ =	swait.ge [sflag:s6], $0x80  }
0x2d8: {  	[sflag:s6] =	ssyncset.done $0x0  }
0x2d9: {  	s1 =	rddreg [dreg:$0x8];
	[sflag:s6] =	ssyncadd.s32 $0xFFFFFF80  }
0x2da: {  	[hbm4b:s1+s0] =	stream.linear.scatter [tilespmem:s2], [sflag:$0x2], $0x800, $0x38;
	[tilespmem:$0x1100] =	vst v63  }
0x2db: {  	_ =	swait.ge [sflag:s3], $0x800  }
0x2dc: {  	[sflag:s3] =	ssyncset.done $0x0  }
0x2dd: {  	s1 =	rddreg [dreg:$0x9];
	[sflag:s3] =	ssyncadd.s32 $0xFFFFF800  }
0x2de: {  	[tilespmem:s4], [sflag:$0x2] =	stream.linear.gather [hbm4b:s1+s0], $0x800, $0x38;
	[tilespmem:$0x1100] =	vst v63  }
0x2df: {  	_ =	swait.ge [sflag:s3], $0x800  }
0x2e0: {  	[sflag:s3] =	ssyncset.done $0x0  }
0x2e1: {  	[sflag:s3] =	ssyncadd.s32 $0xFFFFF800  }
0x2e2: {  	[tilespmem:s2], [sflag:$0x1] =	stream.indirect.gather [hbm4b:s14+s4], $0x1, s4, s4, $0xb8;
	[tilespmem:$0x1100] =	vst v63  }
0x2e3: {  	s16 =	simm.s32 $0x900;
	s31 =	simm.s32 $0x100  }
0x2e4: {  	[tilespmem:s16], [sflag:$0x1] =	stream.indirect.gather [hbm4b:s14+s4], $0x1, s31, s4, $0xb8;
	[tilespmem:$0x1100] =	vst v63  }
0x2e5: {  	s30 =	simm.s32 $0x180;
	s16 =	simm.s32 $0x980  }
0x2e6: {  	[tilespmem:s16], [sflag:$0x1] =	stream.indirect.gather [hbm4b:s14+s4], $0x1, s30, s4, $0xb8;
	[tilespmem:$0x1100] =	vst v63  }
0x2e7: {  	s29 =	simm.s32 $0x200;
	s30 =	simm.s32 $0xA00  }
0x2e8: {  	[tilespmem:s30], [sflag:$0x1] =	stream.indirect.gather [hbm4b:s14+s4], $0x1, s29, s4, $0xb8;
	[tilespmem:$0x1100] =	vst v63  }
0x2e9: {  	s28 =	simm.s32 $0x280;
	s16 =	simm.s32 $0xA80  }
0x2ea: {  	[tilespmem:s16], [sflag:$0x1] =	stream.indirect.gather [hbm4b:s14+s4], $0x1, s28, s4, $0xb8;
	[tilespmem:$0x1100] =	vst v63  }
0x2eb: {  	s26 =	simm.s32 $0x300;
	s28 =	simm.s32 $0xB00  }
0x2ec: {  	[tilespmem:s28], [sflag:$0x1] =	stream.indirect.gather [hbm4b:s14+s4], $0x1, s26, s4, $0xb8;
	[tilespmem:$0x1100] =	vst v63  }
0x2ed: {  	s25 =	simm.s32 $0x380;
	s16 =	simm.s32 $0xB80  }
0x2ee: {  	[tilespmem:s16], [sflag:$0x1] =	stream.indirect.gather [hbm4b:s14+s4], $0x1, s25, s4, $0xb8;
	[tilespmem:$0x1100] =	vst v63  }
0x2ef: {  	s12 =	simm.s32 $0x400;
	s25 =	simm.s32 $0xC00  }
0x2f0: {  	[tilespmem:s25], [sflag:$0x1] =	stream.indirect.gather [hbm4b:s14+s4], $0x1, s12, s4, $0xb8;
	[tilespmem:$0x1100] =	vst v63  }
0x2f1: {  	s11 =	simm.s32 $0x480  }
0x2f2: {  	[tilespmem:s20], [sflag:$0x1] =	stream.indirect.gather [hbm4b:s14+s4], $0x1, s11, s4, $0xb8;
	[tilespmem:$0x1100] =	vst v63  }
0x2f3: {  	s10 =	simm.s32 $0x500  }
0x2f4: {  	[tilespmem:s24], [sflag:$0x1] =	stream.indirect.gather [hbm4b:s14+s4], $0x1, s10, s4, $0xb8;
	[tilespmem:$0x1100] =	vst v63  }
0x2f5: {  	s9 =	simm.s32 $0x580;
	s16 =	simm.s32 $0xD80  }
0x2f6: {  	[tilespmem:s16], [sflag:$0x1] =	stream.indirect.gather [hbm4b:s14+s4], $0x1, s9, s4, $0xb8;
	[tilespmem:$0x1100] =	vst v63  }
0x2f7: {  	_ = 	snop  }
0x2f8: {  	[tilespmem:s18], [sflag:$0x1] =	stream.indirect.gather [hbm4b:s14+s4], $0x1, s15, s4, $0xb8;
	[tilespmem:$0x1100] =	vst v63  }
0x2f9: {  	s7 =	simm.s32 $0x680  }
0x2fa: {  	[tilespmem:s19], [sflag:$0x1] =	stream.indirect.gather [hbm4b:s14+s4], $0x1, s7, s4, $0xb8;
	[tilespmem:$0x1100] =	vst v63  }
0x2fb: {  	_ = 	snop  }
0x2fc: {  	[tilespmem:s21], [sflag:$0x1] =	stream.indirect.gather [hbm4b:s14+s4], $0x1, s22, s4, $0xb8;
	[tilespmem:$0x1100] =	vst v63  }
0x2fd: {  	_ = 	snop  }
0x2fe: {  	[tilespmem:s17], [sflag:$0x1] =	stream.indirect.gather [hbm4b:s14+s4], $0x1, s23, s4, $0xb8;
	[tilespmem:$0x1100] =	vst v63  }
0x2ff: {  	s5 =	simm.s32 $0x1000;
	s18 =	simm.s32 $0x800  }
0x300: {  	[tilespmem:s5], [sflag:$0x1] =	stream.indirect.gather [hbm4b:s14+s4], $0x1, s18, s4, $0xb8;
	[tilespmem:$0x1100] =	vst v63  }
0x301: {  	_ =	swait.ge [sflag:s6], $0x80  }
0x302: {  	[sflag:s6] =	ssyncset.done $0x0  }
0x303: {  	[sflag:s6] =	ssyncadd.s32 $0xFFFFFF80  }
0x304: {  	_ =	swait.ge [sflag:s6], $0x80  }
0x305: {  	[sflag:s6] =	ssyncset.done $0x0  }
0x306: {  	[sflag:s6] =	ssyncadd.s32 $0xFFFFFF80  }
0x307: {  	_ =	swait.ge [sflag:s6], $0x80  }
0x308: {  	[sflag:s6] =	ssyncset.done $0x0  }
0x309: {  	[sflag:s6] =	ssyncadd.s32 $0xFFFFFF80  }
0x30a: {  	_ =	swait.ge [sflag:s6], $0x80  }
0x30b: {  	[sflag:s6] =	ssyncset.done $0x0  }
0x30c: {  	[sflag:s6] =	ssyncadd.s32 $0xFFFFFF80  }
0x30d: {  	_ =	swait.ge [sflag:s6], $0x80  }
0x30e: {  	[sflag:s6] =	ssyncset.done $0x0  }
0x30f: {  	[sflag:s6] =	ssyncadd.s32 $0xFFFFFF80  }
0x310: {  	_ =	swait.ge [sflag:s6], $0x80  }
0x311: {  	[sflag:s6] =	ssyncset.done $0x0  }
0x312: {  	[sflag:s6] =	ssyncadd.s32 $0xFFFFFF80  }
0x313: {  	_ =	swait.ge [sflag:s6], $0x80  }
0x314: {  	[sflag:s6] =	ssyncset.done $0x0  }
0x315: {  	[sflag:s6] =	ssyncadd.s32 $0xFFFFFF80  }
0x316: {  	_ =	swait.ge [sflag:s6], $0x80  }
0x317: {  	[sflag:s6] =	ssyncset.done $0x0  }
0x318: {  	[sflag:s6] =	ssyncadd.s32 $0xFFFFFF80  }
0x319: {  	_ =	swait.ge [sflag:s6], $0x80  }
0x31a: {  	[sflag:s6] =	ssyncset.done $0x0  }
0x31b: {  	[sflag:s6] =	ssyncadd.s32 $0xFFFFFF80  }
0x31c: {  	_ =	swait.ge [sflag:s6], $0x80  }
0x31d: {  	[sflag:s6] =	ssyncset.done $0x0  }
0x31e: {  	[sflag:s6] =	ssyncadd.s32 $0xFFFFFF80  }
0x31f: {  	_ =	swait.ge [sflag:s6], $0x80  }
0x320: {  	[sflag:s6] =	ssyncset.done $0x0  }
0x321: {  	[sflag:s6] =	ssyncadd.s32 $0xFFFFFF80  }
0x322: {  	_ =	swait.ge [sflag:s6], $0x80  }
0x323: {  	[sflag:s6] =	ssyncset.done $0x0  }
0x324: {  	[sflag:s6] =	ssyncadd.s32 $0xFFFFFF80  }
0x325: {  	_ =	swait.ge [sflag:s6], $0x80  }
0x326: {  	[sflag:s6] =	ssyncset.done $0x0  }
0x327: {  	[sflag:s6] =	ssyncadd.s32 $0xFFFFFF80  }
0x328: {  	_ =	swait.ge [sflag:s6], $0x80  }
0x329: {  	[sflag:s6] =	ssyncset.done $0x0  }
0x32a: {  	[sflag:s6] =	ssyncadd.s32 $0xFFFFFF80  }
0x32b: {  	_ =	swait.ge [sflag:s6], $0x80  }
0x32c: {  	[sflag:s6] =	ssyncset.done $0x0  }
0x32d: {  	[sflag:s6] =	ssyncadd.s32 $0xFFFFFF80  }
0x32e: {  	_ =	swait.ge [sflag:s6], $0x80  }
0x32f: {  	[sflag:s6] =	ssyncset.done $0x0  }
0x330: {  	s20 =	rddreg [dreg:$0xa];
	[sflag:s6] =	ssyncadd.s32 $0xFFFFFF80  }
0x331: {  	[hbm4b:s20+s0] =	stream.linear.scatter [tilespmem:s2], [sflag:$0x2], $0x800, $0x38;
	[tilespmem:$0x1100] =	vst v63  }
0x332: {  	_ =	swait.ge [sflag:s3], $0x800  }
0x333: {  	[sflag:s3] =	ssyncset.done $0x0  }
0x334: {  	s21 =	rddreg [dreg:$0xb];
	[sflag:s3] =	ssyncadd.s32 $0xFFFFF800  }
0x335: {  	[tilespmem:s4], [sflag:$0x2] =	stream.linear.gather [hbm4b:s21+s0], $0x800, $0x38;
	[tilespmem:$0x1100] =	vst v63  }
0x336: {  	_ =	swait.ge [sflag:s3], $0x800  }
0x337: {  	[sflag:s3] =	ssyncset.done $0x0  }
0x338: {  	[sflag:s3] =	ssyncadd.s32 $0xFFFFF800  }
0x339: {  	[tilespmem:s2], [sflag:$0x1] =	stream.indirect.gather [hbm4b:s14+s4], $0x1, s4, s4, $0xb8;
	[tilespmem:$0x1100] =	vst v63  }
0x33a: {  	s22 =	simm.s32 $0x100;
	s23 =	simm.s32 $0x900  }
0x33b: {  	[tilespmem:s23], [sflag:$0x1] =	stream.indirect.gather [hbm4b:s14+s4], $0x1, s22, s4, $0xb8;
	[tilespmem:$0x1100] =	vst v63  }
0x33c: {  	s31 =	simm.s32 $0x980;
	s16 =	simm.s32 $0x180  }
0x33d: {  	[tilespmem:s31], [sflag:$0x1] =	stream.indirect.gather [hbm4b:s14+s4], $0x1, s16, s4, $0xb8;
	[tilespmem:$0x1100] =	vst v63  }
0x33e: {  	s30 =	simm.s32 $0xA00;
	s17 =	simm.s32 $0x200  }
0x33f: {  	[tilespmem:s30], [sflag:$0x1] =	stream.indirect.gather [hbm4b:s14+s4], $0x1, s17, s4, $0xb8;
	[tilespmem:$0x1100] =	vst v63  }
0x340: {  	s29 =	simm.s32 $0xA80;
	s18 =	simm.s32 $0x280  }
0x341: {  	[tilespmem:s29], [sflag:$0x1] =	stream.indirect.gather [hbm4b:s14+s4], $0x1, s18, s4, $0xb8;
	[tilespmem:$0x1100] =	vst v63  }
0x342: {  	s28 =	simm.s32 $0xB00;
	s21 =	simm.s32 $0x300  }
0x343: {  	[tilespmem:s28], [sflag:$0x1] =	stream.indirect.gather [hbm4b:s14+s4], $0x1, s21, s4, $0xb8;
	[tilespmem:$0x1100] =	vst v63  }
0x344: {  	s26 =	simm.s32 $0xB80;
	s17 =	simm.s32 $0x380  }
0x345: {  	[tilespmem:s26], [sflag:$0x1] =	stream.indirect.gather [hbm4b:s14+s4], $0x1, s17, s4, $0xb8;
	[tilespmem:$0x1100] =	vst v63  }
0x346: {  	s25 =	simm.s32 $0xC00;
	s18 =	simm.s32 $0x400  }
0x347: {  	[tilespmem:s25], [sflag:$0x1] =	stream.indirect.gather [hbm4b:s14+s4], $0x1, s18, s4, $0xb8;
	[tilespmem:$0x1100] =	vst v63  }
0x348: {  	s11 =	simm.s32 $0xC80;
	s26 =	simm.s32 $0x480  }
0x349: {  	[tilespmem:s11], [sflag:$0x1] =	stream.indirect.gather [hbm4b:s14+s4], $0x1, s26, s4, $0xb8;
	[tilespmem:$0x1100] =	vst v63  }
0x34a: {  	s10 =	simm.s32 $0xD00;
	s28 =	simm.s32 $0x500  }
0x34b: {  	[tilespmem:s10], [sflag:$0x1] =	stream.indirect.gather [hbm4b:s14+s4], $0x1, s28, s4, $0xb8;
	[tilespmem:$0x1100] =	vst v63  }
0x34c: {  	s12 =	simm.s32 $0xD80;
	s24 =	simm.s32 $0x580  }
0x34d: {  	[tilespmem:s12], [sflag:$0x1] =	stream.indirect.gather [hbm4b:s14+s4], $0x1, s24, s4, $0xb8;
	[tilespmem:$0x1100] =	vst v63  }
0x34e: {  	s9 =	simm.s32 $0x600;
	s16 =	simm.s32 $0xE00  }
0x34f: {  	[tilespmem:s16], [sflag:$0x1] =	stream.indirect.gather [hbm4b:s14+s4], $0x1, s9, s4, $0xb8;
	[tilespmem:$0x1100] =	vst v63  }
0x350: {  	s19 =	simm.s32 $0xE80;
	s24 =	simm.s32 $0x680  }
0x351: {  	[tilespmem:s19], [sflag:$0x1] =	stream.indirect.gather [hbm4b:s14+s4], $0x1, s24, s4, $0xb8;
	[tilespmem:$0x1100] =	vst v63  }
0x352: {  	s1 =	simm.s32 $0xF00;
	s26 =	simm.s32 $0x700  }
0x353: {  	[tilespmem:s1], [sflag:$0x1] =	stream.indirect.gather [hbm4b:s14+s4], $0x1, s26, s4, $0xb8;
	[tilespmem:$0x1100] =	vst v63  }
0x354: {  	s7 =	simm.s32 $0x780;
	s12 =	simm.s32 $0xF80  }
0x355: {  	[tilespmem:s12], [sflag:$0x1] =	stream.indirect.gather [hbm4b:s14+s4], $0x1, s7, s4, $0xb8;
	[tilespmem:$0x1100] =	vst v63  }
0x356: {  	s5 =	simm.s32 $0x800;
	s16 =	simm.s32 $0x1000  }
0x357: {  	[tilespmem:s16], [sflag:$0x1] =	stream.indirect.gather [hbm4b:s14+s4], $0x1, s5, s4, $0xb8;
	[tilespmem:$0x1100] =	vst v63  }
0x358: {  	_ =	swait.ge [sflag:s6], $0x80  }
0x359: {  	[sflag:s6] =	ssyncset.done $0x0  }
0x35a: {  	[sflag:s6] =	ssyncadd.s32 $0xFFFFFF80  }
0x35b: {  	_ =	swait.ge [sflag:s6], $0x80  }
0x35c: {  	[sflag:s6] =	ssyncset.done $0x0  }
0x35d: {  	[sflag:s6] =	ssyncadd.s32 $0xFFFFFF80  }
0x35e: {  	_ =	swait.ge [sflag:s6], $0x80  }
0x35f: {  	[sflag:s6] =	ssyncset.done $0x0  }
0x360: {  	[sflag:s6] =	ssyncadd.s32 $0xFFFFFF80  }
0x361: {  	_ =	swait.ge [sflag:s6], $0x80  }
0x362: {  	[sflag:s6] =	ssyncset.done $0x0  }
0x363: {  	[sflag:s6] =	ssyncadd.s32 $0xFFFFFF80  }
0x364: {  	_ =	swait.ge [sflag:s6], $0x80  }
0x365: {  	[sflag:s6] =	ssyncset.done $0x0  }
0x366: {  	[sflag:s6] =	ssyncadd.s32 $0xFFFFFF80  }
0x367: {  	_ =	swait.ge [sflag:s6], $0x80  }
0x368: {  	[sflag:s6] =	ssyncset.done $0x0  }
0x369: {  	[sflag:s6] =	ssyncadd.s32 $0xFFFFFF80  }
0x36a: {  	_ =	swait.ge [sflag:s6], $0x80  }
0x36b: {  	[sflag:s6] =	ssyncset.done $0x0  }
0x36c: {  	[sflag:s6] =	ssyncadd.s32 $0xFFFFFF80  }
0x36d: {  	_ =	swait.ge [sflag:s6], $0x80  }
0x36e: {  	[sflag:s6] =	ssyncset.done $0x0  }
0x36f: {  	[sflag:s6] =	ssyncadd.s32 $0xFFFFFF80  }
0x370: {  	_ =	swait.ge [sflag:s6], $0x80  }
0x371: {  	[sflag:s6] =	ssyncset.done $0x0  }
0x372: {  	[sflag:s6] =	ssyncadd.s32 $0xFFFFFF80  }
0x373: {  	_ =	swait.ge [sflag:s6], $0x80  }
0x374: {  	[sflag:s6] =	ssyncset.done $0x0  }
0x375: {  	[sflag:s6] =	ssyncadd.s32 $0xFFFFFF80  }
0x376: {  	_ =	swait.ge [sflag:s6], $0x80  }
0x377: {  	[sflag:s6] =	ssyncset.done $0x0  }
0x378: {  	[sflag:s6] =	ssyncadd.s32 $0xFFFFFF80  }
0x379: {  	_ =	swait.ge [sflag:s6], $0x80  }
0x37a: {  	[sflag:s6] =	ssyncset.done $0x0  }
0x37b: {  	[sflag:s6] =	ssyncadd.s32 $0xFFFFFF80  }
0x37c: {  	_ =	swait.ge [sflag:s6], $0x80  }
0x37d: {  	[sflag:s6] =	ssyncset.done $0x0  }
0x37e: {  	[sflag:s6] =	ssyncadd.s32 $0xFFFFFF80  }
0x37f: {  	_ =	swait.ge [sflag:s6], $0x80  }
0x380: {  	[sflag:s6] =	ssyncset.done $0x0  }
0x381: {  	[sflag:s6] =	ssyncadd.s32 $0xFFFFFF80  }
0x382: {  	_ =	swait.ge [sflag:s6], $0x80  }
0x383: {  	[sflag:s6] =	ssyncset.done $0x0  }
0x384: {  	[sflag:s6] =	ssyncadd.s32 $0xFFFFFF80  }
0x385: {  	_ =	swait.ge [sflag:s6], $0x80  }
0x386: {  	[sflag:s6] =	ssyncset.done $0x0  }
0x387: {  	s12 =	rddreg [dreg:$0xc];
	[sflag:s6] =	ssyncadd.s32 $0xFFFFFF80  }
0x388: {  	[hbm4b:s12+s0] =	stream.linear.scatter [tilespmem:s2], [sflag:$0x2], $0x800, $0x38;
	[tilespmem:$0x1100] =	vst v63  }
0x389: {  	_ =	swait.ge [sflag:s3], $0x800  }
0x38a: {  	[sflag:s3] =	ssyncset.done $0x0  }
0x38b: {  	s1 =	rddreg [dreg:$0xd];
	[sflag:s3] =	ssyncadd.s32 $0xFFFFF800  }
0x38c: {  	[tilespmem:s4], [sflag:$0x2] =	stream.linear.gather [hbm4b:s1+s0], $0x800, $0x38;
	[tilespmem:$0x1100] =	vst v63  }
0x38d: {  	_ =	swait.ge [sflag:s3], $0x800  }
0x38e: {  	[sflag:s3] =	ssyncset.done $0x0  }
0x38f: {  	[sflag:s3] =	ssyncadd.s32 $0xFFFFF800  }
0x390: {  	[tilespmem:s2], [sflag:$0x1] =	stream.indirect.gather [hbm4b:s8+s4], $0x1, s4, s4, $0xb8;
	[tilespmem:$0x1100] =	vst v63  }
0x391: {  	s23 =	simm.s32 $0x100;
	s12 =	simm.s32 $0x900  }
0x392: {  	[tilespmem:s12], [sflag:$0x1] =	stream.indirect.gather [hbm4b:s8+s4], $0x1, s23, s4, $0xb8;
	[tilespmem:$0x1100] =	vst v63  }
0x393: {  	s20 =	simm.s32 $0x180;
	s31 =	simm.s32 $0x980  }
0x394: {  	[tilespmem:s31], [sflag:$0x1] =	stream.indirect.gather [hbm4b:s8+s4], $0x1, s20, s4, $0xb8;
	[tilespmem:$0x1100] =	vst v63  }
0x395: {  	s15 =	simm.s32 $0x200;
	s30 =	simm.s32 $0xA00  }
0x396: {  	[tilespmem:s30], [sflag:$0x1] =	stream.indirect.gather [hbm4b:s8+s4], $0x1, s15, s4, $0xb8;
	[tilespmem:$0x1100] =	vst v63  }
0x397: {  	s22 =	simm.s32 $0x280;
	s29 =	simm.s32 $0xA80  }
0x398: {  	[tilespmem:s29], [sflag:$0x1] =	stream.indirect.gather [hbm4b:s8+s4], $0x1, s22, s4, $0xb8;
	[tilespmem:$0x1100] =	vst v63  }
0x399: {  	s21 =	simm.s32 $0x300;
	s16 =	simm.s32 $0xB00  }
0x39a: {  	[tilespmem:s16], [sflag:$0x1] =	stream.indirect.gather [hbm4b:s8+s4], $0x1, s21, s4, $0xb8;
	[tilespmem:$0x1100] =	vst v63  }
0x39b: {  	s17 =	simm.s32 $0x380;
	s20 =	simm.s32 $0xB80  }
0x39c: {  	[tilespmem:s20], [sflag:$0x1] =	stream.indirect.gather [hbm4b:s8+s4], $0x1, s17, s4, $0xb8;
	[tilespmem:$0x1100] =	vst v63  }
0x39d: {  	s25 =	simm.s32 $0x400;
	s21 =	simm.s32 $0xC00  }
0x39e: {  	[tilespmem:s21], [sflag:$0x1] =	stream.indirect.gather [hbm4b:s8+s4], $0x1, s25, s4, $0xb8;
	[tilespmem:$0x1100] =	vst v63  }
0x39f: {  	s11 =	simm.s32 $0x480;
	s25 =	simm.s32 $0xC80  }
0x3a0: {  	[tilespmem:s25], [sflag:$0x1] =	stream.indirect.gather [hbm4b:s8+s4], $0x1, s11, s4, $0xb8;
	[tilespmem:$0x1100] =	vst v63  }
0x3a1: {  	s28 =	simm.s32 $0xD00;
	s10 =	simm.s32 $0x500  }
0x3a2: {  	[tilespmem:s28], [sflag:$0x1] =	stream.indirect.gather [hbm4b:s8+s4], $0x1, s10, s4, $0xb8;
	[tilespmem:$0x1100] =	vst v63  }
0x3a3: {  	s18 =	simm.s32 $0x580;
	s16 =	simm.s32 $0xD80  }
0x3a4: {  	[tilespmem:s16], [sflag:$0x1] =	stream.indirect.gather [hbm4b:s8+s4], $0x1, s18, s4, $0xb8;
	[tilespmem:$0x1100] =	vst v63  }
0x3a5: {  	s9 =	simm.s32 $0xE00;
	s17 =	simm.s32 $0x600  }
0x3a6: {  	[tilespmem:s9], [sflag:$0x1] =	stream.indirect.gather [hbm4b:s8+s4], $0x1, s17, s4, $0xb8;
	[tilespmem:$0x1100] =	vst v63  }
0x3a7: {  	s19 =	simm.s32 $0x680;
	s18 =	simm.s32 $0xE80  }
0x3a8: {  	[tilespmem:s18], [sflag:$0x1] =	stream.indirect.gather [hbm4b:s8+s4], $0x1, s19, s4, $0xb8;
	[tilespmem:$0x1100] =	vst v63  }
0x3a9: {  	s24 =	simm.s32 $0x700;
	s26 =	simm.s32 $0xF00  }
0x3aa: {  	[tilespmem:s26], [sflag:$0x1] =	stream.indirect.gather [hbm4b:s8+s4], $0x1, s24, s4, $0xb8;
	[tilespmem:$0x1100] =	vst v63  }
0x3ab: {  	s7 =	simm.s32 $0xF80;
	s17 =	simm.s32 $0x780  }
0x3ac: {  	[tilespmem:s7], [sflag:$0x1] =	stream.indirect.gather [hbm4b:s8+s4], $0x1, s17, s4, $0xb8;
	[tilespmem:$0x1100] =	vst v63  }
0x3ad: {  	s5 =	simm.s32 $0x1000;
	s24 =	simm.s32 $0x800  }
0x3ae: {  	[tilespmem:s5], [sflag:$0x1] =	stream.indirect.gather [hbm4b:s8+s4], $0x1, s24, s4, $0xb8;
	[tilespmem:$0x1100] =	vst v63  }
0x3af: {  	_ =	swait.ge [sflag:s6], $0x80  }
0x3b0: {  	[sflag:s6] =	ssyncset.done $0x0  }
0x3b1: {  	[sflag:s6] =	ssyncadd.s32 $0xFFFFFF80  }
0x3b2: {  	_ =	swait.ge [sflag:s6], $0x80  }
0x3b3: {  	[sflag:s6] =	ssyncset.done $0x0  }
0x3b4: {  	[sflag:s6] =	ssyncadd.s32 $0xFFFFFF80  }
0x3b5: {  	_ =	swait.ge [sflag:s6], $0x80  }
0x3b6: {  	[sflag:s6] =	ssyncset.done $0x0  }
0x3b7: {  	[sflag:s6] =	ssyncadd.s32 $0xFFFFFF80  }
0x3b8: {  	_ =	swait.ge [sflag:s6], $0x80  }
0x3b9: {  	[sflag:s6] =	ssyncset.done $0x0  }
0x3ba: {  	[sflag:s6] =	ssyncadd.s32 $0xFFFFFF80  }
0x3bb: {  	_ =	swait.ge [sflag:s6], $0x80  }
0x3bc: {  	[sflag:s6] =	ssyncset.done $0x0  }
0x3bd: {  	[sflag:s6] =	ssyncadd.s32 $0xFFFFFF80  }
0x3be: {  	_ =	swait.ge [sflag:s6], $0x80  }
0x3bf: {  	[sflag:s6] =	ssyncset.done $0x0  }
0x3c0: {  	[sflag:s6] =	ssyncadd.s32 $0xFFFFFF80  }
0x3c1: {  	_ =	swait.ge [sflag:s6], $0x80  }
0x3c2: {  	[sflag:s6] =	ssyncset.done $0x0  }
0x3c3: {  	[sflag:s6] =	ssyncadd.s32 $0xFFFFFF80  }
0x3c4: {  	_ =	swait.ge [sflag:s6], $0x80  }
0x3c5: {  	[sflag:s6] =	ssyncset.done $0x0  }
0x3c6: {  	[sflag:s6] =	ssyncadd.s32 $0xFFFFFF80  }
0x3c7: {  	_ =	swait.ge [sflag:s6], $0x80  }
0x3c8: {  	[sflag:s6] =	ssyncset.done $0x0  }
0x3c9: {  	[sflag:s6] =	ssyncadd.s32 $0xFFFFFF80  }
0x3ca: {  	_ =	swait.ge [sflag:s6], $0x80  }
0x3cb: {  	[sflag:s6] =	ssyncset.done $0x0  }
0x3cc: {  	[sflag:s6] =	ssyncadd.s32 $0xFFFFFF80  }
0x3cd: {  	_ =	swait.ge [sflag:s6], $0x80  }
0x3ce: {  	[sflag:s6] =	ssyncset.done $0x0  }
0x3cf: {  	[sflag:s6] =	ssyncadd.s32 $0xFFFFFF80  }
0x3d0: {  	_ =	swait.ge [sflag:s6], $0x80  }
0x3d1: {  	[sflag:s6] =	ssyncset.done $0x0  }
0x3d2: {  	[sflag:s6] =	ssyncadd.s32 $0xFFFFFF80  }
0x3d3: {  	_ =	swait.ge [sflag:s6], $0x80  }
0x3d4: {  	[sflag:s6] =	ssyncset.done $0x0  }
0x3d5: {  	[sflag:s6] =	ssyncadd.s32 $0xFFFFFF80  }
0x3d6: {  	_ =	swait.ge [sflag:s6], $0x80  }
0x3d7: {  	[sflag:s6] =	ssyncset.done $0x0  }
0x3d8: {  	[sflag:s6] =	ssyncadd.s32 $0xFFFFFF80  }
0x3d9: {  	_ =	swait.ge [sflag:s6], $0x80  }
0x3da: {  	[sflag:s6] =	ssyncset.done $0x0  }
0x3db: {  	[sflag:s6] =	ssyncadd.s32 $0xFFFFFF80  }
0x3dc: {  	_ =	swait.ge [sflag:s6], $0x80  }
0x3dd: {  	[sflag:s6] =	ssyncset.done $0x0  }
0x3de: {  	s5 =	rddreg [dreg:$0xe];
	[sflag:s6] =	ssyncadd.s32 $0xFFFFFF80  }
0x3df: {  	[hbm4b:s5+s0] =	stream.linear.scatter [tilespmem:s2], [sflag:$0x2], $0x800, $0x38;
	[tilespmem:$0x1100] =	vst v63  }
0x3e0: {  	_ =	swait.ge [sflag:s3], $0x800  }
0x3e1: {  	[sflag:s3] =	ssyncset.done $0x0  }
0x3e2: {  	s5 =	rddreg [dreg:$0xf];
	[sflag:s3] =	ssyncadd.s32 $0xFFFFF800  }
0x3e3: {  	[tilespmem:s4], [sflag:$0x2] =	stream.linear.gather [hbm4b:s5+s0], $0x800, $0x38;
	[tilespmem:$0x1100] =	vst v63  }
0x3e4: {  	_ =	swait.ge [sflag:s3], $0x800  }
0x3e5: {  	[sflag:s3] =	ssyncset.done $0x0  }
0x3e6: {  	[sflag:s3] =	ssyncadd.s32 $0xFFFFF800  }
0x3e7: {  	[tilespmem:s2], [sflag:$0x1] =	stream.indirect.gather [hbm4b:s8+s4], $0x1, s4, s4, $0xb8;
	[tilespmem:$0x1100] =	vst v63  }
0x3e8: {  	s1 =	simm.s32 $0x900;
	s16 =	simm.s32 $0x100  }
0x3e9: {  	[tilespmem:s1], [sflag:$0x1] =	stream.indirect.gather [hbm4b:s8+s4], $0x1, s16, s4, $0xb8;
	[tilespmem:$0x1100] =	vst v63  }
0x3ea: {  	s31 =	simm.s32 $0x980;
	s1 =	simm.s32 $0x180  }
0x3eb: {  	[tilespmem:s31], [sflag:$0x1] =	stream.indirect.gather [hbm4b:s8+s4], $0x1, s1, s4, $0xb8;
	[tilespmem:$0x1100] =	vst v63  }
0x3ec: {  	s30 =	simm.s32 $0xA00;
	s2 =	simm.s32 $0x200  }
0x3ed: {  	[tilespmem:s30], [sflag:$0x1] =	stream.indirect.gather [hbm4b:s8+s4], $0x1, s2, s4, $0xb8;
	[tilespmem:$0x1100] =	vst v63  }
0x3ee: {  	s29 =	simm.s32 $0xA80;
	s5 =	simm.s32 $0x280  }
0x3ef: {  	[tilespmem:s29], [sflag:$0x1] =	stream.indirect.gather [hbm4b:s8+s4], $0x1, s5, s4, $0xb8;
	[tilespmem:$0x1100] =	vst v63  }
0x3f0: {  	s23 =	simm.s32 $0xB00;
	s16 =	simm.s32 $0x300  }
0x3f1: {  	[tilespmem:s23], [sflag:$0x1] =	stream.indirect.gather [hbm4b:s8+s4], $0x1, s16, s4, $0xb8;
	[tilespmem:$0x1100] =	vst v63  }
0x3f2: {  	s22 =	simm.s32 $0xB80;
	s20 =	simm.s32 $0x380  }
0x3f3: {  	[tilespmem:s22], [sflag:$0x1] =	stream.indirect.gather [hbm4b:s8+s4], $0x1, s20, s4, $0xb8;
	[tilespmem:$0x1100] =	vst v63  }
0x3f4: {  	s12 =	simm.s32 $0xC00;
	s20 =	simm.s32 $0x400  }
0x3f5: {  	[tilespmem:s12], [sflag:$0x1] =	stream.indirect.gather [hbm4b:s8+s4], $0x1, s20, s4, $0xb8;
	[tilespmem:$0x1100] =	vst v63  }
0x3f6: {  	s11 =	simm.s32 $0xC80;
	s22 =	simm.s32 $0x480  }
0x3f7: {  	[tilespmem:s11], [sflag:$0x1] =	stream.indirect.gather [hbm4b:s8+s4], $0x1, s22, s4, $0xb8;
	[tilespmem:$0x1100] =	vst v63  }
0x3f8: {  	s15 =	simm.s32 $0xD00;
	s21 =	simm.s32 $0x500  }
0x3f9: {  	[tilespmem:s15], [sflag:$0x1] =	stream.indirect.gather [hbm4b:s8+s4], $0x1, s21, s4, $0xb8;
	[tilespmem:$0x1100] =	vst v63  }
0x3fa: {  	s25 =	simm.s32 $0x580;
	s10 =	simm.s32 $0xD80  }
0x3fb: {  	[tilespmem:s10], [sflag:$0x1] =	stream.indirect.gather [hbm4b:s8+s4], $0x1, s25, s4, $0xb8;
	[tilespmem:$0x1100] =	vst v63  }
0x3fc: {  	s28 =	simm.s32 $0xE00;
	s9 =	simm.s32 $0x600  }
0x3fd: {  	[tilespmem:s28], [sflag:$0x1] =	stream.indirect.gather [hbm4b:s8+s4], $0x1, s9, s4, $0xb8;
	[tilespmem:$0x1100] =	vst v63  }
0x3fe: {  	s19 =	simm.s32 $0xE80;
	s23 =	simm.s32 $0x680  }
0x3ff: {  	[tilespmem:s19], [sflag:$0x1] =	stream.indirect.gather [hbm4b:s8+s4], $0x1, s23, s4, $0xb8;
	[tilespmem:$0x1100] =	vst v63  }
0x400: {  	s18 =	simm.s32 $0xF00;
	s25 =	simm.s32 $0x700  }
0x401: {  	[tilespmem:s18], [sflag:$0x1] =	stream.indirect.gather [hbm4b:s8+s4], $0x1, s25, s4, $0xb8;
	[tilespmem:$0x1100] =	vst v63  }
0x402: {  	s26 =	simm.s32 $0xF80;
	s7 =	simm.s32 $0x780  }
0x403: {  	[tilespmem:s26], [sflag:$0x1] =	stream.indirect.gather [hbm4b:s8+s4], $0x1, s7, s4, $0xb8;
	[tilespmem:$0x1100] =	vst v63  }
0x404: {  	s17 =	simm.s32 $0x800;
	s24 =	simm.s32 $0x1000  }
0x405: {  	[tilespmem:s24], [sflag:$0x1] =	stream.indirect.gather [hbm4b:s8+s4], $0x1, s17, s4, $0xb8;
	[tilespmem:$0x1100] =	vst v63  }
0x406: {  	_ =	swait.ge [sflag:s6], $0x80  }
0x407: {  	[sflag:s6] =	ssyncset.done $0x0  }
0x408: {  	[sflag:s6] =	ssyncadd.s32 $0xFFFFFF80  }
0x409: {  	_ =	swait.ge [sflag:s6], $0x80  }
0x40a: {  	[sflag:s6] =	ssyncset.done $0x0  }
0x40b: {  	[sflag:s6] =	ssyncadd.s32 $0xFFFFFF80  }
0x40c: {  	_ =	swait.ge [sflag:s6], $0x80  }
0x40d: {  	[sflag:s6] =	ssyncset.done $0x0  }
0x40e: {  	[sflag:s6] =	ssyncadd.s32 $0xFFFFFF80  }
0x40f: {  	_ =	swait.ge [sflag:s6], $0x80  }
0x410: {  	[sflag:s6] =	ssyncset.done $0x0  }
0x411: {  	[sflag:s6] =	ssyncadd.s32 $0xFFFFFF80  }
0x412: {  	_ =	swait.ge [sflag:s6], $0x80  }
0x413: {  	[sflag:s6] =	ssyncset.done $0x0  }
0x414: {  	[sflag:s6] =	ssyncadd.s32 $0xFFFFFF80  }
0x415: {  	_ =	swait.ge [sflag:s6], $0x80  }
0x416: {  	[sflag:s6] =	ssyncset.done $0x0  }
0x417: {  	[sflag:s6] =	ssyncadd.s32 $0xFFFFFF80  }
0x418: {  	_ =	swait.ge [sflag:s6], $0x80  }
0x419: {  	[sflag:s6] =	ssyncset.done $0x0  }
0x41a: {  	[sflag:s6] =	ssyncadd.s32 $0xFFFFFF80  }
0x41b: {  	_ =	swait.ge [sflag:s6], $0x80  }
0x41c: {  	[sflag:s6] =	ssyncset.done $0x0  }
0x41d: {  	[sflag:s6] =	ssyncadd.s32 $0xFFFFFF80  }
0x41e: {  	_ =	swait.ge [sflag:s6], $0x80  }
0x41f: {  	[sflag:s6] =	ssyncset.done $0x0  }
0x420: {  	[sflag:s6] =	ssyncadd.s32 $0xFFFFFF80  }
0x421: {  	_ =	swait.ge [sflag:s6], $0x80  }
0x422: {  	[sflag:s6] =	ssyncset.done $0x0  }
0x423: {  	[sflag:s6] =	ssyncadd.s32 $0xFFFFFF80  }
0x424: {  	_ =	swait.ge [sflag:s6], $0x80  }
0x425: {  	[sflag:s6] =	ssyncset.done $0x0  }
0x426: {  	[sflag:s6] =	ssyncadd.s32 $0xFFFFFF80  }
0x427: {  	_ =	swait.ge [sflag:s6], $0x80  }
0x428: {  	[sflag:s6] =	ssyncset.done $0x0  }
0x429: {  	[sflag:s6] =	ssyncadd.s32 $0xFFFFFF80  }
0x42a: {  	_ =	swait.ge [sflag:s6], $0x80  }
0x42b: {  	[sflag:s6] =	ssyncset.done $0x0  }
0x42c: {  	[sflag:s6] =	ssyncadd.s32 $0xFFFFFF80  }
0x42d: {  	_ =	swait.ge [sflag:s6], $0x80  }
0x42e: {  	[sflag:s6] =	ssyncset.done $0x0  }
0x42f: {  	[sflag:s6] =	ssyncadd.s32 $0xFFFFFF80  }
0x430: {  	_ =	swait.ge [sflag:s6], $0x80  }
0x431: {  	[sflag:s6] =	ssyncset.done $0x0  }
0x432: {  	[sflag:s6] =	ssyncadd.s32 $0xFFFFFF80  }
0x433: {  	_ =	swait.ge [sflag:s6], $0x80  }
0x434: {  	s2 =	simm.s32 $0x880;
	[sflag:s6] =	ssyncset.done $0x0  }
0x435: {  	s12 =	simm.s32 $0x0;
	s26 =	rddreg [dreg:$0x10];
	[sflag:s6] =	ssyncadd.s32 $0xFFFFFF80  }
0x436: {  	[hbm4b:s26+s12] =	stream.linear.scatter [tilespmem:s2], [sflag:$0x2], $0x800, $0x38;
	[tilespmem:$0x1100] =	vst v63  }
0x437: {  	_ =	swait.ge [sflag:s3], $0x800  }
0x438: {  	[sflag:s3] =	ssyncset.done $0x0  }
0x439: {  	s28 =	rddreg [dreg:$0x11];
	[sflag:s3] =	ssyncadd.s32 $0xFFFFF800  }
0x43a: {  	[tilespmem:s12], [sflag:$0x2] =	stream.linear.gather [hbm4b:s28+s12], $0x80, $0x38;
	[tilespmem:$0x1100] =	vst v63  }
0x43b: {  	_ =	swait.ge [sflag:s3], $0x80  }
0x43c: {  	[sflag:s3] =	ssyncset.done $0x0  }
0x43d: {  	s30 =	simm.s32 $0x1080;
	s29 =	rddreg [dreg:$0x4];
	[sflag:s3] =	ssyncadd.s32 $0xFFFFFF80  }
0x43e: {  	[tilespmem:s30], [sflag:$0x1] =	stream.indirect.gather [hbm4b:s29+s4], $0x1, s12, s4, $0xb8;
	[tilespmem:$0x1100] =	vst v63  }
0x43f: {  	p1 =	sne.s32 s13, $0x1;
	_ =	swait.ge [sflag:s6], $0x80  }
.Ltmp2:
0x440: {  	[sflag:s6] =	ssyncset.done $0x0;
	(pc) =	sbr.rel @p1 .LBB2_2-.Ltmp2, $4  }
0x441: {  	s31 =	rddreg [dreg:$0x12];
	[sflag:s6] =	ssyncadd.s32 $0xFFFFFF80  }
0x442: {  	[hbm4b:s31+s12] =	stream.linear.scatter [tilespmem:s30], [sflag:$0x2], $0x80, $0x38;
	[tilespmem:$0x1100] =	vst v63  }
0x443: {  	_ =	swait.ge [sflag:s3], $0x80  }
0x444: {  	s13 =	sadd.s32 $0xFFFFFFFF, s13;
	s16 =	rddreg [dreg:$0x5];
	[sflag:s3] =	ssyncset.done $0x0  }
.LBB2_3:
0x445: {  	[sflag:s3] =	ssyncadd.s32 @p0 $0xFFFFFF80  }
0x446: {  	[tilespmem:s4], [sflag:$0x2] =	stream.linear.gather [hbm4b:s16+s12], $0x800, $0x38;
	[tilespmem:$0x1100] =	vst v63  }
0x447: {  	_ =	swait.ge [sflag:s3], $0x800  }
0x448: {  	[sflag:s3] =	ssyncset.done $0x0  }
0x449: {  	[sflag:s3] =	ssyncadd.s32 $0xFFFFF800  }
0x44a: {  	[tilespmem:s2], [sflag:$0x1] =	stream.indirect.gather [hbm4b:s14+s4], $0x1, s4, s4, $0xb8;
	[tilespmem:$0x1100] =	vst v63  }
0x44b: {  	s0 =	simm.s32 $0x100;
	s1 =	simm.s32 $0x900  }
0x44c: {  	[tilespmem:s1], [sflag:$0x1] =	stream.indirect.gather [hbm4b:s14+s4], $0x1, s0, s4, $0xb8;
	[tilespmem:$0x1100] =	vst v63  }
0x44d: {  	s30 =	simm.s32 $0x180;
	s31 =	simm.s32 $0x980  }
0x44e: {  	[tilespmem:s31], [sflag:$0x1] =	stream.indirect.gather [hbm4b:s14+s4], $0x1, s30, s4, $0xb8;
	[tilespmem:$0x1100] =	vst v63  }
0x44f: {  	s5 =	simm.s32 $0xA00;
	s1 =	simm.s32 $0x200  }
0x450: {  	[tilespmem:s5], [sflag:$0x1] =	stream.indirect.gather [hbm4b:s14+s4], $0x1, s1, s4, $0xb8;
	[tilespmem:$0x1100] =	vst v63  }
0x451: {  	s7 =	simm.s32 $0x280;
	s5 =	simm.s32 $0xA80  }
0x452: {  	[tilespmem:s5], [sflag:$0x1] =	stream.indirect.gather [hbm4b:s14+s4], $0x1, s7, s4, $0xb8;
	[tilespmem:$0x1100] =	vst v63  }
0x453: {  	s9 =	simm.s32 $0x300;
	s10 =	simm.s32 $0xB00  }
0x454: {  	[tilespmem:s10], [sflag:$0x1] =	stream.indirect.gather [hbm4b:s14+s4], $0x1, s9, s4, $0xb8;
	[tilespmem:$0x1100] =	vst v63  }
0x455: {  	s11 =	simm.s32 $0x380;
	s12 =	simm.s32 $0xB80  }
0x456: {  	[tilespmem:s12], [sflag:$0x1] =	stream.indirect.gather [hbm4b:s14+s4], $0x1, s11, s4, $0xb8;
	[tilespmem:$0x1100] =	vst v63  }
0x457: {  	s13 =	simm.s32 $0x400;
	s15 =	simm.s32 $0xC00  }
0x458: {  	[tilespmem:s15], [sflag:$0x1] =	stream.indirect.gather [hbm4b:s14+s4], $0x1, s13, s4, $0xb8;
	[tilespmem:$0x1100] =	vst v63  }
0x459: {  	s17 =	simm.s32 $0xC80;
	s16 =	simm.s32 $0x480  }
0x45a: {  	[tilespmem:s17], [sflag:$0x1] =	stream.indirect.gather [hbm4b:s14+s4], $0x1, s16, s4, $0xb8;
	[tilespmem:$0x1100] =	vst v63  }
0x45b: {  	s18 =	simm.s32 $0x500;
	s19 =	simm.s32 $0xD00  }
0x45c: {  	[tilespmem:s19], [sflag:$0x1] =	stream.indirect.gather [hbm4b:s14+s4], $0x1, s18, s4, $0xb8;
	[tilespmem:$0x1100] =	vst v63  }
0x45d: {  	s20 =	simm.s32 $0x580;
	s1 =	simm.s32 $0xD80  }
0x45e: {  	[tilespmem:s1], [sflag:$0x1] =	stream.indirect.gather [hbm4b:s14+s4], $0x1, s20, s4, $0xb8;
	[tilespmem:$0x1100] =	vst v63  }
0x45f: {  	s7 =	simm.s32 $0x600;
	s9 =	simm.s32 $0xE00  }
0x460: {  	[tilespmem:s9], [sflag:$0x1] =	stream.indirect.gather [hbm4b:s14+s4], $0x1, s7, s4, $0xb8;
	[tilespmem:$0x1100] =	vst v63  }
0x461: {  	s10 =	simm.s32 $0x680;
	s11 =	simm.s32 $0xE80  }
0x462: {  	[tilespmem:s11], [sflag:$0x1] =	stream.indirect.gather [hbm4b:s14+s4], $0x1, s10, s4, $0xb8;
	[tilespmem:$0x1100] =	vst v63  }
0x463: {  	s13 =	simm.s32 $0x700;
	s15 =	simm.s32 $0xF00  }
0x464: {  	[tilespmem:s15], [sflag:$0x1] =	stream.indirect.gather [hbm4b:s14+s4], $0x1, s13, s4, $0xb8;
	[tilespmem:$0x1100] =	vst v63  }
0x465: {  	s17 =	simm.s32 $0xF80;
	s15 =	simm.s32 $0x780  }
0x466: {  	[tilespmem:s17], [sflag:$0x1] =	stream.indirect.gather [hbm4b:s14+s4], $0x1, s15, s4, $0xb8;
	[tilespmem:$0x1100] =	vst v63  }
0x467: {  	s10 =	simm.s32 $0x800;
	s11 =	simm.s32 $0x1000  }
0x468: {  	[tilespmem:s11], [sflag:$0x1] =	stream.indirect.gather [hbm4b:s14+s4], $0x1, s10, s4, $0xb8;
	[tilespmem:$0x1100] =	vst v63  }
0x469: {  	_ =	swait.ge [sflag:s6], $0x80  }
0x46a: {  	[sflag:s6] =	ssyncset.done $0x0  }
0x46b: {  	[sflag:s6] =	ssyncadd.s32 $0xFFFFFF80  }
0x46c: {  	_ =	swait.ge [sflag:s6], $0x80  }
0x46d: {  	[sflag:s6] =	ssyncset.done $0x0  }
0x46e: {  	[sflag:s6] =	ssyncadd.s32 $0xFFFFFF80  }
0x46f: {  	_ =	swait.ge [sflag:s6], $0x80  }
0x470: {  	[sflag:s6] =	ssyncset.done $0x0  }
0x471: {  	[sflag:s6] =	ssyncadd.s32 $0xFFFFFF80  }
0x472: {  	_ =	swait.ge [sflag:s6], $0x80  }
0x473: {  	[sflag:s6] =	ssyncset.done $0x0  }
0x474: {  	[sflag:s6] =	ssyncadd.s32 $0xFFFFFF80  }
0x475: {  	_ =	swait.ge [sflag:s6], $0x80  }
0x476: {  	[sflag:s6] =	ssyncset.done $0x0  }
0x477: {  	[sflag:s6] =	ssyncadd.s32 $0xFFFFFF80  }
0x478: {  	_ =	swait.ge [sflag:s6], $0x80  }
0x479: {  	[sflag:s6] =	ssyncset.done $0x0  }
0x47a: {  	[sflag:s6] =	ssyncadd.s32 $0xFFFFFF80  }
0x47b: {  	_ =	swait.ge [sflag:s6], $0x80  }
0x47c: {  	[sflag:s6] =	ssyncset.done $0x0  }
0x47d: {  	[sflag:s6] =	ssyncadd.s32 $0xFFFFFF80  }
0x47e: {  	_ =	swait.ge [sflag:s6], $0x80  }
0x47f: {  	[sflag:s6] =	ssyncset.done $0x0  }
0x480: {  	[sflag:s6] =	ssyncadd.s32 $0xFFFFFF80  }
0x481: {  	_ =	swait.ge [sflag:s6], $0x80  }
0x482: {  	[sflag:s6] =	ssyncset.done $0x0  }
0x483: {  	[sflag:s6] =	ssyncadd.s32 $0xFFFFFF80  }
0x484: {  	_ =	swait.ge [sflag:s6], $0x80  }
0x485: {  	[sflag:s6] =	ssyncset.done $0x0  }
0x486: {  	[sflag:s6] =	ssyncadd.s32 $0xFFFFFF80  }
0x487: {  	_ =	swait.ge [sflag:s6], $0x80  }
0x488: {  	[sflag:s6] =	ssyncset.done $0x0  }
0x489: {  	[sflag:s6] =	ssyncadd.s32 $0xFFFFFF80  }
0x48a: {  	_ =	swait.ge [sflag:s6], $0x80  }
0x48b: {  	[sflag:s6] =	ssyncset.done $0x0  }
0x48c: {  	[sflag:s6] =	ssyncadd.s32 $0xFFFFFF80  }
0x48d: {  	_ =	swait.ge [sflag:s6], $0x80  }
0x48e: {  	[sflag:s6] =	ssyncset.done $0x0  }
0x48f: {  	[sflag:s6] =	ssyncadd.s32 $0xFFFFFF80  }
0x490: {  	_ =	swait.ge [sflag:s6], $0x80  }
0x491: {  	[sflag:s6] =	ssyncset.done $0x0  }
0x492: {  	[sflag:s6] =	ssyncadd.s32 $0xFFFFFF80  }
0x493: {  	_ =	swait.ge [sflag:s6], $0x80  }
0x494: {  	[sflag:s6] =	ssyncset.done $0x0  }
0x495: {  	[sflag:s6] =	ssyncadd.s32 $0xFFFFFF80  }
0x496: {  	_ =	swait.ge [sflag:s6], $0x80  }
0x497: {  	[sflag:s6] =	ssyncset.done $0x0  }
0x498: {  	s5 =	simm.s32 $0x0;
	s0 =	rddreg [dreg:$0x6];
	[sflag:s6] =	ssyncadd.s32 $0xFFFFFF80  }
0x499: {  	[hbm4b:s0+s5] =	stream.linear.scatter [tilespmem:s2], [sflag:$0x2], $0x800, $0x38;
	[tilespmem:$0x1100] =	vst v63  }
0x49a: {  	_ =	swait.ge [sflag:s3], $0x800  }
0x49b: {  	[sflag:s3] =	ssyncset.done $0x0  }
0x49c: {  	s0 =	rddreg [dreg:$0x7];
	[sflag:s3] =	ssyncadd.s32 $0xFFFFF800  }
0x49d: {  	[tilespmem:s4], [sflag:$0x2] =	stream.linear.gather [hbm4b:s0+s5], $0x800, $0x38;
	[tilespmem:$0x1100] =	vst v63  }
0x49e: {  	_ =	swait.ge [sflag:s3], $0x800  }
0x49f: {  	[sflag:s3] =	ssyncset.done $0x0  }
0x4a0: {  	[sflag:s3] =	ssyncadd.s32 $0xFFFFF800  }
0x4a1: {  	[tilespmem:s2], [sflag:$0x1] =	stream.indirect.gather [hbm4b:s14+s4], $0x1, s4, s4, $0xb8;
	[tilespmem:$0x1100] =	vst v63  }
0x4a2: {  	s15 =	simm.s32 $0x100;
	s0 =	simm.s32 $0x900  }
0x4a3: {  	[tilespmem:s0], [sflag:$0x1] =	stream.indirect.gather [hbm4b:s14+s4], $0x1, s15, s4, $0xb8;
	[tilespmem:$0x1100] =	vst v63  }
0x4a4: {  	s0 =	simm.s32 $0x180;
	s15 =	simm.s32 $0x980  }
0x4a5: {  	[tilespmem:s15], [sflag:$0x1] =	stream.indirect.gather [hbm4b:s14+s4], $0x1, s0, s4, $0xb8;
	[tilespmem:$0x1100] =	vst v63  }
0x4a6: {  	s0 =	simm.s32 $0x200;
	s15 =	simm.s32 $0xA00  }
0x4a7: {  	[tilespmem:s15], [sflag:$0x1] =	stream.indirect.gather [hbm4b:s14+s4], $0x1, s0, s4, $0xb8;
	[tilespmem:$0x1100] =	vst v63  }
0x4a8: {  	s31 =	simm.s32 $0x280;
	s15 =	simm.s32 $0xA80  }
0x4a9: {  	[tilespmem:s15], [sflag:$0x1] =	stream.indirect.gather [hbm4b:s14+s4], $0x1, s31, s4, $0xb8;
	[tilespmem:$0x1100] =	vst v63  }
0x4aa: {  	s30 =	simm.s32 $0xB00;
	s0 =	simm.s32 $0x300  }
0x4ab: {  	[tilespmem:s30], [sflag:$0x1] =	stream.indirect.gather [hbm4b:s14+s4], $0x1, s0, s4, $0xb8;
	[tilespmem:$0x1100] =	vst v63  }
0x4ac: {  	s29 =	simm.s32 $0xB80;
	s28 =	simm.s32 $0x380  }
0x4ad: {  	[tilespmem:s29], [sflag:$0x1] =	stream.indirect.gather [hbm4b:s14+s4], $0x1, s28, s4, $0xb8;
	[tilespmem:$0x1100] =	vst v63  }
0x4ae: {  	s26 =	simm.s32 $0xC00;
	s25 =	simm.s32 $0x400  }
0x4af: {  	[tilespmem:s26], [sflag:$0x1] =	stream.indirect.gather [hbm4b:s14+s4], $0x1, s25, s4, $0xb8;
	[tilespmem:$0x1100] =	vst v63  }
0x4b0: {  	s24 =	simm.s32 $0xC80;
	s23 =	simm.s32 $0x480  }
0x4b1: {  	[tilespmem:s24], [sflag:$0x1] =	stream.indirect.gather [hbm4b:s14+s4], $0x1, s23, s4, $0xb8;
	[tilespmem:$0x1100] =	vst v63  }
0x4b2: {  	s22 =	simm.s32 $0xD00;
	s21 =	simm.s32 $0x500  }
0x4b3: {  	[tilespmem:s22], [sflag:$0x1] =	stream.indirect.gather [hbm4b:s14+s4], $0x1, s21, s4, $0xb8;
	[tilespmem:$0x1100] =	vst v63  }
0x4b4: {  	s19 =	simm.s32 $0xD80;
	s18 =	simm.s32 $0x580  }
0x4b5: {  	[tilespmem:s19], [sflag:$0x1] =	stream.indirect.gather [hbm4b:s14+s4], $0x1, s18, s4, $0xb8;
	[tilespmem:$0x1100] =	vst v63  }
0x4b6: {  	s12 =	simm.s32 $0x600;
	s16 =	simm.s32 $0xE00  }
0x4b7: {  	[tilespmem:s16], [sflag:$0x1] =	stream.indirect.gather [hbm4b:s14+s4], $0x1, s12, s4, $0xb8;
	[tilespmem:$0x1100] =	vst v63  }
0x4b8: {  	s9 =	simm.s32 $0xE80;
	s7 =	simm.s32 $0x680  }
0x4b9: {  	[tilespmem:s9], [sflag:$0x1] =	stream.indirect.gather [hbm4b:s14+s4], $0x1, s7, s4, $0xb8;
	[tilespmem:$0x1100] =	vst v63  }
0x4ba: {  	s20 =	simm.s32 $0xF00;
	s1 =	simm.s32 $0x700  }
0x4bb: {  	[tilespmem:s20], [sflag:$0x1] =	stream.indirect.gather [hbm4b:s14+s4], $0x1, s1, s4, $0xb8;
	[tilespmem:$0x1100] =	vst v63  }
0x4bc: {  	s13 =	simm.s32 $0x780;
	s17 =	simm.s32 $0xF80  }
0x4bd: {  	[tilespmem:s17], [sflag:$0x1] =	stream.indirect.gather [hbm4b:s14+s4], $0x1, s13, s4, $0xb8;
	[tilespmem:$0x1100] =	vst v63  }
0x4be: {  	s11 =	simm.s32 $0x1000;
	s10 =	simm.s32 $0x800  }
0x4bf: {  	[tilespmem:s11], [sflag:$0x1] =	stream.indirect.gather [hbm4b:s14+s4], $0x1, s10, s4, $0xb8;
	[tilespmem:$0x1100] =	vst v63  }
0x4c0: {  	_ =	swait.ge [sflag:s6], $0x80  }
0x4c1: {  	[sflag:s6] =	ssyncset.done $0x0  }
0x4c2: {  	[sflag:s6] =	ssyncadd.s32 $0xFFFFFF80  }
0x4c3: {  	_ =	swait.ge [sflag:s6], $0x80  }
0x4c4: {  	[sflag:s6] =	ssyncset.done $0x0  }
0x4c5: {  	[sflag:s6] =	ssyncadd.s32 $0xFFFFFF80  }
0x4c6: {  	_ =	swait.ge [sflag:s6], $0x80  }
0x4c7: {  	[sflag:s6] =	ssyncset.done $0x0  }
0x4c8: {  	[sflag:s6] =	ssyncadd.s32 $0xFFFFFF80  }
0x4c9: {  	_ =	swait.ge [sflag:s6], $0x80  }
0x4ca: {  	[sflag:s6] =	ssyncset.done $0x0  }
0x4cb: {  	[sflag:s6] =	ssyncadd.s32 $0xFFFFFF80  }
0x4cc: {  	_ =	swait.ge [sflag:s6], $0x80  }
0x4cd: {  	[sflag:s6] =	ssyncset.done $0x0  }
0x4ce: {  	[sflag:s6] =	ssyncadd.s32 $0xFFFFFF80  }
0x4cf: {  	_ =	swait.ge [sflag:s6], $0x80  }
0x4d0: {  	[sflag:s6] =	ssyncset.done $0x0  }
0x4d1: {  	[sflag:s6] =	ssyncadd.s32 $0xFFFFFF80  }
0x4d2: {  	_ =	swait.ge [sflag:s6], $0x80  }
0x4d3: {  	[sflag:s6] =	ssyncset.done $0x0  }
0x4d4: {  	[sflag:s6] =	ssyncadd.s32 $0xFFFFFF80  }
0x4d5: {  	_ =	swait.ge [sflag:s6], $0x80  }
0x4d6: {  	[sflag:s6] =	ssyncset.done $0x0  }
0x4d7: {  	[sflag:s6] =	ssyncadd.s32 $0xFFFFFF80  }
0x4d8: {  	_ =	swait.ge [sflag:s6], $0x80  }
0x4d9: {  	[sflag:s6] =	ssyncset.done $0x0  }
0x4da: {  	[sflag:s6] =	ssyncadd.s32 $0xFFFFFF80  }
0x4db: {  	_ =	swait.ge [sflag:s6], $0x80  }
0x4dc: {  	[sflag:s6] =	ssyncset.done $0x0  }
0x4dd: {  	[sflag:s6] =	ssyncadd.s32 $0xFFFFFF80  }
0x4de: {  	_ =	swait.ge [sflag:s6], $0x80  }
0x4df: {  	[sflag:s6] =	ssyncset.done $0x0  }
0x4e0: {  	[sflag:s6] =	ssyncadd.s32 $0xFFFFFF80  }
0x4e1: {  	_ =	swait.ge [sflag:s6], $0x80  }
0x4e2: {  	[sflag:s6] =	ssyncset.done $0x0  }
0x4e3: {  	[sflag:s6] =	ssyncadd.s32 $0xFFFFFF80  }
0x4e4: {  	_ =	swait.ge [sflag:s6], $0x80  }
0x4e5: {  	[sflag:s6] =	ssyncset.done $0x0  }
0x4e6: {  	[sflag:s6] =	ssyncadd.s32 $0xFFFFFF80  }
0x4e7: {  	_ =	swait.ge [sflag:s6], $0x80  }
0x4e8: {  	[sflag:s6] =	ssyncset.done $0x0  }
0x4e9: {  	[sflag:s6] =	ssyncadd.s32 $0xFFFFFF80  }
0x4ea: {  	_ =	swait.ge [sflag:s6], $0x80  }
0x4eb: {  	[sflag:s6] =	ssyncset.done $0x0  }
0x4ec: {  	[sflag:s6] =	ssyncadd.s32 $0xFFFFFF80  }
0x4ed: {  	_ =	swait.ge [sflag:s6], $0x80  }
0x4ee: {  	[sflag:s6] =	ssyncset.done $0x0  }
0x4ef: {  	s17 =	rddreg [dreg:$0x8];
	[sflag:s6] =	ssyncadd.s32 $0xFFFFFF80  }
0x4f0: {  	[hbm4b:s17+s5] =	stream.linear.scatter [tilespmem:s2], [sflag:$0x2], $0x800, $0x38;
	[tilespmem:$0x1100] =	vst v63  }
0x4f1: {  	_ =	swait.ge [sflag:s3], $0x800  }
0x4f2: {  	[sflag:s3] =	ssyncset.done $0x0  }
0x4f3: {  	s17 =	rddreg [dreg:$0x9];
	[sflag:s3] =	ssyncadd.s32 $0xFFFFF800  }
0x4f4: {  	[tilespmem:s4], [sflag:$0x2] =	stream.linear.gather [hbm4b:s17+s5], $0x800, $0x38;
	[tilespmem:$0x1100] =	vst v63  }
0x4f5: {  	_ =	swait.ge [sflag:s3], $0x800  }
0x4f6: {  	[sflag:s3] =	ssyncset.done $0x0  }
0x4f7: {  	[sflag:s3] =	ssyncadd.s32 $0xFFFFF800  }
0x4f8: {  	[tilespmem:s2], [sflag:$0x1] =	stream.indirect.gather [hbm4b:s14+s4], $0x1, s4, s4, $0xb8;
	[tilespmem:$0x1100] =	vst v63  }
0x4f9: {  	s15 =	simm.s32 $0x100;
	s17 =	simm.s32 $0x900  }
0x4fa: {  	[tilespmem:s17], [sflag:$0x1] =	stream.indirect.gather [hbm4b:s14+s4], $0x1, s15, s4, $0xb8;
	[tilespmem:$0x1100] =	vst v63  }
0x4fb: {  	s15 =	simm.s32 $0x180;
	s17 =	simm.s32 $0x980  }
0x4fc: {  	[tilespmem:s17], [sflag:$0x1] =	stream.indirect.gather [hbm4b:s14+s4], $0x1, s15, s4, $0xb8;
	[tilespmem:$0x1100] =	vst v63  }
0x4fd: {  	s15 =	simm.s32 $0xA00;
	s17 =	simm.s32 $0x200  }
0x4fe: {  	[tilespmem:s15], [sflag:$0x1] =	stream.indirect.gather [hbm4b:s14+s4], $0x1, s17, s4, $0xb8;
	[tilespmem:$0x1100] =	vst v63  }
0x4ff: {  	s31 =	simm.s32 $0x280;
	s17 =	simm.s32 $0xA80  }
0x500: {  	[tilespmem:s17], [sflag:$0x1] =	stream.indirect.gather [hbm4b:s14+s4], $0x1, s31, s4, $0xb8;
	[tilespmem:$0x1100] =	vst v63  }
0x501: {  	s30 =	simm.s32 $0xB00  }
0x502: {  	[tilespmem:s30], [sflag:$0x1] =	stream.indirect.gather [hbm4b:s14+s4], $0x1, s0, s4, $0xb8;
	[tilespmem:$0x1100] =	vst v63  }
0x503: {  	s28 =	simm.s32 $0x380;
	s31 =	simm.s32 $0xB80  }
0x504: {  	[tilespmem:s31], [sflag:$0x1] =	stream.indirect.gather [hbm4b:s14+s4], $0x1, s28, s4, $0xb8;
	[tilespmem:$0x1100] =	vst v63  }
0x505: {  	s29 =	simm.s32 $0xC00;
	s25 =	simm.s32 $0x400  }
0x506: {  	[tilespmem:s29], [sflag:$0x1] =	stream.indirect.gather [hbm4b:s14+s4], $0x1, s25, s4, $0xb8;
	[tilespmem:$0x1100] =	vst v63  }
0x507: {  	s26 =	simm.s32 $0xC80;
	s23 =	simm.s32 $0x480  }
0x508: {  	[tilespmem:s26], [sflag:$0x1] =	stream.indirect.gather [hbm4b:s14+s4], $0x1, s23, s4, $0xb8;
	[tilespmem:$0x1100] =	vst v63  }
0x509: {  	s24 =	simm.s32 $0xD00;
	s21 =	simm.s32 $0x500  }
0x50a: {  	[tilespmem:s24], [sflag:$0x1] =	stream.indirect.gather [hbm4b:s14+s4], $0x1, s21, s4, $0xb8;
	[tilespmem:$0x1100] =	vst v63  }
0x50b: {  	s22 =	simm.s32 $0xD80;
	s18 =	simm.s32 $0x580  }
0x50c: {  	[tilespmem:s22], [sflag:$0x1] =	stream.indirect.gather [hbm4b:s14+s4], $0x1, s18, s4, $0xb8;
	[tilespmem:$0x1100] =	vst v63  }
0x50d: {  	s19 =	simm.s32 $0xE00;
	s16 =	simm.s32 $0x600  }
0x50e: {  	[tilespmem:s19], [sflag:$0x1] =	stream.indirect.gather [hbm4b:s14+s4], $0x1, s16, s4, $0xb8;
	[tilespmem:$0x1100] =	vst v63  }
0x50f: {  	s12 =	simm.s32 $0xE80;
	s9 =	simm.s32 $0x680  }
0x510: {  	[tilespmem:s12], [sflag:$0x1] =	stream.indirect.gather [hbm4b:s14+s4], $0x1, s9, s4, $0xb8;
	[tilespmem:$0x1100] =	vst v63  }
0x511: {  	s7 =	simm.s32 $0xF00;
	s20 =	simm.s32 $0x700  }
0x512: {  	[tilespmem:s7], [sflag:$0x1] =	stream.indirect.gather [hbm4b:s14+s4], $0x1, s20, s4, $0xb8;
	[tilespmem:$0x1100] =	vst v63  }
0x513: {  	s1 =	simm.s32 $0x780;
	s13 =	simm.s32 $0xF80  }
0x514: {  	[tilespmem:s13], [sflag:$0x1] =	stream.indirect.gather [hbm4b:s14+s4], $0x1, s1, s4, $0xb8;
	[tilespmem:$0x1100] =	vst v63  }
0x515: {  	s10 =	simm.s32 $0x1000;
	s11 =	simm.s32 $0x800  }
0x516: {  	[tilespmem:s10], [sflag:$0x1] =	stream.indirect.gather [hbm4b:s14+s4], $0x1, s11, s4, $0xb8;
	[tilespmem:$0x1100] =	vst v63  }
0x517: {  	_ =	swait.ge [sflag:s6], $0x80  }
0x518: {  	[sflag:s6] =	ssyncset.done $0x0  }
0x519: {  	[sflag:s6] =	ssyncadd.s32 $0xFFFFFF80  }
0x51a: {  	_ =	swait.ge [sflag:s6], $0x80  }
0x51b: {  	[sflag:s6] =	ssyncset.done $0x0  }
0x51c: {  	[sflag:s6] =	ssyncadd.s32 $0xFFFFFF80  }
0x51d: {  	_ =	swait.ge [sflag:s6], $0x80  }
0x51e: {  	[sflag:s6] =	ssyncset.done $0x0  }
0x51f: {  	[sflag:s6] =	ssyncadd.s32 $0xFFFFFF80  }
0x520: {  	_ =	swait.ge [sflag:s6], $0x80  }
0x521: {  	[sflag:s6] =	ssyncset.done $0x0  }
0x522: {  	[sflag:s6] =	ssyncadd.s32 $0xFFFFFF80  }
0x523: {  	_ =	swait.ge [sflag:s6], $0x80  }
0x524: {  	[sflag:s6] =	ssyncset.done $0x0  }
0x525: {  	[sflag:s6] =	ssyncadd.s32 $0xFFFFFF80  }
0x526: {  	_ =	swait.ge [sflag:s6], $0x80  }
0x527: {  	[sflag:s6] =	ssyncset.done $0x0  }
0x528: {  	[sflag:s6] =	ssyncadd.s32 $0xFFFFFF80  }
0x529: {  	_ =	swait.ge [sflag:s6], $0x80  }
0x52a: {  	[sflag:s6] =	ssyncset.done $0x0  }
0x52b: {  	[sflag:s6] =	ssyncadd.s32 $0xFFFFFF80  }
0x52c: {  	_ =	swait.ge [sflag:s6], $0x80  }
0x52d: {  	[sflag:s6] =	ssyncset.done $0x0  }
0x52e: {  	[sflag:s6] =	ssyncadd.s32 $0xFFFFFF80  }
0x52f: {  	_ =	swait.ge [sflag:s6], $0x80  }
0x530: {  	[sflag:s6] =	ssyncset.done $0x0  }
0x531: {  	[sflag:s6] =	ssyncadd.s32 $0xFFFFFF80  }
0x532: {  	_ =	swait.ge [sflag:s6], $0x80  }
0x533: {  	[sflag:s6] =	ssyncset.done $0x0  }
0x534: {  	[sflag:s6] =	ssyncadd.s32 $0xFFFFFF80  }
0x535: {  	_ =	swait.ge [sflag:s6], $0x80  }
0x536: {  	[sflag:s6] =	ssyncset.done $0x0  }
0x537: {  	[sflag:s6] =	ssyncadd.s32 $0xFFFFFF80  }
0x538: {  	_ =	swait.ge [sflag:s6], $0x80  }
0x539: {  	[sflag:s6] =	ssyncset.done $0x0  }
0x53a: {  	[sflag:s6] =	ssyncadd.s32 $0xFFFFFF80  }
0x53b: {  	_ =	swait.ge [sflag:s6], $0x80  }
0x53c: {  	[sflag:s6] =	ssyncset.done $0x0  }
0x53d: {  	[sflag:s6] =	ssyncadd.s32 $0xFFFFFF80  }
0x53e: {  	_ =	swait.ge [sflag:s6], $0x80  }
0x53f: {  	[sflag:s6] =	ssyncset.done $0x0  }
0x540: {  	[sflag:s6] =	ssyncadd.s32 $0xFFFFFF80  }
0x541: {  	_ =	swait.ge [sflag:s6], $0x80  }
0x542: {  	[sflag:s6] =	ssyncset.done $0x0  }
0x543: {  	[sflag:s6] =	ssyncadd.s32 $0xFFFFFF80  }
0x544: {  	_ =	swait.ge [sflag:s6], $0x80  }
0x545: {  	[sflag:s6] =	ssyncset.done $0x0  }
0x546: {  	s10 =	rddreg [dreg:$0xa];
	[sflag:s6] =	ssyncadd.s32 $0xFFFFFF80  }
0x547: {  	[hbm4b:s10+s5] =	stream.linear.scatter [tilespmem:s2], [sflag:$0x2], $0x800, $0x38;
	[tilespmem:$0x1100] =	vst v63  }
0x548: {  	_ =	swait.ge [sflag:s3], $0x800  }
0x549: {  	[sflag:s3] =	ssyncset.done $0x0  }
0x54a: {  	s11 =	rddreg [dreg:$0xb];
	[sflag:s3] =	ssyncadd.s32 $0xFFFFF800  }
0x54b: {  	[tilespmem:s4], [sflag:$0x2] =	stream.linear.gather [hbm4b:s11+s5], $0x800, $0x38;
	[tilespmem:$0x1100] =	vst v63  }
0x54c: {  	_ =	swait.ge [sflag:s3], $0x800  }
0x54d: {  	[sflag:s3] =	ssyncset.done $0x0  }
0x54e: {  	[sflag:s3] =	ssyncadd.s32 $0xFFFFF800  }
0x54f: {  	[tilespmem:s2], [sflag:$0x1] =	stream.indirect.gather [hbm4b:s14+s4], $0x1, s4, s4, $0xb8;
	[tilespmem:$0x1100] =	vst v63  }
0x550: {  	s12 =	simm.s32 $0x100;
	s9 =	simm.s32 $0x900  }
0x551: {  	[tilespmem:s9], [sflag:$0x1] =	stream.indirect.gather [hbm4b:s14+s4], $0x1, s12, s4, $0xb8;
	[tilespmem:$0x1100] =	vst v63  }
0x552: {  	s10 =	simm.s32 $0x180;
	s11 =	simm.s32 $0x980  }
0x553: {  	[tilespmem:s11], [sflag:$0x1] =	stream.indirect.gather [hbm4b:s14+s4], $0x1, s10, s4, $0xb8;
	[tilespmem:$0x1100] =	vst v63  }
0x554: {  	s13 =	simm.s32 $0x200;
	s12 =	simm.s32 $0xA00  }
0x555: {  	[tilespmem:s12], [sflag:$0x1] =	stream.indirect.gather [hbm4b:s14+s4], $0x1, s13, s4, $0xb8;
	[tilespmem:$0x1100] =	vst v63  }
0x556: {  	s15 =	simm.s32 $0xA80;
	s13 =	simm.s32 $0x280  }
0x557: {  	[tilespmem:s15], [sflag:$0x1] =	stream.indirect.gather [hbm4b:s14+s4], $0x1, s13, s4, $0xb8;
	[tilespmem:$0x1100] =	vst v63  }
0x558: {  	s30 =	simm.s32 $0x300;
	s21 =	simm.s32 $0xB00  }
0x559: {  	[tilespmem:s21], [sflag:$0x1] =	stream.indirect.gather [hbm4b:s14+s4], $0x1, s30, s4, $0xb8;
	[tilespmem:$0x1100] =	vst v63  }
0x55a: {  	s25 =	simm.s32 $0x380;
	s22 =	simm.s32 $0xB80  }
0x55b: {  	[tilespmem:s22], [sflag:$0x1] =	stream.indirect.gather [hbm4b:s14+s4], $0x1, s25, s4, $0xb8;
	[tilespmem:$0x1100] =	vst v63  }
0x55c: {  	s17 =	simm.s32 $0xC00;
	s28 =	simm.s32 $0x400  }
0x55d: {  	[tilespmem:s17], [sflag:$0x1] =	stream.indirect.gather [hbm4b:s14+s4], $0x1, s28, s4, $0xb8;
	[tilespmem:$0x1100] =	vst v63  }
0x55e: {  	s26 =	simm.s32 $0x480;
	s20 =	simm.s32 $0xC80  }
0x55f: {  	[tilespmem:s20], [sflag:$0x1] =	stream.indirect.gather [hbm4b:s14+s4], $0x1, s26, s4, $0xb8;
	[tilespmem:$0x1100] =	vst v63  }
0x560: {  	s23 =	simm.s32 $0xD00;
	s24 =	simm.s32 $0x500  }
0x561: {  	[tilespmem:s23], [sflag:$0x1] =	stream.indirect.gather [hbm4b:s14+s4], $0x1, s24, s4, $0xb8;
	[tilespmem:$0x1100] =	vst v63  }
0x562: {  	s29 =	simm.s32 $0xD80;
	s18 =	simm.s32 $0x580  }
0x563: {  	[tilespmem:s29], [sflag:$0x1] =	stream.indirect.gather [hbm4b:s14+s4], $0x1, s18, s4, $0xb8;
	[tilespmem:$0x1100] =	vst v63  }
0x564: {  	s19 =	simm.s32 $0xE00;
	s30 =	simm.s32 $0x600  }
0x565: {  	[tilespmem:s19], [sflag:$0x1] =	stream.indirect.gather [hbm4b:s14+s4], $0x1, s30, s4, $0xb8;
	[tilespmem:$0x1100] =	vst v63  }
0x566: {  	s31 =	simm.s32 $0xE80;
	s16 =	simm.s32 $0x680  }
0x567: {  	[tilespmem:s31], [sflag:$0x1] =	stream.indirect.gather [hbm4b:s14+s4], $0x1, s16, s4, $0xb8;
	[tilespmem:$0x1100] =	vst v63  }
0x568: {  	s7 =	simm.s32 $0x700;
	s31 =	simm.s32 $0xF00  }
0x569: {  	[tilespmem:s31], [sflag:$0x1] =	stream.indirect.gather [hbm4b:s14+s4], $0x1, s7, s4, $0xb8;
	[tilespmem:$0x1100] =	vst v63  }
0x56a: {  	s0 =	simm.s32 $0xF80;
	s16 =	simm.s32 $0x780  }
0x56b: {  	[tilespmem:s0], [sflag:$0x1] =	stream.indirect.gather [hbm4b:s14+s4], $0x1, s16, s4, $0xb8;
	[tilespmem:$0x1100] =	vst v63  }
0x56c: {  	s1 =	simm.s32 $0x1000;
	s19 =	simm.s32 $0x800  }
0x56d: {  	[tilespmem:s1], [sflag:$0x1] =	stream.indirect.gather [hbm4b:s14+s4], $0x1, s19, s4, $0xb8;
	[tilespmem:$0x1100] =	vst v63  }
0x56e: {  	_ =	swait.ge [sflag:s6], $0x80  }
0x56f: {  	[sflag:s6] =	ssyncset.done $0x0  }
0x570: {  	[sflag:s6] =	ssyncadd.s32 $0xFFFFFF80  }
0x571: {  	_ =	swait.ge [sflag:s6], $0x80  }
0x572: {  	[sflag:s6] =	ssyncset.done $0x0  }
0x573: {  	[sflag:s6] =	ssyncadd.s32 $0xFFFFFF80  }
0x574: {  	_ =	swait.ge [sflag:s6], $0x80  }
0x575: {  	[sflag:s6] =	ssyncset.done $0x0  }
0x576: {  	[sflag:s6] =	ssyncadd.s32 $0xFFFFFF80  }
0x577: {  	_ =	swait.ge [sflag:s6], $0x80  }
0x578: {  	[sflag:s6] =	ssyncset.done $0x0  }
0x579: {  	[sflag:s6] =	ssyncadd.s32 $0xFFFFFF80  }
0x57a: {  	_ =	swait.ge [sflag:s6], $0x80  }
0x57b: {  	[sflag:s6] =	ssyncset.done $0x0  }
0x57c: {  	[sflag:s6] =	ssyncadd.s32 $0xFFFFFF80  }
0x57d: {  	_ =	swait.ge [sflag:s6], $0x80  }
0x57e: {  	[sflag:s6] =	ssyncset.done $0x0  }
0x57f: {  	[sflag:s6] =	ssyncadd.s32 $0xFFFFFF80  }
0x580: {  	_ =	swait.ge [sflag:s6], $0x80  }
0x581: {  	[sflag:s6] =	ssyncset.done $0x0  }
0x582: {  	[sflag:s6] =	ssyncadd.s32 $0xFFFFFF80  }
0x583: {  	_ =	swait.ge [sflag:s6], $0x80  }
0x584: {  	[sflag:s6] =	ssyncset.done $0x0  }
0x585: {  	[sflag:s6] =	ssyncadd.s32 $0xFFFFFF80  }
0x586: {  	_ =	swait.ge [sflag:s6], $0x80  }
0x587: {  	[sflag:s6] =	ssyncset.done $0x0  }
0x588: {  	[sflag:s6] =	ssyncadd.s32 $0xFFFFFF80  }
0x589: {  	_ =	swait.ge [sflag:s6], $0x80  }
0x58a: {  	[sflag:s6] =	ssyncset.done $0x0  }
0x58b: {  	[sflag:s6] =	ssyncadd.s32 $0xFFFFFF80  }
0x58c: {  	_ =	swait.ge [sflag:s6], $0x80  }
0x58d: {  	[sflag:s6] =	ssyncset.done $0x0  }
0x58e: {  	[sflag:s6] =	ssyncadd.s32 $0xFFFFFF80  }
0x58f: {  	_ =	swait.ge [sflag:s6], $0x80  }
0x590: {  	[sflag:s6] =	ssyncset.done $0x0  }
0x591: {  	[sflag:s6] =	ssyncadd.s32 $0xFFFFFF80  }
0x592: {  	_ =	swait.ge [sflag:s6], $0x80  }
0x593: {  	[sflag:s6] =	ssyncset.done $0x0  }
0x594: {  	[sflag:s6] =	ssyncadd.s32 $0xFFFFFF80  }
0x595: {  	_ =	swait.ge [sflag:s6], $0x80  }
0x596: {  	[sflag:s6] =	ssyncset.done $0x0  }
0x597: {  	[sflag:s6] =	ssyncadd.s32 $0xFFFFFF80  }
0x598: {  	_ =	swait.ge [sflag:s6], $0x80  }
0x599: {  	[sflag:s6] =	ssyncset.done $0x0  }
0x59a: {  	[sflag:s6] =	ssyncadd.s32 $0xFFFFFF80  }
0x59b: {  	_ =	swait.ge [sflag:s6], $0x80  }
0x59c: {  	[sflag:s6] =	ssyncset.done $0x0  }
0x59d: {  	s14 =	rddreg [dreg:$0xc];
	[sflag:s6] =	ssyncadd.s32 $0xFFFFFF80  }
0x59e: {  	[hbm4b:s14+s5] =	stream.linear.scatter [tilespmem:s2], [sflag:$0x2], $0x800, $0x38;
	[tilespmem:$0x1100] =	vst v63  }
0x59f: {  	_ =	swait.ge [sflag:s3], $0x800  }
0x5a0: {  	[sflag:s3] =	ssyncset.done $0x0  }
0x5a1: {  	s14 =	rddreg [dreg:$0xd];
	[sflag:s3] =	ssyncadd.s32 $0xFFFFF800  }
0x5a2: {  	[tilespmem:s4], [sflag:$0x2] =	stream.linear.gather [hbm4b:s14+s5], $0x800, $0x38;
	[tilespmem:$0x1100] =	vst v63  }
0x5a3: {  	_ =	swait.ge [sflag:s3], $0x800  }
0x5a4: {  	[sflag:s3] =	ssyncset.done $0x0  }
0x5a5: {  	[sflag:s3] =	ssyncadd.s32 $0xFFFFF800  }
0x5a6: {  	[tilespmem:s2], [sflag:$0x1] =	stream.indirect.gather [hbm4b:s8+s4], $0x1, s4, s4, $0xb8;
	[tilespmem:$0x1100] =	vst v63  }
0x5a7: {  	s14 =	simm.s32 $0x100  }
0x5a8: {  	[tilespmem:s9], [sflag:$0x1] =	stream.indirect.gather [hbm4b:s8+s4], $0x1, s14, s4, $0xb8;
	[tilespmem:$0x1100] =	vst v63  }
0x5a9: {  	_ = 	snop  }
0x5aa: {  	[tilespmem:s11], [sflag:$0x1] =	stream.indirect.gather [hbm4b:s8+s4], $0x1, s10, s4, $0xb8;
	[tilespmem:$0x1100] =	vst v63  }
0x5ab: {  	s14 =	simm.s32 $0x200  }
0x5ac: {  	[tilespmem:s12], [sflag:$0x1] =	stream.indirect.gather [hbm4b:s8+s4], $0x1, s14, s4, $0xb8;
	[tilespmem:$0x1100] =	vst v63  }
0x5ad: {  	_ = 	snop  }
0x5ae: {  	[tilespmem:s15], [sflag:$0x1] =	stream.indirect.gather [hbm4b:s8+s4], $0x1, s13, s4, $0xb8;
	[tilespmem:$0x1100] =	vst v63  }
0x5af: {  	s11 =	simm.s32 $0x300  }
0x5b0: {  	[tilespmem:s21], [sflag:$0x1] =	stream.indirect.gather [hbm4b:s8+s4], $0x1, s11, s4, $0xb8;
	[tilespmem:$0x1100] =	vst v63  }
0x5b1: {  	_ = 	snop  }
0x5b2: {  	[tilespmem:s22], [sflag:$0x1] =	stream.indirect.gather [hbm4b:s8+s4], $0x1, s25, s4, $0xb8;
	[tilespmem:$0x1100] =	vst v63  }
0x5b3: {  	_ = 	snop  }
0x5b4: {  	[tilespmem:s17], [sflag:$0x1] =	stream.indirect.gather [hbm4b:s8+s4], $0x1, s28, s4, $0xb8;
	[tilespmem:$0x1100] =	vst v63  }
0x5b5: {  	_ = 	snop  }
0x5b6: {  	[tilespmem:s20], [sflag:$0x1] =	stream.indirect.gather [hbm4b:s8+s4], $0x1, s26, s4, $0xb8;
	[tilespmem:$0x1100] =	vst v63  }
0x5b7: {  	_ = 	snop  }
0x5b8: {  	[tilespmem:s23], [sflag:$0x1] =	stream.indirect.gather [hbm4b:s8+s4], $0x1, s24, s4, $0xb8;
	[tilespmem:$0x1100] =	vst v63  }
0x5b9: {  	_ = 	snop  }
0x5ba: {  	[tilespmem:s29], [sflag:$0x1] =	stream.indirect.gather [hbm4b:s8+s4], $0x1, s18, s4, $0xb8;
	[tilespmem:$0x1100] =	vst v63  }
0x5bb: {  	s14 =	simm.s32 $0xE00  }
0x5bc: {  	[tilespmem:s14], [sflag:$0x1] =	stream.indirect.gather [hbm4b:s8+s4], $0x1, s30, s4, $0xb8;
	[tilespmem:$0x1100] =	vst v63  }
0x5bd: {  	s11 =	simm.s32 $0xE80;
	s14 =	simm.s32 $0x680  }
0x5be: {  	[tilespmem:s11], [sflag:$0x1] =	stream.indirect.gather [hbm4b:s8+s4], $0x1, s14, s4, $0xb8;
	[tilespmem:$0x1100] =	vst v63  }
0x5bf: {  	_ = 	snop  }
0x5c0: {  	[tilespmem:s31], [sflag:$0x1] =	stream.indirect.gather [hbm4b:s8+s4], $0x1, s7, s4, $0xb8;
	[tilespmem:$0x1100] =	vst v63  }
0x5c1: {  	_ = 	snop  }
0x5c2: {  	[tilespmem:s0], [sflag:$0x1] =	stream.indirect.gather [hbm4b:s8+s4], $0x1, s16, s4, $0xb8;
	[tilespmem:$0x1100] =	vst v63  }
0x5c3: {  	_ = 	snop  }
0x5c4: {  	[tilespmem:s1], [sflag:$0x1] =	stream.indirect.gather [hbm4b:s8+s4], $0x1, s19, s4, $0xb8;
	[tilespmem:$0x1100] =	vst v63  }
0x5c5: {  	_ =	swait.ge [sflag:s6], $0x80  }
0x5c6: {  	[sflag:s6] =	ssyncset.done $0x0  }
0x5c7: {  	[sflag:s6] =	ssyncadd.s32 $0xFFFFFF80  }
0x5c8: {  	_ =	swait.ge [sflag:s6], $0x80  }
0x5c9: {  	[sflag:s6] =	ssyncset.done $0x0  }
0x5ca: {  	[sflag:s6] =	ssyncadd.s32 $0xFFFFFF80  }
0x5cb: {  	_ =	swait.ge [sflag:s6], $0x80  }
0x5cc: {  	[sflag:s6] =	ssyncset.done $0x0  }
0x5cd: {  	[sflag:s6] =	ssyncadd.s32 $0xFFFFFF80  }
0x5ce: {  	_ =	swait.ge [sflag:s6], $0x80  }
0x5cf: {  	[sflag:s6] =	ssyncset.done $0x0  }
0x5d0: {  	[sflag:s6] =	ssyncadd.s32 $0xFFFFFF80  }
0x5d1: {  	_ =	swait.ge [sflag:s6], $0x80  }
0x5d2: {  	[sflag:s6] =	ssyncset.done $0x0  }
0x5d3: {  	[sflag:s6] =	ssyncadd.s32 $0xFFFFFF80  }
0x5d4: {  	_ =	swait.ge [sflag:s6], $0x80  }
0x5d5: {  	[sflag:s6] =	ssyncset.done $0x0  }
0x5d6: {  	[sflag:s6] =	ssyncadd.s32 $0xFFFFFF80  }
0x5d7: {  	_ =	swait.ge [sflag:s6], $0x80  }
0x5d8: {  	[sflag:s6] =	ssyncset.done $0x0  }
0x5d9: {  	[sflag:s6] =	ssyncadd.s32 $0xFFFFFF80  }
0x5da: {  	_ =	swait.ge [sflag:s6], $0x80  }
0x5db: {  	[sflag:s6] =	ssyncset.done $0x0  }
0x5dc: {  	[sflag:s6] =	ssyncadd.s32 $0xFFFFFF80  }
0x5dd: {  	_ =	swait.ge [sflag:s6], $0x80  }
0x5de: {  	[sflag:s6] =	ssyncset.done $0x0  }
0x5df: {  	[sflag:s6] =	ssyncadd.s32 $0xFFFFFF80  }
0x5e0: {  	_ =	swait.ge [sflag:s6], $0x80  }
0x5e1: {  	[sflag:s6] =	ssyncset.done $0x0  }
0x5e2: {  	[sflag:s6] =	ssyncadd.s32 $0xFFFFFF80  }
0x5e3: {  	_ =	swait.ge [sflag:s6], $0x80  }
0x5e4: {  	[sflag:s6] =	ssyncset.done $0x0  }
0x5e5: {  	[sflag:s6] =	ssyncadd.s32 $0xFFFFFF80  }
0x5e6: {  	_ =	swait.ge [sflag:s6], $0x80  }
0x5e7: {  	[sflag:s6] =	ssyncset.done $0x0  }
0x5e8: {  	[sflag:s6] =	ssyncadd.s32 $0xFFFFFF80  }
0x5e9: {  	_ =	swait.ge [sflag:s6], $0x80  }
0x5ea: {  	[sflag:s6] =	ssyncset.done $0x0  }
0x5eb: {  	[sflag:s6] =	ssyncadd.s32 $0xFFFFFF80  }
0x5ec: {  	_ =	swait.ge [sflag:s6], $0x80  }
0x5ed: {  	[sflag:s6] =	ssyncset.done $0x0  }
0x5ee: {  	[sflag:s6] =	ssyncadd.s32 $0xFFFFFF80  }
0x5ef: {  	_ =	swait.ge [sflag:s6], $0x80  }
0x5f0: {  	[sflag:s6] =	ssyncset.done $0x0  }
0x5f1: {  	[sflag:s6] =	ssyncadd.s32 $0xFFFFFF80  }
0x5f2: {  	_ =	swait.ge [sflag:s6], $0x80  }
0x5f3: {  	[sflag:s6] =	ssyncset.done $0x0  }
0x5f4: {  	s1 =	rddreg [dreg:$0xe];
	[sflag:s6] =	ssyncadd.s32 $0xFFFFFF80  }
0x5f5: {  	[hbm4b:s1+s5] =	stream.linear.scatter [tilespmem:s2], [sflag:$0x2], $0x800, $0x38;
	[tilespmem:$0x1100] =	vst v63  }
0x5f6: {  	_ =	swait.ge [sflag:s3], $0x800  }
0x5f7: {  	[sflag:s3] =	ssyncset.done $0x0  }
0x5f8: {  	s1 =	rddreg [dreg:$0xf];
	[sflag:s3] =	ssyncadd.s32 $0xFFFFF800  }
0x5f9: {  	[tilespmem:s4], [sflag:$0x2] =	stream.linear.gather [hbm4b:s1+s5], $0x800, $0x38;
	[tilespmem:$0x1100] =	vst v63  }
0x5fa: {  	_ =	swait.ge [sflag:s3], $0x800  }
0x5fb: {  	[sflag:s3] =	ssyncset.done $0x0  }
0x5fc: {  	[sflag:s3] =	ssyncadd.s32 $0xFFFFF800  }
0x5fd: {  	[tilespmem:s2], [sflag:$0x1] =	stream.indirect.gather [hbm4b:s8+s4], $0x1, s4, s4, $0xb8;
	[tilespmem:$0x1100] =	vst v63  }
0x5fe: {  	s14 =	simm.s32 $0x100;
	s1 =	simm.s32 $0x900  }
0x5ff: {  	[tilespmem:s1], [sflag:$0x1] =	stream.indirect.gather [hbm4b:s8+s4], $0x1, s14, s4, $0xb8;
	[tilespmem:$0x1100] =	vst v63  }
0x600: {  	s10 =	simm.s32 $0x180;
	s14 =	simm.s32 $0x980  }
0x601: {  	[tilespmem:s14], [sflag:$0x1] =	stream.indirect.gather [hbm4b:s8+s4], $0x1, s10, s4, $0xb8;
	[tilespmem:$0x1100] =	vst v63  }
0x602: {  	s9 =	simm.s32 $0x200;
	s12 =	simm.s32 $0xA00  }
0x603: {  	[tilespmem:s12], [sflag:$0x1] =	stream.indirect.gather [hbm4b:s8+s4], $0x1, s9, s4, $0xb8;
	[tilespmem:$0x1100] =	vst v63  }
0x604: {  	s15 =	simm.s32 $0xA80;
	s13 =	simm.s32 $0x280  }
0x605: {  	[tilespmem:s15], [sflag:$0x1] =	stream.indirect.gather [hbm4b:s8+s4], $0x1, s13, s4, $0xb8;
	[tilespmem:$0x1100] =	vst v63  }
0x606: {  	s21 =	simm.s32 $0xB00;
	s15 =	simm.s32 $0x300  }
0x607: {  	[tilespmem:s21], [sflag:$0x1] =	stream.indirect.gather [hbm4b:s8+s4], $0x1, s15, s4, $0xb8;
	[tilespmem:$0x1100] =	vst v63  }
0x608: {  	s22 =	simm.s32 $0xB80;
	s25 =	simm.s32 $0x380  }
0x609: {  	[tilespmem:s22], [sflag:$0x1] =	stream.indirect.gather [hbm4b:s8+s4], $0x1, s25, s4, $0xb8;
	[tilespmem:$0x1100] =	vst v63  }
0x60a: {  	s28 =	simm.s32 $0x400;
	s17 =	simm.s32 $0xC00  }
0x60b: {  	[tilespmem:s17], [sflag:$0x1] =	stream.indirect.gather [hbm4b:s8+s4], $0x1, s28, s4, $0xb8;
	[tilespmem:$0x1100] =	vst v63  }
0x60c: {  	s26 =	simm.s32 $0x480;
	s20 =	simm.s32 $0xC80  }
0x60d: {  	[tilespmem:s20], [sflag:$0x1] =	stream.indirect.gather [hbm4b:s8+s4], $0x1, s26, s4, $0xb8;
	[tilespmem:$0x1100] =	vst v63  }
0x60e: {  	s24 =	simm.s32 $0x500;
	s23 =	simm.s32 $0xD00  }
0x60f: {  	[tilespmem:s23], [sflag:$0x1] =	stream.indirect.gather [hbm4b:s8+s4], $0x1, s24, s4, $0xb8;
	[tilespmem:$0x1100] =	vst v63  }
0x610: {  	s18 =	simm.s32 $0x580;
	s29 =	simm.s32 $0xD80  }
0x611: {  	[tilespmem:s29], [sflag:$0x1] =	stream.indirect.gather [hbm4b:s8+s4], $0x1, s18, s4, $0xb8;
	[tilespmem:$0x1100] =	vst v63  }
0x612: {  	s30 =	simm.s32 $0x600;
	s22 =	simm.s32 $0xE00  }
0x613: {  	[tilespmem:s22], [sflag:$0x1] =	stream.indirect.gather [hbm4b:s8+s4], $0x1, s30, s4, $0xb8;
	[tilespmem:$0x1100] =	vst v63  }
0x614: {  	s11 =	simm.s32 $0xE80;
	s23 =	simm.s32 $0x680  }
0x615: {  	[tilespmem:s11], [sflag:$0x1] =	stream.indirect.gather [hbm4b:s8+s4], $0x1, s23, s4, $0xb8;
	[tilespmem:$0x1100] =	vst v63  }
0x616: {  	s31 =	simm.s32 $0xF00;
	s7 =	simm.s32 $0x700  }
0x617: {  	[tilespmem:s31], [sflag:$0x1] =	stream.indirect.gather [hbm4b:s8+s4], $0x1, s7, s4, $0xb8;
	[tilespmem:$0x1100] =	vst v63  }
0x618: {  	s16 =	simm.s32 $0x780;
	s24 =	simm.s32 $0xF80  }
0x619: {  	[tilespmem:s24], [sflag:$0x1] =	stream.indirect.gather [hbm4b:s8+s4], $0x1, s16, s4, $0xb8;
	[tilespmem:$0x1100] =	vst v63  }
0x61a: {  	s0 =	simm.s32 $0x1000;
	s19 =	simm.s32 $0x800  }
0x61b: {  	[tilespmem:s0], [sflag:$0x1] =	stream.indirect.gather [hbm4b:s8+s4], $0x1, s19, s4, $0xb8;
	[tilespmem:$0x1100] =	vst v63  }
0x61c: {  	_ =	swait.ge [sflag:s6], $0x80  }
0x61d: {  	[sflag:s6] =	ssyncset.done $0x0  }
0x61e: {  	[sflag:s6] =	ssyncadd.s32 $0xFFFFFF80  }
0x61f: {  	_ =	swait.ge [sflag:s6], $0x80  }
0x620: {  	[sflag:s6] =	ssyncset.done $0x0  }
0x621: {  	[sflag:s6] =	ssyncadd.s32 $0xFFFFFF80  }
0x622: {  	_ =	swait.ge [sflag:s6], $0x80  }
0x623: {  	[sflag:s6] =	ssyncset.done $0x0  }
0x624: {  	[sflag:s6] =	ssyncadd.s32 $0xFFFFFF80  }
0x625: {  	_ =	swait.ge [sflag:s6], $0x80  }
0x626: {  	[sflag:s6] =	ssyncset.done $0x0  }
0x627: {  	[sflag:s6] =	ssyncadd.s32 $0xFFFFFF80  }
0x628: {  	_ =	swait.ge [sflag:s6], $0x80  }
0x629: {  	[sflag:s6] =	ssyncset.done $0x0  }
0x62a: {  	[sflag:s6] =	ssyncadd.s32 $0xFFFFFF80  }
0x62b: {  	_ =	swait.ge [sflag:s6], $0x80  }
0x62c: {  	[sflag:s6] =	ssyncset.done $0x0  }
0x62d: {  	[sflag:s6] =	ssyncadd.s32 $0xFFFFFF80  }
0x62e: {  	_ =	swait.ge [sflag:s6], $0x80  }
0x62f: {  	[sflag:s6] =	ssyncset.done $0x0  }
0x630: {  	[sflag:s6] =	ssyncadd.s32 $0xFFFFFF80  }
0x631: {  	_ =	swait.ge [sflag:s6], $0x80  }
0x632: {  	[sflag:s6] =	ssyncset.done $0x0  }
0x633: {  	[sflag:s6] =	ssyncadd.s32 $0xFFFFFF80  }
0x634: {  	_ =	swait.ge [sflag:s6], $0x80  }
0x635: {  	[sflag:s6] =	ssyncset.done $0x0  }
0x636: {  	[sflag:s6] =	ssyncadd.s32 $0xFFFFFF80  }
0x637: {  	_ =	swait.ge [sflag:s6], $0x80  }
0x638: {  	[sflag:s6] =	ssyncset.done $0x0  }
0x639: {  	[sflag:s6] =	ssyncadd.s32 $0xFFFFFF80  }
0x63a: {  	_ =	swait.ge [sflag:s6], $0x80  }
0x63b: {  	[sflag:s6] =	ssyncset.done $0x0  }
0x63c: {  	[sflag:s6] =	ssyncadd.s32 $0xFFFFFF80  }
0x63d: {  	_ =	swait.ge [sflag:s6], $0x80  }
0x63e: {  	[sflag:s6] =	ssyncset.done $0x0  }
0x63f: {  	[sflag:s6] =	ssyncadd.s32 $0xFFFFFF80  }
0x640: {  	_ =	swait.ge [sflag:s6], $0x80  }
0x641: {  	[sflag:s6] =	ssyncset.done $0x0  }
0x642: {  	[sflag:s6] =	ssyncadd.s32 $0xFFFFFF80  }
0x643: {  	_ =	swait.ge [sflag:s6], $0x80  }
0x644: {  	[sflag:s6] =	ssyncset.done $0x0  }
0x645: {  	[sflag:s6] =	ssyncadd.s32 $0xFFFFFF80  }
0x646: {  	_ =	swait.ge [sflag:s6], $0x80  }
0x647: {  	[sflag:s6] =	ssyncset.done $0x0  }
0x648: {  	[sflag:s6] =	ssyncadd.s32 $0xFFFFFF80  }
0x649: {  	_ =	swait.ge [sflag:s6], $0x80  }
0x64a: {  	[sflag:s6] =	ssyncset.done $0x0  }
0x64b: {  	s25 =	rddreg [dreg:$0x10];
	[sflag:s6] =	ssyncadd.s32 $0xFFFFFF80  }
0x64c: {  	[hbm4b:s25+s5] =	stream.linear.scatter [tilespmem:s2], [sflag:$0x2], $0x800, $0x38;
	[tilespmem:$0x1100] =	vst v63  }
0x64d: {  	_ =	swait.ge [sflag:s3], $0x800  }
0x64e: {  	[sflag:s3] =	ssyncset.done $0x0  }
0x64f: {  	s26 =	rddreg [dreg:$0x11];
	[sflag:s3] =	ssyncadd.s32 $0xFFFFF800  }
0x650: {  	[tilespmem:s5], [sflag:$0x2] =	stream.linear.gather [hbm4b:s26+s5], $0x80, $0x38;
	[tilespmem:$0x1100] =	vst v63  }
0x651: {  	_ =	swait.ge [sflag:s3], $0x80  }
0x652: {  	[sflag:s3] =	ssyncset.done $0x0  }
0x653: {  	s29 =	simm.s32 $0x1080;
	s28 =	rddreg [dreg:$0x4];
	[sflag:s3] =	ssyncadd.s32 $0xFFFFFF80  }
0x654: {  	[tilespmem:s29], [sflag:$0x1] =	stream.indirect.gather [hbm4b:s28+s4], $0x1, s5, s4, $0xb8;
	[tilespmem:$0x1100] =	vst v63  }
0x655: {  	_ =	swait.ge [sflag:s6], $0x80  }
0x656: {  	[sflag:s6] =	ssyncset.done $0x0  }
0x657: {  	s30 =	rddreg [dreg:$0x12];
	[sflag:s6] =	ssyncadd.s32 $0xFFFFFF80  }
0x658: {  	[hbm4b:s30+s5] =	stream.linear.scatter [tilespmem:s29], [sflag:$0x2], $0x80, $0x38;
	[tilespmem:$0x1100] =	vst v63  }
0x659: {  	_ =	swait.ge [sflag:s3], $0x80  }
0x65a: {  	[sflag:s3] =	ssyncset.done $0x0  }
0x65b: {  	[sflag:s3] =	ssyncadd.s32 $0xFFFFFF80  }
0x65c: {  	_ =	sfence.sel $0x180000  }
0x65d: {  	[bflag:$0x0] =	sbarrier.arrive $0xFFFF  }
0x65e: {  	_ =	strace $0x90000047  }
0x65f: {  	s31 =	stileid.u32;
	[bflag:$0x2] =	sbarrier.arrive $0xFFFF  }
0x660: {  	p0 =	sne.s32 s31, $0x0;
	s0 =	rddreg [dreg:$0x3]  }
0x661: {  	s0 =	sadd.s32 @!p0 $0x100000, s0  }
0x662: {  	[sflag:s0] =	ssyncadd.tile.s32 @!p0 $0x1;
	_ =	shalt  }
.Lfunc_end2:
_tile_overlayer_lowered:
.L_overlay_start_2:
0x663: {  	(tag) =	ssettag $0x2  }
0x664: {  	s0 =	rddreg [dreg:$0x0];
	s2 =	stileid.u32  }
0x665: {  	s1 =	rddreg [dreg:$0x1];
	p0 =	sne.s32 s2, $0x0  }
0x666: {  	s3 =	rddreg [dreg:$0x2];
	[bflag:$0x3] =	sbarrier.arrive $0xFFFF;
	s2 =	simm.s32 @!p0 $0x1C02  }
0x667: {  	[timem:s3], [sflag:s2] =	dma.local @!p0 [hbm:s0], s1  }
0x668: {  	s0 =	simm.s32 @!p0 $0x2  }
0x669: {  	_ =	swait.ge @!p0 [sflag:s0], s1  }
0x66a: {  	s1 =	ssub.s32 @!p0 $0x0, s1;
	[sflag:s0] =	ssyncset.done @!p0 $0x0  }
0x66b: {  	[sflag:s0] =	ssyncadd.s32 @!p0 s1  }
0x66c: {  	[bflag:$0x3] =	sbarrier.arrive $0xFFFF  }
0x66d: {  	_ =	shalt  }

</sc_bundles>
